<compile_context>
chip_gen: v7x
topology: tpu7x:2x2x1
jax: 0.10.2.dev20260603
libtpu: 0.0.44.dev20260713+nightly
codegen_flags: <defaults>
</compile_context>

<pallas_src>
import functools

import jax
import jax.numpy as jnp
from jax import lax
from jax.experimental import pallas as pl
from jax.experimental.pallas import tpu as pltpu
from jax.experimental.pallas import tpu_sc as plsc

N = 10000
E = 320000
D = 128
NH = 4
CH = 32
G = 64

NC = 2
NS = 16
NW = NC * NS
EPT = E // NW
K = 40
NBLK = EPT // K
NPT = N // NS
NJ = D // 16


def _proj_body(x_ref, wl_ref, bl_ref, wr_ref, br_ref, we_ref, att_ref,
               xl_ref, xr_ref, csl_ref, sm_ref):
    x = x_ref[...]
    dn = (((1,), (1,)), ((), ()))
    xl = lax.dot_general(x, wl_ref[...], dn,
                         preferred_element_type=jnp.float32) + bl_ref[...]
    xr = lax.dot_general(x, wr_ref[...], dn,
                         preferred_element_type=jnp.float32) + br_ref[...]
    xl_ref[...] = xl
    xr_ref[...] = xr
    g = xl + xr + we_ref[...]
    g = jnp.maximum(g, 0.2 * g)
    ga = g * att_ref[...]
    blk = x.shape[0]
    cols = [jnp.sum(ga[:, h * CH:(h + 1) * CH], axis=1, keepdims=True)
            for h in range(NH)]
    smax = jnp.maximum(jnp.maximum(cols[0], cols[1]),
                       jnp.maximum(cols[2], cols[3]))
    cols = [cc - smax for cc in cols]
    cols.append(jnp.zeros((blk, 8 - NH), jnp.float32))
    csl_ref[...] = jnp.concatenate(cols, axis=1)
    sm_ref[...] = jnp.broadcast_to(smax, (blk, 8))


def _phase0(x, wl, bl, wr, br, we_row, att_row):
    blk = 2000
    nblk = N // blk
    full = pl.BlockSpec((D, D), lambda b: (0, 0))
    row = pl.BlockSpec((1, D), lambda b: (0, 0))
    return pl.pallas_call(
        _proj_body,
        grid=(nblk,),
        in_specs=[pl.BlockSpec((blk, D), lambda b: (b, 0)),
                  full, row, full, row, row, row],
        out_specs=[pl.BlockSpec((blk, D), lambda b: (b, 0)),
                   pl.BlockSpec((blk, D), lambda b: (b, 0)),
                   pl.BlockSpec((blk, 8), lambda b: (b, 0)),
                   pl.BlockSpec((blk, 8), lambda b: (b, 0))],
        out_shape=[jax.ShapeDtypeStruct((N, D), jnp.float32),
                   jax.ShapeDtypeStruct((N, D), jnp.float32),
                   jax.ShapeDtypeStruct((N, 8), jnp.float32),
                   jax.ShapeDtypeStruct((N, 8), jnp.float32)],
    )(x, wl, bl, wr, br, we_row, att_row)


def _bcast_body(ea_ref, dm_ref, sh_ref, out_ref):
    blk = ea_ref.shape[0]
    out_ref[...] = jnp.concatenate(
        [jnp.broadcast_to(ea_ref[...], (blk, 8)),
         jnp.broadcast_to(dm_ref[...], (blk, 8)),
         jnp.broadcast_to(sh_ref[...], (blk, 16))], axis=1)


def _phase0b(ea2, dm2, sh2):
    blk = 4000
    nblk = E // blk
    return pl.pallas_call(
        _bcast_body,
        grid=(nblk,),
        in_specs=[pl.BlockSpec((blk, 1), lambda b: (b, 0)),
                  pl.BlockSpec((blk, 1), lambda b: (b, 0)),
                  pl.BlockSpec((blk, 1), lambda b: (b, 0))],
        out_specs=pl.BlockSpec((blk, 32), lambda b: (b, 0)),
        out_shape=jax.ShapeDtypeStruct((E, 32), jnp.float32),
    )(ea2, dm2, sh2)


DEN2R = 625


def _sc_body(xl, xrc, srce, dste, dst8e, eadm, we, att, acc_out, den_out,
             sidxA, didxA, didx8A, eadmA, rowslA, rowsrA,
             sidxB, didxB, didx8B, eadmB, rowslB, rowsrB,
             didxS, wa, acc_sh, den_sh,
             gA1, gA2, gB1, gB2, sA1, sA2, sB1, sB2,
             iA1, iA2, iA3, iA4, iB1, iB2, iB3, iB4):
    c = lax.axis_index("c")
    s = lax.axis_index("s")
    wid = s * NC + c
    iota16 = lax.broadcasted_iota(jnp.int32, (16,), 0)
    fzero = jnp.zeros((16,), jnp.float32)

    def zbuf(e, _):
        for j in range(NJ):
            rowslA[e, pl.ds(j * 16, 16)] = fzero
            rowsrA[e, pl.ds(j * 16, 16)] = fzero
        return 0

    lax.fori_loop(0, K, zbuf, 0)

    base_node = s * NPT
    for shot in range(16):
        for off in (0, 16, K - 16):
            v = jnp.minimum(jnp.full((16,), base_node + shot * K + off,
                                     jnp.int32) + iota16, N - 1)
            didxS[4, pl.ds(off, 16)] = v
        pltpu.sync_copy(rowslA, acc_sh.at[didxS.at[4]])
    for off in (0, 16, K - 16):
        v = jnp.minimum(jnp.full((16,), s * K + off, jnp.int32) + iota16,
                        DEN2R - 1)
        didxS[4, pl.ds(off, 16)] = v
    pltpu.sync_copy(rowsrA, den_sh.at[didxS.at[4]])

    pltpu.sync_copy(we, wa.at[pl.ds(0, D)])
    pltpu.sync_copy(att, wa.at[pl.ds(D, D)])
    plsc.subcore_barrier()

    ebase = wid * EPT

    def idx_load_sync(blk_i, sidx, didx, didx8, eadmb):
        base = ebase + blk_i * K
        pltpu.sync_copy(srce.at[pl.ds(base, K)], sidx)
        pltpu.sync_copy(dste.at[pl.ds(base, K)], didx)
        pltpu.sync_copy(dst8e.at[pl.ds(base, K)], didx8)
        pltpu.sync_copy(eadm.at[pl.ds(base, K)], eadmb)

    def idx_load_async(blk_i, sidx, didx, didx8, eadmb, i1, i2, i3, i4):
        base = ebase + blk_i * K
        pltpu.async_copy(srce.at[pl.ds(base, K)], sidx, i1)
        pltpu.async_copy(dste.at[pl.ds(base, K)], didx, i2)
        pltpu.async_copy(dst8e.at[pl.ds(base, K)], didx8, i3)
        pltpu.async_copy(eadm.at[pl.ds(base, K)], eadmb, i4)

    def idx_wait(sidx, didx, didx8, eadmb, i1, i2, i3, i4):
        pltpu.make_async_copy(srce.at[pl.ds(0, K)], sidx, i1).wait()
        pltpu.make_async_copy(dste.at[pl.ds(0, K)], didx, i2).wait()
        pltpu.make_async_copy(dst8e.at[pl.ds(0, K)], didx8, i3).wait()
        pltpu.make_async_copy(eadm.at[pl.ds(0, K)], eadmb, i4).wait()

    def gather_issue(sidx, didx, rowsl, xrcb, g1, g2):
        pltpu.async_copy(xl.at[sidx], rowsl, g1)
        pltpu.async_copy(xrc.at[didx], xrcb, g2)

    def gather_wait(sidx, didx, rowsl, xrcb, g1, g2):
        pltpu.make_async_copy(xl.at[sidx], rowsl, g1).wait()
        pltpu.make_async_copy(xrc.at[didx], xrcb, g2).wait()

    def compute_block(par, rowsl, rowsr, eadmb, didx, didx8, sm, sd):
        mrow = 2 * par
        drow = 2 * par + 1
        for off in (0, 16, K - 16):
            didxS[mrow, pl.ds(off, 16)] = didx[pl.ds(off, 16)]
            didxS[drow, pl.ds(off, 16)] = didx8[pl.ds(off, 16)]

        def do_edge(e, u, wes, ats):
            mb = 2 * D + 192 * u
            row = eadmb[e, pl.ds(0, 16)]
            wa[pl.ds(mb + 128, 16)] = row
            wa[pl.ds(mb + 144, 16)] = row
            rot8 = wa[pl.ds(mb + 136, 16)]
            eav = jnp.where(iota16 < 8, row, rot8)
            dmv = jnp.where(iota16 < 8, rot8, row)
            sv = eadmb[e, pl.ds(16, 16)]
            gl = []
            ha = []
            for j in range(NJ):
                glj = rowsl[e, pl.ds(j * 16, 16)]
                xrj = rowsr[e, pl.ds(j * 16, 16)]
                gv = glj + xrj + eav * wes[j]
                gv = jnp.maximum(gv, 0.2 * gv)
                gl.append(glj)
                ha.append(gv * ats[j])
            pv = []
            for h in range(NH):
                v = ha[2 * h] + ha[2 * h + 1]
                sb = mb + 32 * h
                wa[pl.ds(sb, 16)] = v
                wa[pl.ds(sb + 16, 16)] = v
                v = (v + wa[pl.ds(sb + 4, 16)]
                     + wa[pl.ds(sb + 8, 16)]
                     + wa[pl.ds(sb + 12, 16)])
                wa[pl.ds(sb, 16)] = v
                wa[pl.ds(sb + 16, 16)] = v
                v = (v + wa[pl.ds(sb + 1, 16)]
                     + wa[pl.ds(sb + 2, 16)]
                     + wa[pl.ds(sb + 3, 16)])
                pv.append(jnp.exp(jnp.minimum(v - sv, 80.0)))
            pden = fzero
            for h in range(NH):
                pden = pden + jnp.where(iota16 == h, pv[h], 0.0)
            wa[pl.ds(mb + 128, 16)] = pden
            wa[pl.ds(mb + 144, 16)] = pden
            pdhi = wa[pl.ds(mb + 136, 16)]
            for slot in range(8):
                rowsr[e, pl.ds(slot * 16, 16)] = (
                    jnp.where(dmv == jnp.float32(2 * slot), pden, 0.0)
                    + jnp.where(dmv == jnp.float32(2 * slot + 1), pdhi, 0.0))
            for j in range(NJ):
                rowsl[e, pl.ds(j * 16, 16)] = gl[j] * pv[j // 2]

        def edge_body(e, carry):
            wes = carry[:NJ]
            ats = carry[NJ:]
            do_edge(e, 0, wes, ats)
            return carry

        consts = tuple(wa[pl.ds(j * 16, 16)] for j in range(NJ)) + tuple(
            wa[pl.ds(D + j * 16, 16)] for j in range(NJ))
        lax.fori_loop(0, K, edge_body, consts)
        pltpu.async_copy(rowsl, acc_sh.at[didxS.at[mrow]], sm, add=True)
        pltpu.async_copy(rowsr, den_sh.at[didxS.at[drow]], sd, add=True)

    def scatter_wait(rowsl, rowsr, sm, sd):
        pltpu.make_async_copy(rowsl, acc_sh.at[didxS.at[4]], sm).wait()
        pltpu.make_async_copy(rowsr, den_sh.at[didxS.at[4]], sd).wait()

    setA = (sidxA, didxA, didx8A, eadmA)
    setB = (sidxB, didxB, didx8B, eadmB)
    gsetA = (sidxA, didxA, rowslA, rowsrA, gA1, gA2)
    gsetB = (sidxB, didxB, rowslB, rowsrB, gB1, gB2)
    isemA = (iA1, iA2, iA3, iA4)
    isemB = (iB1, iB2, iB3, iB4)

    idx_load_sync(0, *setA)
    gather_issue(*gsetA)
    idx_load_async(1, *setB, *isemB)

    def b2_body(b2, carry):
        b = 2 * b2
        idx_wait(*setB, *isemB)

        @pl.when(b2 > 0)
        def _():
            scatter_wait(rowslB, rowsrB, sB1, sB2)

        gather_issue(*gsetB)
        gather_wait(*gsetA)
        compute_block(0, rowslA, rowsrA, eadmA, didxA, didx8A, sA1, sA2)
        nb = lax.rem(b + 2, NBLK)
        idx_load_async(nb, *setA, *isemA)
        idx_wait(*setA, *isemA)
        scatter_wait(rowslA, rowsrA, sA1, sA2)
        gather_issue(*gsetA)
        gather_wait(*gsetB)
        compute_block(1, rowslB, rowsrB, eadmB, didxB, didx8B, sB1, sB2)
        nb2 = lax.rem(b + 3, NBLK)
        idx_load_async(nb2, *setB, *isemB)
        return carry

    lax.fori_loop(0, NBLK // 2, b2_body, 0)
    gather_wait(*gsetA)
    idx_wait(*setB, *isemB)
    scatter_wait(rowslB, rowsrB, sB1, sB2)

    plsc.subcore_barrier()

    wr = 624
    pltpu.sync_copy(acc_sh.at[pl.ds(s * wr, wr)],
                    acc_out.at[c, pl.ds(s * wr, wr)])

    @pl.when(s == NS - 1)
    def _():
        tail = NS * wr
        pltpu.sync_copy(acc_sh.at[pl.ds(tail, N - tail)],
                        acc_out.at[c, pl.ds(tail, N - tail)])

    @pl.when(s < NS - 1)
    def _():
        pltpu.sync_copy(den_sh.at[pl.ds(s * K, K)],
                        den_out.at[c, pl.ds(s * K, K)])

    @pl.when(s == NS - 1)
    def _():
        dtail = (NS - 1) * K
        pltpu.sync_copy(den_sh.at[pl.ds(dtail, DEN2R - dtail)],
                        den_out.at[c, pl.ds(dtail, DEN2R - dtail)])


def _phase1(xl, xrc, src, dst, dst8, eadm, we_col, att_col):
    mesh = plsc.VectorSubcoreMesh(core_axis_name="c", subcore_axis_name="s")
    idxset = [pltpu.VMEM((K,), jnp.int32),
              pltpu.VMEM((K,), jnp.int32),
              pltpu.VMEM((K,), jnp.int32),
              pltpu.VMEM((K, 32), jnp.float32),
              pltpu.VMEM((K, D), jnp.float32),
              pltpu.VMEM((K, D), jnp.float32)]
    fn = functools.partial(
        pl.kernel,
        out_type=(jax.ShapeDtypeStruct((NC, N, D), jnp.float32),
                  jax.ShapeDtypeStruct((NC, DEN2R, D), jnp.float32)),
        mesh=mesh,
        scratch_types=idxset + idxset + [
            pltpu.VMEM((5, K), jnp.int32),
            pltpu.VMEM((2 * D + 384,), jnp.float32),
            pltpu.VMEM_SHARED((N, D), jnp.float32),
            pltpu.VMEM_SHARED((DEN2R, D), jnp.float32),
        ] + [pltpu.SemaphoreType.DMA] * 16,
    )(_sc_body)
    return fn(xl, xrc, src, dst, dst8, eadm, we_col, att_col)


def _pool_body(acc0_ref, acc1_ref, den0_ref, den1_ref, xl_ref, csl_ref,
               bt_ref, bias_ref, wp_ref, bp_ref, out_ref, psum, cmat):
    b = pl.program_id(0)
    nb = pl.num_programs(0)

    @pl.when(b == 0)
    def _():
        psum[...] = jnp.zeros_like(psum)
        cmat[...] = jnp.zeros_like(cmat)

    a = acc0_ref[...] + acc1_ref[...]
    d = den0_ref[...] + den1_ref[...]
    ec = jnp.exp(csl_ref[...])
    xlv = xl_ref[...]
    cols = [(a[:, h * CH:(h + 1) * CH]
             + ec[:, h:h + 1] * xlv[:, h * CH:(h + 1) * CH])
            / (d[:, h:h + 1] + ec[:, h:h + 1] + 1e-16)
            for h in range(NH)]
    outb = jnp.concatenate(cols, axis=1)

    blk = outb.shape[0]
    bt = bt_ref[...]
    e = (bt == lax.broadcasted_iota(jnp.int32, (blk, G), 1)).astype(jnp.float32)
    dn = (((0,), (0,)), ((), ()))
    psum[...] += lax.dot_general(e, outb, dn,
                                 preferred_element_type=jnp.float32)
    cmat[...] += lax.dot_general(e, jnp.ones((blk, D), jnp.float32), dn,
                                 preferred_element_type=jnp.float32)

    @pl.when(b == nb - 1)
    def _():
        cm = cmat[...]
        pooled = psum[...] / jnp.maximum(cm, 1.0)
        pooled = pooled + jnp.where(cm > 0.0, bias_ref[...], 0.0)
        r = jnp.sum(pooled * wp_ref[...], axis=1, keepdims=True) + bp_ref[...]
        out_ref[...] = r


def _phase2(acc0, acc1, den0, den1, xl, csl, batch2, bias_row, wp_row,
            bp11):
    blk = 2000
    nblk = N // blk
    row = pl.BlockSpec((1, D), lambda b: (0, 0))
    return pl.pallas_call(
        _pool_body,
        grid=(nblk,),
        in_specs=[pl.BlockSpec((blk, D), lambda b: (b, 0)),
                  pl.BlockSpec((blk, D), lambda b: (b, 0)),
                  pl.BlockSpec((blk, 8), lambda b: (b, 0)),
                  pl.BlockSpec((blk, 8), lambda b: (b, 0)),
                  pl.BlockSpec((blk, D), lambda b: (b, 0)),
                  pl.BlockSpec((blk, 8), lambda b: (b, 0)),
                  pl.BlockSpec((blk, 1), lambda b: (b, 0)),
                  row, row, pl.BlockSpec((1, 1), lambda b: (0, 0))],
        out_specs=pl.BlockSpec((G, 1), lambda b: (0, 0)),
        out_shape=jax.ShapeDtypeStruct((G, 1), jnp.float32),
        scratch_shapes=[pltpu.VMEM((G, D), jnp.float32),
                        pltpu.VMEM((G, D), jnp.float32)],
    )(acc0, acc1, den0, den1, xl, csl, batch2, bias_row, wp_row, bp11)


def kernel(x, edge_index, edge_attr, batch, Wl, bl, Wr, br, We, att,
           bias_out, Wp, bp):
    ei = edge_index.astype(jnp.int32)
    src = ei[0]
    dst = ei[1]
    ea2 = edge_attr.astype(jnp.float32).reshape(E, 1)
    batch2 = batch.astype(jnp.int32).reshape(N, 1)
    we_row = We.reshape(1, D)
    att_row = att.reshape(1, D)
    bl2 = bl.reshape(1, D)
    br2 = br.reshape(1, D)
    bias_row = bias_out.reshape(1, D)
    wp_row = Wp.reshape(1, D)
    bp11 = bp.reshape(1, 1)

    dst8 = lax.shift_right_logical(dst, 4)
    dm2 = jnp.bitwise_and(dst, 15).astype(jnp.float32).reshape(E, 1)

    xl, xr, csl, smax8 = _phase0(x, Wl, bl2, Wr, br2, we_row, att_row)
    sh2 = jnp.take(smax8[:, 0], dst).reshape(E, 1)
    eadm = _phase0b(ea2, dm2, sh2)
    acc, den = _phase1(xl, xr, src, dst, dst8, eadm,
                       We.reshape(D), att.reshape(D))
    den0 = den[0].reshape(N, 8)
    den1 = den[1].reshape(N, 8)
    return _phase2(acc[0], acc[1], den0, den1, xl, csl, batch2,
                   bias_row, wp_row, bp11)

# --- scband reference (transcript-rebuilt; emitter-appended) ---
"""Pipeline reference for scband-gatv2-conv-model-84499186582058 (READ-ONLY COPY).

The authoritative reference and input builder live on the scoring server;
editing this copy changes nothing except your own understanding.
"""

import jax, jax.numpy as jnp
import numpy as np

N_NODES = 10000
N_EDGES = 320000
D_IN = 128
HEADS = 4
C_OUT = 32
OUT_DIM = HEADS * C_OUT
N_GRAPHS = 64
N_PRED = 1


def setup_inputs(seed: int = 0) -> dict:
    key = jax.random.key(seed)
    ks = jax.random.split(key, 12)
    x = jax.random.normal(ks[0], (N_NODES, D_IN), dtype=jnp.float32)
    edge_index = jax.random.randint(ks[1], (2, N_EDGES), 0, N_NODES, dtype=jnp.int64)
    edge_attr = jax.random.uniform(ks[2], (N_EDGES, 1), dtype=jnp.float32)
    batch = jnp.sort(jax.random.randint(ks[3], (N_NODES,), 0, N_GRAPHS, dtype=jnp.int64))
    s = 1.0 / np.sqrt(D_IN)
    Wl = jax.random.normal(ks[4], (OUT_DIM, D_IN), dtype=jnp.float32) * s
    bl = jnp.zeros((OUT_DIM,), dtype=jnp.float32)
    Wr = jax.random.normal(ks[5], (OUT_DIM, D_IN), dtype=jnp.float32) * s
    br = jnp.zeros((OUT_DIM,), dtype=jnp.float32)
    We = jax.random.normal(ks[6], (OUT_DIM, 1), dtype=jnp.float32)
    att = jax.random.normal(ks[7], (HEADS, C_OUT), dtype=jnp.float32) * (1.0 / np.sqrt(C_OUT))
    bias_out = jnp.zeros((OUT_DIM,), dtype=jnp.float32)
    Wp = jax.random.normal(ks[8], (N_PRED, OUT_DIM), dtype=jnp.float32) * (1.0 / np.sqrt(OUT_DIM))
    bp = jnp.zeros((N_PRED,), dtype=jnp.float32)
    return {"x": x, "edge_index": edge_index, "edge_attr": edge_attr, "batch": batch,
            "Wl": Wl, "bl": bl, "Wr": Wr, "br": br, "We": We, "att": att,
            "bias_out": bias_out, "Wp": Wp, "bp": bp}


def reference(x, edge_index, edge_attr, batch, Wl, bl, Wr, br, We, att, bias_out, Wp, bp):
    N = x.shape[0]
    # GATv2Conv with add_self_loops=True, fill_value=1.0 for edge_attr
    loop = jnp.arange(N, dtype=edge_index.dtype)
    src = jnp.concatenate([edge_index[0], loop])
    dst = jnp.concatenate([edge_index[1], loop])
    ea = jnp.concatenate([edge_attr, jnp.full((N, edge_attr.shape[1]), 1.0, dtype=edge_attr.dtype)], axis=0)
    H, C = att.shape
    x_l = (x @ Wl.T + bl).reshape(N, H, C)
    x_r = (x @ Wr.T + br).reshape(N, H, C)
    e_f = (ea @ We.T).reshape(-1, H, C)
    g = x_l[src] + x_r[dst] + e_f
    g = jax.nn.leaky_relu(g, negative_slope=0.2)
    logits = jnp.einsum('ehc,hc->eh', g, att)
    # segment softmax over incoming edges per dst node
    m = jax.ops.segment_max(logits, dst, num_segments=N)
    m = jnp.where(jnp.isfinite(m), m, 0.0)
    ex = jnp.exp(logits - m[dst])
    denom = jax.ops.segment_sum(ex, dst, num_segments=N)
    alpha = ex / (denom[dst] + 1e-16)
    msg = alpha[:, :, None] * x_l[src]
    out = jax.ops.segment_sum(msg, dst, num_segments=N).reshape(N, H * C) + bias_out
    # global mean pool per graph
    sums = jax.ops.segment_sum(out, batch, num_segments=N_GRAPHS)
    cnt = jax.ops.segment_sum(jnp.ones((N,), dtype=out.dtype), batch, num_segments=N_GRAPHS)
    pooled = sums / jnp.maximum(cnt, 1.0)[:, None]
    # single-layer predictor
    return pooled @ Wp.T + bp

if __name__ == "__main__":
    import jax
    _d = setup_inputs()
    print(jax.jit(kernel)(*tuple(_d.values())))

</pallas_src>

<mosaic_0001>
#map = affine_map<(d0, d1) -> (0, 0)>
#map1 = affine_map<(d0, d1) -> (0)>
#map2 = affine_map<(d0, d1) -> (0, 0, 0)>
module attributes {stable_mosaic.version = 14 : i64} {
  func.func @_sc_body(%arg0: i32, %arg1: i32, %arg2: memref<10000x128xf32, #tpu.memory_space<hbm>>, %arg3: memref<10000x128xf32, #tpu.memory_space<hbm>>, %arg4: memref<320000xi32, #tpu.memory_space<hbm>>, %arg5: memref<320000xi32, #tpu.memory_space<hbm>>, %arg6: memref<320000xi32, #tpu.memory_space<hbm>>, %arg7: memref<320000x32xf32, #tpu.memory_space<hbm>>, %arg8: memref<128xf32, #tpu.memory_space<hbm>>, %arg9: memref<128xf32, #tpu.memory_space<hbm>>, %arg10: memref<2x10000x128xf32, #tpu.memory_space<hbm>>, %arg11: memref<2x625x128xf32, #tpu.memory_space<hbm>>, %arg12: memref<40xi32, #tpu.memory_space<vmem>>, %arg13: memref<40xi32, #tpu.memory_space<vmem>>, %arg14: memref<40xi32, #tpu.memory_space<vmem>>, %arg15: memref<40x32xf32, #tpu.memory_space<vmem>>, %arg16: memref<40x128xf32, #tpu.memory_space<vmem>>, %arg17: memref<40x128xf32, #tpu.memory_space<vmem>>, %arg18: memref<40xi32, #tpu.memory_space<vmem>>, %arg19: memref<40xi32, #tpu.memory_space<vmem>>, %arg20: memref<40xi32, #tpu.memory_space<vmem>>, %arg21: memref<40x32xf32, #tpu.memory_space<vmem>>, %arg22: memref<40x128xf32, #tpu.memory_space<vmem>>, %arg23: memref<40x128xf32, #tpu.memory_space<vmem>>, %arg24: memref<5x40xi32, #tpu.memory_space<vmem>>, %arg25: memref<640xf32, #tpu.memory_space<vmem>>, %arg26: memref<10000x128xf32, #tpu.memory_space<vmem_shared>>, %arg27: memref<625x128xf32, #tpu.memory_space<vmem_shared>>, %arg28: memref<!tpu.dma_semaphore, #tpu.memory_space<semaphore_mem>>, %arg29: memref<!tpu.dma_semaphore, #tpu.memory_space<semaphore_mem>>, %arg30: memref<!tpu.dma_semaphore, #tpu.memory_space<semaphore_mem>>, %arg31: memref<!tpu.dma_semaphore, #tpu.memory_space<semaphore_mem>>, %arg32: memref<!tpu.dma_semaphore, #tpu.memory_space<semaphore_mem>>, %arg33: memref<!tpu.dma_semaphore, #tpu.memory_space<semaphore_mem>>, %arg34: memref<!tpu.dma_semaphore, #tpu.memory_space<semaphore_mem>>, %arg35: memref<!tpu.dma_semaphore, #tpu.memory_space<semaphore_mem>>, %arg36: memref<!tpu.dma_semaphore, #tpu.memory_space<semaphore_mem>>, %arg37: memref<!tpu.dma_semaphore, #tpu.memory_space<semaphore_mem>>, %arg38: memref<!tpu.dma_semaphore, #tpu.memory_space<semaphore_mem>>, %arg39: memref<!tpu.dma_semaphore, #tpu.memory_space<semaphore_mem>>, %arg40: memref<!tpu.dma_semaphore, #tpu.memory_space<semaphore_mem>>, %arg41: memref<!tpu.dma_semaphore, #tpu.memory_space<semaphore_mem>>, %arg42: memref<!tpu.dma_semaphore, #tpu.memory_space<semaphore_mem>>, %arg43: memref<!tpu.dma_semaphore, #tpu.memory_space<semaphore_mem>>) attributes {dimension_semantics = [#tpu.dimension_semantics<core_parallel>, #tpu.dimension_semantics<subcore_parallel>], iteration_bounds = array<i64: 2, 16>, scalar_prefetch = 0 : i64, scratch_operands = 32 : i64, tpu.core_type = #tpu.core_type<sc_vector_subcore>, window_params = [{transform_indices = #map}, {transform_indices = #map}, {transform_indices = #map1}, {transform_indices = #map1}, {transform_indices = #map1}, {transform_indices = #map}, {transform_indices = #map1}, {transform_indices = #map1}, {transform_indices = #map2}, {transform_indices = #map2}]} {
    %mul3A = arith.constant 2 : i32
    %mul3A_0 = arith.muli %arg1, %mul3A : i32
    %add3A = arith.addi %mul3A_0, %arg0 : i32
    %iota3A = tpu.iota {dimensions = array<i32: 0>} : vector<16xi32>
    %broadcast_in_dim3A = arith.constant 0.000000e+00 : f32
    %broadcast_in_dim3A_1 = vector.broadcast %broadcast_in_dim3A : f32 to vector<16xf32>
    %scan3A = arith.constant 0 : i32
    %scan3A_2 = arith.constant 0 : i32
    %scan3A_3 = arith.constant 40 : i32
    %scan3A_4 = arith.addi %scan3A_2, %scan3A_3 : i32
    %scan3A_5 = arith.constant 1 : i32
    %scan3A_6 = scf.for %scan3A_869 = %scan3A_2 to %scan3A_4 step %scan3A_5 iter_args(%scan3A_870 = %scan3A) -> (i32)  : i32 {
      %swap3A_871 = arith.index_cast %scan3A_869 : i32 to index
      %swap3A_872 = arith.constant 0 : index
      %swap3A_873 = tpu.vector_load %arg16[%swap3A_871, %swap3A_872] {strides = array<i32>} : memref<40x128xf32, #tpu.memory_space<vmem>>, vector<1x16xf32>,
      %swap3A_874 = vector.shape_cast %swap3A_873 : vector<1x16xf32> to vector<16xf32>
      %swap3A_875 = vector.shape_cast %broadcast_in_dim3A_1 : vector<16xf32> to vector<1x16xf32>
      tpu.vector_store %arg16[%swap3A_871, %swap3A_872], %swap3A_875 {strides = array<i32>} : memref<40x128xf32, #tpu.memory_space<vmem>>, vector<1x16xf32>,
      %swap3A_876 = arith.index_cast %scan3A_869 : i32 to index
      %swap3A_877 = arith.constant 0 : index
      %swap3A_878 = tpu.vector_load %arg17[%swap3A_876, %swap3A_877] {strides = array<i32>} : memref<40x128xf32, #tpu.memory_space<vmem>>, vector<1x16xf32>,
      %swap3A_879 = vector.shape_cast %swap3A_878 : vector<1x16xf32> to vector<16xf32>
      %swap3A_880 = vector.shape_cast %broadcast_in_dim3A_1 : vector<16xf32> to vector<1x16xf32>
      tpu.vector_store %arg17[%swap3A_876, %swap3A_877], %swap3A_880 {strides = array<i32>} : memref<40x128xf32, #tpu.memory_space<vmem>>, vector<1x16xf32>,
      %swap3A_881 = arith.index_cast %scan3A_869 : i32 to index
      %swap3A_882 = arith.constant 16 : index
      %swap3A_883 = tpu.vector_load %arg16[%swap3A_881, %swap3A_882] {strides = array<i32>} : memref<40x128xf32, #tpu.memory_space<vmem>>, vector<1x16xf32>,
      %swap3A_884 = vector.shape_cast %swap3A_883 : vector<1x16xf32> to vector<16xf32>
      %swap3A_885 = vector.shape_cast %broadcast_in_dim3A_1 : vector<16xf32> to vector<1x16xf32>
      tpu.vector_store %arg16[%swap3A_881, %swap3A_882], %swap3A_885 {strides = array<i32>} : memref<40x128xf32, #tpu.memory_space<vmem>>, vector<1x16xf32>,
      %swap3A_886 = arith.index_cast %scan3A_869 : i32 to index
      %swap3A_887 = arith.constant 16 : index
      %swap3A_888 = tpu.vector_load %arg17[%swap3A_886, %swap3A_887] {strides = array<i32>} : memref<40x128xf32, #tpu.memory_space<vmem>>, vector<1x16xf32>,
      %swap3A_889 = vector.shape_cast %swap3A_888 : vector<1x16xf32> to vector<16xf32>
      %swap3A_890 = vector.shape_cast %broadcast_in_dim3A_1 : vector<16xf32> to vector<1x16xf32>
      tpu.vector_store %arg17[%swap3A_886, %swap3A_887], %swap3A_890 {strides = array<i32>} : memref<40x128xf32, #tpu.memory_space<vmem>>, vector<1x16xf32>,
      %swap3A_891 = arith.index_cast %scan3A_869 : i32 to index
      %swap3A_892 = arith.constant 32 : index
      %swap3A_893 = tpu.vector_load %arg16[%swap3A_891, %swap3A_892] {strides = array<i32>} : memref<40x128xf32, #tpu.memory_space<vmem>>, vector<1x16xf32>,
      %swap3A_894 = vector.shape_cast %swap3A_893 : vector<1x16xf32> to vector<16xf32>
      %swap3A_895 = vector.shape_cast %broadcast_in_dim3A_1 : vector<16xf32> to vector<1x16xf32>
      tpu.vector_store %arg16[%swap3A_891, %swap3A_892], %swap3A_895 {strides = array<i32>} : memref<40x128xf32, #tpu.memory_space<vmem>>, vector<1x16xf32>,
      %swap3A_896 = arith.index_cast %scan3A_869 : i32 to index
      %swap3A_897 = arith.constant 32 : index
      %swap3A_898 = tpu.vector_load %arg17[%swap3A_896, %swap3A_897] {strides = array<i32>} : memref<40x128xf32, #tpu.memory_space<vmem>>, vector<1x16xf32>,
      %swap3A_899 = vector.shape_cast %swap3A_898 : vector<1x16xf32> to vector<16xf32>
      %swap3A_900 = vector.shape_cast %broadcast_in_dim3A_1 : vector<16xf32> to vector<1x16xf32>
      tpu.vector_store %arg17[%swap3A_896, %swap3A_897], %swap3A_900 {strides = array<i32>} : memref<40x128xf32, #tpu.memory_space<vmem>>, vector<1x16xf32>,
      %swap3A_901 = arith.index_cast %scan3A_869 : i32 to index
      %swap3A_902 = arith.constant 48 : index
      %swap3A_903 = tpu.vector_load %arg16[%swap3A_901, %swap3A_902] {strides = array<i32>} : memref<40x128xf32, #tpu.memory_space<vmem>>, vector<1x16xf32>,
      %swap3A_904 = vector.shape_cast %swap3A_903 : vector<1x16xf32> to vector<16xf32>
      %swap3A_905 = vector.shape_cast %broadcast_in_dim3A_1 : vector<16xf32> to vector<1x16xf32>
      tpu.vector_store %arg16[%swap3A_901, %swap3A_902], %swap3A_905 {strides = array<i32>} : memref<40x128xf32, #tpu.memory_space<vmem>>, vector<1x16xf32>,
      %swap3A_906 = arith.index_cast %scan3A_869 : i32 to index
      %swap3A_907 = arith.constant 48 : index
      %swap3A_908 = tpu.vector_load %arg17[%swap3A_906, %swap3A_907] {strides = array<i32>} : memref<40x128xf32, #tpu.memory_space<vmem>>, vector<1x16xf32>,
      %swap3A_909 = vector.shape_cast %swap3A_908 : vector<1x16xf32> to vector<16xf32>
      %swap3A_910 = vector.shape_cast %broadcast_in_dim3A_1 : vector<16xf32> to vector<1x16xf32>
      tpu.vector_store %arg17[%swap3A_906, %swap3A_907], %swap3A_910 {strides = array<i32>} : memref<40x128xf32, #tpu.memory_space<vmem>>, vector<1x16xf32>,
      %swap3A_911 = arith.index_cast %scan3A_869 : i32 to index
      %swap3A_912 = arith.constant 64 : index
      %swap3A_913 = tpu.vector_load %arg16[%swap3A_911, %swap3A_912] {strides = array<i32>} : memref<40x128xf32, #tpu.memory_space<vmem>>, vector<1x16xf32>,
      %swap3A_914 = vector.shape_cast %swap3A_913 : vector<1x16xf32> to vector<16xf32>
      %swap3A_915 = vector.shape_cast %broadcast_in_dim3A_1 : vector<16xf32> to vector<1x16xf32>
      tpu.vector_store %arg16[%swap3A_911, %swap3A_912], %swap3A_915 {strides = array<i32>} : memref<40x128xf32, #tpu.memory_space<vmem>>, vector<1x16xf32>,
      %swap3A_916 = arith.index_cast %scan3A_869 : i32 to index
      %swap3A_917 = arith.constant 64 : index
      %swap3A_918 = tpu.vector_load %arg17[%swap3A_916, %swap3A_917] {strides = array<i32>} : memref<40x128xf32, #tpu.memory_space<vmem>>, vector<1x16xf32>,
      %swap3A_919 = vector.shape_cast %swap3A_918 : vector<1x16xf32> to vector<16xf32>
      %swap3A_920 = vector.shape_cast %broadcast_in_dim3A_1 : vector<16xf32> to vector<1x16xf32>
      tpu.vector_store %arg17[%swap3A_916, %swap3A_917], %swap3A_920 {strides = array<i32>} : memref<40x128xf32, #tpu.memory_space<vmem>>, vector<1x16xf32>,
      %swap3A_921 = arith.index_cast %scan3A_869 : i32 to index
      %swap3A_922 = arith.constant 80 : index
      %swap3A_923 = tpu.vector_load %arg16[%swap3A_921, %swap3A_922] {strides = array<i32>} : memref<40x128xf32, #tpu.memory_space<vmem>>, vector<1x16xf32>,
      %swap3A_924 = vector.shape_cast %swap3A_923 : vector<1x16xf32> to vector<16xf32>
      %swap3A_925 = vector.shape_cast %broadcast_in_dim3A_1 : vector<16xf32> to vector<1x16xf32>
      tpu.vector_store %arg16[%swap3A_921, %swap3A_922], %swap3A_925 {strides = array<i32>} : memref<40x128xf32, #tpu.memory_space<vmem>>, vector<1x16xf32>,
      %swap3A_926 = arith.index_cast %scan3A_869 : i32 to index
      %swap3A_927 = arith.constant 80 : index
      %swap3A_928 = tpu.vector_load %arg17[%swap3A_926, %swap3A_927] {strides = array<i32>} : memref<40x128xf32, #tpu.memory_space<vmem>>, vector<1x16xf32>,
      %swap3A_929 = vector.shape_cast %swap3A_928 : vector<1x16xf32> to vector<16xf32>
      %swap3A_930 = vector.shape_cast %broadcast_in_dim3A_1 : vector<16xf32> to vector<1x16xf32>
      tpu.vector_store %arg17[%swap3A_926, %swap3A_927], %swap3A_930 {strides = array<i32>} : memref<40x128xf32, #tpu.memory_space<vmem>>, vector<1x16xf32>,
      %swap3A_931 = arith.index_cast %scan3A_869 : i32 to index
      %swap3A_932 = arith.constant 96 : index
      %swap3A_933 = tpu.vector_load %arg16[%swap3A_931, %swap3A_932] {strides = array<i32>} : memref<40x128xf32, #tpu.memory_space<vmem>>, vector<1x16xf32>,
      %swap3A_934 = vector.shape_cast %swap3A_933 : vector<1x16xf32> to vector<16xf32>
      %swap3A_935 = vector.shape_cast %broadcast_in_dim3A_1 : vector<16xf32> to vector<1x16xf32>
      tpu.vector_store %arg16[%swap3A_931, %swap3A_932], %swap3A_935 {strides = array<i32>} : memref<40x128xf32, #tpu.memory_space<vmem>>, vector<1x16xf32>,
      %swap3A_936 = arith.index_cast %scan3A_869 : i32 to index
      %swap3A_937 = arith.constant 96 : index
      %swap3A_938 = tpu.vector_load %arg17[%swap3A_936, %swap3A_937] {strides = array<i32>} : memref<40x128xf32, #tpu.memory_space<vmem>>, vector<1x16xf32>,
      %swap3A_939 = vector.shape_cast %swap3A_938 : vector<1x16xf32> to vector<16xf32>
      %swap3A_940 = vector.shape_cast %broadcast_in_dim3A_1 : vector<16xf32> to vector<1x16xf32>
      tpu.vector_store %arg17[%swap3A_936, %swap3A_937], %swap3A_940 {strides = array<i32>} : memref<40x128xf32, #tpu.memory_space<vmem>>, vector<1x16xf32>,
      %swap3A_941 = arith.index_cast %scan3A_869 : i32 to index
      %swap3A_942 = arith.constant 112 : index
      %swap3A_943 = tpu.vector_load %arg16[%swap3A_941, %swap3A_942] {strides = array<i32>} : memref<40x128xf32, #tpu.memory_space<vmem>>, vector<1x16xf32>,
      %swap3A_944 = vector.shape_cast %swap3A_943 : vector<1x16xf32> to vector<16xf32>
      %swap3A_945 = vector.shape_cast %broadcast_in_dim3A_1 : vector<16xf32> to vector<1x16xf32>
      tpu.vector_store %arg16[%swap3A_941, %swap3A_942], %swap3A_945 {strides = array<i32>} : memref<40x128xf32, #tpu.memory_space<vmem>>, vector<1x16xf32>,
      %swap3A_946 = arith.index_cast %scan3A_869 : i32 to index
      %swap3A_947 = arith.constant 112 : index
      %swap3A_948 = tpu.vector_load %arg17[%swap3A_946, %swap3A_947] {strides = array<i32>} : memref<40x128xf32, #tpu.memory_space<vmem>>, vector<1x16xf32>,
      %swap3A_949 = vector.shape_cast %swap3A_948 : vector<1x16xf32> to vector<16xf32>
      %swap3A_950 = vector.shape_cast %broadcast_in_dim3A_1 : vector<16xf32> to vector<1x16xf32>
      tpu.vector_store %arg17[%swap3A_946, %swap3A_947], %swap3A_950 {strides = array<i32>} : memref<40x128xf32, #tpu.memory_space<vmem>>, vector<1x16xf32>,
      %scan3A_951 = arith.constant 0 : i32
      scf.yield %scan3A_951 : i32
    }
    %scan3A_7 = arith.constant 40 : i32
    %mul3A_8 = arith.constant 625 : i32
    %mul3A_9 = arith.muli %arg1, %mul3A_8 : i32
    %add3A_10 = arith.constant 0 : i32
    %add3A_11 = arith.addi %mul3A_9, %add3A_10 : i32
    %add3A_12 = arith.constant 0 : i32
    %add3A_13 = arith.addi %add3A_11, %add3A_12 : i32
    %broadcast_in_dim3A_14 = vector.broadcast %add3A_13 : i32 to vector<16xi32>
    %add3A_15 = arith.addi %broadcast_in_dim3A_14, %iota3A : vector<16xi32>
    %min3A = arith.constant 9999 : i32
    %min3A_16 = vector.broadcast %min3A : i32 to vector<16xi32>
    %min3A_17 = arith.minsi %add3A_15, %min3A_16 : vector<16xi32>
    %swap3A = arith.constant 4 : i32
    %swap3A_18 = arith.index_cast %swap3A : i32 to index
    %swap3A_19 = arith.constant 0 : index
    %swap3A_20 = tpu.vector_load %arg24[%swap3A_18, %swap3A_19] {strides = array<i32>} : memref<5x40xi32, #tpu.memory_space<vmem>>, vector<1x16xi32>,
    %swap3A_21 = vector.shape_cast %swap3A_20 : vector<1x16xi32> to vector<16xi32>
    %swap3A_22 = vector.shape_cast %min3A_17 : vector<16xi32> to vector<1x16xi32>
    tpu.vector_store %arg24[%swap3A_18, %swap3A_19], %swap3A_22 {strides = array<i32>} : memref<5x40xi32, #tpu.memory_space<vmem>>, vector<1x16xi32>,
    %add3A_23 = arith.constant 0 : i32
    %add3A_24 = arith.addi %mul3A_9, %add3A_23 : i32
    %add3A_25 = arith.constant 16 : i32
    %add3A_26 = arith.addi %add3A_24, %add3A_25 : i32
    %broadcast_in_dim3A_27 = vector.broadcast %add3A_26 : i32 to vector<16xi32>
    %add3A_28 = arith.addi %broadcast_in_dim3A_27, %iota3A : vector<16xi32>
    %min3A_29 = arith.constant 9999 : i32
    %min3A_30 = vector.broadcast %min3A_29 : i32 to vector<16xi32>
    %min3A_31 = arith.minsi %add3A_28, %min3A_30 : vector<16xi32>
    %swap3A_32 = arith.constant 4 : i32
    %swap3A_33 = arith.index_cast %swap3A_32 : i32 to index
    %swap3A_34 = arith.constant 16 : index
    %swap3A_35 = tpu.vector_load %arg24[%swap3A_33, %swap3A_34] {strides = array<i32>} : memref<5x40xi32, #tpu.memory_space<vmem>>, vector<1x16xi32>,
    %swap3A_36 = vector.shape_cast %swap3A_35 : vector<1x16xi32> to vector<16xi32>
    %swap3A_37 = vector.shape_cast %min3A_31 : vector<16xi32> to vector<1x16xi32>
    tpu.vector_store %arg24[%swap3A_33, %swap3A_34], %swap3A_37 {strides = array<i32>} : memref<5x40xi32, #tpu.memory_space<vmem>>, vector<1x16xi32>,
    %add3A_38 = arith.constant 0 : i32
    %add3A_39 = arith.addi %mul3A_9, %add3A_38 : i32
    %add3A_40 = arith.constant 24 : i32
    %add3A_41 = arith.addi %add3A_39, %add3A_40 : i32
    %broadcast_in_dim3A_42 = vector.broadcast %add3A_41 : i32 to vector<16xi32>
    %add3A_43 = arith.addi %broadcast_in_dim3A_42, %iota3A : vector<16xi32>
    %min3A_44 = arith.constant 9999 : i32
    %min3A_45 = vector.broadcast %min3A_44 : i32 to vector<16xi32>
    %min3A_46 = arith.minsi %add3A_43, %min3A_45 : vector<16xi32>
    %swap3A_47 = arith.constant 4 : i32
    %swap3A_48 = arith.index_cast %swap3A_47 : i32 to index
    %swap3A_49 = arith.constant 24 : index
    %swap3A_50 = tpu.vector_load %arg24[%swap3A_48, %swap3A_49] {strides = array<i32>} : memref<5x40xi32, #tpu.memory_space<vmem>>, vector<1x16xi32>,
    %swap3A_51 = vector.shape_cast %swap3A_50 : vector<1x16xi32> to vector<16xi32>
    %swap3A_52 = vector.shape_cast %min3A_46 : vector<16xi32> to vector<1x16xi32>
    tpu.vector_store %arg24[%swap3A_48, %swap3A_49], %swap3A_52 {strides = array<i32>} : memref<5x40xi32, #tpu.memory_space<vmem>>, vector<1x16xi32>,
    %run_scoped3A = arith.constant 4 : i32
    "tpu.region"() ({
      %run_scoped3A_869 = tpu.sem_alloc : memref<!tpu.dma_semaphore, #tpu.memory_space<semaphore_mem>>
      %dma_start3A_870 = arith.constant 0 : i32
      %dma_start3A_871 = tpu.memref_slice %arg24[%run_scoped3A, %dma_start3A_870] : memref<5x40xi32, #tpu.memory_space<vmem>> -> memref<1x40xi32, #tpu.memory_space<vmem>>
      %dma_start3A_872 = tpu.memref_squeeze %dma_start3A_871 : memref<1x40xi32, #tpu.memory_space<vmem>> -> memref<40xi32, #tpu.memory_space<vmem>>
      %dma_start3A_873 = arith.constant 0 : i32
      %dma_start3A_874 = arith.constant 0 : i32
      %dma_start3A_875 = tpu.memref_slice %arg26[%dma_start3A_873, %dma_start3A_874] : memref<10000x128xf32, #tpu.memory_space<vmem_shared>> -> memref<10000x128xf32, #tpu.memory_space<vmem_shared>>
      tpu.enqueue_indirect_dma source(%arg16 : memref<40x128xf32, #tpu.memory_space<vmem>>) target(%dma_start3A_875 : memref<10000x128xf32, #tpu.memory_space<vmem_shared>>) offsets(%dma_start3A_872 : memref<40xi32, #tpu.memory_space<vmem>>) semaphore(%run_scoped3A_869 : memref<!tpu.dma_semaphore, #tpu.memory_space<semaphore_mem>>)
      %dma_wait3A_876 = arith.constant 0 : i32
      %dma_wait3A_877 = tpu.memref_slice %arg24[%run_scoped3A, %dma_wait3A_876] : memref<5x40xi32, #tpu.memory_space<vmem>> -> memref<1x40xi32, #tpu.memory_space<vmem>>
      %dma_wait3A_878 = tpu.memref_squeeze %dma_wait3A_877 : memref<1x40xi32, #tpu.memory_space<vmem>> -> memref<40xi32, #tpu.memory_space<vmem>>
      %dma_wait3A_879 = arith.constant 0 : i32
      %dma_wait3A_880 = arith.constant 0 : i32
      %dma_wait3A_881 = tpu.memref_slice %arg26[%dma_wait3A_879, %dma_wait3A_880] : memref<10000x128xf32, #tpu.memory_space<vmem_shared>> -> memref<10000x128xf32, #tpu.memory_space<vmem_shared>>
      tpu.wait_indirect_dma semaphore(%run_scoped3A_869 : memref<!tpu.dma_semaphore, #tpu.memory_space<semaphore_mem>>) src(%arg16 : memref<40x128xf32, #tpu.memory_space<vmem>>) dst(%dma_wait3A_881 : memref<10000x128xf32, #tpu.memory_space<vmem_shared>>)
      tpu.yield
    }) : () -> ()
    %add3A_53 = arith.constant 40 : i32
    %add3A_54 = arith.addi %mul3A_9, %add3A_53 : i32
    %add3A_55 = arith.constant 0 : i32
    %add3A_56 = arith.addi %add3A_54, %add3A_55 : i32
    %broadcast_in_dim3A_57 = vector.broadcast %add3A_56 : i32 to vector<16xi32>
    %add3A_58 = arith.addi %broadcast_in_dim3A_57, %iota3A : vector<16xi32>
    %min3A_59 = arith.constant 9999 : i32
    %min3A_60 = vector.broadcast %min3A_59 : i32 to vector<16xi32>
    %min3A_61 = arith.minsi %add3A_58, %min3A_60 : vector<16xi32>
    %swap3A_62 = arith.constant 4 : i32
    %swap3A_63 = arith.index_cast %swap3A_62 : i32 to index
    %swap3A_64 = arith.constant 0 : index
    %swap3A_65 = tpu.vector_load %arg24[%swap3A_63, %swap3A_64] {strides = array<i32>} : memref<5x40xi32, #tpu.memory_space<vmem>>, vector<1x16xi32>,
    %swap3A_66 = vector.shape_cast %swap3A_65 : vector<1x16xi32> to vector<16xi32>
    %swap3A_67 = vector.shape_cast %min3A_61 : vector<16xi32> to vector<1x16xi32>
    tpu.vector_store %arg24[%swap3A_63, %swap3A_64], %swap3A_67 {strides = array<i32>} : memref<5x40xi32, #tpu.memory_space<vmem>>, vector<1x16xi32>,
    %add3A_68 = arith.constant 40 : i32
    %add3A_69 = arith.addi %mul3A_9, %add3A_68 : i32
    %add3A_70 = arith.constant 16 : i32
    %add3A_71 = arith.addi %add3A_69, %add3A_70 : i32
    %broadcast_in_dim3A_72 = vector.broadcast %add3A_71 : i32 to vector<16xi32>
    %add3A_73 = arith.addi %broadcast_in_dim3A_72, %iota3A : vector<16xi32>
    %min3A_74 = arith.constant 9999 : i32
    %min3A_75 = vector.broadcast %min3A_74 : i32 to vector<16xi32>
    %min3A_76 = arith.minsi %add3A_73, %min3A_75 : vector<16xi32>
    %swap3A_77 = arith.constant 4 : i32
    %swap3A_78 = arith.index_cast %swap3A_77 : i32 to index
    %swap3A_79 = arith.constant 16 : index
    %swap3A_80 = tpu.vector_load %arg24[%swap3A_78, %swap3A_79] {strides = array<i32>} : memref<5x40xi32, #tpu.memory_space<vmem>>, vector<1x16xi32>,
    %swap3A_81 = vector.shape_cast %swap3A_80 : vector<1x16xi32> to vector<16xi32>
    %swap3A_82 = vector.shape_cast %min3A_76 : vector<16xi32> to vector<1x16xi32>
    tpu.vector_store %arg24[%swap3A_78, %swap3A_79], %swap3A_82 {strides = array<i32>} : memref<5x40xi32, #tpu.memory_space<vmem>>, vector<1x16xi32>,
    %add3A_83 = arith.constant 40 : i32
    %add3A_84 = arith.addi %mul3A_9, %add3A_83 : i32
    %add3A_85 = arith.constant 24 : i32
    %add3A_86 = arith.addi %add3A_84, %add3A_85 : i32
    %broadcast_in_dim3A_87 = vector.broadcast %add3A_86 : i32 to vector<16xi32>
    %add3A_88 = arith.addi %broadcast_in_dim3A_87, %iota3A : vector<16xi32>
    %min3A_89 = arith.constant 9999 : i32
    %min3A_90 = vector.broadcast %min3A_89 : i32 to vector<16xi32>
    %min3A_91 = arith.minsi %add3A_88, %min3A_90 : vector<16xi32>
    %swap3A_92 = arith.constant 4 : i32
    %swap3A_93 = arith.index_cast %swap3A_92 : i32 to index
    %swap3A_94 = arith.constant 24 : index
    %swap3A_95 = tpu.vector_load %arg24[%swap3A_93, %swap3A_94] {strides = array<i32>} : memref<5x40xi32, #tpu.memory_space<vmem>>, vector<1x16xi32>,
    %swap3A_96 = vector.shape_cast %swap3A_95 : vector<1x16xi32> to vector<16xi32>
    %swap3A_97 = vector.shape_cast %min3A_91 : vector<16xi32> to vector<1x16xi32>
    tpu.vector_store %arg24[%swap3A_93, %swap3A_94], %swap3A_97 {strides = array<i32>} : memref<5x40xi32, #tpu.memory_space<vmem>>, vector<1x16xi32>,
    %run_scoped3A_98 = arith.constant 4 : i32
    "tpu.region"() ({
      %run_scoped3A_869 = tpu.sem_alloc : memref<!tpu.dma_semaphore, #tpu.memory_space<semaphore_mem>>
      %dma_start3A_870 = arith.constant 0 : i32
      %dma_start3A_871 = tpu.memref_slice %arg24[%run_scoped3A_98, %dma_start3A_870] : memref<5x40xi32, #tpu.memory_space<vmem>> -> memref<1x40xi32, #tpu.memory_space<vmem>>
      %dma_start3A_872 = tpu.memref_squeeze %dma_start3A_871 : memref<1x40xi32, #tpu.memory_space<vmem>> -> memref<40xi32, #tpu.memory_space<vmem>>
      %dma_start3A_873 = arith.constant 0 : i32
      %dma_start3A_874 = arith.constant 0 : i32
      %dma_start3A_875 = tpu.memref_slice %arg26[%dma_start3A_873, %dma_start3A_874] : memref<10000x128xf32, #tpu.memory_space<vmem_shared>> -> memref<10000x128xf32, #tpu.memory_space<vmem_shared>>
      tpu.enqueue_indirect_dma source(%arg16 : memref<40x128xf32, #tpu.memory_space<vmem>>) target(%dma_start3A_875 : memref<10000x128xf32, #tpu.memory_space<vmem_shared>>) offsets(%dma_start3A_872 : memref<40xi32, #tpu.memory_space<vmem>>) semaphore(%run_scoped3A_869 : memref<!tpu.dma_semaphore, #tpu.memory_space<semaphore_mem>>)
      %dma_wait3A_876 = arith.constant 0 : i32
      %dma_wait3A_877 = tpu.memref_slice %arg24[%run_scoped3A_98, %dma_wait3A_876] : memref<5x40xi32, #tpu.memory_space<vmem>> -> memref<1x40xi32, #tpu.memory_space<vmem>>
      %dma_wait3A_878 = tpu.memref_squeeze %dma_wait3A_877 : memref<1x40xi32, #tpu.memory_space<vmem>> -> memref<40xi32, #tpu.memory_space<vmem>>
      %dma_wait3A_879 = arith.constant 0 : i32
      %dma_wait3A_880 = arith.constant 0 : i32
      %dma_wait3A_881 = tpu.memref_slice %arg26[%dma_wait3A_879, %dma_wait3A_880] : memref<10000x128xf32, #tpu.memory_space<vmem_shared>> -> memref<10000x128xf32, #tpu.memory_space<vmem_shared>>
      tpu.wait_indirect_dma semaphore(%run_scoped3A_869 : memref<!tpu.dma_semaphore, #tpu.memory_space<semaphore_mem>>) src(%arg16 : memref<40x128xf32, #tpu.memory_space<vmem>>) dst(%dma_wait3A_881 : memref<10000x128xf32, #tpu.memory_space<vmem_shared>>)
      tpu.yield
    }) : () -> ()
    %add3A_99 = arith.constant 80 : i32
    %add3A_100 = arith.addi %mul3A_9, %add3A_99 : i32
    %add3A_101 = arith.constant 0 : i32
    %add3A_102 = arith.addi %add3A_100, %add3A_101 : i32
    %broadcast_in_dim3A_103 = vector.broadcast %add3A_102 : i32 to vector<16xi32>
    %add3A_104 = arith.addi %broadcast_in_dim3A_103, %iota3A : vector<16xi32>
    %min3A_105 = arith.constant 9999 : i32
    %min3A_106 = vector.broadcast %min3A_105 : i32 to vector<16xi32>
    %min3A_107 = arith.minsi %add3A_104, %min3A_106 : vector<16xi32>
    %swap3A_108 = arith.constant 4 : i32
    %swap3A_109 = arith.index_cast %swap3A_108 : i32 to index
    %swap3A_110 = arith.constant 0 : index
    %swap3A_111 = tpu.vector_load %arg24[%swap3A_109, %swap3A_110] {strides = array<i32>} : memref<5x40xi32, #tpu.memory_space<vmem>>, vector<1x16xi32>,
    %swap3A_112 = vector.shape_cast %swap3A_111 : vector<1x16xi32> to vector<16xi32>
    %swap3A_113 = vector.shape_cast %min3A_107 : vector<16xi32> to vector<1x16xi32>
    tpu.vector_store %arg24[%swap3A_109, %swap3A_110], %swap3A_113 {strides = array<i32>} : memref<5x40xi32, #tpu.memory_space<vmem>>, vector<1x16xi32>,
    %add3A_114 = arith.constant 80 : i32
    %add3A_115 = arith.addi %mul3A_9, %add3A_114 : i32
    %add3A_116 = arith.constant 16 : i32
    %add3A_117 = arith.addi %add3A_115, %add3A_116 : i32
    %broadcast_in_dim3A_118 = vector.broadcast %add3A_117 : i32 to vector<16xi32>
    %add3A_119 = arith.addi %broadcast_in_dim3A_118, %iota3A : vector<16xi32>
    %min3A_120 = arith.constant 9999 : i32
    %min3A_121 = vector.broadcast %min3A_120 : i32 to vector<16xi32>
    %min3A_122 = arith.minsi %add3A_119, %min3A_121 : vector<16xi32>
    %swap3A_123 = arith.constant 4 : i32
    %swap3A_124 = arith.index_cast %swap3A_123 : i32 to index
    %swap3A_125 = arith.constant 16 : index
    %swap3A_126 = tpu.vector_load %arg24[%swap3A_124, %swap3A_125] {strides = array<i32>} : memref<5x40xi32, #tpu.memory_space<vmem>>, vector<1x16xi32>,
    %swap3A_127 = vector.shape_cast %swap3A_126 : vector<1x16xi32> to vector<16xi32>
    %swap3A_128 = vector.shape_cast %min3A_122 : vector<16xi32> to vector<1x16xi32>
    tpu.vector_store %arg24[%swap3A_124, %swap3A_125], %swap3A_128 {strides = array<i32>} : memref<5x40xi32, #tpu.memory_space<vmem>>, vector<1x16xi32>,
    %add3A_129 = arith.constant 80 : i32
    %add3A_130 = arith.addi %mul3A_9, %add3A_129 : i32
    %add3A_131 = arith.constant 24 : i32
    %add3A_132 = arith.addi %add3A_130, %add3A_131 : i32
    %broadcast_in_dim3A_133 = vector.broadcast %add3A_132 : i32 to vector<16xi32>
    %add3A_134 = arith.addi %broadcast_in_dim3A_133, %iota3A : vector<16xi32>
    %min3A_135 = arith.constant 9999 : i32
    %min3A_136 = vector.broadcast %min3A_135 : i32 to vector<16xi32>
    %min3A_137 = arith.minsi %add3A_134, %min3A_136 : vector<16xi32>
    %swap3A_138 = arith.constant 4 : i32
    %swap3A_139 = arith.index_cast %swap3A_138 : i32 to index
    %swap3A_140 = arith.constant 24 : index
    %swap3A_141 = tpu.vector_load %arg24[%swap3A_139, %swap3A_140] {strides = array<i32>} : memref<5x40xi32, #tpu.memory_space<vmem>>, vector<1x16xi32>,
    %swap3A_142 = vector.shape_cast %swap3A_141 : vector<1x16xi32> to vector<16xi32>
    %swap3A_143 = vector.shape_cast %min3A_137 : vector<16xi32> to vector<1x16xi32>
    tpu.vector_store %arg24[%swap3A_139, %swap3A_140], %swap3A_143 {strides = array<i32>} : memref<5x40xi32, #tpu.memory_space<vmem>>, vector<1x16xi32>,
    %run_scoped3A_144 = arith.constant 4 : i32
    "tpu.region"() ({
      %run_scoped3A_869 = tpu.sem_alloc : memref<!tpu.dma_semaphore, #tpu.memory_space<semaphore_mem>>
      %dma_start3A_870 = arith.constant 0 : i32
      %dma_start3A_871 = tpu.memref_slice %arg24[%run_scoped3A_144, %dma_start3A_870] : memref<5x40xi32, #tpu.memory_space<vmem>> -> memref<1x40xi32, #tpu.memory_space<vmem>>
      %dma_start3A_872 = tpu.memref_squeeze %dma_start3A_871 : memref<1x40xi32, #tpu.memory_space<vmem>> -> memref<40xi32, #tpu.memory_space<vmem>>
      %dma_start3A_873 = arith.constant 0 : i32
      %dma_start3A_874 = arith.constant 0 : i32
      %dma_start3A_875 = tpu.memref_slice %arg26[%dma_start3A_873, %dma_start3A_874] : memref<10000x128xf32, #tpu.memory_space<vmem_shared>> -> memref<10000x128xf32, #tpu.memory_space<vmem_shared>>
      tpu.enqueue_indirect_dma source(%arg16 : memref<40x128xf32, #tpu.memory_space<vmem>>) target(%dma_start3A_875 : memref<10000x128xf32, #tpu.memory_space<vmem_shared>>) offsets(%dma_start3A_872 : memref<40xi32, #tpu.memory_space<vmem>>) semaphore(%run_scoped3A_869 : memref<!tpu.dma_semaphore, #tpu.memory_space<semaphore_mem>>)
      %dma_wait3A_876 = arith.constant 0 : i32
      %dma_wait3A_877 = tpu.memref_slice %arg24[%run_scoped3A_144, %dma_wait3A_876] : memref<5x40xi32, #tpu.memory_space<vmem>> -> memref<1x40xi32, #tpu.memory_space<vmem>>
      %dma_wait3A_878 = tpu.memref_squeeze %dma_wait3A_877 : memref<1x40xi32, #tpu.memory_space<vmem>> -> memref<40xi32, #tpu.memory_space<vmem>>
      %dma_wait3A_879 = arith.constant 0 : i32
      %dma_wait3A_880 = arith.constant 0 : i32
      %dma_wait3A_881 = tpu.memref_slice %arg26[%dma_wait3A_879, %dma_wait3A_880] : memref<10000x128xf32, #tpu.memory_space<vmem_shared>> -> memref<10000x128xf32, #tpu.memory_space<vmem_shared>>
      tpu.wait_indirect_dma semaphore(%run_scoped3A_869 : memref<!tpu.dma_semaphore, #tpu.memory_space<semaphore_mem>>) src(%arg16 : memref<40x128xf32, #tpu.memory_space<vmem>>) dst(%dma_wait3A_881 : memref<10000x128xf32, #tpu.memory_space<vmem_shared>>)
      tpu.yield
    }) : () -> ()
    %add3A_145 = arith.constant 120 : i32
    %add3A_146 = arith.addi %mul3A_9, %add3A_145 : i32
    %add3A_147 = arith.constant 0 : i32
    %add3A_148 = arith.addi %add3A_146, %add3A_147 : i32
    %broadcast_in_dim3A_149 = vector.broadcast %add3A_148 : i32 to vector<16xi32>
    %add3A_150 = arith.addi %broadcast_in_dim3A_149, %iota3A : vector<16xi32>
    %min3A_151 = arith.constant 9999 : i32
    %min3A_152 = vector.broadcast %min3A_151 : i32 to vector<16xi32>
    %min3A_153 = arith.minsi %add3A_150, %min3A_152 : vector<16xi32>
    %swap3A_154 = arith.constant 4 : i32
    %swap3A_155 = arith.index_cast %swap3A_154 : i32 to index
    %swap3A_156 = arith.constant 0 : index
    %swap3A_157 = tpu.vector_load %arg24[%swap3A_155, %swap3A_156] {strides = array<i32>} : memref<5x40xi32, #tpu.memory_space<vmem>>, vector<1x16xi32>,
    %swap3A_158 = vector.shape_cast %swap3A_157 : vector<1x16xi32> to vector<16xi32>
    %swap3A_159 = vector.shape_cast %min3A_153 : vector<16xi32> to vector<1x16xi32>
    tpu.vector_store %arg24[%swap3A_155, %swap3A_156], %swap3A_159 {strides = array<i32>} : memref<5x40xi32, #tpu.memory_space<vmem>>, vector<1x16xi32>,
    %add3A_160 = arith.constant 120 : i32
    %add3A_161 = arith.addi %mul3A_9, %add3A_160 : i32
    %add3A_162 = arith.constant 16 : i32
    %add3A_163 = arith.addi %add3A_161, %add3A_162 : i32
    %broadcast_in_dim3A_164 = vector.broadcast %add3A_163 : i32 to vector<16xi32>
    %add3A_165 = arith.addi %broadcast_in_dim3A_164, %iota3A : vector<16xi32>
    %min3A_166 = arith.constant 9999 : i32
    %min3A_167 = vector.broadcast %min3A_166 : i32 to vector<16xi32>
    %min3A_168 = arith.minsi %add3A_165, %min3A_167 : vector<16xi32>
    %swap3A_169 = arith.constant 4 : i32
    %swap3A_170 = arith.index_cast %swap3A_169 : i32 to index
    %swap3A_171 = arith.constant 16 : index
    %swap3A_172 = tpu.vector_load %arg24[%swap3A_170, %swap3A_171] {strides = array<i32>} : memref<5x40xi32, #tpu.memory_space<vmem>>, vector<1x16xi32>,
    %swap3A_173 = vector.shape_cast %swap3A_172 : vector<1x16xi32> to vector<16xi32>
    %swap3A_174 = vector.shape_cast %min3A_168 : vector<16xi32> to vector<1x16xi32>
    tpu.vector_store %arg24[%swap3A_170, %swap3A_171], %swap3A_174 {strides = array<i32>} : memref<5x40xi32, #tpu.memory_space<vmem>>, vector<1x16xi32>,
    %add3A_175 = arith.constant 120 : i32
    %add3A_176 = arith.addi %mul3A_9, %add3A_175 : i32
    %add3A_177 = arith.constant 24 : i32
    %add3A_178 = arith.addi %add3A_176, %add3A_177 : i32
    %broadcast_in_dim3A_179 = vector.broadcast %add3A_178 : i32 to vector<16xi32>
    %add3A_180 = arith.addi %broadcast_in_dim3A_179, %iota3A : vector<16xi32>
    %min3A_181 = arith.constant 9999 : i32
    %min3A_182 = vector.broadcast %min3A_181 : i32 to vector<16xi32>
    %min3A_183 = arith.minsi %add3A_180, %min3A_182 : vector<16xi32>
    %swap3A_184 = arith.constant 4 : i32
    %swap3A_185 = arith.index_cast %swap3A_184 : i32 to index
    %swap3A_186 = arith.constant 24 : index
    %swap3A_187 = tpu.vector_load %arg24[%swap3A_185, %swap3A_186] {strides = array<i32>} : memref<5x40xi32, #tpu.memory_space<vmem>>, vector<1x16xi32>,
    %swap3A_188 = vector.shape_cast %swap3A_187 : vector<1x16xi32> to vector<16xi32>
    %swap3A_189 = vector.shape_cast %min3A_183 : vector<16xi32> to vector<1x16xi32>
    tpu.vector_store %arg24[%swap3A_185, %swap3A_186], %swap3A_189 {strides = array<i32>} : memref<5x40xi32, #tpu.memory_space<vmem>>, vector<1x16xi32>,
    %run_scoped3A_190 = arith.constant 4 : i32
    "tpu.region"() ({
      %run_scoped3A_869 = tpu.sem_alloc : memref<!tpu.dma_semaphore, #tpu.memory_space<semaphore_mem>>
      %dma_start3A_870 = arith.constant 0 : i32
      %dma_start3A_871 = tpu.memref_slice %arg24[%run_scoped3A_190, %dma_start3A_870] : memref<5x40xi32, #tpu.memory_space<vmem>> -> memref<1x40xi32, #tpu.memory_space<vmem>>
      %dma_start3A_872 = tpu.memref_squeeze %dma_start3A_871 : memref<1x40xi32, #tpu.memory_space<vmem>> -> memref<40xi32, #tpu.memory_space<vmem>>
      %dma_start3A_873 = arith.constant 0 : i32
      %dma_start3A_874 = arith.constant 0 : i32
      %dma_start3A_875 = tpu.memref_slice %arg26[%dma_start3A_873, %dma_start3A_874] : memref<10000x128xf32, #tpu.memory_space<vmem_shared>> -> memref<10000x128xf32, #tpu.memory_space<vmem_shared>>
      tpu.enqueue_indirect_dma source(%arg16 : memref<40x128xf32, #tpu.memory_space<vmem>>) target(%dma_start3A_875 : memref<10000x128xf32, #tpu.memory_space<vmem_shared>>) offsets(%dma_start3A_872 : memref<40xi32, #tpu.memory_space<vmem>>) semaphore(%run_scoped3A_869 : memref<!tpu.dma_semaphore, #tpu.memory_space<semaphore_mem>>)
      %dma_wait3A_876 = arith.constant 0 : i32
      %dma_wait3A_877 = tpu.memref_slice %arg24[%run_scoped3A_190, %dma_wait3A_876] : memref<5x40xi32, #tpu.memory_space<vmem>> -> memref<1x40xi32, #tpu.memory_space<vmem>>
      %dma_wait3A_878 = tpu.memref_squeeze %dma_wait3A_877 : memref<1x40xi32, #tpu.memory_space<vmem>> -> memref<40xi32, #tpu.memory_space<vmem>>
      %dma_wait3A_879 = arith.constant 0 : i32
      %dma_wait3A_880 = arith.constant 0 : i32
      %dma_wait3A_881 = tpu.memref_slice %arg26[%dma_wait3A_879, %dma_wait3A_880] : memref<10000x128xf32, #tpu.memory_space<vmem_shared>> -> memref<10000x128xf32, #tpu.memory_space<vmem_shared>>
      tpu.wait_indirect_dma semaphore(%run_scoped3A_869 : memref<!tpu.dma_semaphore, #tpu.memory_space<semaphore_mem>>) src(%arg16 : memref<40x128xf32, #tpu.memory_space<vmem>>) dst(%dma_wait3A_881 : memref<10000x128xf32, #tpu.memory_space<vmem_shared>>)
      tpu.yield
    }) : () -> ()
    %add3A_191 = arith.constant 160 : i32
    %add3A_192 = arith.addi %mul3A_9, %add3A_191 : i32
    %add3A_193 = arith.constant 0 : i32
    %add3A_194 = arith.addi %add3A_192, %add3A_193 : i32
    %broadcast_in_dim3A_195 = vector.broadcast %add3A_194 : i32 to vector<16xi32>
    %add3A_196 = arith.addi %broadcast_in_dim3A_195, %iota3A : vector<16xi32>
    %min3A_197 = arith.constant 9999 : i32
    %min3A_198 = vector.broadcast %min3A_197 : i32 to vector<16xi32>
    %min3A_199 = arith.minsi %add3A_196, %min3A_198 : vector<16xi32>
    %swap3A_200 = arith.constant 4 : i32
    %swap3A_201 = arith.index_cast %swap3A_200 : i32 to index
    %swap3A_202 = arith.constant 0 : index
    %swap3A_203 = tpu.vector_load %arg24[%swap3A_201, %swap3A_202] {strides = array<i32>} : memref<5x40xi32, #tpu.memory_space<vmem>>, vector<1x16xi32>,
    %swap3A_204 = vector.shape_cast %swap3A_203 : vector<1x16xi32> to vector<16xi32>
    %swap3A_205 = vector.shape_cast %min3A_199 : vector<16xi32> to vector<1x16xi32>
    tpu.vector_store %arg24[%swap3A_201, %swap3A_202], %swap3A_205 {strides = array<i32>} : memref<5x40xi32, #tpu.memory_space<vmem>>, vector<1x16xi32>,
    %add3A_206 = arith.constant 160 : i32
    %add3A_207 = arith.addi %mul3A_9, %add3A_206 : i32
    %add3A_208 = arith.constant 16 : i32
    %add3A_209 = arith.addi %add3A_207, %add3A_208 : i32
    %broadcast_in_dim3A_210 = vector.broadcast %add3A_209 : i32 to vector<16xi32>
    %add3A_211 = arith.addi %broadcast_in_dim3A_210, %iota3A : vector<16xi32>
    %min3A_212 = arith.constant 9999 : i32
    %min3A_213 = vector.broadcast %min3A_212 : i32 to vector<16xi32>
    %min3A_214 = arith.minsi %add3A_211, %min3A_213 : vector<16xi32>
    %swap3A_215 = arith.constant 4 : i32
    %swap3A_216 = arith.index_cast %swap3A_215 : i32 to index
    %swap3A_217 = arith.constant 16 : index
    %swap3A_218 = tpu.vector_load %arg24[%swap3A_216, %swap3A_217] {strides = array<i32>} : memref<5x40xi32, #tpu.memory_space<vmem>>, vector<1x16xi32>,
    %swap3A_219 = vector.shape_cast %swap3A_218 : vector<1x16xi32> to vector<16xi32>
    %swap3A_220 = vector.shape_cast %min3A_214 : vector<16xi32> to vector<1x16xi32>
    tpu.vector_store %arg24[%swap3A_216, %swap3A_217], %swap3A_220 {strides = array<i32>} : memref<5x40xi32, #tpu.memory_space<vmem>>, vector<1x16xi32>,
    %add3A_221 = arith.constant 160 : i32
    %add3A_222 = arith.addi %mul3A_9, %add3A_221 : i32
    %add3A_223 = arith.constant 24 : i32
    %add3A_224 = arith.addi %add3A_222, %add3A_223 : i32
    %broadcast_in_dim3A_225 = vector.broadcast %add3A_224 : i32 to vector<16xi32>
    %add3A_226 = arith.addi %broadcast_in_dim3A_225, %iota3A : vector<16xi32>
    %min3A_227 = arith.constant 9999 : i32
    %min3A_228 = vector.broadcast %min3A_227 : i32 to vector<16xi32>
    %min3A_229 = arith.minsi %add3A_226, %min3A_228 : vector<16xi32>
    %swap3A_230 = arith.constant 4 : i32
    %swap3A_231 = arith.index_cast %swap3A_230 : i32 to index
    %swap3A_232 = arith.constant 24 : index
    %swap3A_233 = tpu.vector_load %arg24[%swap3A_231, %swap3A_232] {strides = array<i32>} : memref<5x40xi32, #tpu.memory_space<vmem>>, vector<1x16xi32>,
    %swap3A_234 = vector.shape_cast %swap3A_233 : vector<1x16xi32> to vector<16xi32>
    %swap3A_235 = vector.shape_cast %min3A_229 : vector<16xi32> to vector<1x16xi32>
    tpu.vector_store %arg24[%swap3A_231, %swap3A_232], %swap3A_235 {strides = array<i32>} : memref<5x40xi32, #tpu.memory_space<vmem>>, vector<1x16xi32>,
    %run_scoped3A_236 = arith.constant 4 : i32
    "tpu.region"() ({
      %run_scoped3A_869 = tpu.sem_alloc : memref<!tpu.dma_semaphore, #tpu.memory_space<semaphore_mem>>
      %dma_start3A_870 = arith.constant 0 : i32
      %dma_start3A_871 = tpu.memref_slice %arg24[%run_scoped3A_236, %dma_start3A_870] : memref<5x40xi32, #tpu.memory_space<vmem>> -> memref<1x40xi32, #tpu.memory_space<vmem>>
      %dma_start3A_872 = tpu.memref_squeeze %dma_start3A_871 : memref<1x40xi32, #tpu.memory_space<vmem>> -> memref<40xi32, #tpu.memory_space<vmem>>
      %dma_start3A_873 = arith.constant 0 : i32
      %dma_start3A_874 = arith.constant 0 : i32
      %dma_start3A_875 = tpu.memref_slice %arg26[%dma_start3A_873, %dma_start3A_874] : memref<10000x128xf32, #tpu.memory_space<vmem_shared>> -> memref<10000x128xf32, #tpu.memory_space<vmem_shared>>
      tpu.enqueue_indirect_dma source(%arg16 : memref<40x128xf32, #tpu.memory_space<vmem>>) target(%dma_start3A_875 : memref<10000x128xf32, #tpu.memory_space<vmem_shared>>) offsets(%dma_start3A_872 : memref<40xi32, #tpu.memory_space<vmem>>) semaphore(%run_scoped3A_869 : memref<!tpu.dma_semaphore, #tpu.memory_space<semaphore_mem>>)
      %dma_wait3A_876 = arith.constant 0 : i32
      %dma_wait3A_877 = tpu.memref_slice %arg24[%run_scoped3A_236, %dma_wait3A_876] : memref<5x40xi32, #tpu.memory_space<vmem>> -> memref<1x40xi32, #tpu.memory_space<vmem>>
      %dma_wait3A_878 = tpu.memref_squeeze %dma_wait3A_877 : memref<1x40xi32, #tpu.memory_space<vmem>> -> memref<40xi32, #tpu.memory_space<vmem>>
      %dma_wait3A_879 = arith.constant 0 : i32
      %dma_wait3A_880 = arith.constant 0 : i32
      %dma_wait3A_881 = tpu.memref_slice %arg26[%dma_wait3A_879, %dma_wait3A_880] : memref<10000x128xf32, #tpu.memory_space<vmem_shared>> -> memref<10000x128xf32, #tpu.memory_space<vmem_shared>>
      tpu.wait_indirect_dma semaphore(%run_scoped3A_869 : memref<!tpu.dma_semaphore, #tpu.memory_space<semaphore_mem>>) src(%arg16 : memref<40x128xf32, #tpu.memory_space<vmem>>) dst(%dma_wait3A_881 : memref<10000x128xf32, #tpu.memory_space<vmem_shared>>)
      tpu.yield
    }) : () -> ()
    %add3A_237 = arith.constant 200 : i32
    %add3A_238 = arith.addi %mul3A_9, %add3A_237 : i32
    %add3A_239 = arith.constant 0 : i32
    %add3A_240 = arith.addi %add3A_238, %add3A_239 : i32
    %broadcast_in_dim3A_241 = vector.broadcast %add3A_240 : i32 to vector<16xi32>
    %add3A_242 = arith.addi %broadcast_in_dim3A_241, %iota3A : vector<16xi32>
    %min3A_243 = arith.constant 9999 : i32
    %min3A_244 = vector.broadcast %min3A_243 : i32 to vector<16xi32>
    %min3A_245 = arith.minsi %add3A_242, %min3A_244 : vector<16xi32>
    %swap3A_246 = arith.constant 4 : i32
    %swap3A_247 = arith.index_cast %swap3A_246 : i32 to index
    %swap3A_248 = arith.constant 0 : index
    %swap3A_249 = tpu.vector_load %arg24[%swap3A_247, %swap3A_248] {strides = array<i32>} : memref<5x40xi32, #tpu.memory_space<vmem>>, vector<1x16xi32>,
    %swap3A_250 = vector.shape_cast %swap3A_249 : vector<1x16xi32> to vector<16xi32>
    %swap3A_251 = vector.shape_cast %min3A_245 : vector<16xi32> to vector<1x16xi32>
    tpu.vector_store %arg24[%swap3A_247, %swap3A_248], %swap3A_251 {strides = array<i32>} : memref<5x40xi32, #tpu.memory_space<vmem>>, vector<1x16xi32>,
    %add3A_252 = arith.constant 200 : i32
    %add3A_253 = arith.addi %mul3A_9, %add3A_252 : i32
    %add3A_254 = arith.constant 16 : i32
    %add3A_255 = arith.addi %add3A_253, %add3A_254 : i32
    %broadcast_in_dim3A_256 = vector.broadcast %add3A_255 : i32 to vector<16xi32>
    %add3A_257 = arith.addi %broadcast_in_dim3A_256, %iota3A : vector<16xi32>
    %min3A_258 = arith.constant 9999 : i32
    %min3A_259 = vector.broadcast %min3A_258 : i32 to vector<16xi32>
    %min3A_260 = arith.minsi %add3A_257, %min3A_259 : vector<16xi32>
    %swap3A_261 = arith.constant 4 : i32
    %swap3A_262 = arith.index_cast %swap3A_261 : i32 to index
    %swap3A_263 = arith.constant 16 : index
    %swap3A_264 = tpu.vector_load %arg24[%swap3A_262, %swap3A_263] {strides = array<i32>} : memref<5x40xi32, #tpu.memory_space<vmem>>, vector<1x16xi32>,
    %swap3A_265 = vector.shape_cast %swap3A_264 : vector<1x16xi32> to vector<16xi32>
    %swap3A_266 = vector.shape_cast %min3A_260 : vector<16xi32> to vector<1x16xi32>
    tpu.vector_store %arg24[%swap3A_262, %swap3A_263], %swap3A_266 {strides = array<i32>} : memref<5x40xi32, #tpu.memory_space<vmem>>, vector<1x16xi32>,
    %add3A_267 = arith.constant 200 : i32
    %add3A_268 = arith.addi %mul3A_9, %add3A_267 : i32
    %add3A_269 = arith.constant 24 : i32
    %add3A_270 = arith.addi %add3A_268, %add3A_269 : i32
    %broadcast_in_dim3A_271 = vector.broadcast %add3A_270 : i32 to vector<16xi32>
    %add3A_272 = arith.addi %broadcast_in_dim3A_271, %iota3A : vector<16xi32>
    %min3A_273 = arith.constant 9999 : i32
    %min3A_274 = vector.broadcast %min3A_273 : i32 to vector<16xi32>
    %min3A_275 = arith.minsi %add3A_272, %min3A_274 : vector<16xi32>
    %swap3A_276 = arith.constant 4 : i32
    %swap3A_277 = arith.index_cast %swap3A_276 : i32 to index
    %swap3A_278 = arith.constant 24 : index
    %swap3A_279 = tpu.vector_load %arg24[%swap3A_277, %swap3A_278] {strides = array<i32>} : memref<5x40xi32, #tpu.memory_space<vmem>>, vector<1x16xi32>,
    %swap3A_280 = vector.shape_cast %swap3A_279 : vector<1x16xi32> to vector<16xi32>
    %swap3A_281 = vector.shape_cast %min3A_275 : vector<16xi32> to vector<1x16xi32>
    tpu.vector_store %arg24[%swap3A_277, %swap3A_278], %swap3A_281 {strides = array<i32>} : memref<5x40xi32, #tpu.memory_space<vmem>>, vector<1x16xi32>,
    %run_scoped3A_282 = arith.constant 4 : i32
    "tpu.region"() ({
      %run_scoped3A_869 = tpu.sem_alloc : memref<!tpu.dma_semaphore, #tpu.memory_space<semaphore_mem>>
      %dma_start3A_870 = arith.constant 0 : i32
      %dma_start3A_871 = tpu.memref_slice %arg24[%run_scoped3A_282, %dma_start3A_870] : memref<5x40xi32, #tpu.memory_space<vmem>> -> memref<1x40xi32, #tpu.memory_space<vmem>>
      %dma_start3A_872 = tpu.memref_squeeze %dma_start3A_871 : memref<1x40xi32, #tpu.memory_space<vmem>> -> memref<40xi32, #tpu.memory_space<vmem>>
      %dma_start3A_873 = arith.constant 0 : i32
      %dma_start3A_874 = arith.constant 0 : i32
      %dma_start3A_875 = tpu.memref_slice %arg26[%dma_start3A_873, %dma_start3A_874] : memref<10000x128xf32, #tpu.memory_space<vmem_shared>> -> memref<10000x128xf32, #tpu.memory_space<vmem_shared>>
      tpu.enqueue_indirect_dma source(%arg16 : memref<40x128xf32, #tpu.memory_space<vmem>>) target(%dma_start3A_875 : memref<10000x128xf32, #tpu.memory_space<vmem_shared>>) offsets(%dma_start3A_872 : memref<40xi32, #tpu.memory_space<vmem>>) semaphore(%run_scoped3A_869 : memref<!tpu.dma_semaphore, #tpu.memory_space<semaphore_mem>>)
      %dma_wait3A_876 = arith.constant 0 : i32
      %dma_wait3A_877 = tpu.memref_slice %arg24[%run_scoped3A_282, %dma_wait3A_876] : memref<5x40xi32, #tpu.memory_space<vmem>> -> memref<1x40xi32, #tpu.memory_space<vmem>>
      %dma_wait3A_878 = tpu.memref_squeeze %dma_wait3A_877 : memref<1x40xi32, #tpu.memory_space<vmem>> -> memref<40xi32, #tpu.memory_space<vmem>>
      %dma_wait3A_879 = arith.constant 0 : i32
      %dma_wait3A_880 = arith.constant 0 : i32
      %dma_wait3A_881 = tpu.memref_slice %arg26[%dma_wait3A_879, %dma_wait3A_880] : memref<10000x128xf32, #tpu.memory_space<vmem_shared>> -> memref<10000x128xf32, #tpu.memory_space<vmem_shared>>
      tpu.wait_indirect_dma semaphore(%run_scoped3A_869 : memref<!tpu.dma_semaphore, #tpu.memory_space<semaphore_mem>>) src(%arg16 : memref<40x128xf32, #tpu.memory_space<vmem>>) dst(%dma_wait3A_881 : memref<10000x128xf32, #tpu.memory_space<vmem_shared>>)
      tpu.yield
    }) : () -> ()
    %add3A_283 = arith.constant 240 : i32
    %add3A_284 = arith.addi %mul3A_9, %add3A_283 : i32
    %add3A_285 = arith.constant 0 : i32
    %add3A_286 = arith.addi %add3A_284, %add3A_285 : i32
    %broadcast_in_dim3A_287 = vector.broadcast %add3A_286 : i32 to vector<16xi32>
    %add3A_288 = arith.addi %broadcast_in_dim3A_287, %iota3A : vector<16xi32>
    %min3A_289 = arith.constant 9999 : i32
    %min3A_290 = vector.broadcast %min3A_289 : i32 to vector<16xi32>
    %min3A_291 = arith.minsi %add3A_288, %min3A_290 : vector<16xi32>
    %swap3A_292 = arith.constant 4 : i32
    %swap3A_293 = arith.index_cast %swap3A_292 : i32 to index
    %swap3A_294 = arith.constant 0 : index
    %swap3A_295 = tpu.vector_load %arg24[%swap3A_293, %swap3A_294] {strides = array<i32>} : memref<5x40xi32, #tpu.memory_space<vmem>>, vector<1x16xi32>,
    %swap3A_296 = vector.shape_cast %swap3A_295 : vector<1x16xi32> to vector<16xi32>
    %swap3A_297 = vector.shape_cast %min3A_291 : vector<16xi32> to vector<1x16xi32>
    tpu.vector_store %arg24[%swap3A_293, %swap3A_294], %swap3A_297 {strides = array<i32>} : memref<5x40xi32, #tpu.memory_space<vmem>>, vector<1x16xi32>,
    %add3A_298 = arith.constant 240 : i32
    %add3A_299 = arith.addi %mul3A_9, %add3A_298 : i32
    %add3A_300 = arith.constant 16 : i32
    %add3A_301 = arith.addi %add3A_299, %add3A_300 : i32
    %broadcast_in_dim3A_302 = vector.broadcast %add3A_301 : i32 to vector<16xi32>
    %add3A_303 = arith.addi %broadcast_in_dim3A_302, %iota3A : vector<16xi32>
    %min3A_304 = arith.constant 9999 : i32
    %min3A_305 = vector.broadcast %min3A_304 : i32 to vector<16xi32>
    %min3A_306 = arith.minsi %add3A_303, %min3A_305 : vector<16xi32>
    %swap3A_307 = arith.constant 4 : i32
    %swap3A_308 = arith.index_cast %swap3A_307 : i32 to index
    %swap3A_309 = arith.constant 16 : index
    %swap3A_310 = tpu.vector_load %arg24[%swap3A_308, %swap3A_309] {strides = array<i32>} : memref<5x40xi32, #tpu.memory_space<vmem>>, vector<1x16xi32>,
    %swap3A_311 = vector.shape_cast %swap3A_310 : vector<1x16xi32> to vector<16xi32>
    %swap3A_312 = vector.shape_cast %min3A_306 : vector<16xi32> to vector<1x16xi32>
    tpu.vector_store %arg24[%swap3A_308, %swap3A_309], %swap3A_312 {strides = array<i32>} : memref<5x40xi32, #tpu.memory_space<vmem>>, vector<1x16xi32>,
    %add3A_313 = arith.constant 240 : i32
    %add3A_314 = arith.addi %mul3A_9, %add3A_313 : i32
    %add3A_315 = arith.constant 24 : i32
    %add3A_316 = arith.addi %add3A_314, %add3A_315 : i32
    %broadcast_in_dim3A_317 = vector.broadcast %add3A_316 : i32 to vector<16xi32>
    %add3A_318 = arith.addi %broadcast_in_dim3A_317, %iota3A : vector<16xi32>
    %min3A_319 = arith.constant 9999 : i32
    %min3A_320 = vector.broadcast %min3A_319 : i32 to vector<16xi32>
    %min3A_321 = arith.minsi %add3A_318, %min3A_320 : vector<16xi32>
    %swap3A_322 = arith.constant 4 : i32
    %swap3A_323 = arith.index_cast %swap3A_322 : i32 to index
    %swap3A_324 = arith.constant 24 : index
    %swap3A_325 = tpu.vector_load %arg24[%swap3A_323, %swap3A_324] {strides = array<i32>} : memref<5x40xi32, #tpu.memory_space<vmem>>, vector<1x16xi32>,
    %swap3A_326 = vector.shape_cast %swap3A_325 : vector<1x16xi32> to vector<16xi32>
    %swap3A_327 = vector.shape_cast %min3A_321 : vector<16xi32> to vector<1x16xi32>
    tpu.vector_store %arg24[%swap3A_323, %swap3A_324], %swap3A_327 {strides = array<i32>} : memref<5x40xi32, #tpu.memory_space<vmem>>, vector<1x16xi32>,
    %run_scoped3A_328 = arith.constant 4 : i32
    "tpu.region"() ({
      %run_scoped3A_869 = tpu.sem_alloc : memref<!tpu.dma_semaphore, #tpu.memory_space<semaphore_mem>>
      %dma_start3A_870 = arith.constant 0 : i32
      %dma_start3A_871 = tpu.memref_slice %arg24[%run_scoped3A_328, %dma_start3A_870] : memref<5x40xi32, #tpu.memory_space<vmem>> -> memref<1x40xi32, #tpu.memory_space<vmem>>
      %dma_start3A_872 = tpu.memref_squeeze %dma_start3A_871 : memref<1x40xi32, #tpu.memory_space<vmem>> -> memref<40xi32, #tpu.memory_space<vmem>>
      %dma_start3A_873 = arith.constant 0 : i32
      %dma_start3A_874 = arith.constant 0 : i32
      %dma_start3A_875 = tpu.memref_slice %arg26[%dma_start3A_873, %dma_start3A_874] : memref<10000x128xf32, #tpu.memory_space<vmem_shared>> -> memref<10000x128xf32, #tpu.memory_space<vmem_shared>>
      tpu.enqueue_indirect_dma source(%arg16 : memref<40x128xf32, #tpu.memory_space<vmem>>) target(%dma_start3A_875 : memref<10000x128xf32, #tpu.memory_space<vmem_shared>>) offsets(%dma_start3A_872 : memref<40xi32, #tpu.memory_space<vmem>>) semaphore(%run_scoped3A_869 : memref<!tpu.dma_semaphore, #tpu.memory_space<semaphore_mem>>)
      %dma_wait3A_876 = arith.constant 0 : i32
      %dma_wait3A_877 = tpu.memref_slice %arg24[%run_scoped3A_328, %dma_wait3A_876] : memref<5x40xi32, #tpu.memory_space<vmem>> -> memref<1x40xi32, #tpu.memory_space<vmem>>
      %dma_wait3A_878 = tpu.memref_squeeze %dma_wait3A_877 : memref<1x40xi32, #tpu.memory_space<vmem>> -> memref<40xi32, #tpu.memory_space<vmem>>
      %dma_wait3A_879 = arith.constant 0 : i32
      %dma_wait3A_880 = arith.constant 0 : i32
      %dma_wait3A_881 = tpu.memref_slice %arg26[%dma_wait3A_879, %dma_wait3A_880] : memref<10000x128xf32, #tpu.memory_space<vmem_shared>> -> memref<10000x128xf32, #tpu.memory_space<vmem_shared>>
      tpu.wait_indirect_dma semaphore(%run_scoped3A_869 : memref<!tpu.dma_semaphore, #tpu.memory_space<semaphore_mem>>) src(%arg16 : memref<40x128xf32, #tpu.memory_space<vmem>>) dst(%dma_wait3A_881 : memref<10000x128xf32, #tpu.memory_space<vmem_shared>>)
      tpu.yield
    }) : () -> ()
    %add3A_329 = arith.constant 280 : i32
    %add3A_330 = arith.addi %mul3A_9, %add3A_329 : i32
    %add3A_331 = arith.constant 0 : i32
    %add3A_332 = arith.addi %add3A_330, %add3A_331 : i32
    %broadcast_in_dim3A_333 = vector.broadcast %add3A_332 : i32 to vector<16xi32>
    %add3A_334 = arith.addi %broadcast_in_dim3A_333, %iota3A : vector<16xi32>
    %min3A_335 = arith.constant 9999 : i32
    %min3A_336 = vector.broadcast %min3A_335 : i32 to vector<16xi32>
    %min3A_337 = arith.minsi %add3A_334, %min3A_336 : vector<16xi32>
    %swap3A_338 = arith.constant 4 : i32
    %swap3A_339 = arith.index_cast %swap3A_338 : i32 to index
    %swap3A_340 = arith.constant 0 : index
    %swap3A_341 = tpu.vector_load %arg24[%swap3A_339, %swap3A_340] {strides = array<i32>} : memref<5x40xi32, #tpu.memory_space<vmem>>, vector<1x16xi32>,
    %swap3A_342 = vector.shape_cast %swap3A_341 : vector<1x16xi32> to vector<16xi32>
    %swap3A_343 = vector.shape_cast %min3A_337 : vector<16xi32> to vector<1x16xi32>
    tpu.vector_store %arg24[%swap3A_339, %swap3A_340], %swap3A_343 {strides = array<i32>} : memref<5x40xi32, #tpu.memory_space<vmem>>, vector<1x16xi32>,
    %add3A_344 = arith.constant 280 : i32
    %add3A_345 = arith.addi %mul3A_9, %add3A_344 : i32
    %add3A_346 = arith.constant 16 : i32
    %add3A_347 = arith.addi %add3A_345, %add3A_346 : i32
    %broadcast_in_dim3A_348 = vector.broadcast %add3A_347 : i32 to vector<16xi32>
    %add3A_349 = arith.addi %broadcast_in_dim3A_348, %iota3A : vector<16xi32>
    %min3A_350 = arith.constant 9999 : i32
    %min3A_351 = vector.broadcast %min3A_350 : i32 to vector<16xi32>
    %min3A_352 = arith.minsi %add3A_349, %min3A_351 : vector<16xi32>
    %swap3A_353 = arith.constant 4 : i32
    %swap3A_354 = arith.index_cast %swap3A_353 : i32 to index
    %swap3A_355 = arith.constant 16 : index
    %swap3A_356 = tpu.vector_load %arg24[%swap3A_354, %swap3A_355] {strides = array<i32>} : memref<5x40xi32, #tpu.memory_space<vmem>>, vector<1x16xi32>,
    %swap3A_357 = vector.shape_cast %swap3A_356 : vector<1x16xi32> to vector<16xi32>
    %swap3A_358 = vector.shape_cast %min3A_352 : vector<16xi32> to vector<1x16xi32>
    tpu.vector_store %arg24[%swap3A_354, %swap3A_355], %swap3A_358 {strides = array<i32>} : memref<5x40xi32, #tpu.memory_space<vmem>>, vector<1x16xi32>,
    %add3A_359 = arith.constant 280 : i32
    %add3A_360 = arith.addi %mul3A_9, %add3A_359 : i32
    %add3A_361 = arith.constant 24 : i32
    %add3A_362 = arith.addi %add3A_360, %add3A_361 : i32
    %broadcast_in_dim3A_363 = vector.broadcast %add3A_362 : i32 to vector<16xi32>
    %add3A_364 = arith.addi %broadcast_in_dim3A_363, %iota3A : vector<16xi32>
    %min3A_365 = arith.constant 9999 : i32
    %min3A_366 = vector.broadcast %min3A_365 : i32 to vector<16xi32>
    %min3A_367 = arith.minsi %add3A_364, %min3A_366 : vector<16xi32>
    %swap3A_368 = arith.constant 4 : i32
    %swap3A_369 = arith.index_cast %swap3A_368 : i32 to index
    %swap3A_370 = arith.constant 24 : index
    %swap3A_371 = tpu.vector_load %arg24[%swap3A_369, %swap3A_370] {strides = array<i32>} : memref<5x40xi32, #tpu.memory_space<vmem>>, vector<1x16xi32>,
    %swap3A_372 = vector.shape_cast %swap3A_371 : vector<1x16xi32> to vector<16xi32>
    %swap3A_373 = vector.shape_cast %min3A_367 : vector<16xi32> to vector<1x16xi32>
    tpu.vector_store %arg24[%swap3A_369, %swap3A_370], %swap3A_373 {strides = array<i32>} : memref<5x40xi32, #tpu.memory_space<vmem>>, vector<1x16xi32>,
    %run_scoped3A_374 = arith.constant 4 : i32
    "tpu.region"() ({
      %run_scoped3A_869 = tpu.sem_alloc : memref<!tpu.dma_semaphore, #tpu.memory_space<semaphore_mem>>
      %dma_start3A_870 = arith.constant 0 : i32
      %dma_start3A_871 = tpu.memref_slice %arg24[%run_scoped3A_374, %dma_start3A_870] : memref<5x40xi32, #tpu.memory_space<vmem>> -> memref<1x40xi32, #tpu.memory_space<vmem>>
      %dma_start3A_872 = tpu.memref_squeeze %dma_start3A_871 : memref<1x40xi32, #tpu.memory_space<vmem>> -> memref<40xi32, #tpu.memory_space<vmem>>
      %dma_start3A_873 = arith.constant 0 : i32
      %dma_start3A_874 = arith.constant 0 : i32
      %dma_start3A_875 = tpu.memref_slice %arg26[%dma_start3A_873, %dma_start3A_874] : memref<10000x128xf32, #tpu.memory_space<vmem_shared>> -> memref<10000x128xf32, #tpu.memory_space<vmem_shared>>
      tpu.enqueue_indirect_dma source(%arg16 : memref<40x128xf32, #tpu.memory_space<vmem>>) target(%dma_start3A_875 : memref<10000x128xf32, #tpu.memory_space<vmem_shared>>) offsets(%dma_start3A_872 : memref<40xi32, #tpu.memory_space<vmem>>) semaphore(%run_scoped3A_869 : memref<!tpu.dma_semaphore, #tpu.memory_space<semaphore_mem>>)
      %dma_wait3A_876 = arith.constant 0 : i32
      %dma_wait3A_877 = tpu.memref_slice %arg24[%run_scoped3A_374, %dma_wait3A_876] : memref<5x40xi32, #tpu.memory_space<vmem>> -> memref<1x40xi32, #tpu.memory_space<vmem>>
      %dma_wait3A_878 = tpu.memref_squeeze %dma_wait3A_877 : memref<1x40xi32, #tpu.memory_space<vmem>> -> memref<40xi32, #tpu.memory_space<vmem>>
      %dma_wait3A_879 = arith.constant 0 : i32
      %dma_wait3A_880 = arith.constant 0 : i32
      %dma_wait3A_881 = tpu.memref_slice %arg26[%dma_wait3A_879, %dma_wait3A_880] : memref<10000x128xf32, #tpu.memory_space<vmem_shared>> -> memref<10000x128xf32, #tpu.memory_space<vmem_shared>>
      tpu.wait_indirect_dma semaphore(%run_scoped3A_869 : memref<!tpu.dma_semaphore, #tpu.memory_space<semaphore_mem>>) src(%arg16 : memref<40x128xf32, #tpu.memory_space<vmem>>) dst(%dma_wait3A_881 : memref<10000x128xf32, #tpu.memory_space<vmem_shared>>)
      tpu.yield
    }) : () -> ()
    %add3A_375 = arith.constant 320 : i32
    %add3A_376 = arith.addi %mul3A_9, %add3A_375 : i32
    %add3A_377 = arith.constant 0 : i32
    %add3A_378 = arith.addi %add3A_376, %add3A_377 : i32
    %broadcast_in_dim3A_379 = vector.broadcast %add3A_378 : i32 to vector<16xi32>
    %add3A_380 = arith.addi %broadcast_in_dim3A_379, %iota3A : vector<16xi32>
    %min3A_381 = arith.constant 9999 : i32
    %min3A_382 = vector.broadcast %min3A_381 : i32 to vector<16xi32>
    %min3A_383 = arith.minsi %add3A_380, %min3A_382 : vector<16xi32>
    %swap3A_384 = arith.constant 4 : i32
    %swap3A_385 = arith.index_cast %swap3A_384 : i32 to index
    %swap3A_386 = arith.constant 0 : index
    %swap3A_387 = tpu.vector_load %arg24[%swap3A_385, %swap3A_386] {strides = array<i32>} : memref<5x40xi32, #tpu.memory_space<vmem>>, vector<1x16xi32>,
    %swap3A_388 = vector.shape_cast %swap3A_387 : vector<1x16xi32> to vector<16xi32>
    %swap3A_389 = vector.shape_cast %min3A_383 : vector<16xi32> to vector<1x16xi32>
    tpu.vector_store %arg24[%swap3A_385, %swap3A_386], %swap3A_389 {strides = array<i32>} : memref<5x40xi32, #tpu.memory_space<vmem>>, vector<1x16xi32>,
    %add3A_390 = arith.constant 320 : i32
    %add3A_391 = arith.addi %mul3A_9, %add3A_390 : i32
    %add3A_392 = arith.constant 16 : i32
    %add3A_393 = arith.addi %add3A_391, %add3A_392 : i32
    %broadcast_in_dim3A_394 = vector.broadcast %add3A_393 : i32 to vector<16xi32>
    %add3A_395 = arith.addi %broadcast_in_dim3A_394, %iota3A : vector<16xi32>
    %min3A_396 = arith.constant 9999 : i32
    %min3A_397 = vector.broadcast %min3A_396 : i32 to vector<16xi32>
    %min3A_398 = arith.minsi %add3A_395, %min3A_397 : vector<16xi32>
    %swap3A_399 = arith.constant 4 : i32
    %swap3A_400 = arith.index_cast %swap3A_399 : i32 to index
    %swap3A_401 = arith.constant 16 : index
    %swap3A_402 = tpu.vector_load %arg24[%swap3A_400, %swap3A_401] {strides = array<i32>} : memref<5x40xi32, #tpu.memory_space<vmem>>, vector<1x16xi32>,
    %swap3A_403 = vector.shape_cast %swap3A_402 : vector<1x16xi32> to vector<16xi32>
    %swap3A_404 = vector.shape_cast %min3A_398 : vector<16xi32> to vector<1x16xi32>
    tpu.vector_store %arg24[%swap3A_400, %swap3A_401], %swap3A_404 {strides = array<i32>} : memref<5x40xi32, #tpu.memory_space<vmem>>, vector<1x16xi32>,
    %add3A_405 = arith.constant 320 : i32
    %add3A_406 = arith.addi %mul3A_9, %add3A_405 : i32
    %add3A_407 = arith.constant 24 : i32
    %add3A_408 = arith.addi %add3A_406, %add3A_407 : i32
    %broadcast_in_dim3A_409 = vector.broadcast %add3A_408 : i32 to vector<16xi32>
    %add3A_410 = arith.addi %broadcast_in_dim3A_409, %iota3A : vector<16xi32>
    %min3A_411 = arith.constant 9999 : i32
    %min3A_412 = vector.broadcast %min3A_411 : i32 to vector<16xi32>
    %min3A_413 = arith.minsi %add3A_410, %min3A_412 : vector<16xi32>
    %swap3A_414 = arith.constant 4 : i32
    %swap3A_415 = arith.index_cast %swap3A_414 : i32 to index
    %swap3A_416 = arith.constant 24 : index
    %swap3A_417 = tpu.vector_load %arg24[%swap3A_415, %swap3A_416] {strides = array<i32>} : memref<5x40xi32, #tpu.memory_space<vmem>>, vector<1x16xi32>,
    %swap3A_418 = vector.shape_cast %swap3A_417 : vector<1x16xi32> to vector<16xi32>
    %swap3A_419 = vector.shape_cast %min3A_413 : vector<16xi32> to vector<1x16xi32>
    tpu.vector_store %arg24[%swap3A_415, %swap3A_416], %swap3A_419 {strides = array<i32>} : memref<5x40xi32, #tpu.memory_space<vmem>>, vector<1x16xi32>,
    %run_scoped3A_420 = arith.constant 4 : i32
    "tpu.region"() ({
      %run_scoped3A_869 = tpu.sem_alloc : memref<!tpu.dma_semaphore, #tpu.memory_space<semaphore_mem>>
      %dma_start3A_870 = arith.constant 0 : i32
      %dma_start3A_871 = tpu.memref_slice %arg24[%run_scoped3A_420, %dma_start3A_870] : memref<5x40xi32, #tpu.memory_space<vmem>> -> memref<1x40xi32, #tpu.memory_space<vmem>>
      %dma_start3A_872 = tpu.memref_squeeze %dma_start3A_871 : memref<1x40xi32, #tpu.memory_space<vmem>> -> memref<40xi32, #tpu.memory_space<vmem>>
      %dma_start3A_873 = arith.constant 0 : i32
      %dma_start3A_874 = arith.constant 0 : i32
      %dma_start3A_875 = tpu.memref_slice %arg26[%dma_start3A_873, %dma_start3A_874] : memref<10000x128xf32, #tpu.memory_space<vmem_shared>> -> memref<10000x128xf32, #tpu.memory_space<vmem_shared>>
      tpu.enqueue_indirect_dma source(%arg16 : memref<40x128xf32, #tpu.memory_space<vmem>>) target(%dma_start3A_875 : memref<10000x128xf32, #tpu.memory_space<vmem_shared>>) offsets(%dma_start3A_872 : memref<40xi32, #tpu.memory_space<vmem>>) semaphore(%run_scoped3A_869 : memref<!tpu.dma_semaphore, #tpu.memory_space<semaphore_mem>>)
      %dma_wait3A_876 = arith.constant 0 : i32
      %dma_wait3A_877 = tpu.memref_slice %arg24[%run_scoped3A_420, %dma_wait3A_876] : memref<5x40xi32, #tpu.memory_space<vmem>> -> memref<1x40xi32, #tpu.memory_space<vmem>>
      %dma_wait3A_878 = tpu.memref_squeeze %dma_wait3A_877 : memref<1x40xi32, #tpu.memory_space<vmem>> -> memref<40xi32, #tpu.memory_space<vmem>>
      %dma_wait3A_879 = arith.constant 0 : i32
      %dma_wait3A_880 = arith.constant 0 : i32
      %dma_wait3A_881 = tpu.memref_slice %arg26[%dma_wait3A_879, %dma_wait3A_880] : memref<10000x128xf32, #tpu.memory_space<vmem_shared>> -> memref<10000x128xf32, #tpu.memory_space<vmem_shared>>
      tpu.wait_indirect_dma semaphore(%run_scoped3A_869 : memref<!tpu.dma_semaphore, #tpu.memory_space<semaphore_mem>>) src(%arg16 : memref<40x128xf32, #tpu.memory_space<vmem>>) dst(%dma_wait3A_881 : memref<10000x128xf32, #tpu.memory_space<vmem_shared>>)
      tpu.yield
    }) : () -> ()
    %add3A_421 = arith.constant 360 : i32
    %add3A_422 = arith.addi %mul3A_9, %add3A_421 : i32
    %add3A_423 = arith.constant 0 : i32
    %add3A_424 = arith.addi %add3A_422, %add3A_423 : i32
    %broadcast_in_dim3A_425 = vector.broadcast %add3A_424 : i32 to vector<16xi32>
    %add3A_426 = arith.addi %broadcast_in_dim3A_425, %iota3A : vector<16xi32>
    %min3A_427 = arith.constant 9999 : i32
    %min3A_428 = vector.broadcast %min3A_427 : i32 to vector<16xi32>
    %min3A_429 = arith.minsi %add3A_426, %min3A_428 : vector<16xi32>
    %swap3A_430 = arith.constant 4 : i32
    %swap3A_431 = arith.index_cast %swap3A_430 : i32 to index
    %swap3A_432 = arith.constant 0 : index
    %swap3A_433 = tpu.vector_load %arg24[%swap3A_431, %swap3A_432] {strides = array<i32>} : memref<5x40xi32, #tpu.memory_space<vmem>>, vector<1x16xi32>,
    %swap3A_434 = vector.shape_cast %swap3A_433 : vector<1x16xi32> to vector<16xi32>
    %swap3A_435 = vector.shape_cast %min3A_429 : vector<16xi32> to vector<1x16xi32>
    tpu.vector_store %arg24[%swap3A_431, %swap3A_432], %swap3A_435 {strides = array<i32>} : memref<5x40xi32, #tpu.memory_space<vmem>>, vector<1x16xi32>,
    %add3A_436 = arith.constant 360 : i32
    %add3A_437 = arith.addi %mul3A_9, %add3A_436 : i32
    %add3A_438 = arith.constant 16 : i32
    %add3A_439 = arith.addi %add3A_437, %add3A_438 : i32
    %broadcast_in_dim3A_440 = vector.broadcast %add3A_439 : i32 to vector<16xi32>
    %add3A_441 = arith.addi %broadcast_in_dim3A_440, %iota3A : vector<16xi32>
    %min3A_442 = arith.constant 9999 : i32
    %min3A_443 = vector.broadcast %min3A_442 : i32 to vector<16xi32>
    %min3A_444 = arith.minsi %add3A_441, %min3A_443 : vector<16xi32>
    %swap3A_445 = arith.constant 4 : i32
    %swap3A_446 = arith.index_cast %swap3A_445 : i32 to index
    %swap3A_447 = arith.constant 16 : index
    %swap3A_448 = tpu.vector_load %arg24[%swap3A_446, %swap3A_447] {strides = array<i32>} : memref<5x40xi32, #tpu.memory_space<vmem>>, vector<1x16xi32>,
    %swap3A_449 = vector.shape_cast %swap3A_448 : vector<1x16xi32> to vector<16xi32>
    %swap3A_450 = vector.shape_cast %min3A_444 : vector<16xi32> to vector<1x16xi32>
    tpu.vector_store %arg24[%swap3A_446, %swap3A_447], %swap3A_450 {strides = array<i32>} : memref<5x40xi32, #tpu.memory_space<vmem>>, vector<1x16xi32>,
    %add3A_451 = arith.constant 360 : i32
    %add3A_452 = arith.addi %mul3A_9, %add3A_451 : i32
    %add3A_453 = arith.constant 24 : i32
    %add3A_454 = arith.addi %add3A_452, %add3A_453 : i32
    %broadcast_in_dim3A_455 = vector.broadcast %add3A_454 : i32 to vector<16xi32>
    %add3A_456 = arith.addi %broadcast_in_dim3A_455, %iota3A : vector<16xi32>
    %min3A_457 = arith.constant 9999 : i32
    %min3A_458 = vector.broadcast %min3A_457 : i32 to vector<16xi32>
    %min3A_459 = arith.minsi %add3A_456, %min3A_458 : vector<16xi32>
    %swap3A_460 = arith.constant 4 : i32
    %swap3A_461 = arith.index_cast %swap3A_460 : i32 to index
    %swap3A_462 = arith.constant 24 : index
    %swap3A_463 = tpu.vector_load %arg24[%swap3A_461, %swap3A_462] {strides = array<i32>} : memref<5x40xi32, #tpu.memory_space<vmem>>, vector<1x16xi32>,
    %swap3A_464 = vector.shape_cast %swap3A_463 : vector<1x16xi32> to vector<16xi32>
    %swap3A_465 = vector.shape_cast %min3A_459 : vector<16xi32> to vector<1x16xi32>
    tpu.vector_store %arg24[%swap3A_461, %swap3A_462], %swap3A_465 {strides = array<i32>} : memref<5x40xi32, #tpu.memory_space<vmem>>, vector<1x16xi32>,
    %run_scoped3A_466 = arith.constant 4 : i32
    "tpu.region"() ({
      %run_scoped3A_869 = tpu.sem_alloc : memref<!tpu.dma_semaphore, #tpu.memory_space<semaphore_mem>>
      %dma_start3A_870 = arith.constant 0 : i32
      %dma_start3A_871 = tpu.memref_slice %arg24[%run_scoped3A_466, %dma_start3A_870] : memref<5x40xi32, #tpu.memory_space<vmem>> -> memref<1x40xi32, #tpu.memory_space<vmem>>
      %dma_start3A_872 = tpu.memref_squeeze %dma_start3A_871 : memref<1x40xi32, #tpu.memory_space<vmem>> -> memref<40xi32, #tpu.memory_space<vmem>>
      %dma_start3A_873 = arith.constant 0 : i32
      %dma_start3A_874 = arith.constant 0 : i32
      %dma_start3A_875 = tpu.memref_slice %arg26[%dma_start3A_873, %dma_start3A_874] : memref<10000x128xf32, #tpu.memory_space<vmem_shared>> -> memref<10000x128xf32, #tpu.memory_space<vmem_shared>>
      tpu.enqueue_indirect_dma source(%arg16 : memref<40x128xf32, #tpu.memory_space<vmem>>) target(%dma_start3A_875 : memref<10000x128xf32, #tpu.memory_space<vmem_shared>>) offsets(%dma_start3A_872 : memref<40xi32, #tpu.memory_space<vmem>>) semaphore(%run_scoped3A_869 : memref<!tpu.dma_semaphore, #tpu.memory_space<semaphore_mem>>)
      %dma_wait3A_876 = arith.constant 0 : i32
      %dma_wait3A_877 = tpu.memref_slice %arg24[%run_scoped3A_466, %dma_wait3A_876] : memref<5x40xi32, #tpu.memory_space<vmem>> -> memref<1x40xi32, #tpu.memory_space<vmem>>
      %dma_wait3A_878 = tpu.memref_squeeze %dma_wait3A_877 : memref<1x40xi32, #tpu.memory_space<vmem>> -> memref<40xi32, #tpu.memory_space<vmem>>
      %dma_wait3A_879 = arith.constant 0 : i32
      %dma_wait3A_880 = arith.constant 0 : i32
      %dma_wait3A_881 = tpu.memref_slice %arg26[%dma_wait3A_879, %dma_wait3A_880] : memref<10000x128xf32, #tpu.memory_space<vmem_shared>> -> memref<10000x128xf32, #tpu.memory_space<vmem_shared>>
      tpu.wait_indirect_dma semaphore(%run_scoped3A_869 : memref<!tpu.dma_semaphore, #tpu.memory_space<semaphore_mem>>) src(%arg16 : memref<40x128xf32, #tpu.memory_space<vmem>>) dst(%dma_wait3A_881 : memref<10000x128xf32, #tpu.memory_space<vmem_shared>>)
      tpu.yield
    }) : () -> ()
    %add3A_467 = arith.constant 400 : i32
    %add3A_468 = arith.addi %mul3A_9, %add3A_467 : i32
    %add3A_469 = arith.constant 0 : i32
    %add3A_470 = arith.addi %add3A_468, %add3A_469 : i32
    %broadcast_in_dim3A_471 = vector.broadcast %add3A_470 : i32 to vector<16xi32>
    %add3A_472 = arith.addi %broadcast_in_dim3A_471, %iota3A : vector<16xi32>
    %min3A_473 = arith.constant 9999 : i32
    %min3A_474 = vector.broadcast %min3A_473 : i32 to vector<16xi32>
    %min3A_475 = arith.minsi %add3A_472, %min3A_474 : vector<16xi32>
    %swap3A_476 = arith.constant 4 : i32
    %swap3A_477 = arith.index_cast %swap3A_476 : i32 to index
    %swap3A_478 = arith.constant 0 : index
    %swap3A_479 = tpu.vector_load %arg24[%swap3A_477, %swap3A_478] {strides = array<i32>} : memref<5x40xi32, #tpu.memory_space<vmem>>, vector<1x16xi32>,
    %swap3A_480 = vector.shape_cast %swap3A_479 : vector<1x16xi32> to vector<16xi32>
    %swap3A_481 = vector.shape_cast %min3A_475 : vector<16xi32> to vector<1x16xi32>
    tpu.vector_store %arg24[%swap3A_477, %swap3A_478], %swap3A_481 {strides = array<i32>} : memref<5x40xi32, #tpu.memory_space<vmem>>, vector<1x16xi32>,
    %add3A_482 = arith.constant 400 : i32
    %add3A_483 = arith.addi %mul3A_9, %add3A_482 : i32
    %add3A_484 = arith.constant 16 : i32
    %add3A_485 = arith.addi %add3A_483, %add3A_484 : i32
    %broadcast_in_dim3A_486 = vector.broadcast %add3A_485 : i32 to vector<16xi32>
    %add3A_487 = arith.addi %broadcast_in_dim3A_486, %iota3A : vector<16xi32>
    %min3A_488 = arith.constant 9999 : i32
    %min3A_489 = vector.broadcast %min3A_488 : i32 to vector<16xi32>
    %min3A_490 = arith.minsi %add3A_487, %min3A_489 : vector<16xi32>
    %swap3A_491 = arith.constant 4 : i32
    %swap3A_492 = arith.index_cast %swap3A_491 : i32 to index
    %swap3A_493 = arith.constant 16 : index
    %swap3A_494 = tpu.vector_load %arg24[%swap3A_492, %swap3A_493] {strides = array<i32>} : memref<5x40xi32, #tpu.memory_space<vmem>>, vector<1x16xi32>,
    %swap3A_495 = vector.shape_cast %swap3A_494 : vector<1x16xi32> to vector<16xi32>
    %swap3A_496 = vector.shape_cast %min3A_490 : vector<16xi32> to vector<1x16xi32>
    tpu.vector_store %arg24[%swap3A_492, %swap3A_493], %swap3A_496 {strides = array<i32>} : memref<5x40xi32, #tpu.memory_space<vmem>>, vector<1x16xi32>,
    %add3A_497 = arith.constant 400 : i32
    %add3A_498 = arith.addi %mul3A_9, %add3A_497 : i32
    %add3A_499 = arith.constant 24 : i32
    %add3A_500 = arith.addi %add3A_498, %add3A_499 : i32
    %broadcast_in_dim3A_501 = vector.broadcast %add3A_500 : i32 to vector<16xi32>
    %add3A_502 = arith.addi %broadcast_in_dim3A_501, %iota3A : vector<16xi32>
    %min3A_503 = arith.constant 9999 : i32
    %min3A_504 = vector.broadcast %min3A_503 : i32 to vector<16xi32>
    %min3A_505 = arith.minsi %add3A_502, %min3A_504 : vector<16xi32>
    %swap3A_506 = arith.constant 4 : i32
    %swap3A_507 = arith.index_cast %swap3A_506 : i32 to index
    %swap3A_508 = arith.constant 24 : index
    %swap3A_509 = tpu.vector_load %arg24[%swap3A_507, %swap3A_508] {strides = array<i32>} : memref<5x40xi32, #tpu.memory_space<vmem>>, vector<1x16xi32>,
    %swap3A_510 = vector.shape_cast %swap3A_509 : vector<1x16xi32> to vector<16xi32>
    %swap3A_511 = vector.shape_cast %min3A_505 : vector<16xi32> to vector<1x16xi32>
    tpu.vector_store %arg24[%swap3A_507, %swap3A_508], %swap3A_511 {strides = array<i32>} : memref<5x40xi32, #tpu.memory_space<vmem>>, vector<1x16xi32>,
    %run_scoped3A_512 = arith.constant 4 : i32
    "tpu.region"() ({
      %run_scoped3A_869 = tpu.sem_alloc : memref<!tpu.dma_semaphore, #tpu.memory_space<semaphore_mem>>
      %dma_start3A_870 = arith.constant 0 : i32
      %dma_start3A_871 = tpu.memref_slice %arg24[%run_scoped3A_512, %dma_start3A_870] : memref<5x40xi32, #tpu.memory_space<vmem>> -> memref<1x40xi32, #tpu.memory_space<vmem>>
      %dma_start3A_872 = tpu.memref_squeeze %dma_start3A_871 : memref<1x40xi32, #tpu.memory_space<vmem>> -> memref<40xi32, #tpu.memory_space<vmem>>
      %dma_start3A_873 = arith.constant 0 : i32
      %dma_start3A_874 = arith.constant 0 : i32
      %dma_start3A_875 = tpu.memref_slice %arg26[%dma_start3A_873, %dma_start3A_874] : memref<10000x128xf32, #tpu.memory_space<vmem_shared>> -> memref<10000x128xf32, #tpu.memory_space<vmem_shared>>
      tpu.enqueue_indirect_dma source(%arg16 : memref<40x128xf32, #tpu.memory_space<vmem>>) target(%dma_start3A_875 : memref<10000x128xf32, #tpu.memory_space<vmem_shared>>) offsets(%dma_start3A_872 : memref<40xi32, #tpu.memory_space<vmem>>) semaphore(%run_scoped3A_869 : memref<!tpu.dma_semaphore, #tpu.memory_space<semaphore_mem>>)
      %dma_wait3A_876 = arith.constant 0 : i32
      %dma_wait3A_877 = tpu.memref_slice %arg24[%run_scoped3A_512, %dma_wait3A_876] : memref<5x40xi32, #tpu.memory_space<vmem>> -> memref<1x40xi32, #tpu.memory_space<vmem>>
      %dma_wait3A_878 = tpu.memref_squeeze %dma_wait3A_877 : memref<1x40xi32, #tpu.memory_space<vmem>> -> memref<40xi32, #tpu.memory_space<vmem>>
      %dma_wait3A_879 = arith.constant 0 : i32
      %dma_wait3A_880 = arith.constant 0 : i32
      %dma_wait3A_881 = tpu.memref_slice %arg26[%dma_wait3A_879, %dma_wait3A_880] : memref<10000x128xf32, #tpu.memory_space<vmem_shared>> -> memref<10000x128xf32, #tpu.memory_space<vmem_shared>>
      tpu.wait_indirect_dma semaphore(%run_scoped3A_869 : memref<!tpu.dma_semaphore, #tpu.memory_space<semaphore_mem>>) src(%arg16 : memref<40x128xf32, #tpu.memory_space<vmem>>) dst(%dma_wait3A_881 : memref<10000x128xf32, #tpu.memory_space<vmem_shared>>)
      tpu.yield
    }) : () -> ()
    %add3A_513 = arith.constant 440 : i32
    %add3A_514 = arith.addi %mul3A_9, %add3A_513 : i32
    %add3A_515 = arith.constant 0 : i32
    %add3A_516 = arith.addi %add3A_514, %add3A_515 : i32
    %broadcast_in_dim3A_517 = vector.broadcast %add3A_516 : i32 to vector<16xi32>
    %add3A_518 = arith.addi %broadcast_in_dim3A_517, %iota3A : vector<16xi32>
    %min3A_519 = arith.constant 9999 : i32
    %min3A_520 = vector.broadcast %min3A_519 : i32 to vector<16xi32>
    %min3A_521 = arith.minsi %add3A_518, %min3A_520 : vector<16xi32>
    %swap3A_522 = arith.constant 4 : i32
    %swap3A_523 = arith.index_cast %swap3A_522 : i32 to index
    %swap3A_524 = arith.constant 0 : index
    %swap3A_525 = tpu.vector_load %arg24[%swap3A_523, %swap3A_524] {strides = array<i32>} : memref<5x40xi32, #tpu.memory_space<vmem>>, vector<1x16xi32>,
    %swap3A_526 = vector.shape_cast %swap3A_525 : vector<1x16xi32> to vector<16xi32>
    %swap3A_527 = vector.shape_cast %min3A_521 : vector<16xi32> to vector<1x16xi32>
    tpu.vector_store %arg24[%swap3A_523, %swap3A_524], %swap3A_527 {strides = array<i32>} : memref<5x40xi32, #tpu.memory_space<vmem>>, vector<1x16xi32>,
    %add3A_528 = arith.constant 440 : i32
    %add3A_529 = arith.addi %mul3A_9, %add3A_528 : i32
    %add3A_530 = arith.constant 16 : i32
    %add3A_531 = arith.addi %add3A_529, %add3A_530 : i32
    %broadcast_in_dim3A_532 = vector.broadcast %add3A_531 : i32 to vector<16xi32>
    %add3A_533 = arith.addi %broadcast_in_dim3A_532, %iota3A : vector<16xi32>
    %min3A_534 = arith.constant 9999 : i32
    %min3A_535 = vector.broadcast %min3A_534 : i32 to vector<16xi32>
    %min3A_536 = arith.minsi %add3A_533, %min3A_535 : vector<16xi32>
    %swap3A_537 = arith.constant 4 : i32
    %swap3A_538 = arith.index_cast %swap3A_537 : i32 to index
    %swap3A_539 = arith.constant 16 : index
    %swap3A_540 = tpu.vector_load %arg24[%swap3A_538, %swap3A_539] {strides = array<i32>} : memref<5x40xi32, #tpu.memory_space<vmem>>, vector<1x16xi32>,
    %swap3A_541 = vector.shape_cast %swap3A_540 : vector<1x16xi32> to vector<16xi32>
    %swap3A_542 = vector.shape_cast %min3A_536 : vector<16xi32> to vector<1x16xi32>
    tpu.vector_store %arg24[%swap3A_538, %swap3A_539], %swap3A_542 {strides = array<i32>} : memref<5x40xi32, #tpu.memory_space<vmem>>, vector<1x16xi32>,
    %add3A_543 = arith.constant 440 : i32
    %add3A_544 = arith.addi %mul3A_9, %add3A_543 : i32
    %add3A_545 = arith.constant 24 : i32
    %add3A_546 = arith.addi %add3A_544, %add3A_545 : i32
    %broadcast_in_dim3A_547 = vector.broadcast %add3A_546 : i32 to vector<16xi32>
    %add3A_548 = arith.addi %broadcast_in_dim3A_547, %iota3A : vector<16xi32>
    %min3A_549 = arith.constant 9999 : i32
    %min3A_550 = vector.broadcast %min3A_549 : i32 to vector<16xi32>
    %min3A_551 = arith.minsi %add3A_548, %min3A_550 : vector<16xi32>
    %swap3A_552 = arith.constant 4 : i32
    %swap3A_553 = arith.index_cast %swap3A_552 : i32 to index
    %swap3A_554 = arith.constant 24 : index
    %swap3A_555 = tpu.vector_load %arg24[%swap3A_553, %swap3A_554] {strides = array<i32>} : memref<5x40xi32, #tpu.memory_space<vmem>>, vector<1x16xi32>,
    %swap3A_556 = vector.shape_cast %swap3A_555 : vector<1x16xi32> to vector<16xi32>
    %swap3A_557 = vector.shape_cast %min3A_551 : vector<16xi32> to vector<1x16xi32>
    tpu.vector_store %arg24[%swap3A_553, %swap3A_554], %swap3A_557 {strides = array<i32>} : memref<5x40xi32, #tpu.memory_space<vmem>>, vector<1x16xi32>,
    %run_scoped3A_558 = arith.constant 4 : i32
    "tpu.region"() ({
      %run_scoped3A_869 = tpu.sem_alloc : memref<!tpu.dma_semaphore, #tpu.memory_space<semaphore_mem>>
      %dma_start3A_870 = arith.constant 0 : i32
      %dma_start3A_871 = tpu.memref_slice %arg24[%run_scoped3A_558, %dma_start3A_870] : memref<5x40xi32, #tpu.memory_space<vmem>> -> memref<1x40xi32, #tpu.memory_space<vmem>>
      %dma_start3A_872 = tpu.memref_squeeze %dma_start3A_871 : memref<1x40xi32, #tpu.memory_space<vmem>> -> memref<40xi32, #tpu.memory_space<vmem>>
      %dma_start3A_873 = arith.constant 0 : i32
      %dma_start3A_874 = arith.constant 0 : i32
      %dma_start3A_875 = tpu.memref_slice %arg26[%dma_start3A_873, %dma_start3A_874] : memref<10000x128xf32, #tpu.memory_space<vmem_shared>> -> memref<10000x128xf32, #tpu.memory_space<vmem_shared>>
      tpu.enqueue_indirect_dma source(%arg16 : memref<40x128xf32, #tpu.memory_space<vmem>>) target(%dma_start3A_875 : memref<10000x128xf32, #tpu.memory_space<vmem_shared>>) offsets(%dma_start3A_872 : memref<40xi32, #tpu.memory_space<vmem>>) semaphore(%run_scoped3A_869 : memref<!tpu.dma_semaphore, #tpu.memory_space<semaphore_mem>>)
      %dma_wait3A_876 = arith.constant 0 : i32
      %dma_wait3A_877 = tpu.memref_slice %arg24[%run_scoped3A_558, %dma_wait3A_876] : memref<5x40xi32, #tpu.memory_space<vmem>> -> memref<1x40xi32, #tpu.memory_space<vmem>>
      %dma_wait3A_878 = tpu.memref_squeeze %dma_wait3A_877 : memref<1x40xi32, #tpu.memory_space<vmem>> -> memref<40xi32, #tpu.memory_space<vmem>>
      %dma_wait3A_879 = arith.constant 0 : i32
      %dma_wait3A_880 = arith.constant 0 : i32
      %dma_wait3A_881 = tpu.memref_slice %arg26[%dma_wait3A_879, %dma_wait3A_880] : memref<10000x128xf32, #tpu.memory_space<vmem_shared>> -> memref<10000x128xf32, #tpu.memory_space<vmem_shared>>
      tpu.wait_indirect_dma semaphore(%run_scoped3A_869 : memref<!tpu.dma_semaphore, #tpu.memory_space<semaphore_mem>>) src(%arg16 : memref<40x128xf32, #tpu.memory_space<vmem>>) dst(%dma_wait3A_881 : memref<10000x128xf32, #tpu.memory_space<vmem_shared>>)
      tpu.yield
    }) : () -> ()
    %add3A_559 = arith.constant 480 : i32
    %add3A_560 = arith.addi %mul3A_9, %add3A_559 : i32
    %add3A_561 = arith.constant 0 : i32
    %add3A_562 = arith.addi %add3A_560, %add3A_561 : i32
    %broadcast_in_dim3A_563 = vector.broadcast %add3A_562 : i32 to vector<16xi32>
    %add3A_564 = arith.addi %broadcast_in_dim3A_563, %iota3A : vector<16xi32>
    %min3A_565 = arith.constant 9999 : i32
    %min3A_566 = vector.broadcast %min3A_565 : i32 to vector<16xi32>
    %min3A_567 = arith.minsi %add3A_564, %min3A_566 : vector<16xi32>
    %swap3A_568 = arith.constant 4 : i32
    %swap3A_569 = arith.index_cast %swap3A_568 : i32 to index
    %swap3A_570 = arith.constant 0 : index
    %swap3A_571 = tpu.vector_load %arg24[%swap3A_569, %swap3A_570] {strides = array<i32>} : memref<5x40xi32, #tpu.memory_space<vmem>>, vector<1x16xi32>,
    %swap3A_572 = vector.shape_cast %swap3A_571 : vector<1x16xi32> to vector<16xi32>
    %swap3A_573 = vector.shape_cast %min3A_567 : vector<16xi32> to vector<1x16xi32>
    tpu.vector_store %arg24[%swap3A_569, %swap3A_570], %swap3A_573 {strides = array<i32>} : memref<5x40xi32, #tpu.memory_space<vmem>>, vector<1x16xi32>,
    %add3A_574 = arith.constant 480 : i32
    %add3A_575 = arith.addi %mul3A_9, %add3A_574 : i32
    %add3A_576 = arith.constant 16 : i32
    %add3A_577 = arith.addi %add3A_575, %add3A_576 : i32
    %broadcast_in_dim3A_578 = vector.broadcast %add3A_577 : i32 to vector<16xi32>
    %add3A_579 = arith.addi %broadcast_in_dim3A_578, %iota3A : vector<16xi32>
    %min3A_580 = arith.constant 9999 : i32
    %min3A_581 = vector.broadcast %min3A_580 : i32 to vector<16xi32>
    %min3A_582 = arith.minsi %add3A_579, %min3A_581 : vector<16xi32>
    %swap3A_583 = arith.constant 4 : i32
    %swap3A_584 = arith.index_cast %swap3A_583 : i32 to index
    %swap3A_585 = arith.constant 16 : index
    %swap3A_586 = tpu.vector_load %arg24[%swap3A_584, %swap3A_585] {strides = array<i32>} : memref<5x40xi32, #tpu.memory_space<vmem>>, vector<1x16xi32>,
    %swap3A_587 = vector.shape_cast %swap3A_586 : vector<1x16xi32> to vector<16xi32>
    %swap3A_588 = vector.shape_cast %min3A_582 : vector<16xi32> to vector<1x16xi32>
    tpu.vector_store %arg24[%swap3A_584, %swap3A_585], %swap3A_588 {strides = array<i32>} : memref<5x40xi32, #tpu.memory_space<vmem>>, vector<1x16xi32>,
    %add3A_589 = arith.constant 480 : i32
    %add3A_590 = arith.addi %mul3A_9, %add3A_589 : i32
    %add3A_591 = arith.constant 24 : i32
    %add3A_592 = arith.addi %add3A_590, %add3A_591 : i32
    %broadcast_in_dim3A_593 = vector.broadcast %add3A_592 : i32 to vector<16xi32>
    %add3A_594 = arith.addi %broadcast_in_dim3A_593, %iota3A : vector<16xi32>
    %min3A_595 = arith.constant 9999 : i32
    %min3A_596 = vector.broadcast %min3A_595 : i32 to vector<16xi32>
    %min3A_597 = arith.minsi %add3A_594, %min3A_596 : vector<16xi32>
    %swap3A_598 = arith.constant 4 : i32
    %swap3A_599 = arith.index_cast %swap3A_598 : i32 to index
    %swap3A_600 = arith.constant 24 : index
    %swap3A_601 = tpu.vector_load %arg24[%swap3A_599, %swap3A_600] {strides = array<i32>} : memref<5x40xi32, #tpu.memory_space<vmem>>, vector<1x16xi32>,
    %swap3A_602 = vector.shape_cast %swap3A_601 : vector<1x16xi32> to vector<16xi32>
    %swap3A_603 = vector.shape_cast %min3A_597 : vector<16xi32> to vector<1x16xi32>
    tpu.vector_store %arg24[%swap3A_599, %swap3A_600], %swap3A_603 {strides = array<i32>} : memref<5x40xi32, #tpu.memory_space<vmem>>, vector<1x16xi32>,
    %run_scoped3A_604 = arith.constant 4 : i32
    "tpu.region"() ({
      %run_scoped3A_869 = tpu.sem_alloc : memref<!tpu.dma_semaphore, #tpu.memory_space<semaphore_mem>>
      %dma_start3A_870 = arith.constant 0 : i32
      %dma_start3A_871 = tpu.memref_slice %arg24[%run_scoped3A_604, %dma_start3A_870] : memref<5x40xi32, #tpu.memory_space<vmem>> -> memref<1x40xi32, #tpu.memory_space<vmem>>
      %dma_start3A_872 = tpu.memref_squeeze %dma_start3A_871 : memref<1x40xi32, #tpu.memory_space<vmem>> -> memref<40xi32, #tpu.memory_space<vmem>>
      %dma_start3A_873 = arith.constant 0 : i32
      %dma_start3A_874 = arith.constant 0 : i32
      %dma_start3A_875 = tpu.memref_slice %arg26[%dma_start3A_873, %dma_start3A_874] : memref<10000x128xf32, #tpu.memory_space<vmem_shared>> -> memref<10000x128xf32, #tpu.memory_space<vmem_shared>>
      tpu.enqueue_indirect_dma source(%arg16 : memref<40x128xf32, #tpu.memory_space<vmem>>) target(%dma_start3A_875 : memref<10000x128xf32, #tpu.memory_space<vmem_shared>>) offsets(%dma_start3A_872 : memref<40xi32, #tpu.memory_space<vmem>>) semaphore(%run_scoped3A_869 : memref<!tpu.dma_semaphore, #tpu.memory_space<semaphore_mem>>)
      %dma_wait3A_876 = arith.constant 0 : i32
      %dma_wait3A_877 = tpu.memref_slice %arg24[%run_scoped3A_604, %dma_wait3A_876] : memref<5x40xi32, #tpu.memory_space<vmem>> -> memref<1x40xi32, #tpu.memory_space<vmem>>
      %dma_wait3A_878 = tpu.memref_squeeze %dma_wait3A_877 : memref<1x40xi32, #tpu.memory_space<vmem>> -> memref<40xi32, #tpu.memory_space<vmem>>
      %dma_wait3A_879 = arith.constant 0 : i32
      %dma_wait3A_880 = arith.constant 0 : i32
      %dma_wait3A_881 = tpu.memref_slice %arg26[%dma_wait3A_879, %dma_wait3A_880] : memref<10000x128xf32, #tpu.memory_space<vmem_shared>> -> memref<10000x128xf32, #tpu.memory_space<vmem_shared>>
      tpu.wait_indirect_dma semaphore(%run_scoped3A_869 : memref<!tpu.dma_semaphore, #tpu.memory_space<semaphore_mem>>) src(%arg16 : memref<40x128xf32, #tpu.memory_space<vmem>>) dst(%dma_wait3A_881 : memref<10000x128xf32, #tpu.memory_space<vmem_shared>>)
      tpu.yield
    }) : () -> ()
    %add3A_605 = arith.constant 520 : i32
    %add3A_606 = arith.addi %mul3A_9, %add3A_605 : i32
    %add3A_607 = arith.constant 0 : i32
    %add3A_608 = arith.addi %add3A_606, %add3A_607 : i32
    %broadcast_in_dim3A_609 = vector.broadcast %add3A_608 : i32 to vector<16xi32>
    %add3A_610 = arith.addi %broadcast_in_dim3A_609, %iota3A : vector<16xi32>
    %min3A_611 = arith.constant 9999 : i32
    %min3A_612 = vector.broadcast %min3A_611 : i32 to vector<16xi32>
    %min3A_613 = arith.minsi %add3A_610, %min3A_612 : vector<16xi32>
    %swap3A_614 = arith.constant 4 : i32
    %swap3A_615 = arith.index_cast %swap3A_614 : i32 to index
    %swap3A_616 = arith.constant 0 : index
    %swap3A_617 = tpu.vector_load %arg24[%swap3A_615, %swap3A_616] {strides = array<i32>} : memref<5x40xi32, #tpu.memory_space<vmem>>, vector<1x16xi32>,
    %swap3A_618 = vector.shape_cast %swap3A_617 : vector<1x16xi32> to vector<16xi32>
    %swap3A_619 = vector.shape_cast %min3A_613 : vector<16xi32> to vector<1x16xi32>
    tpu.vector_store %arg24[%swap3A_615, %swap3A_616], %swap3A_619 {strides = array<i32>} : memref<5x40xi32, #tpu.memory_space<vmem>>, vector<1x16xi32>,
    %add3A_620 = arith.constant 520 : i32
    %add3A_621 = arith.addi %mul3A_9, %add3A_620 : i32
    %add3A_622 = arith.constant 16 : i32
    %add3A_623 = arith.addi %add3A_621, %add3A_622 : i32
    %broadcast_in_dim3A_624 = vector.broadcast %add3A_623 : i32 to vector<16xi32>
    %add3A_625 = arith.addi %broadcast_in_dim3A_624, %iota3A : vector<16xi32>
    %min3A_626 = arith.constant 9999 : i32
    %min3A_627 = vector.broadcast %min3A_626 : i32 to vector<16xi32>
    %min3A_628 = arith.minsi %add3A_625, %min3A_627 : vector<16xi32>
    %swap3A_629 = arith.constant 4 : i32
    %swap3A_630 = arith.index_cast %swap3A_629 : i32 to index
    %swap3A_631 = arith.constant 16 : index
    %swap3A_632 = tpu.vector_load %arg24[%swap3A_630, %swap3A_631] {strides = array<i32>} : memref<5x40xi32, #tpu.memory_space<vmem>>, vector<1x16xi32>,
    %swap3A_633 = vector.shape_cast %swap3A_632 : vector<1x16xi32> to vector<16xi32>
    %swap3A_634 = vector.shape_cast %min3A_628 : vector<16xi32> to vector<1x16xi32>
    tpu.vector_store %arg24[%swap3A_630, %swap3A_631], %swap3A_634 {strides = array<i32>} : memref<5x40xi32, #tpu.memory_space<vmem>>, vector<1x16xi32>,
    %add3A_635 = arith.constant 520 : i32
    %add3A_636 = arith.addi %mul3A_9, %add3A_635 : i32
    %add3A_637 = arith.constant 24 : i32
    %add3A_638 = arith.addi %add3A_636, %add3A_637 : i32
    %broadcast_in_dim3A_639 = vector.broadcast %add3A_638 : i32 to vector<16xi32>
    %add3A_640 = arith.addi %broadcast_in_dim3A_639, %iota3A : vector<16xi32>
    %min3A_641 = arith.constant 9999 : i32
    %min3A_642 = vector.broadcast %min3A_641 : i32 to vector<16xi32>
    %min3A_643 = arith.minsi %add3A_640, %min3A_642 : vector<16xi32>
    %swap3A_644 = arith.constant 4 : i32
    %swap3A_645 = arith.index_cast %swap3A_644 : i32 to index
    %swap3A_646 = arith.constant 24 : index
    %swap3A_647 = tpu.vector_load %arg24[%swap3A_645, %swap3A_646] {strides = array<i32>} : memref<5x40xi32, #tpu.memory_space<vmem>>, vector<1x16xi32>,
    %swap3A_648 = vector.shape_cast %swap3A_647 : vector<1x16xi32> to vector<16xi32>
    %swap3A_649 = vector.shape_cast %min3A_643 : vector<16xi32> to vector<1x16xi32>
    tpu.vector_store %arg24[%swap3A_645, %swap3A_646], %swap3A_649 {strides = array<i32>} : memref<5x40xi32, #tpu.memory_space<vmem>>, vector<1x16xi32>,
    %run_scoped3A_650 = arith.constant 4 : i32
    "tpu.region"() ({
      %run_scoped3A_869 = tpu.sem_alloc : memref<!tpu.dma_semaphore, #tpu.memory_space<semaphore_mem>>
      %dma_start3A_870 = arith.constant 0 : i32
      %dma_start3A_871 = tpu.memref_slice %arg24[%run_scoped3A_650, %dma_start3A_870] : memref<5x40xi32, #tpu.memory_space<vmem>> -> memref<1x40xi32, #tpu.memory_space<vmem>>
      %dma_start3A_872 = tpu.memref_squeeze %dma_start3A_871 : memref<1x40xi32, #tpu.memory_space<vmem>> -> memref<40xi32, #tpu.memory_space<vmem>>
      %dma_start3A_873 = arith.constant 0 : i32
      %dma_start3A_874 = arith.constant 0 : i32
      %dma_start3A_875 = tpu.memref_slice %arg26[%dma_start3A_873, %dma_start3A_874] : memref<10000x128xf32, #tpu.memory_space<vmem_shared>> -> memref<10000x128xf32, #tpu.memory_space<vmem_shared>>
      tpu.enqueue_indirect_dma source(%arg16 : memref<40x128xf32, #tpu.memory_space<vmem>>) target(%dma_start3A_875 : memref<10000x128xf32, #tpu.memory_space<vmem_shared>>) offsets(%dma_start3A_872 : memref<40xi32, #tpu.memory_space<vmem>>) semaphore(%run_scoped3A_869 : memref<!tpu.dma_semaphore, #tpu.memory_space<semaphore_mem>>)
      %dma_wait3A_876 = arith.constant 0 : i32
      %dma_wait3A_877 = tpu.memref_slice %arg24[%run_scoped3A_650, %dma_wait3A_876] : memref<5x40xi32, #tpu.memory_space<vmem>> -> memref<1x40xi32, #tpu.memory_space<vmem>>
      %dma_wait3A_878 = tpu.memref_squeeze %dma_wait3A_877 : memref<1x40xi32, #tpu.memory_space<vmem>> -> memref<40xi32, #tpu.memory_space<vmem>>
      %dma_wait3A_879 = arith.constant 0 : i32
      %dma_wait3A_880 = arith.constant 0 : i32
      %dma_wait3A_881 = tpu.memref_slice %arg26[%dma_wait3A_879, %dma_wait3A_880] : memref<10000x128xf32, #tpu.memory_space<vmem_shared>> -> memref<10000x128xf32, #tpu.memory_space<vmem_shared>>
      tpu.wait_indirect_dma semaphore(%run_scoped3A_869 : memref<!tpu.dma_semaphore, #tpu.memory_space<semaphore_mem>>) src(%arg16 : memref<40x128xf32, #tpu.memory_space<vmem>>) dst(%dma_wait3A_881 : memref<10000x128xf32, #tpu.memory_space<vmem_shared>>)
      tpu.yield
    }) : () -> ()
    %add3A_651 = arith.constant 560 : i32
    %add3A_652 = arith.addi %mul3A_9, %add3A_651 : i32
    %add3A_653 = arith.constant 0 : i32
    %add3A_654 = arith.addi %add3A_652, %add3A_653 : i32
    %broadcast_in_dim3A_655 = vector.broadcast %add3A_654 : i32 to vector<16xi32>
    %add3A_656 = arith.addi %broadcast_in_dim3A_655, %iota3A : vector<16xi32>
    %min3A_657 = arith.constant 9999 : i32
    %min3A_658 = vector.broadcast %min3A_657 : i32 to vector<16xi32>
    %min3A_659 = arith.minsi %add3A_656, %min3A_658 : vector<16xi32>
    %swap3A_660 = arith.constant 4 : i32
    %swap3A_661 = arith.index_cast %swap3A_660 : i32 to index
    %swap3A_662 = arith.constant 0 : index
    %swap3A_663 = tpu.vector_load %arg24[%swap3A_661, %swap3A_662] {strides = array<i32>} : memref<5x40xi32, #tpu.memory_space<vmem>>, vector<1x16xi32>,
    %swap3A_664 = vector.shape_cast %swap3A_663 : vector<1x16xi32> to vector<16xi32>
    %swap3A_665 = vector.shape_cast %min3A_659 : vector<16xi32> to vector<1x16xi32>
    tpu.vector_store %arg24[%swap3A_661, %swap3A_662], %swap3A_665 {strides = array<i32>} : memref<5x40xi32, #tpu.memory_space<vmem>>, vector<1x16xi32>,
    %add3A_666 = arith.constant 560 : i32
    %add3A_667 = arith.addi %mul3A_9, %add3A_666 : i32
    %add3A_668 = arith.constant 16 : i32
    %add3A_669 = arith.addi %add3A_667, %add3A_668 : i32
    %broadcast_in_dim3A_670 = vector.broadcast %add3A_669 : i32 to vector<16xi32>
    %add3A_671 = arith.addi %broadcast_in_dim3A_670, %iota3A : vector<16xi32>
    %min3A_672 = arith.constant 9999 : i32
    %min3A_673 = vector.broadcast %min3A_672 : i32 to vector<16xi32>
    %min3A_674 = arith.minsi %add3A_671, %min3A_673 : vector<16xi32>
    %swap3A_675 = arith.constant 4 : i32
    %swap3A_676 = arith.index_cast %swap3A_675 : i32 to index
    %swap3A_677 = arith.constant 16 : index
    %swap3A_678 = tpu.vector_load %arg24[%swap3A_676, %swap3A_677] {strides = array<i32>} : memref<5x40xi32, #tpu.memory_space<vmem>>, vector<1x16xi32>,
    %swap3A_679 = vector.shape_cast %swap3A_678 : vector<1x16xi32> to vector<16xi32>
    %swap3A_680 = vector.shape_cast %min3A_674 : vector<16xi32> to vector<1x16xi32>
    tpu.vector_store %arg24[%swap3A_676, %swap3A_677], %swap3A_680 {strides = array<i32>} : memref<5x40xi32, #tpu.memory_space<vmem>>, vector<1x16xi32>,
    %add3A_681 = arith.constant 560 : i32
    %add3A_682 = arith.addi %mul3A_9, %add3A_681 : i32
    %add3A_683 = arith.constant 24 : i32
    %add3A_684 = arith.addi %add3A_682, %add3A_683 : i32
    %broadcast_in_dim3A_685 = vector.broadcast %add3A_684 : i32 to vector<16xi32>
    %add3A_686 = arith.addi %broadcast_in_dim3A_685, %iota3A : vector<16xi32>
    %min3A_687 = arith.constant 9999 : i32
    %min3A_688 = vector.broadcast %min3A_687 : i32 to vector<16xi32>
    %min3A_689 = arith.minsi %add3A_686, %min3A_688 : vector<16xi32>
    %swap3A_690 = arith.constant 4 : i32
    %swap3A_691 = arith.index_cast %swap3A_690 : i32 to index
    %swap3A_692 = arith.constant 24 : index
    %swap3A_693 = tpu.vector_load %arg24[%swap3A_691, %swap3A_692] {strides = array<i32>} : memref<5x40xi32, #tpu.memory_space<vmem>>, vector<1x16xi32>,
    %swap3A_694 = vector.shape_cast %swap3A_693 : vector<1x16xi32> to vector<16xi32>
    %swap3A_695 = vector.shape_cast %min3A_689 : vector<16xi32> to vector<1x16xi32>
    tpu.vector_store %arg24[%swap3A_691, %swap3A_692], %swap3A_695 {strides = array<i32>} : memref<5x40xi32, #tpu.memory_space<vmem>>, vector<1x16xi32>,
    %run_scoped3A_696 = arith.constant 4 : i32
    "tpu.region"() ({
      %run_scoped3A_869 = tpu.sem_alloc : memref<!tpu.dma_semaphore, #tpu.memory_space<semaphore_mem>>
      %dma_start3A_870 = arith.constant 0 : i32
      %dma_start3A_871 = tpu.memref_slice %arg24[%run_scoped3A_696, %dma_start3A_870] : memref<5x40xi32, #tpu.memory_space<vmem>> -> memref<1x40xi32, #tpu.memory_space<vmem>>
      %dma_start3A_872 = tpu.memref_squeeze %dma_start3A_871 : memref<1x40xi32, #tpu.memory_space<vmem>> -> memref<40xi32, #tpu.memory_space<vmem>>
      %dma_start3A_873 = arith.constant 0 : i32
      %dma_start3A_874 = arith.constant 0 : i32
      %dma_start3A_875 = tpu.memref_slice %arg26[%dma_start3A_873, %dma_start3A_874] : memref<10000x128xf32, #tpu.memory_space<vmem_shared>> -> memref<10000x128xf32, #tpu.memory_space<vmem_shared>>
      tpu.enqueue_indirect_dma source(%arg16 : memref<40x128xf32, #tpu.memory_space<vmem>>) target(%dma_start3A_875 : memref<10000x128xf32, #tpu.memory_space<vmem_shared>>) offsets(%dma_start3A_872 : memref<40xi32, #tpu.memory_space<vmem>>) semaphore(%run_scoped3A_869 : memref<!tpu.dma_semaphore, #tpu.memory_space<semaphore_mem>>)
      %dma_wait3A_876 = arith.constant 0 : i32
      %dma_wait3A_877 = tpu.memref_slice %arg24[%run_scoped3A_696, %dma_wait3A_876] : memref<5x40xi32, #tpu.memory_space<vmem>> -> memref<1x40xi32, #tpu.memory_space<vmem>>
      %dma_wait3A_878 = tpu.memref_squeeze %dma_wait3A_877 : memref<1x40xi32, #tpu.memory_space<vmem>> -> memref<40xi32, #tpu.memory_space<vmem>>
      %dma_wait3A_879 = arith.constant 0 : i32
      %dma_wait3A_880 = arith.constant 0 : i32
      %dma_wait3A_881 = tpu.memref_slice %arg26[%dma_wait3A_879, %dma_wait3A_880] : memref<10000x128xf32, #tpu.memory_space<vmem_shared>> -> memref<10000x128xf32, #tpu.memory_space<vmem_shared>>
      tpu.wait_indirect_dma semaphore(%run_scoped3A_869 : memref<!tpu.dma_semaphore, #tpu.memory_space<semaphore_mem>>) src(%arg16 : memref<40x128xf32, #tpu.memory_space<vmem>>) dst(%dma_wait3A_881 : memref<10000x128xf32, #tpu.memory_space<vmem_shared>>)
      tpu.yield
    }) : () -> ()
    %add3A_697 = arith.constant 600 : i32
    %add3A_698 = arith.addi %mul3A_9, %add3A_697 : i32
    %add3A_699 = arith.constant 0 : i32
    %add3A_700 = arith.addi %add3A_698, %add3A_699 : i32
    %broadcast_in_dim3A_701 = vector.broadcast %add3A_700 : i32 to vector<16xi32>
    %add3A_702 = arith.addi %broadcast_in_dim3A_701, %iota3A : vector<16xi32>
    %min3A_703 = arith.constant 9999 : i32
    %min3A_704 = vector.broadcast %min3A_703 : i32 to vector<16xi32>
    %min3A_705 = arith.minsi %add3A_702, %min3A_704 : vector<16xi32>
    %swap3A_706 = arith.constant 4 : i32
    %swap3A_707 = arith.index_cast %swap3A_706 : i32 to index
    %swap3A_708 = arith.constant 0 : index
    %swap3A_709 = tpu.vector_load %arg24[%swap3A_707, %swap3A_708] {strides = array<i32>} : memref<5x40xi32, #tpu.memory_space<vmem>>, vector<1x16xi32>,
    %swap3A_710 = vector.shape_cast %swap3A_709 : vector<1x16xi32> to vector<16xi32>
    %swap3A_711 = vector.shape_cast %min3A_705 : vector<16xi32> to vector<1x16xi32>
    tpu.vector_store %arg24[%swap3A_707, %swap3A_708], %swap3A_711 {strides = array<i32>} : memref<5x40xi32, #tpu.memory_space<vmem>>, vector<1x16xi32>,
    %add3A_712 = arith.constant 600 : i32
    %add3A_713 = arith.addi %mul3A_9, %add3A_712 : i32
    %add3A_714 = arith.constant 16 : i32
    %add3A_715 = arith.addi %add3A_713, %add3A_714 : i32
    %broadcast_in_dim3A_716 = vector.broadcast %add3A_715 : i32 to vector<16xi32>
    %add3A_717 = arith.addi %broadcast_in_dim3A_716, %iota3A : vector<16xi32>
    %min3A_718 = arith.constant 9999 : i32
    %min3A_719 = vector.broadcast %min3A_718 : i32 to vector<16xi32>
    %min3A_720 = arith.minsi %add3A_717, %min3A_719 : vector<16xi32>
    %swap3A_721 = arith.constant 4 : i32
    %swap3A_722 = arith.index_cast %swap3A_721 : i32 to index
    %swap3A_723 = arith.constant 16 : index
    %swap3A_724 = tpu.vector_load %arg24[%swap3A_722, %swap3A_723] {strides = array<i32>} : memref<5x40xi32, #tpu.memory_space<vmem>>, vector<1x16xi32>,
    %swap3A_725 = vector.shape_cast %swap3A_724 : vector<1x16xi32> to vector<16xi32>
    %swap3A_726 = vector.shape_cast %min3A_720 : vector<16xi32> to vector<1x16xi32>
    tpu.vector_store %arg24[%swap3A_722, %swap3A_723], %swap3A_726 {strides = array<i32>} : memref<5x40xi32, #tpu.memory_space<vmem>>, vector<1x16xi32>,
    %add3A_727 = arith.constant 600 : i32
    %add3A_728 = arith.addi %mul3A_9, %add3A_727 : i32
    %add3A_729 = arith.constant 24 : i32
    %add3A_730 = arith.addi %add3A_728, %add3A_729 : i32
    %broadcast_in_dim3A_731 = vector.broadcast %add3A_730 : i32 to vector<16xi32>
    %add3A_732 = arith.addi %broadcast_in_dim3A_731, %iota3A : vector<16xi32>
    %min3A_733 = arith.constant 9999 : i32
    %min3A_734 = vector.broadcast %min3A_733 : i32 to vector<16xi32>
    %min3A_735 = arith.minsi %add3A_732, %min3A_734 : vector<16xi32>
    %swap3A_736 = arith.constant 4 : i32
    %swap3A_737 = arith.index_cast %swap3A_736 : i32 to index
    %swap3A_738 = arith.constant 24 : index
    %swap3A_739 = tpu.vector_load %arg24[%swap3A_737, %swap3A_738] {strides = array<i32>} : memref<5x40xi32, #tpu.memory_space<vmem>>, vector<1x16xi32>,
    %swap3A_740 = vector.shape_cast %swap3A_739 : vector<1x16xi32> to vector<16xi32>
    %swap3A_741 = vector.shape_cast %min3A_735 : vector<16xi32> to vector<1x16xi32>
    tpu.vector_store %arg24[%swap3A_737, %swap3A_738], %swap3A_741 {strides = array<i32>} : memref<5x40xi32, #tpu.memory_space<vmem>>, vector<1x16xi32>,
    %run_scoped3A_742 = arith.constant 4 : i32
    "tpu.region"() ({
      %run_scoped3A_869 = tpu.sem_alloc : memref<!tpu.dma_semaphore, #tpu.memory_space<semaphore_mem>>
      %dma_start3A_870 = arith.constant 0 : i32
      %dma_start3A_871 = tpu.memref_slice %arg24[%run_scoped3A_742, %dma_start3A_870] : memref<5x40xi32, #tpu.memory_space<vmem>> -> memref<1x40xi32, #tpu.memory_space<vmem>>
      %dma_start3A_872 = tpu.memref_squeeze %dma_start3A_871 : memref<1x40xi32, #tpu.memory_space<vmem>> -> memref<40xi32, #tpu.memory_space<vmem>>
      %dma_start3A_873 = arith.constant 0 : i32
      %dma_start3A_874 = arith.constant 0 : i32
      %dma_start3A_875 = tpu.memref_slice %arg26[%dma_start3A_873, %dma_start3A_874] : memref<10000x128xf32, #tpu.memory_space<vmem_shared>> -> memref<10000x128xf32, #tpu.memory_space<vmem_shared>>
      tpu.enqueue_indirect_dma source(%arg16 : memref<40x128xf32, #tpu.memory_space<vmem>>) target(%dma_start3A_875 : memref<10000x128xf32, #tpu.memory_space<vmem_shared>>) offsets(%dma_start3A_872 : memref<40xi32, #tpu.memory_space<vmem>>) semaphore(%run_scoped3A_869 : memref<!tpu.dma_semaphore, #tpu.memory_space<semaphore_mem>>)
      %dma_wait3A_876 = arith.constant 0 : i32
      %dma_wait3A_877 = tpu.memref_slice %arg24[%run_scoped3A_742, %dma_wait3A_876] : memref<5x40xi32, #tpu.memory_space<vmem>> -> memref<1x40xi32, #tpu.memory_space<vmem>>
      %dma_wait3A_878 = tpu.memref_squeeze %dma_wait3A_877 : memref<1x40xi32, #tpu.memory_space<vmem>> -> memref<40xi32, #tpu.memory_space<vmem>>
      %dma_wait3A_879 = arith.constant 0 : i32
      %dma_wait3A_880 = arith.constant 0 : i32
      %dma_wait3A_881 = tpu.memref_slice %arg26[%dma_wait3A_879, %dma_wait3A_880] : memref<10000x128xf32, #tpu.memory_space<vmem_shared>> -> memref<10000x128xf32, #tpu.memory_space<vmem_shared>>
      tpu.wait_indirect_dma semaphore(%run_scoped3A_869 : memref<!tpu.dma_semaphore, #tpu.memory_space<semaphore_mem>>) src(%arg16 : memref<40x128xf32, #tpu.memory_space<vmem>>) dst(%dma_wait3A_881 : memref<10000x128xf32, #tpu.memory_space<vmem_shared>>)
      tpu.yield
    }) : () -> ()
    %mul3A_743 = arith.constant 40 : i32
    %mul3A_744 = arith.muli %arg1, %mul3A_743 : i32
    %add3A_745 = arith.constant 0 : i32
    %add3A_746 = arith.addi %mul3A_744, %add3A_745 : i32
    %broadcast_in_dim3A_747 = vector.broadcast %add3A_746 : i32 to vector<16xi32>
    %add3A_748 = arith.addi %broadcast_in_dim3A_747, %iota3A : vector<16xi32>
    %min3A_749 = arith.constant 624 : i32
    %min3A_750 = vector.broadcast %min3A_749 : i32 to vector<16xi32>
    %min3A_751 = arith.minsi %add3A_748, %min3A_750 : vector<16xi32>
    %swap3A_752 = arith.constant 4 : i32
    %swap3A_753 = arith.index_cast %swap3A_752 : i32 to index
    %swap3A_754 = arith.constant 0 : index
    %swap3A_755 = tpu.vector_load %arg24[%swap3A_753, %swap3A_754] {strides = array<i32>} : memref<5x40xi32, #tpu.memory_space<vmem>>, vector<1x16xi32>,
    %swap3A_756 = vector.shape_cast %swap3A_755 : vector<1x16xi32> to vector<16xi32>
    %swap3A_757 = vector.shape_cast %min3A_751 : vector<16xi32> to vector<1x16xi32>
    tpu.vector_store %arg24[%swap3A_753, %swap3A_754], %swap3A_757 {strides = array<i32>} : memref<5x40xi32, #tpu.memory_space<vmem>>, vector<1x16xi32>,
    %mul3A_758 = arith.constant 40 : i32
    %mul3A_759 = arith.muli %arg1, %mul3A_758 : i32
    %add3A_760 = arith.constant 16 : i32
    %add3A_761 = arith.addi %mul3A_759, %add3A_760 : i32
    %broadcast_in_dim3A_762 = vector.broadcast %add3A_761 : i32 to vector<16xi32>
    %add3A_763 = arith.addi %broadcast_in_dim3A_762, %iota3A : vector<16xi32>
    %min3A_764 = arith.constant 624 : i32
    %min3A_765 = vector.broadcast %min3A_764 : i32 to vector<16xi32>
    %min3A_766 = arith.minsi %add3A_763, %min3A_765 : vector<16xi32>
    %swap3A_767 = arith.constant 4 : i32
    %swap3A_768 = arith.index_cast %swap3A_767 : i32 to index
    %swap3A_769 = arith.constant 16 : index
    %swap3A_770 = tpu.vector_load %arg24[%swap3A_768, %swap3A_769] {strides = array<i32>} : memref<5x40xi32, #tpu.memory_space<vmem>>, vector<1x16xi32>,
    %swap3A_771 = vector.shape_cast %swap3A_770 : vector<1x16xi32> to vector<16xi32>
    %swap3A_772 = vector.shape_cast %min3A_766 : vector<16xi32> to vector<1x16xi32>
    tpu.vector_store %arg24[%swap3A_768, %swap3A_769], %swap3A_772 {strides = array<i32>} : memref<5x40xi32, #tpu.memory_space<vmem>>, vector<1x16xi32>,
    %mul3A_773 = arith.constant 40 : i32
    %mul3A_774 = arith.muli %arg1, %mul3A_773 : i32
    %add3A_775 = arith.constant 24 : i32
    %add3A_776 = arith.addi %mul3A_774, %add3A_775 : i32
    %broadcast_in_dim3A_777 = vector.broadcast %add3A_776 : i32 to vector<16xi32>
    %add3A_778 = arith.addi %broadcast_in_dim3A_777, %iota3A : vector<16xi32>
    %min3A_779 = arith.constant 624 : i32
    %min3A_780 = vector.broadcast %min3A_779 : i32 to vector<16xi32>
    %min3A_781 = arith.minsi %add3A_778, %min3A_780 : vector<16xi32>
    %swap3A_782 = arith.constant 4 : i32
    %swap3A_783 = arith.index_cast %swap3A_782 : i32 to index
    %swap3A_784 = arith.constant 24 : index
    %swap3A_785 = tpu.vector_load %arg24[%swap3A_783, %swap3A_784] {strides = array<i32>} : memref<5x40xi32, #tpu.memory_space<vmem>>, vector<1x16xi32>,
    %swap3A_786 = vector.shape_cast %swap3A_785 : vector<1x16xi32> to vector<16xi32>
    %swap3A_787 = vector.shape_cast %min3A_781 : vector<16xi32> to vector<1x16xi32>
    tpu.vector_store %arg24[%swap3A_783, %swap3A_784], %swap3A_787 {strides = array<i32>} : memref<5x40xi32, #tpu.memory_space<vmem>>, vector<1x16xi32>,
    %run_scoped3A_788 = arith.constant 4 : i32
    "tpu.region"() ({
      %run_scoped3A_869 = tpu.sem_alloc : memref<!tpu.dma_semaphore, #tpu.memory_space<semaphore_mem>>
      %dma_start3A_870 = arith.constant 0 : i32
      %dma_start3A_871 = tpu.memref_slice %arg24[%run_scoped3A_788, %dma_start3A_870] : memref<5x40xi32, #tpu.memory_space<vmem>> -> memref<1x40xi32, #tpu.memory_space<vmem>>
      %dma_start3A_872 = tpu.memref_squeeze %dma_start3A_871 : memref<1x40xi32, #tpu.memory_space<vmem>> -> memref<40xi32, #tpu.memory_space<vmem>>
      %dma_start3A_873 = arith.constant 0 : i32
      %dma_start3A_874 = arith.constant 0 : i32
      %dma_start3A_875 = tpu.memref_slice %arg27[%dma_start3A_873, %dma_start3A_874] : memref<625x128xf32, #tpu.memory_space<vmem_shared>> -> memref<625x128xf32, #tpu.memory_space<vmem_shared>>
      tpu.enqueue_indirect_dma source(%arg17 : memref<40x128xf32, #tpu.memory_space<vmem>>) target(%dma_start3A_875 : memref<625x128xf32, #tpu.memory_space<vmem_shared>>) offsets(%dma_start3A_872 : memref<40xi32, #tpu.memory_space<vmem>>) semaphore(%run_scoped3A_869 : memref<!tpu.dma_semaphore, #tpu.memory_space<semaphore_mem>>)
      %dma_wait3A_876 = arith.constant 0 : i32
      %dma_wait3A_877 = tpu.memref_slice %arg24[%run_scoped3A_788, %dma_wait3A_876] : memref<5x40xi32, #tpu.memory_space<vmem>> -> memref<1x40xi32, #tpu.memory_space<vmem>>
      %dma_wait3A_878 = tpu.memref_squeeze %dma_wait3A_877 : memref<1x40xi32, #tpu.memory_space<vmem>> -> memref<40xi32, #tpu.memory_space<vmem>>
      %dma_wait3A_879 = arith.constant 0 : i32
      %dma_wait3A_880 = arith.constant 0 : i32
      %dma_wait3A_881 = tpu.memref_slice %arg27[%dma_wait3A_879, %dma_wait3A_880] : memref<625x128xf32, #tpu.memory_space<vmem_shared>> -> memref<625x128xf32, #tpu.memory_space<vmem_shared>>
      tpu.wait_indirect_dma semaphore(%run_scoped3A_869 : memref<!tpu.dma_semaphore, #tpu.memory_space<semaphore_mem>>) src(%arg17 : memref<40x128xf32, #tpu.memory_space<vmem>>) dst(%dma_wait3A_881 : memref<625x128xf32, #tpu.memory_space<vmem_shared>>)
      tpu.yield
    }) : () -> ()
    "tpu.region"() ({
      %run_scoped3A_869 = tpu.sem_alloc : memref<!tpu.dma_semaphore, #tpu.memory_space<semaphore_mem>>
      %dma_start3A_870 = arith.constant 0 : i32
      %dma_start3A_871 = tpu.memref_slice %arg25[%dma_start3A_870] : memref<640xf32, #tpu.memory_space<vmem>> -> memref<128xf32, #tpu.memory_space<vmem>>
      %dma_start3A_872 = arith.constant 0 : i32
      %dma_start3A_873 = tpu.memref_slice %arg25[%dma_start3A_872] : memref<640xf32, #tpu.memory_space<vmem>> -> memref<128xf32, #tpu.memory_space<vmem>>
      tpu.enqueue_dma source(%arg8 : memref<128xf32, #tpu.memory_space<hbm>>) target(%dma_start3A_873 : memref<128xf32, #tpu.memory_space<vmem>>) target_semaphore(%run_scoped3A_869 : memref<!tpu.dma_semaphore, #tpu.memory_space<semaphore_mem>>)
      %dma_wait3A_874 = arith.constant 0 : i32
      %dma_wait3A_875 = tpu.memref_slice %arg25[%dma_wait3A_874] : memref<640xf32, #tpu.memory_space<vmem>> -> memref<128xf32, #tpu.memory_space<vmem>>
      %dma_wait3A_876 = arith.constant 0 : i32
      %dma_wait3A_877 = tpu.memref_slice %arg25[%dma_wait3A_876] : memref<640xf32, #tpu.memory_space<vmem>> -> memref<128xf32, #tpu.memory_space<vmem>>
      tpu.wait_dma2 semaphore(%run_scoped3A_869 : memref<!tpu.dma_semaphore, #tpu.memory_space<semaphore_mem>>) src(%arg8 : memref<128xf32, #tpu.memory_space<hbm>>) dst(%dma_wait3A_877 : memref<128xf32, #tpu.memory_space<vmem>>)
      tpu.yield
    }) : () -> ()
    "tpu.region"() ({
      %run_scoped3A_869 = tpu.sem_alloc : memref<!tpu.dma_semaphore, #tpu.memory_space<semaphore_mem>>
      %dma_start3A_870 = arith.constant 128 : i32
      %dma_start3A_871 = tpu.memref_slice %arg25[%dma_start3A_870] : memref<640xf32, #tpu.memory_space<vmem>> -> memref<128xf32, #tpu.memory_space<vmem>>
      %dma_start3A_872 = arith.constant 128 : i32
      %dma_start3A_873 = tpu.memref_slice %arg25[%dma_start3A_872] : memref<640xf32, #tpu.memory_space<vmem>> -> memref<128xf32, #tpu.memory_space<vmem>>
      tpu.enqueue_dma source(%arg9 : memref<128xf32, #tpu.memory_space<hbm>>) target(%dma_start3A_873 : memref<128xf32, #tpu.memory_space<vmem>>) target_semaphore(%run_scoped3A_869 : memref<!tpu.dma_semaphore, #tpu.memory_space<semaphore_mem>>)
      %dma_wait3A_874 = arith.constant 128 : i32
      %dma_wait3A_875 = tpu.memref_slice %arg25[%dma_wait3A_874] : memref<640xf32, #tpu.memory_space<vmem>> -> memref<128xf32, #tpu.memory_space<vmem>>
      %dma_wait3A_876 = arith.constant 128 : i32
      %dma_wait3A_877 = tpu.memref_slice %arg25[%dma_wait3A_876] : memref<640xf32, #tpu.memory_space<vmem>> -> memref<128xf32, #tpu.memory_space<vmem>>
      tpu.wait_dma2 semaphore(%run_scoped3A_869 : memref<!tpu.dma_semaphore, #tpu.memory_space<semaphore_mem>>) src(%arg9 : memref<128xf32, #tpu.memory_space<hbm>>) dst(%dma_wait3A_877 : memref<128xf32, #tpu.memory_space<vmem>>)
      tpu.yield
    }) : () -> ()
    %barrier3A = arith.constant 0 : index
    tpu.barrier barrier_id(%barrier3A)
    %mul3A_789 = arith.constant 10000 : i32
    %mul3A_790 = arith.muli %add3A, %mul3A_789 : i32
    %add3A_791 = arith.constant 0 : i32
    %add3A_792 = arith.addi %mul3A_790, %add3A_791 : i32
    "tpu.region"() ({
      %run_scoped3A_869 = tpu.sem_alloc : memref<!tpu.dma_semaphore, #tpu.memory_space<semaphore_mem>>
      %dma_start3A_870 = tpu.memref_slice %arg4[%add3A_792] : memref<320000xi32, #tpu.memory_space<hbm>> -> memref<40xi32, #tpu.memory_space<hbm>>
      %dma_start3A_871 = tpu.memref_slice %arg4[%add3A_792] : memref<320000xi32, #tpu.memory_space<hbm>> -> memref<40xi32, #tpu.memory_space<hbm>>
      tpu.enqueue_dma source(%dma_start3A_871 : memref<40xi32, #tpu.memory_space<hbm>>) target(%arg12 : memref<40xi32, #tpu.memory_space<vmem>>) target_semaphore(%run_scoped3A_869 : memref<!tpu.dma_semaphore, #tpu.memory_space<semaphore_mem>>)
      %dma_wait3A_872 = tpu.memref_slice %arg4[%add3A_792] : memref<320000xi32, #tpu.memory_space<hbm>> -> memref<40xi32, #tpu.memory_space<hbm>>
      %dma_wait3A_873 = tpu.memref_slice %arg4[%add3A_792] : memref<320000xi32, #tpu.memory_space<hbm>> -> memref<40xi32, #tpu.memory_space<hbm>>
      tpu.wait_dma2 semaphore(%run_scoped3A_869 : memref<!tpu.dma_semaphore, #tpu.memory_space<semaphore_mem>>) src(%dma_wait3A_873 : memref<40xi32, #tpu.memory_space<hbm>>) dst(%arg12 : memref<40xi32, #tpu.memory_space<vmem>>)
      tpu.yield
    }) : () -> ()
    "tpu.region"() ({
      %run_scoped3A_869 = tpu.sem_alloc : memref<!tpu.dma_semaphore, #tpu.memory_space<semaphore_mem>>
      %dma_start3A_870 = tpu.memref_slice %arg5[%add3A_792] : memref<320000xi32, #tpu.memory_space<hbm>> -> memref<40xi32, #tpu.memory_space<hbm>>
      %dma_start3A_871 = tpu.memref_slice %arg5[%add3A_792] : memref<320000xi32, #tpu.memory_space<hbm>> -> memref<40xi32, #tpu.memory_space<hbm>>
      tpu.enqueue_dma source(%dma_start3A_871 : memref<40xi32, #tpu.memory_space<hbm>>) target(%arg13 : memref<40xi32, #tpu.memory_space<vmem>>) target_semaphore(%run_scoped3A_869 : memref<!tpu.dma_semaphore, #tpu.memory_space<semaphore_mem>>)
      %dma_wait3A_872 = tpu.memref_slice %arg5[%add3A_792] : memref<320000xi32, #tpu.memory_space<hbm>> -> memref<40xi32, #tpu.memory_space<hbm>>
      %dma_wait3A_873 = tpu.memref_slice %arg5[%add3A_792] : memref<320000xi32, #tpu.memory_space<hbm>> -> memref<40xi32, #tpu.memory_space<hbm>>
      tpu.wait_dma2 semaphore(%run_scoped3A_869 : memref<!tpu.dma_semaphore, #tpu.memory_space<semaphore_mem>>) src(%dma_wait3A_873 : memref<40xi32, #tpu.memory_space<hbm>>) dst(%arg13 : memref<40xi32, #tpu.memory_space<vmem>>)
      tpu.yield
    }) : () -> ()
    "tpu.region"() ({
      %run_scoped3A_869 = tpu.sem_alloc : memref<!tpu.dma_semaphore, #tpu.memory_space<semaphore_mem>>
      %dma_start3A_870 = tpu.memref_slice %arg6[%add3A_792] : memref<320000xi32, #tpu.memory_space<hbm>> -> memref<40xi32, #tpu.memory_space<hbm>>
      %dma_start3A_871 = tpu.memref_slice %arg6[%add3A_792] : memref<320000xi32, #tpu.memory_space<hbm>> -> memref<40xi32, #tpu.memory_space<hbm>>
      tpu.enqueue_dma source(%dma_start3A_871 : memref<40xi32, #tpu.memory_space<hbm>>) target(%arg14 : memref<40xi32, #tpu.memory_space<vmem>>) target_semaphore(%run_scoped3A_869 : memref<!tpu.dma_semaphore, #tpu.memory_space<semaphore_mem>>)
      %dma_wait3A_872 = tpu.memref_slice %arg6[%add3A_792] : memref<320000xi32, #tpu.memory_space<hbm>> -> memref<40xi32, #tpu.memory_space<hbm>>
      %dma_wait3A_873 = tpu.memref_slice %arg6[%add3A_792] : memref<320000xi32, #tpu.memory_space<hbm>> -> memref<40xi32, #tpu.memory_space<hbm>>
      tpu.wait_dma2 semaphore(%run_scoped3A_869 : memref<!tpu.dma_semaphore, #tpu.memory_space<semaphore_mem>>) src(%dma_wait3A_873 : memref<40xi32, #tpu.memory_space<hbm>>) dst(%arg14 : memref<40xi32, #tpu.memory_space<vmem>>)
      tpu.yield
    }) : () -> ()
    "tpu.region"() ({
      %run_scoped3A_869 = tpu.sem_alloc : memref<!tpu.dma_semaphore, #tpu.memory_space<semaphore_mem>>
      %dma_start3A_870 = arith.constant 0 : i32
      %dma_start3A_871 = tpu.memref_slice %arg7[%add3A_792, %dma_start3A_870] : memref<320000x32xf32, #tpu.memory_space<hbm>> -> memref<40x32xf32, #tpu.memory_space<hbm>>
      %dma_start3A_872 = arith.constant 0 : i32
      %dma_start3A_873 = tpu.memref_slice %arg7[%add3A_792, %dma_start3A_872] : memref<320000x32xf32, #tpu.memory_space<hbm>> -> memref<40x32xf32, #tpu.memory_space<hbm>>
      tpu.enqueue_dma source(%dma_start3A_873 : memref<40x32xf32, #tpu.memory_space<hbm>>) target(%arg15 : memref<40x32xf32, #tpu.memory_space<vmem>>) target_semaphore(%run_scoped3A_869 : memref<!tpu.dma_semaphore, #tpu.memory_space<semaphore_mem>>)
      %dma_wait3A_874 = arith.constant 0 : i32
      %dma_wait3A_875 = tpu.memref_slice %arg7[%add3A_792, %dma_wait3A_874] : memref<320000x32xf32, #tpu.memory_space<hbm>> -> memref<40x32xf32, #tpu.memory_space<hbm>>
      %dma_wait3A_876 = arith.constant 0 : i32
      %dma_wait3A_877 = tpu.memref_slice %arg7[%add3A_792, %dma_wait3A_876] : memref<320000x32xf32, #tpu.memory_space<hbm>> -> memref<40x32xf32, #tpu.memory_space<hbm>>
      tpu.wait_dma2 semaphore(%run_scoped3A_869 : memref<!tpu.dma_semaphore, #tpu.memory_space<semaphore_mem>>) src(%dma_wait3A_877 : memref<40x32xf32, #tpu.memory_space<hbm>>) dst(%arg15 : memref<40x32xf32, #tpu.memory_space<vmem>>)
      tpu.yield
    }) : () -> ()
    %dma_start3A = arith.constant 0 : i32
    %dma_start3A_793 = arith.constant 0 : i32
    %dma_start3A_794 = tpu.memref_slice %arg2[%dma_start3A, %dma_start3A_793] : memref<10000x128xf32, #tpu.memory_space<hbm>> -> memref<10000x128xf32, #tpu.memory_space<hbm>>
    tpu.enqueue_indirect_dma source(%dma_start3A_794 : memref<10000x128xf32, #tpu.memory_space<hbm>>) target(%arg16 : memref<40x128xf32, #tpu.memory_space<vmem>>) offsets(%arg12 : memref<40xi32, #tpu.memory_space<vmem>>) semaphore(%arg28 : memref<!tpu.dma_semaphore, #tpu.memory_space<semaphore_mem>>)
    %dma_start3A_795 = arith.constant 0 : i32
    %dma_start3A_796 = arith.constant 0 : i32
    %dma_start3A_797 = tpu.memref_slice %arg3[%dma_start3A_795, %dma_start3A_796] : memref<10000x128xf32, #tpu.memory_space<hbm>> -> memref<10000x128xf32, #tpu.memory_space<hbm>>
    tpu.enqueue_indirect_dma source(%dma_start3A_797 : memref<10000x128xf32, #tpu.memory_space<hbm>>) target(%arg17 : memref<40x128xf32, #tpu.memory_space<vmem>>) offsets(%arg13 : memref<40xi32, #tpu.memory_space<vmem>>) semaphore(%arg29 : memref<!tpu.dma_semaphore, #tpu.memory_space<semaphore_mem>>)
    %add3A_798 = arith.constant 40 : i32
    %add3A_799 = arith.addi %mul3A_790, %add3A_798 : i32
    %dma_start3A_800 = tpu.memref_slice %arg4[%add3A_799] : memref<320000xi32, #tpu.memory_space<hbm>> -> memref<40xi32, #tpu.memory_space<hbm>>
    %dma_start3A_801 = tpu.memref_slice %arg4[%add3A_799] : memref<320000xi32, #tpu.memory_space<hbm>> -> memref<40xi32, #tpu.memory_space<hbm>>
    tpu.enqueue_dma source(%dma_start3A_801 : memref<40xi32, #tpu.memory_space<hbm>>) target(%arg18 : memref<40xi32, #tpu.memory_space<vmem>>) target_semaphore(%arg40 : memref<!tpu.dma_semaphore, #tpu.memory_space<semaphore_mem>>)
    %dma_start3A_802 = tpu.memref_slice %arg5[%add3A_799] : memref<320000xi32, #tpu.memory_space<hbm>> -> memref<40xi32, #tpu.memory_space<hbm>>
    %dma_start3A_803 = tpu.memref_slice %arg5[%add3A_799] : memref<320000xi32, #tpu.memory_space<hbm>> -> memref<40xi32, #tpu.memory_space<hbm>>
    tpu.enqueue_dma source(%dma_start3A_803 : memref<40xi32, #tpu.memory_space<hbm>>) target(%arg19 : memref<40xi32, #tpu.memory_space<vmem>>) target_semaphore(%arg41 : memref<!tpu.dma_semaphore, #tpu.memory_space<semaphore_mem>>)
    %dma_start3A_804 = tpu.memref_slice %arg6[%add3A_799] : memref<320000xi32, #tpu.memory_space<hbm>> -> memref<40xi32, #tpu.memory_space<hbm>>
    %dma_start3A_805 = tpu.memref_slice %arg6[%add3A_799] : memref<320000xi32, #tpu.memory_space<hbm>> -> memref<40xi32, #tpu.memory_space<hbm>>
    tpu.enqueue_dma source(%dma_start3A_805 : memref<40xi32, #tpu.memory_space<hbm>>) target(%arg20 : memref<40xi32, #tpu.memory_space<vmem>>) target_semaphore(%arg42 : memref<!tpu.dma_semaphore, #tpu.memory_space<semaphore_mem>>)
    %dma_start3A_806 = arith.constant 0 : i32
    %dma_start3A_807 = tpu.memref_slice %arg7[%add3A_799, %dma_start3A_806] : memref<320000x32xf32, #tpu.memory_space<hbm>> -> memref<40x32xf32, #tpu.memory_space<hbm>>
    %dma_start3A_808 = arith.constant 0 : i32
    %dma_start3A_809 = tpu.memref_slice %arg7[%add3A_799, %dma_start3A_808] : memref<320000x32xf32, #tpu.memory_space<hbm>> -> memref<40x32xf32, #tpu.memory_space<hbm>>
    tpu.enqueue_dma source(%dma_start3A_809 : memref<40x32xf32, #tpu.memory_space<hbm>>) target(%arg21 : memref<40x32xf32, #tpu.memory_space<vmem>>) target_semaphore(%arg43 : memref<!tpu.dma_semaphore, #tpu.memory_space<semaphore_mem>>)
    %scan3A_810 = arith.constant 0 : i32
    %scan3A_811 = arith.constant 0 : i32
    %scan3A_812 = arith.constant 125 : i32
    %scan3A_813 = arith.addi %scan3A_811, %scan3A_812 : i32
    %scan3A_814 = arith.constant 1 : i32
    scf.for %scan3A_869 = %scan3A_811 to %scan3A_813 step %scan3A_814  : i32 {
      %mul3A_870 = arith.constant 2 : i32
      %mul3A_871 = arith.muli %mul3A_870, %scan3A_869 : i32
      %dma_wait3A_872 = arith.constant 0 : i32
      %dma_wait3A_873 = tpu.memref_slice %arg4[%dma_wait3A_872] : memref<320000xi32, #tpu.memory_space<hbm>> -> memref<40xi32, #tpu.memory_space<hbm>>
      %dma_wait3A_874 = arith.constant 0 : i32
      %dma_wait3A_875 = tpu.memref_slice %arg4[%dma_wait3A_874] : memref<320000xi32, #tpu.memory_space<hbm>> -> memref<40xi32, #tpu.memory_space<hbm>>
      tpu.wait_dma2 semaphore(%arg40 : memref<!tpu.dma_semaphore, #tpu.memory_space<semaphore_mem>>) src(%dma_wait3A_875 : memref<40xi32, #tpu.memory_space<hbm>>) dst(%arg18 : memref<40xi32, #tpu.memory_space<vmem>>)
      %dma_wait3A_876 = arith.constant 0 : i32
      %dma_wait3A_877 = tpu.memref_slice %arg5[%dma_wait3A_876] : memref<320000xi32, #tpu.memory_space<hbm>> -> memref<40xi32, #tpu.memory_space<hbm>>
      %dma_wait3A_878 = arith.constant 0 : i32
      %dma_wait3A_879 = tpu.memref_slice %arg5[%dma_wait3A_878] : memref<320000xi32, #tpu.memory_space<hbm>> -> memref<40xi32, #tpu.memory_space<hbm>>
      tpu.wait_dma2 semaphore(%arg41 : memref<!tpu.dma_semaphore, #tpu.memory_space<semaphore_mem>>) src(%dma_wait3A_879 : memref<40xi32, #tpu.memory_space<hbm>>) dst(%arg19 : memref<40xi32, #tpu.memory_space<vmem>>)
      %dma_wait3A_880 = arith.constant 0 : i32
      %dma_wait3A_881 = tpu.memref_slice %arg6[%dma_wait3A_880] : memref<320000xi32, #tpu.memory_space<hbm>> -> memref<40xi32, #tpu.memory_space<hbm>>
      %dma_wait3A_882 = arith.constant 0 : i32
      %dma_wait3A_883 = tpu.memref_slice %arg6[%dma_wait3A_882] : memref<320000xi32, #tpu.memory_space<hbm>> -> memref<40xi32, #tpu.memory_space<hbm>>
      tpu.wait_dma2 semaphore(%arg42 : memref<!tpu.dma_semaphore, #tpu.memory_space<semaphore_mem>>) src(%dma_wait3A_883 : memref<40xi32, #tpu.memory_space<hbm>>) dst(%arg20 : memref<40xi32, #tpu.memory_space<vmem>>)
      %dma_wait3A_884 = arith.constant 0 : i32
      %dma_wait3A_885 = arith.constant 0 : i32
      %dma_wait3A_886 = tpu.memref_slice %arg7[%dma_wait3A_884, %dma_wait3A_885] : memref<320000x32xf32, #tpu.memory_space<hbm>> -> memref<40x32xf32, #tpu.memory_space<hbm>>
      %dma_wait3A_887 = arith.constant 0 : i32
      %dma_wait3A_888 = arith.constant 0 : i32
      %dma_wait3A_889 = tpu.memref_slice %arg7[%dma_wait3A_887, %dma_wait3A_888] : memref<320000x32xf32, #tpu.memory_space<hbm>> -> memref<40x32xf32, #tpu.memory_space<hbm>>
      tpu.wait_dma2 semaphore(%arg43 : memref<!tpu.dma_semaphore, #tpu.memory_space<semaphore_mem>>) src(%dma_wait3A_889 : memref<40x32xf32, #tpu.memory_space<hbm>>) dst(%arg21 : memref<40x32xf32, #tpu.memory_space<vmem>>)
      %gt3A = arith.constant 0 : i32
      %gt3A_890 = arith.cmpi sgt, %scan3A_869, %gt3A : i32
      %convert_element_type3A_891 = arith.extui %gt3A_890 : i1 to i32
      %cond3A_892 = arith.constant 0 : i32
      %cond3A_893 = arith.cmpi ne, %convert_element_type3A_891, %cond3A_892 : i32
      scf.if %cond3A_893 {
        %dma_wait3A_1224 = arith.constant 4 : i32
        %dma_wait3A_1225 = arith.constant 0 : i32
        %dma_wait3A_1226 = tpu.memref_slice %arg24[%dma_wait3A_1224, %dma_wait3A_1225] : memref<5x40xi32, #tpu.memory_space<vmem>> -> memref<1x40xi32, #tpu.memory_space<vmem>>
        %dma_wait3A_1227 = tpu.memref_squeeze %dma_wait3A_1226 : memref<1x40xi32, #tpu.memory_space<vmem>> -> memref<40xi32, #tpu.memory_space<vmem>>
        %dma_wait3A_1228 = arith.constant 0 : i32
        %dma_wait3A_1229 = arith.constant 0 : i32
        %dma_wait3A_1230 = tpu.memref_slice %arg26[%dma_wait3A_1228, %dma_wait3A_1229] : memref<10000x128xf32, #tpu.memory_space<vmem_shared>> -> memref<10000x128xf32, #tpu.memory_space<vmem_shared>>
        tpu.wait_indirect_dma semaphore(%arg34 : memref<!tpu.dma_semaphore, #tpu.memory_space<semaphore_mem>>) src(%arg22 : memref<40x128xf32, #tpu.memory_space<vmem>>) dst(%dma_wait3A_1230 : memref<10000x128xf32, #tpu.memory_space<vmem_shared>>)
        %dma_wait3A_1231 = arith.constant 4 : i32
        %dma_wait3A_1232 = arith.constant 0 : i32
        %dma_wait3A_1233 = tpu.memref_slice %arg24[%dma_wait3A_1231, %dma_wait3A_1232] : memref<5x40xi32, #tpu.memory_space<vmem>> -> memref<1x40xi32, #tpu.memory_space<vmem>>
        %dma_wait3A_1234 = tpu.memref_squeeze %dma_wait3A_1233 : memref<1x40xi32, #tpu.memory_space<vmem>> -> memref<40xi32, #tpu.memory_space<vmem>>
        %dma_wait3A_1235 = arith.constant 0 : i32
        %dma_wait3A_1236 = arith.constant 0 : i32
        %dma_wait3A_1237 = tpu.memref_slice %arg27[%dma_wait3A_1235, %dma_wait3A_1236] : memref<625x128xf32, #tpu.memory_space<vmem_shared>> -> memref<625x128xf32, #tpu.memory_space<vmem_shared>>
        tpu.wait_indirect_dma semaphore(%arg35 : memref<!tpu.dma_semaphore, #tpu.memory_space<semaphore_mem>>) src(%arg23 : memref<40x128xf32, #tpu.memory_space<vmem>>) dst(%dma_wait3A_1237 : memref<625x128xf32, #tpu.memory_space<vmem_shared>>)
      } else {
      }
      %dma_start3A_894 = arith.constant 0 : i32
      %dma_start3A_895 = arith.constant 0 : i32
      %dma_start3A_896 = tpu.memref_slice %arg2[%dma_start3A_894, %dma_start3A_895] : memref<10000x128xf32, #tpu.memory_space<hbm>> -> memref<10000x128xf32, #tpu.memory_space<hbm>>
      tpu.enqueue_indirect_dma source(%dma_start3A_896 : memref<10000x128xf32, #tpu.memory_space<hbm>>) target(%arg22 : memref<40x128xf32, #tpu.memory_space<vmem>>) offsets(%arg18 : memref<40xi32, #tpu.memory_space<vmem>>) semaphore(%arg30 : memref<!tpu.dma_semaphore, #tpu.memory_space<semaphore_mem>>)
      %dma_start3A_897 = arith.constant 0 : i32
      %dma_start3A_898 = arith.constant 0 : i32
      %dma_start3A_899 = tpu.memref_slice %arg3[%dma_start3A_897, %dma_start3A_898] : memref<10000x128xf32, #tpu.memory_space<hbm>> -> memref<10000x128xf32, #tpu.memory_space<hbm>>
      tpu.enqueue_indirect_dma source(%dma_start3A_899 : memref<10000x128xf32, #tpu.memory_space<hbm>>) target(%arg23 : memref<40x128xf32, #tpu.memory_space<vmem>>) offsets(%arg19 : memref<40xi32, #tpu.memory_space<vmem>>) semaphore(%arg31 : memref<!tpu.dma_semaphore, #tpu.memory_space<semaphore_mem>>)
      %dma_wait3A_900 = arith.constant 0 : i32
      %dma_wait3A_901 = arith.constant 0 : i32
      %dma_wait3A_902 = tpu.memref_slice %arg2[%dma_wait3A_900, %dma_wait3A_901] : memref<10000x128xf32, #tpu.memory_space<hbm>> -> memref<10000x128xf32, #tpu.memory_space<hbm>>
      tpu.wait_indirect_dma semaphore(%arg28 : memref<!tpu.dma_semaphore, #tpu.memory_space<semaphore_mem>>) src(%dma_wait3A_902 : memref<10000x128xf32, #tpu.memory_space<hbm>>) dst(%arg16 : memref<40x128xf32, #tpu.memory_space<vmem>>)
      %dma_wait3A_903 = arith.constant 0 : i32
      %dma_wait3A_904 = arith.constant 0 : i32
      %dma_wait3A_905 = tpu.memref_slice %arg3[%dma_wait3A_903, %dma_wait3A_904] : memref<10000x128xf32, #tpu.memory_space<hbm>> -> memref<10000x128xf32, #tpu.memory_space<hbm>>
      tpu.wait_indirect_dma semaphore(%arg29 : memref<!tpu.dma_semaphore, #tpu.memory_space<semaphore_mem>>) src(%dma_wait3A_905 : memref<10000x128xf32, #tpu.memory_space<hbm>>) dst(%arg17 : memref<40x128xf32, #tpu.memory_space<vmem>>)
      %get3A = arith.constant 0 : index
      %get3A_906 = tpu.vector_load %arg13[%get3A] {strides = array<i32>} : memref<40xi32, #tpu.memory_space<vmem>>, vector<16xi32>,
      %get3A_907 = vector.shape_cast %get3A_906 : vector<16xi32> to vector<16xi32>
      %swap3A_908 = arith.constant 0 : i32
      %swap3A_909 = arith.index_cast %swap3A_908 : i32 to index
      %swap3A_910 = arith.constant 0 : index
      %swap3A_911 = tpu.vector_load %arg24[%swap3A_909, %swap3A_910] {strides = array<i32>} : memref<5x40xi32, #tpu.memory_space<vmem>>, vector<1x16xi32>,
      %swap3A_912 = vector.shape_cast %swap3A_911 : vector<1x16xi32> to vector<16xi32>
      %swap3A_913 = vector.shape_cast %get3A_907 : vector<16xi32> to vector<1x16xi32>
      tpu.vector_store %arg24[%swap3A_909, %swap3A_910], %swap3A_913 {strides = array<i32>} : memref<5x40xi32, #tpu.memory_space<vmem>>, vector<1x16xi32>,
      %get3A_914 = arith.constant 0 : index
      %get3A_915 = tpu.vector_load %arg14[%get3A_914] {strides = array<i32>} : memref<40xi32, #tpu.memory_space<vmem>>, vector<16xi32>,
      %get3A_916 = vector.shape_cast %get3A_915 : vector<16xi32> to vector<16xi32>
      %swap3A_917 = arith.constant 1 : i32
      %swap3A_918 = arith.index_cast %swap3A_917 : i32 to index
      %swap3A_919 = arith.constant 0 : index
      %swap3A_920 = tpu.vector_load %arg24[%swap3A_918, %swap3A_919] {strides = array<i32>} : memref<5x40xi32, #tpu.memory_space<vmem>>, vector<1x16xi32>,
      %swap3A_921 = vector.shape_cast %swap3A_920 : vector<1x16xi32> to vector<16xi32>
      %swap3A_922 = vector.shape_cast %get3A_916 : vector<16xi32> to vector<1x16xi32>
      tpu.vector_store %arg24[%swap3A_918, %swap3A_919], %swap3A_922 {strides = array<i32>} : memref<5x40xi32, #tpu.memory_space<vmem>>, vector<1x16xi32>,
      %get3A_923 = arith.constant 16 : index
      %get3A_924 = tpu.vector_load %arg13[%get3A_923] {strides = array<i32>} : memref<40xi32, #tpu.memory_space<vmem>>, vector<16xi32>,
      %get3A_925 = vector.shape_cast %get3A_924 : vector<16xi32> to vector<16xi32>
      %swap3A_926 = arith.constant 0 : i32
      %swap3A_927 = arith.index_cast %swap3A_926 : i32 to index
      %swap3A_928 = arith.constant 16 : index
      %swap3A_929 = tpu.vector_load %arg24[%swap3A_927, %swap3A_928] {strides = array<i32>} : memref<5x40xi32, #tpu.memory_space<vmem>>, vector<1x16xi32>,
      %swap3A_930 = vector.shape_cast %swap3A_929 : vector<1x16xi32> to vector<16xi32>
      %swap3A_931 = vector.shape_cast %get3A_925 : vector<16xi32> to vector<1x16xi32>
      tpu.vector_store %arg24[%swap3A_927, %swap3A_928], %swap3A_931 {strides = array<i32>} : memref<5x40xi32, #tpu.memory_space<vmem>>, vector<1x16xi32>,
      %get3A_932 = arith.constant 16 : index
      %get3A_933 = tpu.vector_load %arg14[%get3A_932] {strides = array<i32>} : memref<40xi32, #tpu.memory_space<vmem>>, vector<16xi32>,
      %get3A_934 = vector.shape_cast %get3A_933 : vector<16xi32> to vector<16xi32>
      %swap3A_935 = arith.constant 1 : i32
      %swap3A_936 = arith.index_cast %swap3A_935 : i32 to index
      %swap3A_937 = arith.constant 16 : index
      %swap3A_938 = tpu.vector_load %arg24[%swap3A_936, %swap3A_937] {strides = array<i32>} : memref<5x40xi32, #tpu.memory_space<vmem>>, vector<1x16xi32>,
      %swap3A_939 = vector.shape_cast %swap3A_938 : vector<1x16xi32> to vector<16xi32>
      %swap3A_940 = vector.shape_cast %get3A_934 : vector<16xi32> to vector<1x16xi32>
      tpu.vector_store %arg24[%swap3A_936, %swap3A_937], %swap3A_940 {strides = array<i32>} : memref<5x40xi32, #tpu.memory_space<vmem>>, vector<1x16xi32>,
      %get3A_941 = arith.constant 24 : index
      %get3A_942 = tpu.vector_load %arg13[%get3A_941] {strides = array<i32>} : memref<40xi32, #tpu.memory_space<vmem>>, vector<16xi32>,
      %get3A_943 = vector.shape_cast %get3A_942 : vector<16xi32> to vector<16xi32>
      %swap3A_944 = arith.constant 0 : i32
      %swap3A_945 = arith.index_cast %swap3A_944 : i32 to index
      %swap3A_946 = arith.constant 24 : index
      %swap3A_947 = tpu.vector_load %arg24[%swap3A_945, %swap3A_946] {strides = array<i32>} : memref<5x40xi32, #tpu.memory_space<vmem>>, vector<1x16xi32>,
      %swap3A_948 = vector.shape_cast %swap3A_947 : vector<1x16xi32> to vector<16xi32>
      %swap3A_949 = vector.shape_cast %get3A_943 : vector<16xi32> to vector<1x16xi32>
      tpu.vector_store %arg24[%swap3A_945, %swap3A_946], %swap3A_949 {strides = array<i32>} : memref<5x40xi32, #tpu.memory_space<vmem>>, vector<1x16xi32>,
      %get3A_950 = arith.constant 24 : index
      %get3A_951 = tpu.vector_load %arg14[%get3A_950] {strides = array<i32>} : memref<40xi32, #tpu.memory_space<vmem>>, vector<16xi32>,
      %get3A_952 = vector.shape_cast %get3A_951 : vector<16xi32> to vector<16xi32>
      %swap3A_953 = arith.constant 1 : i32
      %swap3A_954 = arith.index_cast %swap3A_953 : i32 to index
      %swap3A_955 = arith.constant 24 : index
      %swap3A_956 = tpu.vector_load %arg24[%swap3A_954, %swap3A_955] {strides = array<i32>} : memref<5x40xi32, #tpu.memory_space<vmem>>, vector<1x16xi32>,
      %swap3A_957 = vector.shape_cast %swap3A_956 : vector<1x16xi32> to vector<16xi32>
      %swap3A_958 = vector.shape_cast %get3A_952 : vector<16xi32> to vector<1x16xi32>
      tpu.vector_store %arg24[%swap3A_954, %swap3A_955], %swap3A_958 {strides = array<i32>} : memref<5x40xi32, #tpu.memory_space<vmem>>, vector<1x16xi32>,
      %get3A_959 = arith.constant 0 : index
      %get3A_960 = tpu.vector_load %arg25[%get3A_959] {strides = array<i32>} : memref<640xf32, #tpu.memory_space<vmem>>, vector<16xf32>,
      %get3A_961 = vector.shape_cast %get3A_960 : vector<16xf32> to vector<16xf32>
      %get3A_962 = arith.constant 16 : index
      %get3A_963 = tpu.vector_load %arg25[%get3A_962] {strides = array<i32>} : memref<640xf32, #tpu.memory_space<vmem>>, vector<16xf32>,
      %get3A_964 = vector.shape_cast %get3A_963 : vector<16xf32> to vector<16xf32>
      %get3A_965 = arith.constant 32 : index
      %get3A_966 = tpu.vector_load %arg25[%get3A_965] {strides = array<i32>} : memref<640xf32, #tpu.memory_space<vmem>>, vector<16xf32>,
      %get3A_967 = vector.shape_cast %get3A_966 : vector<16xf32> to vector<16xf32>
      %get3A_968 = arith.constant 48 : index
      %get3A_969 = tpu.vector_load %arg25[%get3A_968] {strides = array<i32>} : memref<640xf32, #tpu.memory_space<vmem>>, vector<16xf32>,
      %get3A_970 = vector.shape_cast %get3A_969 : vector<16xf32> to vector<16xf32>
      %get3A_971 = arith.constant 64 : index
      %get3A_972 = tpu.vector_load %arg25[%get3A_971] {strides = array<i32>} : memref<640xf32, #tpu.memory_space<vmem>>, vector<16xf32>,
      %get3A_973 = vector.shape_cast %get3A_972 : vector<16xf32> to vector<16xf32>
      %get3A_974 = arith.constant 80 : index
      %get3A_975 = tpu.vector_load %arg25[%get3A_974] {strides = array<i32>} : memref<640xf32, #tpu.memory_space<vmem>>, vector<16xf32>,
      %get3A_976 = vector.shape_cast %get3A_975 : vector<16xf32> to vector<16xf32>
      %get3A_977 = arith.constant 96 : index
      %get3A_978 = tpu.vector_load %arg25[%get3A_977] {strides = array<i32>} : memref<640xf32, #tpu.memory_space<vmem>>, vector<16xf32>,
      %get3A_979 = vector.shape_cast %get3A_978 : vector<16xf32> to vector<16xf32>
      %get3A_980 = arith.constant 112 : index
      %get3A_981 = tpu.vector_load %arg25[%get3A_980] {strides = array<i32>} : memref<640xf32, #tpu.memory_space<vmem>>, vector<16xf32>,
      %get3A_982 = vector.shape_cast %get3A_981 : vector<16xf32> to vector<16xf32>
      %get3A_983 = arith.constant 128 : index
      %get3A_984 = tpu.vector_load %arg25[%get3A_983] {strides = array<i32>} : memref<640xf32, #tpu.memory_space<vmem>>, vector<16xf32>,
      %get3A_985 = vector.shape_cast %get3A_984 : vector<16xf32> to vector<16xf32>
      %get3A_986 = arith.constant 144 : index
      %get3A_987 = tpu.vector_load %arg25[%get3A_986] {strides = array<i32>} : memref<640xf32, #tpu.memory_space<vmem>>, vector<16xf32>,
      %get3A_988 = vector.shape_cast %get3A_987 : vector<16xf32> to vector<16xf32>
      %get3A_989 = arith.constant 160 : index
      %get3A_990 = tpu.vector_load %arg25[%get3A_989] {strides = array<i32>} : memref<640xf32, #tpu.memory_space<vmem>>, vector<16xf32>,
      %get3A_991 = vector.shape_cast %get3A_990 : vector<16xf32> to vector<16xf32>
      %get3A_992 = arith.constant 176 : index
      %get3A_993 = tpu.vector_load %arg25[%get3A_992] {strides = array<i32>} : memref<640xf32, #tpu.memory_space<vmem>>, vector<16xf32>,
      %get3A_994 = vector.shape_cast %get3A_993 : vector<16xf32> to vector<16xf32>
      %get3A_995 = arith.constant 192 : index
      %get3A_996 = tpu.vector_load %arg25[%get3A_995] {strides = array<i32>} : memref<640xf32, #tpu.memory_space<vmem>>, vector<16xf32>,
      %get3A_997 = vector.shape_cast %get3A_996 : vector<16xf32> to vector<16xf32>
      %get3A_998 = arith.constant 208 : index
      %get3A_999 = tpu.vector_load %arg25[%get3A_998] {strides = array<i32>} : memref<640xf32, #tpu.memory_space<vmem>>, vector<16xf32>,
      %get3A_1000 = vector.shape_cast %get3A_999 : vector<16xf32> to vector<16xf32>
      %get3A_1001 = arith.constant 224 : index
      %get3A_1002 = tpu.vector_load %arg25[%get3A_1001] {strides = array<i32>} : memref<640xf32, #tpu.memory_space<vmem>>, vector<16xf32>,
      %get3A_1003 = vector.shape_cast %get3A_1002 : vector<16xf32> to vector<16xf32>
      %get3A_1004 = arith.constant 240 : index
      %get3A_1005 = tpu.vector_load %arg25[%get3A_1004] {strides = array<i32>} : memref<640xf32, #tpu.memory_space<vmem>>, vector<16xf32>,
      %get3A_1006 = vector.shape_cast %get3A_1005 : vector<16xf32> to vector<16xf32>
      %scan3A_1007 = arith.constant 0 : i32
      %scan3A_1008 = arith.constant 40 : i32
      %scan3A_1009 = arith.addi %scan3A_1007, %scan3A_1008 : i32
      %scan3A_1010 = arith.constant 1 : i32
      scf.for %scan3A_1224 = %scan3A_1007 to %scan3A_1009 step %scan3A_1010  : i32 {
        %get3A_1225 = arith.index_cast %scan3A_1224 : i32 to index
        %get3A_1226 = arith.constant 0 : index
        %get3A_1227 = tpu.vector_load %arg15[%get3A_1225, %get3A_1226] {strides = array<i32>} : memref<40x32xf32, #tpu.memory_space<vmem>>, vector<1x16xf32>,
        %get3A_1228 = vector.shape_cast %get3A_1227 : vector<1x16xf32> to vector<16xf32>
        %swap3A_1229 = arith.constant 384 : index
        %swap3A_1230 = tpu.vector_load %arg25[%swap3A_1229] {strides = array<i32>} : memref<640xf32, #tpu.memory_space<vmem>>, vector<16xf32>,
        %swap3A_1231 = vector.shape_cast %swap3A_1230 : vector<16xf32> to vector<16xf32>
        %swap3A_1232 = vector.shape_cast %get3A_1228 : vector<16xf32> to vector<16xf32>
        tpu.vector_store %arg25[%swap3A_1229], %swap3A_1232 {strides = array<i32>} : memref<640xf32, #tpu.memory_space<vmem>>, vector<16xf32>,
        %swap3A_1233 = arith.constant 400 : index
        %swap3A_1234 = tpu.vector_load %arg25[%swap3A_1233] {strides = array<i32>} : memref<640xf32, #tpu.memory_space<vmem>>, vector<16xf32>,
        %swap3A_1235 = vector.shape_cast %swap3A_1234 : vector<16xf32> to vector<16xf32>
        %swap3A_1236 = vector.shape_cast %get3A_1228 : vector<16xf32> to vector<16xf32>
        tpu.vector_store %arg25[%swap3A_1233], %swap3A_1236 {strides = array<i32>} : memref<640xf32, #tpu.memory_space<vmem>>, vector<16xf32>,
        %get3A_1237 = arith.constant 392 : index
        %get3A_1238 = tpu.vector_load %arg25[%get3A_1237] {strides = array<i32>} : memref<640xf32, #tpu.memory_space<vmem>>, vector<16xf32>,
        %get3A_1239 = vector.shape_cast %get3A_1238 : vector<16xf32> to vector<16xf32>
        %lt3A_1240 = arith.constant 8 : i32
        %lt3A_1241 = vector.broadcast %lt3A_1240 : i32 to vector<16xi32>
        %lt3A_1242 = arith.cmpi slt, %iota3A, %lt3A_1241 : vector<16xi32>
        %select_n3A = arith.select %lt3A_1242, %get3A_1228, %get3A_1239 : vector<16xi1>, vector<16xf32>
        %lt3A_1243 = arith.constant 8 : i32
        %lt3A_1244 = vector.broadcast %lt3A_1243 : i32 to vector<16xi32>
        %lt3A_1245 = arith.cmpi slt, %iota3A, %lt3A_1244 : vector<16xi32>
        %select_n3A_1246 = arith.select %lt3A_1245, %get3A_1239, %get3A_1228 : vector<16xi1>, vector<16xf32>
        %get3A_1247 = arith.index_cast %scan3A_1224 : i32 to index
        %get3A_1248 = arith.constant 16 : index
        %get3A_1249 = tpu.vector_load %arg15[%get3A_1247, %get3A_1248] {strides = array<i32>} : memref<40x32xf32, #tpu.memory_space<vmem>>, vector<1x16xf32>,
        %get3A_1250 = vector.shape_cast %get3A_1249 : vector<1x16xf32> to vector<16xf32>
        %get3A_1251 = arith.index_cast %scan3A_1224 : i32 to index
        %get3A_1252 = arith.constant 0 : index
        %get3A_1253 = tpu.vector_load %arg16[%get3A_1251, %get3A_1252] {strides = array<i32>} : memref<40x128xf32, #tpu.memory_space<vmem>>, vector<1x16xf32>,
        %get3A_1254 = vector.shape_cast %get3A_1253 : vector<1x16xf32> to vector<16xf32>
        %get3A_1255 = arith.index_cast %scan3A_1224 : i32 to index
        %get3A_1256 = arith.constant 0 : index
        %get3A_1257 = tpu.vector_load %arg17[%get3A_1255, %get3A_1256] {strides = array<i32>} : memref<40x128xf32, #tpu.memory_space<vmem>>, vector<1x16xf32>,
        %get3A_1258 = vector.shape_cast %get3A_1257 : vector<1x16xf32> to vector<16xf32>
        %add3A_1259 = arith.addf %get3A_1254, %get3A_1258 : vector<16xf32>
        %mul3A_1260 = arith.mulf %select_n3A, %get3A_961 : vector<16xf32>
        %add3A_1261 = arith.addf %add3A_1259, %mul3A_1260 : vector<16xf32>
        %mul3A_1262 = arith.constant 2.000000e-01 : f32
        %mul3A_1263 = vector.broadcast %mul3A_1262 : f32 to vector<16xf32>
        %mul3A_1264 = arith.mulf %mul3A_1263, %add3A_1261 : vector<16xf32>
        %max3A = arith.maximumf %add3A_1261, %mul3A_1264 : vector<16xf32>
        %mul3A_1265 = arith.mulf %max3A, %get3A_985 : vector<16xf32>
        %get3A_1266 = arith.index_cast %scan3A_1224 : i32 to index
        %get3A_1267 = arith.constant 16 : index
        %get3A_1268 = tpu.vector_load %arg16[%get3A_1266, %get3A_1267] {strides = array<i32>} : memref<40x128xf32, #tpu.memory_space<vmem>>, vector<1x16xf32>,
        %get3A_1269 = vector.shape_cast %get3A_1268 : vector<1x16xf32> to vector<16xf32>
        %get3A_1270 = arith.index_cast %scan3A_1224 : i32 to index
        %get3A_1271 = arith.constant 16 : index
        %get3A_1272 = tpu.vector_load %arg17[%get3A_1270, %get3A_1271] {strides = array<i32>} : memref<40x128xf32, #tpu.memory_space<vmem>>, vector<1x16xf32>,
        %get3A_1273 = vector.shape_cast %get3A_1272 : vector<1x16xf32> to vector<16xf32>
        %add3A_1274 = arith.addf %get3A_1269, %get3A_1273 : vector<16xf32>
        %mul3A_1275 = arith.mulf %select_n3A, %get3A_964 : vector<16xf32>
        %add3A_1276 = arith.addf %add3A_1274, %mul3A_1275 : vector<16xf32>
        %mul3A_1277 = arith.constant 2.000000e-01 : f32
        %mul3A_1278 = vector.broadcast %mul3A_1277 : f32 to vector<16xf32>
        %mul3A_1279 = arith.mulf %mul3A_1278, %add3A_1276 : vector<16xf32>
        %max3A_1280 = arith.maximumf %add3A_1276, %mul3A_1279 : vector<16xf32>
        %mul3A_1281 = arith.mulf %max3A_1280, %get3A_988 : vector<16xf32>
        %get3A_1282 = arith.index_cast %scan3A_1224 : i32 to index
        %get3A_1283 = arith.constant 32 : index
        %get3A_1284 = tpu.vector_load %arg16[%get3A_1282, %get3A_1283] {strides = array<i32>} : memref<40x128xf32, #tpu.memory_space<vmem>>, vector<1x16xf32>,
        %get3A_1285 = vector.shape_cast %get3A_1284 : vector<1x16xf32> to vector<16xf32>
        %get3A_1286 = arith.index_cast %scan3A_1224 : i32 to index
        %get3A_1287 = arith.constant 32 : index
        %get3A_1288 = tpu.vector_load %arg17[%get3A_1286, %get3A_1287] {strides = array<i32>} : memref<40x128xf32, #tpu.memory_space<vmem>>, vector<1x16xf32>,
        %get3A_1289 = vector.shape_cast %get3A_1288 : vector<1x16xf32> to vector<16xf32>
        %add3A_1290 = arith.addf %get3A_1285, %get3A_1289 : vector<16xf32>
        %mul3A_1291 = arith.mulf %select_n3A, %get3A_967 : vector<16xf32>
        %add3A_1292 = arith.addf %add3A_1290, %mul3A_1291 : vector<16xf32>
        %mul3A_1293 = arith.constant 2.000000e-01 : f32
        %mul3A_1294 = vector.broadcast %mul3A_1293 : f32 to vector<16xf32>
        %mul3A_1295 = arith.mulf %mul3A_1294, %add3A_1292 : vector<16xf32>
        %max3A_1296 = arith.maximumf %add3A_1292, %mul3A_1295 : vector<16xf32>
        %mul3A_1297 = arith.mulf %max3A_1296, %get3A_991 : vector<16xf32>
        %get3A_1298 = arith.index_cast %scan3A_1224 : i32 to index
        %get3A_1299 = arith.constant 48 : index
        %get3A_1300 = tpu.vector_load %arg16[%get3A_1298, %get3A_1299] {strides = array<i32>} : memref<40x128xf32, #tpu.memory_space<vmem>>, vector<1x16xf32>,
        %get3A_1301 = vector.shape_cast %get3A_1300 : vector<1x16xf32> to vector<16xf32>
        %get3A_1302 = arith.index_cast %scan3A_1224 : i32 to index
        %get3A_1303 = arith.constant 48 : index
        %get3A_1304 = tpu.vector_load %arg17[%get3A_1302, %get3A_1303] {strides = array<i32>} : memref<40x128xf32, #tpu.memory_space<vmem>>, vector<1x16xf32>,
        %get3A_1305 = vector.shape_cast %get3A_1304 : vector<1x16xf32> to vector<16xf32>
        %add3A_1306 = arith.addf %get3A_1301, %get3A_1305 : vector<16xf32>
        %mul3A_1307 = arith.mulf %select_n3A, %get3A_970 : vector<16xf32>
        %add3A_1308 = arith.addf %add3A_1306, %mul3A_1307 : vector<16xf32>
        %mul3A_1309 = arith.constant 2.000000e-01 : f32
        %mul3A_1310 = vector.broadcast %mul3A_1309 : f32 to vector<16xf32>
        %mul3A_1311 = arith.mulf %mul3A_1310, %add3A_1308 : vector<16xf32>
        %max3A_1312 = arith.maximumf %add3A_1308, %mul3A_1311 : vector<16xf32>
        %mul3A_1313 = arith.mulf %max3A_1312, %get3A_994 : vector<16xf32>
        %get3A_1314 = arith.index_cast %scan3A_1224 : i32 to index
        %get3A_1315 = arith.constant 64 : index
        %get3A_1316 = tpu.vector_load %arg16[%get3A_1314, %get3A_1315] {strides = array<i32>} : memref<40x128xf32, #tpu.memory_space<vmem>>, vector<1x16xf32>,
        %get3A_1317 = vector.shape_cast %get3A_1316 : vector<1x16xf32> to vector<16xf32>
        %get3A_1318 = arith.index_cast %scan3A_1224 : i32 to index
        %get3A_1319 = arith.constant 64 : index
        %get3A_1320 = tpu.vector_load %arg17[%get3A_1318, %get3A_1319] {strides = array<i32>} : memref<40x128xf32, #tpu.memory_space<vmem>>, vector<1x16xf32>,
        %get3A_1321 = vector.shape_cast %get3A_1320 : vector<1x16xf32> to vector<16xf32>
        %add3A_1322 = arith.addf %get3A_1317, %get3A_1321 : vector<16xf32>
        %mul3A_1323 = arith.mulf %select_n3A, %get3A_973 : vector<16xf32>
        %add3A_1324 = arith.addf %add3A_1322, %mul3A_1323 : vector<16xf32>
        %mul3A_1325 = arith.constant 2.000000e-01 : f32
        %mul3A_1326 = vector.broadcast %mul3A_1325 : f32 to vector<16xf32>
        %mul3A_1327 = arith.mulf %mul3A_1326, %add3A_1324 : vector<16xf32>
        %max3A_1328 = arith.maximumf %add3A_1324, %mul3A_1327 : vector<16xf32>
        %mul3A_1329 = arith.mulf %max3A_1328, %get3A_997 : vector<16xf32>
        %get3A_1330 = arith.index_cast %scan3A_1224 : i32 to index
        %get3A_1331 = arith.constant 80 : index
        %get3A_1332 = tpu.vector_load %arg16[%get3A_1330, %get3A_1331] {strides = array<i32>} : memref<40x128xf32, #tpu.memory_space<vmem>>, vector<1x16xf32>,
        %get3A_1333 = vector.shape_cast %get3A_1332 : vector<1x16xf32> to vector<16xf32>
        %get3A_1334 = arith.index_cast %scan3A_1224 : i32 to index
        %get3A_1335 = arith.constant 80 : index
        %get3A_1336 = tpu.vector_load %arg17[%get3A_1334, %get3A_1335] {strides = array<i32>} : memref<40x128xf32, #tpu.memory_space<vmem>>, vector<1x16xf32>,
        %get3A_1337 = vector.shape_cast %get3A_1336 : vector<1x16xf32> to vector<16xf32>
        %add3A_1338 = arith.addf %get3A_1333, %get3A_1337 : vector<16xf32>
        %mul3A_1339 = arith.mulf %select_n3A, %get3A_976 : vector<16xf32>
        %add3A_1340 = arith.addf %add3A_1338, %mul3A_1339 : vector<16xf32>
        %mul3A_1341 = arith.constant 2.000000e-01 : f32
        %mul3A_1342 = vector.broadcast %mul3A_1341 : f32 to vector<16xf32>
        %mul3A_1343 = arith.mulf %mul3A_1342, %add3A_1340 : vector<16xf32>
        %max3A_1344 = arith.maximumf %add3A_1340, %mul3A_1343 : vector<16xf32>
        %mul3A_1345 = arith.mulf %max3A_1344, %get3A_1000 : vector<16xf32>
        %get3A_1346 = arith.index_cast %scan3A_1224 : i32 to index
        %get3A_1347 = arith.constant 96 : index
        %get3A_1348 = tpu.vector_load %arg16[%get3A_1346, %get3A_1347] {strides = array<i32>} : memref<40x128xf32, #tpu.memory_space<vmem>>, vector<1x16xf32>,
        %get3A_1349 = vector.shape_cast %get3A_1348 : vector<1x16xf32> to vector<16xf32>
        %get3A_1350 = arith.index_cast %scan3A_1224 : i32 to index
        %get3A_1351 = arith.constant 96 : index
        %get3A_1352 = tpu.vector_load %arg17[%get3A_1350, %get3A_1351] {strides = array<i32>} : memref<40x128xf32, #tpu.memory_space<vmem>>, vector<1x16xf32>,
        %get3A_1353 = vector.shape_cast %get3A_1352 : vector<1x16xf32> to vector<16xf32>
        %add3A_1354 = arith.addf %get3A_1349, %get3A_1353 : vector<16xf32>
        %mul3A_1355 = arith.mulf %select_n3A, %get3A_979 : vector<16xf32>
        %add3A_1356 = arith.addf %add3A_1354, %mul3A_1355 : vector<16xf32>
        %mul3A_1357 = arith.constant 2.000000e-01 : f32
        %mul3A_1358 = vector.broadcast %mul3A_1357 : f32 to vector<16xf32>
        %mul3A_1359 = arith.mulf %mul3A_1358, %add3A_1356 : vector<16xf32>
        %max3A_1360 = arith.maximumf %add3A_1356, %mul3A_1359 : vector<16xf32>
        %mul3A_1361 = arith.mulf %max3A_1360, %get3A_1003 : vector<16xf32>
        %get3A_1362 = arith.index_cast %scan3A_1224 : i32 to index
        %get3A_1363 = arith.constant 112 : index
        %get3A_1364 = tpu.vector_load %arg16[%get3A_1362, %get3A_1363] {strides = array<i32>} : memref<40x128xf32, #tpu.memory_space<vmem>>, vector<1x16xf32>,
        %get3A_1365 = vector.shape_cast %get3A_1364 : vector<1x16xf32> to vector<16xf32>
        %get3A_1366 = arith.index_cast %scan3A_1224 : i32 to index
        %get3A_1367 = arith.constant 112 : index
        %get3A_1368 = tpu.vector_load %arg17[%get3A_1366, %get3A_1367] {strides = array<i32>} : memref<40x128xf32, #tpu.memory_space<vmem>>, vector<1x16xf32>,
        %get3A_1369 = vector.shape_cast %get3A_1368 : vector<1x16xf32> to vector<16xf32>
        %add3A_1370 = arith.addf %get3A_1365, %get3A_1369 : vector<16xf32>
        %mul3A_1371 = arith.mulf %select_n3A, %get3A_982 : vector<16xf32>
        %add3A_1372 = arith.addf %add3A_1370, %mul3A_1371 : vector<16xf32>
        %mul3A_1373 = arith.constant 2.000000e-01 : f32
        %mul3A_1374 = vector.broadcast %mul3A_1373 : f32 to vector<16xf32>
        %mul3A_1375 = arith.mulf %mul3A_1374, %add3A_1372 : vector<16xf32>
        %max3A_1376 = arith.maximumf %add3A_1372, %mul3A_1375 : vector<16xf32>
        %mul3A_1377 = arith.mulf %max3A_1376, %get3A_1006 : vector<16xf32>
        %add3A_1378 = arith.addf %mul3A_1265, %mul3A_1281 : vector<16xf32>
        %swap3A_1379 = arith.constant 256 : index
        %swap3A_1380 = tpu.vector_load %arg25[%swap3A_1379] {strides = array<i32>} : memref<640xf32, #tpu.memory_space<vmem>>, vector<16xf32>,
        %swap3A_1381 = vector.shape_cast %swap3A_1380 : vector<16xf32> to vector<16xf32>
        %swap3A_1382 = vector.shape_cast %add3A_1378 : vector<16xf32> to vector<16xf32>
        tpu.vector_store %arg25[%swap3A_1379], %swap3A_1382 {strides = array<i32>} : memref<640xf32, #tpu.memory_space<vmem>>, vector<16xf32>,
        %swap3A_1383 = arith.constant 272 : index
        %swap3A_1384 = tpu.vector_load %arg25[%swap3A_1383] {strides = array<i32>} : memref<640xf32, #tpu.memory_space<vmem>>, vector<16xf32>,
        %swap3A_1385 = vector.shape_cast %swap3A_1384 : vector<16xf32> to vector<16xf32>
        %swap3A_1386 = vector.shape_cast %add3A_1378 : vector<16xf32> to vector<16xf32>
        tpu.vector_store %arg25[%swap3A_1383], %swap3A_1386 {strides = array<i32>} : memref<640xf32, #tpu.memory_space<vmem>>, vector<16xf32>,
        %get3A_1387 = arith.constant 260 : index
        %get3A_1388 = tpu.vector_load %arg25[%get3A_1387] {strides = array<i32>} : memref<640xf32, #tpu.memory_space<vmem>>, vector<16xf32>,
        %get3A_1389 = vector.shape_cast %get3A_1388 : vector<16xf32> to vector<16xf32>
        %add3A_1390 = arith.addf %add3A_1378, %get3A_1389 : vector<16xf32>
        %get3A_1391 = arith.constant 264 : index
        %get3A_1392 = tpu.vector_load %arg25[%get3A_1391] {strides = array<i32>} : memref<640xf32, #tpu.memory_space<vmem>>, vector<16xf32>,
        %get3A_1393 = vector.shape_cast %get3A_1392 : vector<16xf32> to vector<16xf32>
        %add3A_1394 = arith.addf %add3A_1390, %get3A_1393 : vector<16xf32>
        %get3A_1395 = arith.constant 268 : index
        %get3A_1396 = tpu.vector_load %arg25[%get3A_1395] {strides = array<i32>} : memref<640xf32, #tpu.memory_space<vmem>>, vector<16xf32>,
        %get3A_1397 = vector.shape_cast %get3A_1396 : vector<16xf32> to vector<16xf32>
        %add3A_1398 = arith.addf %add3A_1394, %get3A_1397 : vector<16xf32>
        %swap3A_1399 = arith.constant 256 : index
        %swap3A_1400 = tpu.vector_load %arg25[%swap3A_1399] {strides = array<i32>} : memref<640xf32, #tpu.memory_space<vmem>>, vector<16xf32>,
        %swap3A_1401 = vector.shape_cast %swap3A_1400 : vector<16xf32> to vector<16xf32>
        %swap3A_1402 = vector.shape_cast %add3A_1398 : vector<16xf32> to vector<16xf32>
        tpu.vector_store %arg25[%swap3A_1399], %swap3A_1402 {strides = array<i32>} : memref<640xf32, #tpu.memory_space<vmem>>, vector<16xf32>,
        %swap3A_1403 = arith.constant 272 : index
        %swap3A_1404 = tpu.vector_load %arg25[%swap3A_1403] {strides = array<i32>} : memref<640xf32, #tpu.memory_space<vmem>>, vector<16xf32>,
        %swap3A_1405 = vector.shape_cast %swap3A_1404 : vector<16xf32> to vector<16xf32>
        %swap3A_1406 = vector.shape_cast %add3A_1398 : vector<16xf32> to vector<16xf32>
        tpu.vector_store %arg25[%swap3A_1403], %swap3A_1406 {strides = array<i32>} : memref<640xf32, #tpu.memory_space<vmem>>, vector<16xf32>,
        %get3A_1407 = arith.constant 257 : index
        %get3A_1408 = tpu.vector_load %arg25[%get3A_1407] {strides = array<i32>} : memref<640xf32, #tpu.memory_space<vmem>>, vector<16xf32>,
        %get3A_1409 = vector.shape_cast %get3A_1408 : vector<16xf32> to vector<16xf32>
        %add3A_1410 = arith.addf %add3A_1398, %get3A_1409 : vector<16xf32>
        %get3A_1411 = arith.constant 258 : index
        %get3A_1412 = tpu.vector_load %arg25[%get3A_1411] {strides = array<i32>} : memref<640xf32, #tpu.memory_space<vmem>>, vector<16xf32>,
        %get3A_1413 = vector.shape_cast %get3A_1412 : vector<16xf32> to vector<16xf32>
        %add3A_1414 = arith.addf %add3A_1410, %get3A_1413 : vector<16xf32>
        %get3A_1415 = arith.constant 259 : index
        %get3A_1416 = tpu.vector_load %arg25[%get3A_1415] {strides = array<i32>} : memref<640xf32, #tpu.memory_space<vmem>>, vector<16xf32>,
        %get3A_1417 = vector.shape_cast %get3A_1416 : vector<16xf32> to vector<16xf32>
        %add3A_1418 = arith.addf %add3A_1414, %get3A_1417 : vector<16xf32>
        %sub3A = arith.subf %add3A_1418, %get3A_1250 : vector<16xf32>
        %min3A_1419 = arith.constant 8.000000e+01 : f32
        %min3A_1420 = vector.broadcast %min3A_1419 : f32 to vector<16xf32>
        %min3A_1421 = arith.minimumf %sub3A, %min3A_1420 : vector<16xf32>
        %exp3A = math.exp %min3A_1421 : vector<16xf32>
        %add3A_1422 = arith.addf %mul3A_1297, %mul3A_1313 : vector<16xf32>
        %swap3A_1423 = arith.constant 288 : index
        %swap3A_1424 = tpu.vector_load %arg25[%swap3A_1423] {strides = array<i32>} : memref<640xf32, #tpu.memory_space<vmem>>, vector<16xf32>,
        %swap3A_1425 = vector.shape_cast %swap3A_1424 : vector<16xf32> to vector<16xf32>
        %swap3A_1426 = vector.shape_cast %add3A_1422 : vector<16xf32> to vector<16xf32>
        tpu.vector_store %arg25[%swap3A_1423], %swap3A_1426 {strides = array<i32>} : memref<640xf32, #tpu.memory_space<vmem>>, vector<16xf32>,
        %swap3A_1427 = arith.constant 304 : index
        %swap3A_1428 = tpu.vector_load %arg25[%swap3A_1427] {strides = array<i32>} : memref<640xf32, #tpu.memory_space<vmem>>, vector<16xf32>,
        %swap3A_1429 = vector.shape_cast %swap3A_1428 : vector<16xf32> to vector<16xf32>
        %swap3A_1430 = vector.shape_cast %add3A_1422 : vector<16xf32> to vector<16xf32>
        tpu.vector_store %arg25[%swap3A_1427], %swap3A_1430 {strides = array<i32>} : memref<640xf32, #tpu.memory_space<vmem>>, vector<16xf32>,
        %get3A_1431 = arith.constant 292 : index
        %get3A_1432 = tpu.vector_load %arg25[%get3A_1431] {strides = array<i32>} : memref<640xf32, #tpu.memory_space<vmem>>, vector<16xf32>,
        %get3A_1433 = vector.shape_cast %get3A_1432 : vector<16xf32> to vector<16xf32>
        %add3A_1434 = arith.addf %add3A_1422, %get3A_1433 : vector<16xf32>
        %get3A_1435 = arith.constant 296 : index
        %get3A_1436 = tpu.vector_load %arg25[%get3A_1435] {strides = array<i32>} : memref<640xf32, #tpu.memory_space<vmem>>, vector<16xf32>,
        %get3A_1437 = vector.shape_cast %get3A_1436 : vector<16xf32> to vector<16xf32>
        %add3A_1438 = arith.addf %add3A_1434, %get3A_1437 : vector<16xf32>
        %get3A_1439 = arith.constant 300 : index
        %get3A_1440 = tpu.vector_load %arg25[%get3A_1439] {strides = array<i32>} : memref<640xf32, #tpu.memory_space<vmem>>, vector<16xf32>,
        %get3A_1441 = vector.shape_cast %get3A_1440 : vector<16xf32> to vector<16xf32>
        %add3A_1442 = arith.addf %add3A_1438, %get3A_1441 : vector<16xf32>
        %swap3A_1443 = arith.constant 288 : index
        %swap3A_1444 = tpu.vector_load %arg25[%swap3A_1443] {strides = array<i32>} : memref<640xf32, #tpu.memory_space<vmem>>, vector<16xf32>,
        %swap3A_1445 = vector.shape_cast %swap3A_1444 : vector<16xf32> to vector<16xf32>
        %swap3A_1446 = vector.shape_cast %add3A_1442 : vector<16xf32> to vector<16xf32>
        tpu.vector_store %arg25[%swap3A_1443], %swap3A_1446 {strides = array<i32>} : memref<640xf32, #tpu.memory_space<vmem>>, vector<16xf32>,
        %swap3A_1447 = arith.constant 304 : index
        %swap3A_1448 = tpu.vector_load %arg25[%swap3A_1447] {strides = array<i32>} : memref<640xf32, #tpu.memory_space<vmem>>, vector<16xf32>,
        %swap3A_1449 = vector.shape_cast %swap3A_1448 : vector<16xf32> to vector<16xf32>
        %swap3A_1450 = vector.shape_cast %add3A_1442 : vector<16xf32> to vector<16xf32>
        tpu.vector_store %arg25[%swap3A_1447], %swap3A_1450 {strides = array<i32>} : memref<640xf32, #tpu.memory_space<vmem>>, vector<16xf32>,
        %get3A_1451 = arith.constant 289 : index
        %get3A_1452 = tpu.vector_load %arg25[%get3A_1451] {strides = array<i32>} : memref<640xf32, #tpu.memory_space<vmem>>, vector<16xf32>,
        %get3A_1453 = vector.shape_cast %get3A_1452 : vector<16xf32> to vector<16xf32>
        %add3A_1454 = arith.addf %add3A_1442, %get3A_1453 : vector<16xf32>
        %get3A_1455 = arith.constant 290 : index
        %get3A_1456 = tpu.vector_load %arg25[%get3A_1455] {strides = array<i32>} : memref<640xf32, #tpu.memory_space<vmem>>, vector<16xf32>,
        %get3A_1457 = vector.shape_cast %get3A_1456 : vector<16xf32> to vector<16xf32>
        %add3A_1458 = arith.addf %add3A_1454, %get3A_1457 : vector<16xf32>
        %get3A_1459 = arith.constant 291 : index
        %get3A_1460 = tpu.vector_load %arg25[%get3A_1459] {strides = array<i32>} : memref<640xf32, #tpu.memory_space<vmem>>, vector<16xf32>,
        %get3A_1461 = vector.shape_cast %get3A_1460 : vector<16xf32> to vector<16xf32>
        %add3A_1462 = arith.addf %add3A_1458, %get3A_1461 : vector<16xf32>
        %sub3A_1463 = arith.subf %add3A_1462, %get3A_1250 : vector<16xf32>
        %min3A_1464 = arith.constant 8.000000e+01 : f32
        %min3A_1465 = vector.broadcast %min3A_1464 : f32 to vector<16xf32>
        %min3A_1466 = arith.minimumf %sub3A_1463, %min3A_1465 : vector<16xf32>
        %exp3A_1467 = math.exp %min3A_1466 : vector<16xf32>
        %add3A_1468 = arith.addf %mul3A_1329, %mul3A_1345 : vector<16xf32>
        %swap3A_1469 = arith.constant 320 : index
        %swap3A_1470 = tpu.vector_load %arg25[%swap3A_1469] {strides = array<i32>} : memref<640xf32, #tpu.memory_space<vmem>>, vector<16xf32>,
        %swap3A_1471 = vector.shape_cast %swap3A_1470 : vector<16xf32> to vector<16xf32>
        %swap3A_1472 = vector.shape_cast %add3A_1468 : vector<16xf32> to vector<16xf32>
        tpu.vector_store %arg25[%swap3A_1469], %swap3A_1472 {strides = array<i32>} : memref<640xf32, #tpu.memory_space<vmem>>, vector<16xf32>,
        %swap3A_1473 = arith.constant 336 : index
        %swap3A_1474 = tpu.vector_load %arg25[%swap3A_1473] {strides = array<i32>} : memref<640xf32, #tpu.memory_space<vmem>>, vector<16xf32>,
        %swap3A_1475 = vector.shape_cast %swap3A_1474 : vector<16xf32> to vector<16xf32>
        %swap3A_1476 = vector.shape_cast %add3A_1468 : vector<16xf32> to vector<16xf32>
        tpu.vector_store %arg25[%swap3A_1473], %swap3A_1476 {strides = array<i32>} : memref<640xf32, #tpu.memory_space<vmem>>, vector<16xf32>,
        %get3A_1477 = arith.constant 324 : index
        %get3A_1478 = tpu.vector_load %arg25[%get3A_1477] {strides = array<i32>} : memref<640xf32, #tpu.memory_space<vmem>>, vector<16xf32>,
        %get3A_1479 = vector.shape_cast %get3A_1478 : vector<16xf32> to vector<16xf32>
        %add3A_1480 = arith.addf %add3A_1468, %get3A_1479 : vector<16xf32>
        %get3A_1481 = arith.constant 328 : index
        %get3A_1482 = tpu.vector_load %arg25[%get3A_1481] {strides = array<i32>} : memref<640xf32, #tpu.memory_space<vmem>>, vector<16xf32>,
        %get3A_1483 = vector.shape_cast %get3A_1482 : vector<16xf32> to vector<16xf32>
        %add3A_1484 = arith.addf %add3A_1480, %get3A_1483 : vector<16xf32>
        %get3A_1485 = arith.constant 332 : index
        %get3A_1486 = tpu.vector_load %arg25[%get3A_1485] {strides = array<i32>} : memref<640xf32, #tpu.memory_space<vmem>>, vector<16xf32>,
        %get3A_1487 = vector.shape_cast %get3A_1486 : vector<16xf32> to vector<16xf32>
        %add3A_1488 = arith.addf %add3A_1484, %get3A_1487 : vector<16xf32>
        %swap3A_1489 = arith.constant 320 : index
        %swap3A_1490 = tpu.vector_load %arg25[%swap3A_1489] {strides = array<i32>} : memref<640xf32, #tpu.memory_space<vmem>>, vector<16xf32>,
        %swap3A_1491 = vector.shape_cast %swap3A_1490 : vector<16xf32> to vector<16xf32>
        %swap3A_1492 = vector.shape_cast %add3A_1488 : vector<16xf32> to vector<16xf32>
        tpu.vector_store %arg25[%swap3A_1489], %swap3A_1492 {strides = array<i32>} : memref<640xf32, #tpu.memory_space<vmem>>, vector<16xf32>,
        %swap3A_1493 = arith.constant 336 : index
        %swap3A_1494 = tpu.vector_load %arg25[%swap3A_1493] {strides = array<i32>} : memref<640xf32, #tpu.memory_space<vmem>>, vector<16xf32>,
        %swap3A_1495 = vector.shape_cast %swap3A_1494 : vector<16xf32> to vector<16xf32>
        %swap3A_1496 = vector.shape_cast %add3A_1488 : vector<16xf32> to vector<16xf32>
        tpu.vector_store %arg25[%swap3A_1493], %swap3A_1496 {strides = array<i32>} : memref<640xf32, #tpu.memory_space<vmem>>, vector<16xf32>,
        %get3A_1497 = arith.constant 321 : index
        %get3A_1498 = tpu.vector_load %arg25[%get3A_1497] {strides = array<i32>} : memref<640xf32, #tpu.memory_space<vmem>>, vector<16xf32>,
        %get3A_1499 = vector.shape_cast %get3A_1498 : vector<16xf32> to vector<16xf32>
        %add3A_1500 = arith.addf %add3A_1488, %get3A_1499 : vector<16xf32>
        %get3A_1501 = arith.constant 322 : index
        %get3A_1502 = tpu.vector_load %arg25[%get3A_1501] {strides = array<i32>} : memref<640xf32, #tpu.memory_space<vmem>>, vector<16xf32>,
        %get3A_1503 = vector.shape_cast %get3A_1502 : vector<16xf32> to vector<16xf32>
        %add3A_1504 = arith.addf %add3A_1500, %get3A_1503 : vector<16xf32>
        %get3A_1505 = arith.constant 323 : index
        %get3A_1506 = tpu.vector_load %arg25[%get3A_1505] {strides = array<i32>} : memref<640xf32, #tpu.memory_space<vmem>>, vector<16xf32>,
        %get3A_1507 = vector.shape_cast %get3A_1506 : vector<16xf32> to vector<16xf32>
        %add3A_1508 = arith.addf %add3A_1504, %get3A_1507 : vector<16xf32>
        %sub3A_1509 = arith.subf %add3A_1508, %get3A_1250 : vector<16xf32>
        %min3A_1510 = arith.constant 8.000000e+01 : f32
        %min3A_1511 = vector.broadcast %min3A_1510 : f32 to vector<16xf32>
        %min3A_1512 = arith.minimumf %sub3A_1509, %min3A_1511 : vector<16xf32>
        %exp3A_1513 = math.exp %min3A_1512 : vector<16xf32>
        %add3A_1514 = arith.addf %mul3A_1361, %mul3A_1377 : vector<16xf32>
        %swap3A_1515 = arith.constant 352 : index
        %swap3A_1516 = tpu.vector_load %arg25[%swap3A_1515] {strides = array<i32>} : memref<640xf32, #tpu.memory_space<vmem>>, vector<16xf32>,
        %swap3A_1517 = vector.shape_cast %swap3A_1516 : vector<16xf32> to vector<16xf32>
        %swap3A_1518 = vector.shape_cast %add3A_1514 : vector<16xf32> to vector<16xf32>
        tpu.vector_store %arg25[%swap3A_1515], %swap3A_1518 {strides = array<i32>} : memref<640xf32, #tpu.memory_space<vmem>>, vector<16xf32>,
        %swap3A_1519 = arith.constant 368 : index
        %swap3A_1520 = tpu.vector_load %arg25[%swap3A_1519] {strides = array<i32>} : memref<640xf32, #tpu.memory_space<vmem>>, vector<16xf32>,
        %swap3A_1521 = vector.shape_cast %swap3A_1520 : vector<16xf32> to vector<16xf32>
        %swap3A_1522 = vector.shape_cast %add3A_1514 : vector<16xf32> to vector<16xf32>
        tpu.vector_store %arg25[%swap3A_1519], %swap3A_1522 {strides = array<i32>} : memref<640xf32, #tpu.memory_space<vmem>>, vector<16xf32>,
        %get3A_1523 = arith.constant 356 : index
        %get3A_1524 = tpu.vector_load %arg25[%get3A_1523] {strides = array<i32>} : memref<640xf32, #tpu.memory_space<vmem>>, vector<16xf32>,
        %get3A_1525 = vector.shape_cast %get3A_1524 : vector<16xf32> to vector<16xf32>
        %add3A_1526 = arith.addf %add3A_1514, %get3A_1525 : vector<16xf32>
        %get3A_1527 = arith.constant 360 : index
        %get3A_1528 = tpu.vector_load %arg25[%get3A_1527] {strides = array<i32>} : memref<640xf32, #tpu.memory_space<vmem>>, vector<16xf32>,
        %get3A_1529 = vector.shape_cast %get3A_1528 : vector<16xf32> to vector<16xf32>
        %add3A_1530 = arith.addf %add3A_1526, %get3A_1529 : vector<16xf32>
        %get3A_1531 = arith.constant 364 : index
        %get3A_1532 = tpu.vector_load %arg25[%get3A_1531] {strides = array<i32>} : memref<640xf32, #tpu.memory_space<vmem>>, vector<16xf32>,
        %get3A_1533 = vector.shape_cast %get3A_1532 : vector<16xf32> to vector<16xf32>
        %add3A_1534 = arith.addf %add3A_1530, %get3A_1533 : vector<16xf32>
        %swap3A_1535 = arith.constant 352 : index
        %swap3A_1536 = tpu.vector_load %arg25[%swap3A_1535] {strides = array<i32>} : memref<640xf32, #tpu.memory_space<vmem>>, vector<16xf32>,
        %swap3A_1537 = vector.shape_cast %swap3A_1536 : vector<16xf32> to vector<16xf32>
        %swap3A_1538 = vector.shape_cast %add3A_1534 : vector<16xf32> to vector<16xf32>
        tpu.vector_store %arg25[%swap3A_1535], %swap3A_1538 {strides = array<i32>} : memref<640xf32, #tpu.memory_space<vmem>>, vector<16xf32>,
        %swap3A_1539 = arith.constant 368 : index
        %swap3A_1540 = tpu.vector_load %arg25[%swap3A_1539] {strides = array<i32>} : memref<640xf32, #tpu.memory_space<vmem>>, vector<16xf32>,
        %swap3A_1541 = vector.shape_cast %swap3A_1540 : vector<16xf32> to vector<16xf32>
        %swap3A_1542 = vector.shape_cast %add3A_1534 : vector<16xf32> to vector<16xf32>
        tpu.vector_store %arg25[%swap3A_1539], %swap3A_1542 {strides = array<i32>} : memref<640xf32, #tpu.memory_space<vmem>>, vector<16xf32>,
        %get3A_1543 = arith.constant 353 : index
        %get3A_1544 = tpu.vector_load %arg25[%get3A_1543] {strides = array<i32>} : memref<640xf32, #tpu.memory_space<vmem>>, vector<16xf32>,
        %get3A_1545 = vector.shape_cast %get3A_1544 : vector<16xf32> to vector<16xf32>
        %add3A_1546 = arith.addf %add3A_1534, %get3A_1545 : vector<16xf32>
        %get3A_1547 = arith.constant 354 : index
        %get3A_1548 = tpu.vector_load %arg25[%get3A_1547] {strides = array<i32>} : memref<640xf32, #tpu.memory_space<vmem>>, vector<16xf32>,
        %get3A_1549 = vector.shape_cast %get3A_1548 : vector<16xf32> to vector<16xf32>
        %add3A_1550 = arith.addf %add3A_1546, %get3A_1549 : vector<16xf32>
        %get3A_1551 = arith.constant 355 : index
        %get3A_1552 = tpu.vector_load %arg25[%get3A_1551] {strides = array<i32>} : memref<640xf32, #tpu.memory_space<vmem>>, vector<16xf32>,
        %get3A_1553 = vector.shape_cast %get3A_1552 : vector<16xf32> to vector<16xf32>
        %add3A_1554 = arith.addf %add3A_1550, %get3A_1553 : vector<16xf32>
        %sub3A_1555 = arith.subf %add3A_1554, %get3A_1250 : vector<16xf32>
        %min3A_1556 = arith.constant 8.000000e+01 : f32
        %min3A_1557 = vector.broadcast %min3A_1556 : f32 to vector<16xf32>
        %min3A_1558 = arith.minimumf %sub3A_1555, %min3A_1557 : vector<16xf32>
        %exp3A_1559 = math.exp %min3A_1558 : vector<16xf32>
        %eq3A_1560 = arith.constant 0 : i32
        %eq3A_1561 = vector.broadcast %eq3A_1560 : i32 to vector<16xi32>
        %eq3A_1562 = arith.cmpi eq, %iota3A, %eq3A_1561 : vector<16xi32>
        %jit3A = arith.constant 0.000000e+00 : f32
        %broadcast_in_dim3A_1563 = vector.broadcast %jit3A : f32 to vector<16xf32>
        %select_n3A_1564 = arith.select %eq3A_1562, %exp3A, %broadcast_in_dim3A_1563 : vector<16xi1>, vector<16xf32>
        %add3A_1565 = arith.addf %broadcast_in_dim3A_1, %select_n3A_1564 : vector<16xf32>
        %eq3A_1566 = arith.constant 1 : i32
        %eq3A_1567 = vector.broadcast %eq3A_1566 : i32 to vector<16xi32>
        %eq3A_1568 = arith.cmpi eq, %iota3A, %eq3A_1567 : vector<16xi32>
        %jit3A_1569 = arith.constant 0.000000e+00 : f32
        %broadcast_in_dim3A_1570 = vector.broadcast %jit3A_1569 : f32 to vector<16xf32>
        %select_n3A_1571 = arith.select %eq3A_1568, %exp3A_1467, %broadcast_in_dim3A_1570 : vector<16xi1>, vector<16xf32>
        %add3A_1572 = arith.addf %add3A_1565, %select_n3A_1571 : vector<16xf32>
        %eq3A_1573 = arith.constant 2 : i32
        %eq3A_1574 = vector.broadcast %eq3A_1573 : i32 to vector<16xi32>
        %eq3A_1575 = arith.cmpi eq, %iota3A, %eq3A_1574 : vector<16xi32>
        %jit3A_1576 = arith.constant 0.000000e+00 : f32
        %broadcast_in_dim3A_1577 = vector.broadcast %jit3A_1576 : f32 to vector<16xf32>
        %select_n3A_1578 = arith.select %eq3A_1575, %exp3A_1513, %broadcast_in_dim3A_1577 : vector<16xi1>, vector<16xf32>
        %add3A_1579 = arith.addf %add3A_1572, %select_n3A_1578 : vector<16xf32>
        %eq3A_1580 = arith.constant 3 : i32
        %eq3A_1581 = vector.broadcast %eq3A_1580 : i32 to vector<16xi32>
        %eq3A_1582 = arith.cmpi eq, %iota3A, %eq3A_1581 : vector<16xi32>
        %jit3A_1583 = arith.constant 0.000000e+00 : f32
        %broadcast_in_dim3A_1584 = vector.broadcast %jit3A_1583 : f32 to vector<16xf32>
        %select_n3A_1585 = arith.select %eq3A_1582, %exp3A_1559, %broadcast_in_dim3A_1584 : vector<16xi1>, vector<16xf32>
        %add3A_1586 = arith.addf %add3A_1579, %select_n3A_1585 : vector<16xf32>
        %swap3A_1587 = arith.constant 384 : index
        %swap3A_1588 = tpu.vector_load %arg25[%swap3A_1587] {strides = array<i32>} : memref<640xf32, #tpu.memory_space<vmem>>, vector<16xf32>,
        %swap3A_1589 = vector.shape_cast %swap3A_1588 : vector<16xf32> to vector<16xf32>
        %swap3A_1590 = vector.shape_cast %add3A_1586 : vector<16xf32> to vector<16xf32>
        tpu.vector_store %arg25[%swap3A_1587], %swap3A_1590 {strides = array<i32>} : memref<640xf32, #tpu.memory_space<vmem>>, vector<16xf32>,
        %swap3A_1591 = arith.constant 400 : index
        %swap3A_1592 = tpu.vector_load %arg25[%swap3A_1591] {strides = array<i32>} : memref<640xf32, #tpu.memory_space<vmem>>, vector<16xf32>,
        %swap3A_1593 = vector.shape_cast %swap3A_1592 : vector<16xf32> to vector<16xf32>
        %swap3A_1594 = vector.shape_cast %add3A_1586 : vector<16xf32> to vector<16xf32>
        tpu.vector_store %arg25[%swap3A_1591], %swap3A_1594 {strides = array<i32>} : memref<640xf32, #tpu.memory_space<vmem>>, vector<16xf32>,
        %get3A_1595 = arith.constant 392 : index
        %get3A_1596 = tpu.vector_load %arg25[%get3A_1595] {strides = array<i32>} : memref<640xf32, #tpu.memory_space<vmem>>, vector<16xf32>,
        %get3A_1597 = vector.shape_cast %get3A_1596 : vector<16xf32> to vector<16xf32>
        %eq3A_1598 = arith.constant 0.000000e+00 : f32
        %eq3A_1599 = vector.broadcast %eq3A_1598 : f32 to vector<16xf32>
        %eq3A_1600 = arith.cmpf oeq, %select_n3A_1246, %eq3A_1599 : vector<16xf32>
        %jit3A_1601 = arith.constant 0.000000e+00 : f32
        %broadcast_in_dim3A_1602 = vector.broadcast %jit3A_1601 : f32 to vector<16xf32>
        %select_n3A_1603 = arith.select %eq3A_1600, %add3A_1586, %broadcast_in_dim3A_1602 : vector<16xi1>, vector<16xf32>
        %eq3A_1604 = arith.constant 1.000000e+00 : f32
        %eq3A_1605 = vector.broadcast %eq3A_1604 : f32 to vector<16xf32>
        %eq3A_1606 = arith.cmpf oeq, %select_n3A_1246, %eq3A_1605 : vector<16xf32>
        %jit3A_1607 = arith.constant 0.000000e+00 : f32
        %broadcast_in_dim3A_1608 = vector.broadcast %jit3A_1607 : f32 to vector<16xf32>
        %select_n3A_1609 = arith.select %eq3A_1606, %get3A_1597, %broadcast_in_dim3A_1608 : vector<16xi1>, vector<16xf32>
        %add3A_1610 = arith.addf %select_n3A_1603, %select_n3A_1609 : vector<16xf32>
        %swap3A_1611 = arith.index_cast %scan3A_1224 : i32 to index
        %swap3A_1612 = arith.constant 0 : index
        %swap3A_1613 = tpu.vector_load %arg17[%swap3A_1611, %swap3A_1612] {strides = array<i32>} : memref<40x128xf32, #tpu.memory_space<vmem>>, vector<1x16xf32>,
        %swap3A_1614 = vector.shape_cast %swap3A_1613 : vector<1x16xf32> to vector<16xf32>
        %swap3A_1615 = vector.shape_cast %add3A_1610 : vector<16xf32> to vector<1x16xf32>
        tpu.vector_store %arg17[%swap3A_1611, %swap3A_1612], %swap3A_1615 {strides = array<i32>} : memref<40x128xf32, #tpu.memory_space<vmem>>, vector<1x16xf32>,
        %eq3A_1616 = arith.constant 2.000000e+00 : f32
        %eq3A_1617 = vector.broadcast %eq3A_1616 : f32 to vector<16xf32>
        %eq3A_1618 = arith.cmpf oeq, %select_n3A_1246, %eq3A_1617 : vector<16xf32>
        %jit3A_1619 = arith.constant 0.000000e+00 : f32
        %broadcast_in_dim3A_1620 = vector.broadcast %jit3A_1619 : f32 to vector<16xf32>
        %select_n3A_1621 = arith.select %eq3A_1618, %add3A_1586, %broadcast_in_dim3A_1620 : vector<16xi1>, vector<16xf32>
        %eq3A_1622 = arith.constant 3.000000e+00 : f32
        %eq3A_1623 = vector.broadcast %eq3A_1622 : f32 to vector<16xf32>
        %eq3A_1624 = arith.cmpf oeq, %select_n3A_1246, %eq3A_1623 : vector<16xf32>
        %jit3A_1625 = arith.constant 0.000000e+00 : f32
        %broadcast_in_dim3A_1626 = vector.broadcast %jit3A_1625 : f32 to vector<16xf32>
        %select_n3A_1627 = arith.select %eq3A_1624, %get3A_1597, %broadcast_in_dim3A_1626 : vector<16xi1>, vector<16xf32>
        %add3A_1628 = arith.addf %select_n3A_1621, %select_n3A_1627 : vector<16xf32>
        %swap3A_1629 = arith.index_cast %scan3A_1224 : i32 to index
        %swap3A_1630 = arith.constant 16 : index
        %swap3A_1631 = tpu.vector_load %arg17[%swap3A_1629, %swap3A_1630] {strides = array<i32>} : memref<40x128xf32, #tpu.memory_space<vmem>>, vector<1x16xf32>,
        %swap3A_1632 = vector.shape_cast %swap3A_1631 : vector<1x16xf32> to vector<16xf32>
        %swap3A_1633 = vector.shape_cast %add3A_1628 : vector<16xf32> to vector<1x16xf32>
        tpu.vector_store %arg17[%swap3A_1629, %swap3A_1630], %swap3A_1633 {strides = array<i32>} : memref<40x128xf32, #tpu.memory_space<vmem>>, vector<1x16xf32>,
        %eq3A_1634 = arith.constant 4.000000e+00 : f32
        %eq3A_1635 = vector.broadcast %eq3A_1634 : f32 to vector<16xf32>
        %eq3A_1636 = arith.cmpf oeq, %select_n3A_1246, %eq3A_1635 : vector<16xf32>
        %jit3A_1637 = arith.constant 0.000000e+00 : f32
        %broadcast_in_dim3A_1638 = vector.broadcast %jit3A_1637 : f32 to vector<16xf32>
        %select_n3A_1639 = arith.select %eq3A_1636, %add3A_1586, %broadcast_in_dim3A_1638 : vector<16xi1>, vector<16xf32>
        %eq3A_1640 = arith.constant 5.000000e+00 : f32
        %eq3A_1641 = vector.broadcast %eq3A_1640 : f32 to vector<16xf32>
        %eq3A_1642 = arith.cmpf oeq, %select_n3A_1246, %eq3A_1641 : vector<16xf32>
        %jit3A_1643 = arith.constant 0.000000e+00 : f32
        %broadcast_in_dim3A_1644 = vector.broadcast %jit3A_1643 : f32 to vector<16xf32>
        %select_n3A_1645 = arith.select %eq3A_1642, %get3A_1597, %broadcast_in_dim3A_1644 : vector<16xi1>, vector<16xf32>
        %add3A_1646 = arith.addf %select_n3A_1639, %select_n3A_1645 : vector<16xf32>
        %swap3A_1647 = arith.index_cast %scan3A_1224 : i32 to index
        %swap3A_1648 = arith.constant 32 : index
        %swap3A_1649 = tpu.vector_load %arg17[%swap3A_1647, %swap3A_1648] {strides = array<i32>} : memref<40x128xf32, #tpu.memory_space<vmem>>, vector<1x16xf32>,
        %swap3A_1650 = vector.shape_cast %swap3A_1649 : vector<1x16xf32> to vector<16xf32>
        %swap3A_1651 = vector.shape_cast %add3A_1646 : vector<16xf32> to vector<1x16xf32>
        tpu.vector_store %arg17[%swap3A_1647, %swap3A_1648], %swap3A_1651 {strides = array<i32>} : memref<40x128xf32, #tpu.memory_space<vmem>>, vector<1x16xf32>,
        %eq3A_1652 = arith.constant 6.000000e+00 : f32
        %eq3A_1653 = vector.broadcast %eq3A_1652 : f32 to vector<16xf32>
        %eq3A_1654 = arith.cmpf oeq, %select_n3A_1246, %eq3A_1653 : vector<16xf32>
        %jit3A_1655 = arith.constant 0.000000e+00 : f32
        %broadcast_in_dim3A_1656 = vector.broadcast %jit3A_1655 : f32 to vector<16xf32>
        %select_n3A_1657 = arith.select %eq3A_1654, %add3A_1586, %broadcast_in_dim3A_1656 : vector<16xi1>, vector<16xf32>
        %eq3A_1658 = arith.constant 7.000000e+00 : f32
        %eq3A_1659 = vector.broadcast %eq3A_1658 : f32 to vector<16xf32>
        %eq3A_1660 = arith.cmpf oeq, %select_n3A_1246, %eq3A_1659 : vector<16xf32>
        %jit3A_1661 = arith.constant 0.000000e+00 : f32
        %broadcast_in_dim3A_1662 = vector.broadcast %jit3A_1661 : f32 to vector<16xf32>
        %select_n3A_1663 = arith.select %eq3A_1660, %get3A_1597, %broadcast_in_dim3A_1662 : vector<16xi1>, vector<16xf32>
        %add3A_1664 = arith.addf %select_n3A_1657, %select_n3A_1663 : vector<16xf32>
        %swap3A_1665 = arith.index_cast %scan3A_1224 : i32 to index
        %swap3A_1666 = arith.constant 48 : index
        %swap3A_1667 = tpu.vector_load %arg17[%swap3A_1665, %swap3A_1666] {strides = array<i32>} : memref<40x128xf32, #tpu.memory_space<vmem>>, vector<1x16xf32>,
        %swap3A_1668 = vector.shape_cast %swap3A_1667 : vector<1x16xf32> to vector<16xf32>
        %swap3A_1669 = vector.shape_cast %add3A_1664 : vector<16xf32> to vector<1x16xf32>
        tpu.vector_store %arg17[%swap3A_1665, %swap3A_1666], %swap3A_1669 {strides = array<i32>} : memref<40x128xf32, #tpu.memory_space<vmem>>, vector<1x16xf32>,
        %eq3A_1670 = arith.constant 8.000000e+00 : f32
        %eq3A_1671 = vector.broadcast %eq3A_1670 : f32 to vector<16xf32>
        %eq3A_1672 = arith.cmpf oeq, %select_n3A_1246, %eq3A_1671 : vector<16xf32>
        %jit3A_1673 = arith.constant 0.000000e+00 : f32
        %broadcast_in_dim3A_1674 = vector.broadcast %jit3A_1673 : f32 to vector<16xf32>
        %select_n3A_1675 = arith.select %eq3A_1672, %add3A_1586, %broadcast_in_dim3A_1674 : vector<16xi1>, vector<16xf32>
        %eq3A_1676 = arith.constant 9.000000e+00 : f32
        %eq3A_1677 = vector.broadcast %eq3A_1676 : f32 to vector<16xf32>
        %eq3A_1678 = arith.cmpf oeq, %select_n3A_1246, %eq3A_1677 : vector<16xf32>
        %jit3A_1679 = arith.constant 0.000000e+00 : f32
        %broadcast_in_dim3A_1680 = vector.broadcast %jit3A_1679 : f32 to vector<16xf32>
        %select_n3A_1681 = arith.select %eq3A_1678, %get3A_1597, %broadcast_in_dim3A_1680 : vector<16xi1>, vector<16xf32>
        %add3A_1682 = arith.addf %select_n3A_1675, %select_n3A_1681 : vector<16xf32>
        %swap3A_1683 = arith.index_cast %scan3A_1224 : i32 to index
        %swap3A_1684 = arith.constant 64 : index
        %swap3A_1685 = tpu.vector_load %arg17[%swap3A_1683, %swap3A_1684] {strides = array<i32>} : memref<40x128xf32, #tpu.memory_space<vmem>>, vector<1x16xf32>,
        %swap3A_1686 = vector.shape_cast %swap3A_1685 : vector<1x16xf32> to vector<16xf32>
        %swap3A_1687 = vector.shape_cast %add3A_1682 : vector<16xf32> to vector<1x16xf32>
        tpu.vector_store %arg17[%swap3A_1683, %swap3A_1684], %swap3A_1687 {strides = array<i32>} : memref<40x128xf32, #tpu.memory_space<vmem>>, vector<1x16xf32>,
        %eq3A_1688 = arith.constant 1.000000e+01 : f32
        %eq3A_1689 = vector.broadcast %eq3A_1688 : f32 to vector<16xf32>
        %eq3A_1690 = arith.cmpf oeq, %select_n3A_1246, %eq3A_1689 : vector<16xf32>
        %jit3A_1691 = arith.constant 0.000000e+00 : f32
        %broadcast_in_dim3A_1692 = vector.broadcast %jit3A_1691 : f32 to vector<16xf32>
        %select_n3A_1693 = arith.select %eq3A_1690, %add3A_1586, %broadcast_in_dim3A_1692 : vector<16xi1>, vector<16xf32>
        %eq3A_1694 = arith.constant 1.100000e+01 : f32
        %eq3A_1695 = vector.broadcast %eq3A_1694 : f32 to vector<16xf32>
        %eq3A_1696 = arith.cmpf oeq, %select_n3A_1246, %eq3A_1695 : vector<16xf32>
        %jit3A_1697 = arith.constant 0.000000e+00 : f32
        %broadcast_in_dim3A_1698 = vector.broadcast %jit3A_1697 : f32 to vector<16xf32>
        %select_n3A_1699 = arith.select %eq3A_1696, %get3A_1597, %broadcast_in_dim3A_1698 : vector<16xi1>, vector<16xf32>
        %add3A_1700 = arith.addf %select_n3A_1693, %select_n3A_1699 : vector<16xf32>
        %swap3A_1701 = arith.index_cast %scan3A_1224 : i32 to index
        %swap3A_1702 = arith.constant 80 : index
        %swap3A_1703 = tpu.vector_load %arg17[%swap3A_1701, %swap3A_1702] {strides = array<i32>} : memref<40x128xf32, #tpu.memory_space<vmem>>, vector<1x16xf32>,
        %swap3A_1704 = vector.shape_cast %swap3A_1703 : vector<1x16xf32> to vector<16xf32>
        %swap3A_1705 = vector.shape_cast %add3A_1700 : vector<16xf32> to vector<1x16xf32>
        tpu.vector_store %arg17[%swap3A_1701, %swap3A_1702], %swap3A_1705 {strides = array<i32>} : memref<40x128xf32, #tpu.memory_space<vmem>>, vector<1x16xf32>,
        %eq3A_1706 = arith.constant 1.200000e+01 : f32
        %eq3A_1707 = vector.broadcast %eq3A_1706 : f32 to vector<16xf32>
        %eq3A_1708 = arith.cmpf oeq, %select_n3A_1246, %eq3A_1707 : vector<16xf32>
        %jit3A_1709 = arith.constant 0.000000e+00 : f32
        %broadcast_in_dim3A_1710 = vector.broadcast %jit3A_1709 : f32 to vector<16xf32>
        %select_n3A_1711 = arith.select %eq3A_1708, %add3A_1586, %broadcast_in_dim3A_1710 : vector<16xi1>, vector<16xf32>
        %eq3A_1712 = arith.constant 1.300000e+01 : f32
        %eq3A_1713 = vector.broadcast %eq3A_1712 : f32 to vector<16xf32>
        %eq3A_1714 = arith.cmpf oeq, %select_n3A_1246, %eq3A_1713 : vector<16xf32>
        %jit3A_1715 = arith.constant 0.000000e+00 : f32
        %broadcast_in_dim3A_1716 = vector.broadcast %jit3A_1715 : f32 to vector<16xf32>
        %select_n3A_1717 = arith.select %eq3A_1714, %get3A_1597, %broadcast_in_dim3A_1716 : vector<16xi1>, vector<16xf32>
        %add3A_1718 = arith.addf %select_n3A_1711, %select_n3A_1717 : vector<16xf32>
        %swap3A_1719 = arith.index_cast %scan3A_1224 : i32 to index
        %swap3A_1720 = arith.constant 96 : index
        %swap3A_1721 = tpu.vector_load %arg17[%swap3A_1719, %swap3A_1720] {strides = array<i32>} : memref<40x128xf32, #tpu.memory_space<vmem>>, vector<1x16xf32>,
        %swap3A_1722 = vector.shape_cast %swap3A_1721 : vector<1x16xf32> to vector<16xf32>
        %swap3A_1723 = vector.shape_cast %add3A_1718 : vector<16xf32> to vector<1x16xf32>
        tpu.vector_store %arg17[%swap3A_1719, %swap3A_1720], %swap3A_1723 {strides = array<i32>} : memref<40x128xf32, #tpu.memory_space<vmem>>, vector<1x16xf32>,
        %eq3A_1724 = arith.constant 1.400000e+01 : f32
        %eq3A_1725 = vector.broadcast %eq3A_1724 : f32 to vector<16xf32>
        %eq3A_1726 = arith.cmpf oeq, %select_n3A_1246, %eq3A_1725 : vector<16xf32>
        %jit3A_1727 = arith.constant 0.000000e+00 : f32
        %broadcast_in_dim3A_1728 = vector.broadcast %jit3A_1727 : f32 to vector<16xf32>
        %select_n3A_1729 = arith.select %eq3A_1726, %add3A_1586, %broadcast_in_dim3A_1728 : vector<16xi1>, vector<16xf32>
        %eq3A_1730 = arith.constant 1.500000e+01 : f32
        %eq3A_1731 = vector.broadcast %eq3A_1730 : f32 to vector<16xf32>
        %eq3A_1732 = arith.cmpf oeq, %select_n3A_1246, %eq3A_1731 : vector<16xf32>
        %jit3A_1733 = arith.constant 0.000000e+00 : f32
        %broadcast_in_dim3A_1734 = vector.broadcast %jit3A_1733 : f32 to vector<16xf32>
        %select_n3A_1735 = arith.select %eq3A_1732, %get3A_1597, %broadcast_in_dim3A_1734 : vector<16xi1>, vector<16xf32>
        %add3A_1736 = arith.addf %select_n3A_1729, %select_n3A_1735 : vector<16xf32>
        %swap3A_1737 = arith.index_cast %scan3A_1224 : i32 to index
        %swap3A_1738 = arith.constant 112 : index
        %swap3A_1739 = tpu.vector_load %arg17[%swap3A_1737, %swap3A_1738] {strides = array<i32>} : memref<40x128xf32, #tpu.memory_space<vmem>>, vector<1x16xf32>,
        %swap3A_1740 = vector.shape_cast %swap3A_1739 : vector<1x16xf32> to vector<16xf32>
        %swap3A_1741 = vector.shape_cast %add3A_1736 : vector<16xf32> to vector<1x16xf32>
        tpu.vector_store %arg17[%swap3A_1737, %swap3A_1738], %swap3A_1741 {strides = array<i32>} : memref<40x128xf32, #tpu.memory_space<vmem>>, vector<1x16xf32>,
        %mul3A_1742 = arith.mulf %get3A_1254, %exp3A : vector<16xf32>
        %swap3A_1743 = arith.index_cast %scan3A_1224 : i32 to index
        %swap3A_1744 = arith.constant 0 : index
        %swap3A_1745 = tpu.vector_load %arg16[%swap3A_1743, %swap3A_1744] {strides = array<i32>} : memref<40x128xf32, #tpu.memory_space<vmem>>, vector<1x16xf32>,
        %swap3A_1746 = vector.shape_cast %swap3A_1745 : vector<1x16xf32> to vector<16xf32>
        %swap3A_1747 = vector.shape_cast %mul3A_1742 : vector<16xf32> to vector<1x16xf32>
        tpu.vector_store %arg16[%swap3A_1743, %swap3A_1744], %swap3A_1747 {strides = array<i32>} : memref<40x128xf32, #tpu.memory_space<vmem>>, vector<1x16xf32>,
        %mul3A_1748 = arith.mulf %get3A_1269, %exp3A : vector<16xf32>
        %swap3A_1749 = arith.index_cast %scan3A_1224 : i32 to index
        %swap3A_1750 = arith.constant 16 : index
        %swap3A_1751 = tpu.vector_load %arg16[%swap3A_1749, %swap3A_1750] {strides = array<i32>} : memref<40x128xf32, #tpu.memory_space<vmem>>, vector<1x16xf32>,
        %swap3A_1752 = vector.shape_cast %swap3A_1751 : vector<1x16xf32> to vector<16xf32>
        %swap3A_1753 = vector.shape_cast %mul3A_1748 : vector<16xf32> to vector<1x16xf32>
        tpu.vector_store %arg16[%swap3A_1749, %swap3A_1750], %swap3A_1753 {strides = array<i32>} : memref<40x128xf32, #tpu.memory_space<vmem>>, vector<1x16xf32>,
        %mul3A_1754 = arith.mulf %get3A_1285, %exp3A_1467 : vector<16xf32>
        %swap3A_1755 = arith.index_cast %scan3A_1224 : i32 to index
        %swap3A_1756 = arith.constant 32 : index
        %swap3A_1757 = tpu.vector_load %arg16[%swap3A_1755, %swap3A_1756] {strides = array<i32>} : memref<40x128xf32, #tpu.memory_space<vmem>>, vector<1x16xf32>,
        %swap3A_1758 = vector.shape_cast %swap3A_1757 : vector<1x16xf32> to vector<16xf32>
        %swap3A_1759 = vector.shape_cast %mul3A_1754 : vector<16xf32> to vector<1x16xf32>
        tpu.vector_store %arg16[%swap3A_1755, %swap3A_1756], %swap3A_1759 {strides = array<i32>} : memref<40x128xf32, #tpu.memory_space<vmem>>, vector<1x16xf32>,
        %mul3A_1760 = arith.mulf %get3A_1301, %exp3A_1467 : vector<16xf32>
        %swap3A_1761 = arith.index_cast %scan3A_1224 : i32 to index
        %swap3A_1762 = arith.constant 48 : index
        %swap3A_1763 = tpu.vector_load %arg16[%swap3A_1761, %swap3A_1762] {strides = array<i32>} : memref<40x128xf32, #tpu.memory_space<vmem>>, vector<1x16xf32>,
        %swap3A_1764 = vector.shape_cast %swap3A_1763 : vector<1x16xf32> to vector<16xf32>
        %swap3A_1765 = vector.shape_cast %mul3A_1760 : vector<16xf32> to vector<1x16xf32>
        tpu.vector_store %arg16[%swap3A_1761, %swap3A_1762], %swap3A_1765 {strides = array<i32>} : memref<40x128xf32, #tpu.memory_space<vmem>>, vector<1x16xf32>,
        %mul3A_1766 = arith.mulf %get3A_1317, %exp3A_1513 : vector<16xf32>
        %swap3A_1767 = arith.index_cast %scan3A_1224 : i32 to index
        %swap3A_1768 = arith.constant 64 : index
        %swap3A_1769 = tpu.vector_load %arg16[%swap3A_1767, %swap3A_1768] {strides = array<i32>} : memref<40x128xf32, #tpu.memory_space<vmem>>, vector<1x16xf32>,
        %swap3A_1770 = vector.shape_cast %swap3A_1769 : vector<1x16xf32> to vector<16xf32>
        %swap3A_1771 = vector.shape_cast %mul3A_1766 : vector<16xf32> to vector<1x16xf32>
        tpu.vector_store %arg16[%swap3A_1767, %swap3A_1768], %swap3A_1771 {strides = array<i32>} : memref<40x128xf32, #tpu.memory_space<vmem>>, vector<1x16xf32>,
        %mul3A_1772 = arith.mulf %get3A_1333, %exp3A_1513 : vector<16xf32>
        %swap3A_1773 = arith.index_cast %scan3A_1224 : i32 to index
        %swap3A_1774 = arith.constant 80 : index
        %swap3A_1775 = tpu.vector_load %arg16[%swap3A_1773, %swap3A_1774] {strides = array<i32>} : memref<40x128xf32, #tpu.memory_space<vmem>>, vector<1x16xf32>,
        %swap3A_1776 = vector.shape_cast %swap3A_1775 : vector<1x16xf32> to vector<16xf32>
        %swap3A_1777 = vector.shape_cast %mul3A_1772 : vector<16xf32> to vector<1x16xf32>
        tpu.vector_store %arg16[%swap3A_1773, %swap3A_1774], %swap3A_1777 {strides = array<i32>} : memref<40x128xf32, #tpu.memory_space<vmem>>, vector<1x16xf32>,
        %mul3A_1778 = arith.mulf %get3A_1349, %exp3A_1559 : vector<16xf32>
        %swap3A_1779 = arith.index_cast %scan3A_1224 : i32 to index
        %swap3A_1780 = arith.constant 96 : index
        %swap3A_1781 = tpu.vector_load %arg16[%swap3A_1779, %swap3A_1780] {strides = array<i32>} : memref<40x128xf32, #tpu.memory_space<vmem>>, vector<1x16xf32>,
        %swap3A_1782 = vector.shape_cast %swap3A_1781 : vector<1x16xf32> to vector<16xf32>
        %swap3A_1783 = vector.shape_cast %mul3A_1778 : vector<16xf32> to vector<1x16xf32>
        tpu.vector_store %arg16[%swap3A_1779, %swap3A_1780], %swap3A_1783 {strides = array<i32>} : memref<40x128xf32, #tpu.memory_space<vmem>>, vector<1x16xf32>,
        %mul3A_1784 = arith.mulf %get3A_1365, %exp3A_1559 : vector<16xf32>
        %swap3A_1785 = arith.index_cast %scan3A_1224 : i32 to index
        %swap3A_1786 = arith.constant 112 : index
        %swap3A_1787 = tpu.vector_load %arg16[%swap3A_1785, %swap3A_1786] {strides = array<i32>} : memref<40x128xf32, #tpu.memory_space<vmem>>, vector<1x16xf32>,
        %swap3A_1788 = vector.shape_cast %swap3A_1787 : vector<1x16xf32> to vector<16xf32>
        %swap3A_1789 = vector.shape_cast %mul3A_1784 : vector<16xf32> to vector<1x16xf32>
        tpu.vector_store %arg16[%swap3A_1785, %swap3A_1786], %swap3A_1789 {strides = array<i32>} : memref<40x128xf32, #tpu.memory_space<vmem>>, vector<1x16xf32>,
      }
      %scan3A_1011 = arith.constant 40 : i32
      %dma_start3A_1012 = arith.constant 0 : i32
      %dma_start3A_1013 = arith.constant 0 : i32
      %dma_start3A_1014 = tpu.memref_slice %arg24[%dma_start3A_1012, %dma_start3A_1013] : memref<5x40xi32, #tpu.memory_space<vmem>> -> memref<1x40xi32, #tpu.memory_space<vmem>>
      %dma_start3A_1015 = tpu.memref_squeeze %dma_start3A_1014 : memref<1x40xi32, #tpu.memory_space<vmem>> -> memref<40xi32, #tpu.memory_space<vmem>>
      %dma_start3A_1016 = arith.constant 0 : i32
      %dma_start3A_1017 = arith.constant 0 : i32
      %dma_start3A_1018 = tpu.memref_slice %arg26[%dma_start3A_1016, %dma_start3A_1017] : memref<10000x128xf32, #tpu.memory_space<vmem_shared>> -> memref<10000x128xf32, #tpu.memory_space<vmem_shared>>
      tpu.enqueue_indirect_dma source(%arg16 : memref<40x128xf32, #tpu.memory_space<vmem>>) target(%dma_start3A_1018 : memref<10000x128xf32, #tpu.memory_space<vmem_shared>>) offsets(%dma_start3A_1015 : memref<40xi32, #tpu.memory_space<vmem>>) semaphore(%arg32 : memref<!tpu.dma_semaphore, #tpu.memory_space<semaphore_mem>>) {add = true}
      %dma_start3A_1019 = arith.constant 1 : i32
      %dma_start3A_1020 = arith.constant 0 : i32
      %dma_start3A_1021 = tpu.memref_slice %arg24[%dma_start3A_1019, %dma_start3A_1020] : memref<5x40xi32, #tpu.memory_space<vmem>> -> memref<1x40xi32, #tpu.memory_space<vmem>>
      %dma_start3A_1022 = tpu.memref_squeeze %dma_start3A_1021 : memref<1x40xi32, #tpu.memory_space<vmem>> -> memref<40xi32, #tpu.memory_space<vmem>>
      %dma_start3A_1023 = arith.constant 0 : i32
      %dma_start3A_1024 = arith.constant 0 : i32
      %dma_start3A_1025 = tpu.memref_slice %arg27[%dma_start3A_1023, %dma_start3A_1024] : memref<625x128xf32, #tpu.memory_space<vmem_shared>> -> memref<625x128xf32, #tpu.memory_space<vmem_shared>>
      tpu.enqueue_indirect_dma source(%arg17 : memref<40x128xf32, #tpu.memory_space<vmem>>) target(%dma_start3A_1025 : memref<625x128xf32, #tpu.memory_space<vmem_shared>>) offsets(%dma_start3A_1022 : memref<40xi32, #tpu.memory_space<vmem>>) semaphore(%arg33 : memref<!tpu.dma_semaphore, #tpu.memory_space<semaphore_mem>>) {add = true}
      %add3A_1026 = arith.constant 2 : i32
      %add3A_1027 = arith.addi %mul3A_871, %add3A_1026 : i32
      %rem3A = arith.constant 250 : i32
      %rem3A_1028 = arith.remsi %add3A_1027, %rem3A : i32
      %mul3A_1029 = arith.constant 40 : i32
      %mul3A_1030 = arith.muli %rem3A_1028, %mul3A_1029 : i32
      %add3A_1031 = arith.addi %mul3A_790, %mul3A_1030 : i32
      %dma_start3A_1032 = tpu.memref_slice %arg4[%add3A_1031] : memref<320000xi32, #tpu.memory_space<hbm>> -> memref<40xi32, #tpu.memory_space<hbm>>
      %dma_start3A_1033 = tpu.memref_slice %arg4[%add3A_1031] : memref<320000xi32, #tpu.memory_space<hbm>> -> memref<40xi32, #tpu.memory_space<hbm>>
      tpu.enqueue_dma source(%dma_start3A_1033 : memref<40xi32, #tpu.memory_space<hbm>>) target(%arg12 : memref<40xi32, #tpu.memory_space<vmem>>) target_semaphore(%arg36 : memref<!tpu.dma_semaphore, #tpu.memory_space<semaphore_mem>>)
      %dma_start3A_1034 = tpu.memref_slice %arg5[%add3A_1031] : memref<320000xi32, #tpu.memory_space<hbm>> -> memref<40xi32, #tpu.memory_space<hbm>>
      %dma_start3A_1035 = tpu.memref_slice %arg5[%add3A_1031] : memref<320000xi32, #tpu.memory_space<hbm>> -> memref<40xi32, #tpu.memory_space<hbm>>
      tpu.enqueue_dma source(%dma_start3A_1035 : memref<40xi32, #tpu.memory_space<hbm>>) target(%arg13 : memref<40xi32, #tpu.memory_space<vmem>>) target_semaphore(%arg37 : memref<!tpu.dma_semaphore, #tpu.memory_space<semaphore_mem>>)
      %dma_start3A_1036 = tpu.memref_slice %arg6[%add3A_1031] : memref<320000xi32, #tpu.memory_space<hbm>> -> memref<40xi32, #tpu.memory_space<hbm>>
      %dma_start3A_1037 = tpu.memref_slice %arg6[%add3A_1031] : memref<320000xi32, #tpu.memory_space<hbm>> -> memref<40xi32, #tpu.memory_space<hbm>>
      tpu.enqueue_dma source(%dma_start3A_1037 : memref<40xi32, #tpu.memory_space<hbm>>) target(%arg14 : memref<40xi32, #tpu.memory_space<vmem>>) target_semaphore(%arg38 : memref<!tpu.dma_semaphore, #tpu.memory_space<semaphore_mem>>)
      %dma_start3A_1038 = arith.constant 0 : i32
      %dma_start3A_1039 = tpu.memref_slice %arg7[%add3A_1031, %dma_start3A_1038] : memref<320000x32xf32, #tpu.memory_space<hbm>> -> memref<40x32xf32, #tpu.memory_space<hbm>>
      %dma_start3A_1040 = arith.constant 0 : i32
      %dma_start3A_1041 = tpu.memref_slice %arg7[%add3A_1031, %dma_start3A_1040] : memref<320000x32xf32, #tpu.memory_space<hbm>> -> memref<40x32xf32, #tpu.memory_space<hbm>>
      tpu.enqueue_dma source(%dma_start3A_1041 : memref<40x32xf32, #tpu.memory_space<hbm>>) target(%arg15 : memref<40x32xf32, #tpu.memory_space<vmem>>) target_semaphore(%arg39 : memref<!tpu.dma_semaphore, #tpu.memory_space<semaphore_mem>>)
      %dma_wait3A_1042 = arith.constant 0 : i32
      %dma_wait3A_1043 = tpu.memref_slice %arg4[%dma_wait3A_1042] : memref<320000xi32, #tpu.memory_space<hbm>> -> memref<40xi32, #tpu.memory_space<hbm>>
      %dma_wait3A_1044 = arith.constant 0 : i32
      %dma_wait3A_1045 = tpu.memref_slice %arg4[%dma_wait3A_1044] : memref<320000xi32, #tpu.memory_space<hbm>> -> memref<40xi32, #tpu.memory_space<hbm>>
      tpu.wait_dma2 semaphore(%arg36 : memref<!tpu.dma_semaphore, #tpu.memory_space<semaphore_mem>>) src(%dma_wait3A_1045 : memref<40xi32, #tpu.memory_space<hbm>>) dst(%arg12 : memref<40xi32, #tpu.memory_space<vmem>>)
      %dma_wait3A_1046 = arith.constant 0 : i32
      %dma_wait3A_1047 = tpu.memref_slice %arg5[%dma_wait3A_1046] : memref<320000xi32, #tpu.memory_space<hbm>> -> memref<40xi32, #tpu.memory_space<hbm>>
      %dma_wait3A_1048 = arith.constant 0 : i32
      %dma_wait3A_1049 = tpu.memref_slice %arg5[%dma_wait3A_1048] : memref<320000xi32, #tpu.memory_space<hbm>> -> memref<40xi32, #tpu.memory_space<hbm>>
      tpu.wait_dma2 semaphore(%arg37 : memref<!tpu.dma_semaphore, #tpu.memory_space<semaphore_mem>>) src(%dma_wait3A_1049 : memref<40xi32, #tpu.memory_space<hbm>>) dst(%arg13 : memref<40xi32, #tpu.memory_space<vmem>>)
      %dma_wait3A_1050 = arith.constant 0 : i32
      %dma_wait3A_1051 = tpu.memref_slice %arg6[%dma_wait3A_1050] : memref<320000xi32, #tpu.memory_space<hbm>> -> memref<40xi32, #tpu.memory_space<hbm>>
      %dma_wait3A_1052 = arith.constant 0 : i32
      %dma_wait3A_1053 = tpu.memref_slice %arg6[%dma_wait3A_1052] : memref<320000xi32, #tpu.memory_space<hbm>> -> memref<40xi32, #tpu.memory_space<hbm>>
      tpu.wait_dma2 semaphore(%arg38 : memref<!tpu.dma_semaphore, #tpu.memory_space<semaphore_mem>>) src(%dma_wait3A_1053 : memref<40xi32, #tpu.memory_space<hbm>>) dst(%arg14 : memref<40xi32, #tpu.memory_space<vmem>>)
      %dma_wait3A_1054 = arith.constant 0 : i32
      %dma_wait3A_1055 = arith.constant 0 : i32
      %dma_wait3A_1056 = tpu.memref_slice %arg7[%dma_wait3A_1054, %dma_wait3A_1055] : memref<320000x32xf32, #tpu.memory_space<hbm>> -> memref<40x32xf32, #tpu.memory_space<hbm>>
      %dma_wait3A_1057 = arith.constant 0 : i32
      %dma_wait3A_1058 = arith.constant 0 : i32
      %dma_wait3A_1059 = tpu.memref_slice %arg7[%dma_wait3A_1057, %dma_wait3A_1058] : memref<320000x32xf32, #tpu.memory_space<hbm>> -> memref<40x32xf32, #tpu.memory_space<hbm>>
      tpu.wait_dma2 semaphore(%arg39 : memref<!tpu.dma_semaphore, #tpu.memory_space<semaphore_mem>>) src(%dma_wait3A_1059 : memref<40x32xf32, #tpu.memory_space<hbm>>) dst(%arg15 : memref<40x32xf32, #tpu.memory_space<vmem>>)
      %dma_wait3A_1060 = arith.constant 4 : i32
      %dma_wait3A_1061 = arith.constant 0 : i32
      %dma_wait3A_1062 = tpu.memref_slice %arg24[%dma_wait3A_1060, %dma_wait3A_1061] : memref<5x40xi32, #tpu.memory_space<vmem>> -> memref<1x40xi32, #tpu.memory_space<vmem>>
      %dma_wait3A_1063 = tpu.memref_squeeze %dma_wait3A_1062 : memref<1x40xi32, #tpu.memory_space<vmem>> -> memref<40xi32, #tpu.memory_space<vmem>>
      %dma_wait3A_1064 = arith.constant 0 : i32
      %dma_wait3A_1065 = arith.constant 0 : i32
      %dma_wait3A_1066 = tpu.memref_slice %arg26[%dma_wait3A_1064, %dma_wait3A_1065] : memref<10000x128xf32, #tpu.memory_space<vmem_shared>> -> memref<10000x128xf32, #tpu.memory_space<vmem_shared>>
      tpu.wait_indirect_dma semaphore(%arg32 : memref<!tpu.dma_semaphore, #tpu.memory_space<semaphore_mem>>) src(%arg16 : memref<40x128xf32, #tpu.memory_space<vmem>>) dst(%dma_wait3A_1066 : memref<10000x128xf32, #tpu.memory_space<vmem_shared>>)
      %dma_wait3A_1067 = arith.constant 4 : i32
      %dma_wait3A_1068 = arith.constant 0 : i32
      %dma_wait3A_1069 = tpu.memref_slice %arg24[%dma_wait3A_1067, %dma_wait3A_1068] : memref<5x40xi32, #tpu.memory_space<vmem>> -> memref<1x40xi32, #tpu.memory_space<vmem>>
      %dma_wait3A_1070 = tpu.memref_squeeze %dma_wait3A_1069 : memref<1x40xi32, #tpu.memory_space<vmem>> -> memref<40xi32, #tpu.memory_space<vmem>>
      %dma_wait3A_1071 = arith.constant 0 : i32
      %dma_wait3A_1072 = arith.constant 0 : i32
      %dma_wait3A_1073 = tpu.memref_slice %arg27[%dma_wait3A_1071, %dma_wait3A_1072] : memref<625x128xf32, #tpu.memory_space<vmem_shared>> -> memref<625x128xf32, #tpu.memory_space<vmem_shared>>
      tpu.wait_indirect_dma semaphore(%arg33 : memref<!tpu.dma_semaphore, #tpu.memory_space<semaphore_mem>>) src(%arg17 : memref<40x128xf32, #tpu.memory_space<vmem>>) dst(%dma_wait3A_1073 : memref<625x128xf32, #tpu.memory_space<vmem_shared>>)
      %dma_start3A_1074 = arith.constant 0 : i32
      %dma_start3A_1075 = arith.constant 0 : i32
      %dma_start3A_1076 = tpu.memref_slice %arg2[%dma_start3A_1074, %dma_start3A_1075] : memref<10000x128xf32, #tpu.memory_space<hbm>> -> memref<10000x128xf32, #tpu.memory_space<hbm>>
      tpu.enqueue_indirect_dma source(%dma_start3A_1076 : memref<10000x128xf32, #tpu.memory_space<hbm>>) target(%arg16 : memref<40x128xf32, #tpu.memory_space<vmem>>) offsets(%arg12 : memref<40xi32, #tpu.memory_space<vmem>>) semaphore(%arg28 : memref<!tpu.dma_semaphore, #tpu.memory_space<semaphore_mem>>)
      %dma_start3A_1077 = arith.constant 0 : i32
      %dma_start3A_1078 = arith.constant 0 : i32
      %dma_start3A_1079 = tpu.memref_slice %arg3[%dma_start3A_1077, %dma_start3A_1078] : memref<10000x128xf32, #tpu.memory_space<hbm>> -> memref<10000x128xf32, #tpu.memory_space<hbm>>
      tpu.enqueue_indirect_dma source(%dma_start3A_1079 : memref<10000x128xf32, #tpu.memory_space<hbm>>) target(%arg17 : memref<40x128xf32, #tpu.memory_space<vmem>>) offsets(%arg13 : memref<40xi32, #tpu.memory_space<vmem>>) semaphore(%arg29 : memref<!tpu.dma_semaphore, #tpu.memory_space<semaphore_mem>>)
      %dma_wait3A_1080 = arith.constant 0 : i32
      %dma_wait3A_1081 = arith.constant 0 : i32
      %dma_wait3A_1082 = tpu.memref_slice %arg2[%dma_wait3A_1080, %dma_wait3A_1081] : memref<10000x128xf32, #tpu.memory_space<hbm>> -> memref<10000x128xf32, #tpu.memory_space<hbm>>
      tpu.wait_indirect_dma semaphore(%arg30 : memref<!tpu.dma_semaphore, #tpu.memory_space<semaphore_mem>>) src(%dma_wait3A_1082 : memref<10000x128xf32, #tpu.memory_space<hbm>>) dst(%arg22 : memref<40x128xf32, #tpu.memory_space<vmem>>)
      %dma_wait3A_1083 = arith.constant 0 : i32
      %dma_wait3A_1084 = arith.constant 0 : i32
      %dma_wait3A_1085 = tpu.memref_slice %arg3[%dma_wait3A_1083, %dma_wait3A_1084] : memref<10000x128xf32, #tpu.memory_space<hbm>> -> memref<10000x128xf32, #tpu.memory_space<hbm>>
      tpu.wait_indirect_dma semaphore(%arg31 : memref<!tpu.dma_semaphore, #tpu.memory_space<semaphore_mem>>) src(%dma_wait3A_1085 : memref<10000x128xf32, #tpu.memory_space<hbm>>) dst(%arg23 : memref<40x128xf32, #tpu.memory_space<vmem>>)
      %get3A_1086 = arith.constant 0 : index
      %get3A_1087 = tpu.vector_load %arg19[%get3A_1086] {strides = array<i32>} : memref<40xi32, #tpu.memory_space<vmem>>, vector<16xi32>,
      %get3A_1088 = vector.shape_cast %get3A_1087 : vector<16xi32> to vector<16xi32>
      %swap3A_1089 = arith.constant 2 : i32
      %swap3A_1090 = arith.index_cast %swap3A_1089 : i32 to index
      %swap3A_1091 = arith.constant 0 : index
      %swap3A_1092 = tpu.vector_load %arg24[%swap3A_1090, %swap3A_1091] {strides = array<i32>} : memref<5x40xi32, #tpu.memory_space<vmem>>, vector<1x16xi32>,
      %swap3A_1093 = vector.shape_cast %swap3A_1092 : vector<1x16xi32> to vector<16xi32>
      %swap3A_1094 = vector.shape_cast %get3A_1088 : vector<16xi32> to vector<1x16xi32>
      tpu.vector_store %arg24[%swap3A_1090, %swap3A_1091], %swap3A_1094 {strides = array<i32>} : memref<5x40xi32, #tpu.memory_space<vmem>>, vector<1x16xi32>,
      %get3A_1095 = arith.constant 0 : index
      %get3A_1096 = tpu.vector_load %arg20[%get3A_1095] {strides = array<i32>} : memref<40xi32, #tpu.memory_space<vmem>>, vector<16xi32>,
      %get3A_1097 = vector.shape_cast %get3A_1096 : vector<16xi32> to vector<16xi32>
      %swap3A_1098 = arith.constant 3 : i32
      %swap3A_1099 = arith.index_cast %swap3A_1098 : i32 to index
      %swap3A_1100 = arith.constant 0 : index
      %swap3A_1101 = tpu.vector_load %arg24[%swap3A_1099, %swap3A_1100] {strides = array<i32>} : memref<5x40xi32, #tpu.memory_space<vmem>>, vector<1x16xi32>,
      %swap3A_1102 = vector.shape_cast %swap3A_1101 : vector<1x16xi32> to vector<16xi32>
      %swap3A_1103 = vector.shape_cast %get3A_1097 : vector<16xi32> to vector<1x16xi32>
      tpu.vector_store %arg24[%swap3A_1099, %swap3A_1100], %swap3A_1103 {strides = array<i32>} : memref<5x40xi32, #tpu.memory_space<vmem>>, vector<1x16xi32>,
      %get3A_1104 = arith.constant 16 : index
      %get3A_1105 = tpu.vector_load %arg19[%get3A_1104] {strides = array<i32>} : memref<40xi32, #tpu.memory_space<vmem>>, vector<16xi32>,
      %get3A_1106 = vector.shape_cast %get3A_1105 : vector<16xi32> to vector<16xi32>
      %swap3A_1107 = arith.constant 2 : i32
      %swap3A_1108 = arith.index_cast %swap3A_1107 : i32 to index
      %swap3A_1109 = arith.constant 16 : index
      %swap3A_1110 = tpu.vector_load %arg24[%swap3A_1108, %swap3A_1109] {strides = array<i32>} : memref<5x40xi32, #tpu.memory_space<vmem>>, vector<1x16xi32>,
      %swap3A_1111 = vector.shape_cast %swap3A_1110 : vector<1x16xi32> to vector<16xi32>
      %swap3A_1112 = vector.shape_cast %get3A_1106 : vector<16xi32> to vector<1x16xi32>
      tpu.vector_store %arg24[%swap3A_1108, %swap3A_1109], %swap3A_1112 {strides = array<i32>} : memref<5x40xi32, #tpu.memory_space<vmem>>, vector<1x16xi32>,
      %get3A_1113 = arith.constant 16 : index
      %get3A_1114 = tpu.vector_load %arg20[%get3A_1113] {strides = array<i32>} : memref<40xi32, #tpu.memory_space<vmem>>, vector<16xi32>,
      %get3A_1115 = vector.shape_cast %get3A_1114 : vector<16xi32> to vector<16xi32>
      %swap3A_1116 = arith.constant 3 : i32
      %swap3A_1117 = arith.index_cast %swap3A_1116 : i32 to index
      %swap3A_1118 = arith.constant 16 : index
      %swap3A_1119 = tpu.vector_load %arg24[%swap3A_1117, %swap3A_1118] {strides = array<i32>} : memref<5x40xi32, #tpu.memory_space<vmem>>, vector<1x16xi32>,
      %swap3A_1120 = vector.shape_cast %swap3A_1119 : vector<1x16xi32> to vector<16xi32>
      %swap3A_1121 = vector.shape_cast %get3A_1115 : vector<16xi32> to vector<1x16xi32>
      tpu.vector_store %arg24[%swap3A_1117, %swap3A_1118], %swap3A_1121 {strides = array<i32>} : memref<5x40xi32, #tpu.memory_space<vmem>>, vector<1x16xi32>,
      %get3A_1122 = arith.constant 24 : index
      %get3A_1123 = tpu.vector_load %arg19[%get3A_1122] {strides = array<i32>} : memref<40xi32, #tpu.memory_space<vmem>>, vector<16xi32>,
      %get3A_1124 = vector.shape_cast %get3A_1123 : vector<16xi32> to vector<16xi32>
      %swap3A_1125 = arith.constant 2 : i32
      %swap3A_1126 = arith.index_cast %swap3A_1125 : i32 to index
      %swap3A_1127 = arith.constant 24 : index
      %swap3A_1128 = tpu.vector_load %arg24[%swap3A_1126, %swap3A_1127] {strides = array<i32>} : memref<5x40xi32, #tpu.memory_space<vmem>>, vector<1x16xi32>,
      %swap3A_1129 = vector.shape_cast %swap3A_1128 : vector<1x16xi32> to vector<16xi32>
      %swap3A_1130 = vector.shape_cast %get3A_1124 : vector<16xi32> to vector<1x16xi32>
      tpu.vector_store %arg24[%swap3A_1126, %swap3A_1127], %swap3A_1130 {strides = array<i32>} : memref<5x40xi32, #tpu.memory_space<vmem>>, vector<1x16xi32>,
      %get3A_1131 = arith.constant 24 : index
      %get3A_1132 = tpu.vector_load %arg20[%get3A_1131] {strides = array<i32>} : memref<40xi32, #tpu.memory_space<vmem>>, vector<16xi32>,
      %get3A_1133 = vector.shape_cast %get3A_1132 : vector<16xi32> to vector<16xi32>
      %swap3A_1134 = arith.constant 3 : i32
      %swap3A_1135 = arith.index_cast %swap3A_1134 : i32 to index
      %swap3A_1136 = arith.constant 24 : index
      %swap3A_1137 = tpu.vector_load %arg24[%swap3A_1135, %swap3A_1136] {strides = array<i32>} : memref<5x40xi32, #tpu.memory_space<vmem>>, vector<1x16xi32>,
      %swap3A_1138 = vector.shape_cast %swap3A_1137 : vector<1x16xi32> to vector<16xi32>
      %swap3A_1139 = vector.shape_cast %get3A_1133 : vector<16xi32> to vector<1x16xi32>
      tpu.vector_store %arg24[%swap3A_1135, %swap3A_1136], %swap3A_1139 {strides = array<i32>} : memref<5x40xi32, #tpu.memory_space<vmem>>, vector<1x16xi32>,
      %get3A_1140 = arith.constant 0 : index
      %get3A_1141 = tpu.vector_load %arg25[%get3A_1140] {strides = array<i32>} : memref<640xf32, #tpu.memory_space<vmem>>, vector<16xf32>,
      %get3A_1142 = vector.shape_cast %get3A_1141 : vector<16xf32> to vector<16xf32>
      %get3A_1143 = arith.constant 16 : index
      %get3A_1144 = tpu.vector_load %arg25[%get3A_1143] {strides = array<i32>} : memref<640xf32, #tpu.memory_space<vmem>>, vector<16xf32>,
      %get3A_1145 = vector.shape_cast %get3A_1144 : vector<16xf32> to vector<16xf32>
      %get3A_1146 = arith.constant 32 : index
      %get3A_1147 = tpu.vector_load %arg25[%get3A_1146] {strides = array<i32>} : memref<640xf32, #tpu.memory_space<vmem>>, vector<16xf32>,
      %get3A_1148 = vector.shape_cast %get3A_1147 : vector<16xf32> to vector<16xf32>
      %get3A_1149 = arith.constant 48 : index
      %get3A_1150 = tpu.vector_load %arg25[%get3A_1149] {strides = array<i32>} : memref<640xf32, #tpu.memory_space<vmem>>, vector<16xf32>,
      %get3A_1151 = vector.shape_cast %get3A_1150 : vector<16xf32> to vector<16xf32>
      %get3A_1152 = arith.constant 64 : index
      %get3A_1153 = tpu.vector_load %arg25[%get3A_1152] {strides = array<i32>} : memref<640xf32, #tpu.memory_space<vmem>>, vector<16xf32>,
      %get3A_1154 = vector.shape_cast %get3A_1153 : vector<16xf32> to vector<16xf32>
      %get3A_1155 = arith.constant 80 : index
      %get3A_1156 = tpu.vector_load %arg25[%get3A_1155] {strides = array<i32>} : memref<640xf32, #tpu.memory_space<vmem>>, vector<16xf32>,
      %get3A_1157 = vector.shape_cast %get3A_1156 : vector<16xf32> to vector<16xf32>
      %get3A_1158 = arith.constant 96 : index
      %get3A_1159 = tpu.vector_load %arg25[%get3A_1158] {strides = array<i32>} : memref<640xf32, #tpu.memory_space<vmem>>, vector<16xf32>,
      %get3A_1160 = vector.shape_cast %get3A_1159 : vector<16xf32> to vector<16xf32>
      %get3A_1161 = arith.constant 112 : index
      %get3A_1162 = tpu.vector_load %arg25[%get3A_1161] {strides = array<i32>} : memref<640xf32, #tpu.memory_space<vmem>>, vector<16xf32>,
      %get3A_1163 = vector.shape_cast %get3A_1162 : vector<16xf32> to vector<16xf32>
      %get3A_1164 = arith.constant 128 : index
      %get3A_1165 = tpu.vector_load %arg25[%get3A_1164] {strides = array<i32>} : memref<640xf32, #tpu.memory_space<vmem>>, vector<16xf32>,
      %get3A_1166 = vector.shape_cast %get3A_1165 : vector<16xf32> to vector<16xf32>
      %get3A_1167 = arith.constant 144 : index
      %get3A_1168 = tpu.vector_load %arg25[%get3A_1167] {strides = array<i32>} : memref<640xf32, #tpu.memory_space<vmem>>, vector<16xf32>,
      %get3A_1169 = vector.shape_cast %get3A_1168 : vector<16xf32> to vector<16xf32>
      %get3A_1170 = arith.constant 160 : index
      %get3A_1171 = tpu.vector_load %arg25[%get3A_1170] {strides = array<i32>} : memref<640xf32, #tpu.memory_space<vmem>>, vector<16xf32>,
      %get3A_1172 = vector.shape_cast %get3A_1171 : vector<16xf32> to vector<16xf32>
      %get3A_1173 = arith.constant 176 : index
      %get3A_1174 = tpu.vector_load %arg25[%get3A_1173] {strides = array<i32>} : memref<640xf32, #tpu.memory_space<vmem>>, vector<16xf32>,
      %get3A_1175 = vector.shape_cast %get3A_1174 : vector<16xf32> to vector<16xf32>
      %get3A_1176 = arith.constant 192 : index
      %get3A_1177 = tpu.vector_load %arg25[%get3A_1176] {strides = array<i32>} : memref<640xf32, #tpu.memory_space<vmem>>, vector<16xf32>,
      %get3A_1178 = vector.shape_cast %get3A_1177 : vector<16xf32> to vector<16xf32>
      %get3A_1179 = arith.constant 208 : index
      %get3A_1180 = tpu.vector_load %arg25[%get3A_1179] {strides = array<i32>} : memref<640xf32, #tpu.memory_space<vmem>>, vector<16xf32>,
      %get3A_1181 = vector.shape_cast %get3A_1180 : vector<16xf32> to vector<16xf32>
      %get3A_1182 = arith.constant 224 : index
      %get3A_1183 = tpu.vector_load %arg25[%get3A_1182] {strides = array<i32>} : memref<640xf32, #tpu.memory_space<vmem>>, vector<16xf32>,
      %get3A_1184 = vector.shape_cast %get3A_1183 : vector<16xf32> to vector<16xf32>
      %get3A_1185 = arith.constant 240 : index
      %get3A_1186 = tpu.vector_load %arg25[%get3A_1185] {strides = array<i32>} : memref<640xf32, #tpu.memory_space<vmem>>, vector<16xf32>,
      %get3A_1187 = vector.shape_cast %get3A_1186 : vector<16xf32> to vector<16xf32>
      %scan3A_1188 = arith.constant 0 : i32
      %scan3A_1189 = arith.constant 40 : i32
      %scan3A_1190 = arith.addi %scan3A_1188, %scan3A_1189 : i32
      %scan3A_1191 = arith.constant 1 : i32
      scf.for %scan3A_1224 = %scan3A_1188 to %scan3A_1190 step %scan3A_1191  : i32 {
        %get3A_1225 = arith.index_cast %scan3A_1224 : i32 to index
        %get3A_1226 = arith.constant 0 : index
        %get3A_1227 = tpu.vector_load %arg21[%get3A_1225, %get3A_1226] {strides = array<i32>} : memref<40x32xf32, #tpu.memory_space<vmem>>, vector<1x16xf32>,
        %get3A_1228 = vector.shape_cast %get3A_1227 : vector<1x16xf32> to vector<16xf32>
        %swap3A_1229 = arith.constant 384 : index
        %swap3A_1230 = tpu.vector_load %arg25[%swap3A_1229] {strides = array<i32>} : memref<640xf32, #tpu.memory_space<vmem>>, vector<16xf32>,
        %swap3A_1231 = vector.shape_cast %swap3A_1230 : vector<16xf32> to vector<16xf32>
        %swap3A_1232 = vector.shape_cast %get3A_1228 : vector<16xf32> to vector<16xf32>
        tpu.vector_store %arg25[%swap3A_1229], %swap3A_1232 {strides = array<i32>} : memref<640xf32, #tpu.memory_space<vmem>>, vector<16xf32>,
        %swap3A_1233 = arith.constant 400 : index
        %swap3A_1234 = tpu.vector_load %arg25[%swap3A_1233] {strides = array<i32>} : memref<640xf32, #tpu.memory_space<vmem>>, vector<16xf32>,
        %swap3A_1235 = vector.shape_cast %swap3A_1234 : vector<16xf32> to vector<16xf32>
        %swap3A_1236 = vector.shape_cast %get3A_1228 : vector<16xf32> to vector<16xf32>
        tpu.vector_store %arg25[%swap3A_1233], %swap3A_1236 {strides = array<i32>} : memref<640xf32, #tpu.memory_space<vmem>>, vector<16xf32>,
        %get3A_1237 = arith.constant 392 : index
        %get3A_1238 = tpu.vector_load %arg25[%get3A_1237] {strides = array<i32>} : memref<640xf32, #tpu.memory_space<vmem>>, vector<16xf32>,
        %get3A_1239 = vector.shape_cast %get3A_1238 : vector<16xf32> to vector<16xf32>
        %lt3A_1240 = arith.constant 8 : i32
        %lt3A_1241 = vector.broadcast %lt3A_1240 : i32 to vector<16xi32>
        %lt3A_1242 = arith.cmpi slt, %iota3A, %lt3A_1241 : vector<16xi32>
        %select_n3A = arith.select %lt3A_1242, %get3A_1228, %get3A_1239 : vector<16xi1>, vector<16xf32>
        %lt3A_1243 = arith.constant 8 : i32
        %lt3A_1244 = vector.broadcast %lt3A_1243 : i32 to vector<16xi32>
        %lt3A_1245 = arith.cmpi slt, %iota3A, %lt3A_1244 : vector<16xi32>
        %select_n3A_1246 = arith.select %lt3A_1245, %get3A_1239, %get3A_1228 : vector<16xi1>, vector<16xf32>
        %get3A_1247 = arith.index_cast %scan3A_1224 : i32 to index
        %get3A_1248 = arith.constant 16 : index
        %get3A_1249 = tpu.vector_load %arg21[%get3A_1247, %get3A_1248] {strides = array<i32>} : memref<40x32xf32, #tpu.memory_space<vmem>>, vector<1x16xf32>,
        %get3A_1250 = vector.shape_cast %get3A_1249 : vector<1x16xf32> to vector<16xf32>
        %get3A_1251 = arith.index_cast %scan3A_1224 : i32 to index
        %get3A_1252 = arith.constant 0 : index
        %get3A_1253 = tpu.vector_load %arg22[%get3A_1251, %get3A_1252] {strides = array<i32>} : memref<40x128xf32, #tpu.memory_space<vmem>>, vector<1x16xf32>,
        %get3A_1254 = vector.shape_cast %get3A_1253 : vector<1x16xf32> to vector<16xf32>
        %get3A_1255 = arith.index_cast %scan3A_1224 : i32 to index
        %get3A_1256 = arith.constant 0 : index
        %get3A_1257 = tpu.vector_load %arg23[%get3A_1255, %get3A_1256] {strides = array<i32>} : memref<40x128xf32, #tpu.memory_space<vmem>>, vector<1x16xf32>,
        %get3A_1258 = vector.shape_cast %get3A_1257 : vector<1x16xf32> to vector<16xf32>
        %add3A_1259 = arith.addf %get3A_1254, %get3A_1258 : vector<16xf32>
        %mul3A_1260 = arith.mulf %select_n3A, %get3A_1142 : vector<16xf32>
        %add3A_1261 = arith.addf %add3A_1259, %mul3A_1260 : vector<16xf32>
        %mul3A_1262 = arith.constant 2.000000e-01 : f32
        %mul3A_1263 = vector.broadcast %mul3A_1262 : f32 to vector<16xf32>
        %mul3A_1264 = arith.mulf %mul3A_1263, %add3A_1261 : vector<16xf32>
        %max3A = arith.maximumf %add3A_1261, %mul3A_1264 : vector<16xf32>
        %mul3A_1265 = arith.mulf %max3A, %get3A_1166 : vector<16xf32>
        %get3A_1266 = arith.index_cast %scan3A_1224 : i32 to index
        %get3A_1267 = arith.constant 16 : index
        %get3A_1268 = tpu.vector_load %arg22[%get3A_1266, %get3A_1267] {strides = array<i32>} : memref<40x128xf32, #tpu.memory_space<vmem>>, vector<1x16xf32>,
        %get3A_1269 = vector.shape_cast %get3A_1268 : vector<1x16xf32> to vector<16xf32>
        %get3A_1270 = arith.index_cast %scan3A_1224 : i32 to index
        %get3A_1271 = arith.constant 16 : index
        %get3A_1272 = tpu.vector_load %arg23[%get3A_1270, %get3A_1271] {strides = array<i32>} : memref<40x128xf32, #tpu.memory_space<vmem>>, vector<1x16xf32>,
        %get3A_1273 = vector.shape_cast %get3A_1272 : vector<1x16xf32> to vector<16xf32>
        %add3A_1274 = arith.addf %get3A_1269, %get3A_1273 : vector<16xf32>
        %mul3A_1275 = arith.mulf %select_n3A, %get3A_1145 : vector<16xf32>
        %add3A_1276 = arith.addf %add3A_1274, %mul3A_1275 : vector<16xf32>
        %mul3A_1277 = arith.constant 2.000000e-01 : f32
        %mul3A_1278 = vector.broadcast %mul3A_1277 : f32 to vector<16xf32>
        %mul3A_1279 = arith.mulf %mul3A_1278, %add3A_1276 : vector<16xf32>
        %max3A_1280 = arith.maximumf %add3A_1276, %mul3A_1279 : vector<16xf32>
        %mul3A_1281 = arith.mulf %max3A_1280, %get3A_1169 : vector<16xf32>
        %get3A_1282 = arith.index_cast %scan3A_1224 : i32 to index
        %get3A_1283 = arith.constant 32 : index
        %get3A_1284 = tpu.vector_load %arg22[%get3A_1282, %get3A_1283] {strides = array<i32>} : memref<40x128xf32, #tpu.memory_space<vmem>>, vector<1x16xf32>,
        %get3A_1285 = vector.shape_cast %get3A_1284 : vector<1x16xf32> to vector<16xf32>
        %get3A_1286 = arith.index_cast %scan3A_1224 : i32 to index
        %get3A_1287 = arith.constant 32 : index
        %get3A_1288 = tpu.vector_load %arg23[%get3A_1286, %get3A_1287] {strides = array<i32>} : memref<40x128xf32, #tpu.memory_space<vmem>>, vector<1x16xf32>,
        %get3A_1289 = vector.shape_cast %get3A_1288 : vector<1x16xf32> to vector<16xf32>
        %add3A_1290 = arith.addf %get3A_1285, %get3A_1289 : vector<16xf32>
        %mul3A_1291 = arith.mulf %select_n3A, %get3A_1148 : vector<16xf32>
        %add3A_1292 = arith.addf %add3A_1290, %mul3A_1291 : vector<16xf32>
        %mul3A_1293 = arith.constant 2.000000e-01 : f32
        %mul3A_1294 = vector.broadcast %mul3A_1293 : f32 to vector<16xf32>
        %mul3A_1295 = arith.mulf %mul3A_1294, %add3A_1292 : vector<16xf32>
        %max3A_1296 = arith.maximumf %add3A_1292, %mul3A_1295 : vector<16xf32>
        %mul3A_1297 = arith.mulf %max3A_1296, %get3A_1172 : vector<16xf32>
        %get3A_1298 = arith.index_cast %scan3A_1224 : i32 to index
        %get3A_1299 = arith.constant 48 : index
        %get3A_1300 = tpu.vector_load %arg22[%get3A_1298, %get3A_1299] {strides = array<i32>} : memref<40x128xf32, #tpu.memory_space<vmem>>, vector<1x16xf32>,
        %get3A_1301 = vector.shape_cast %get3A_1300 : vector<1x16xf32> to vector<16xf32>
        %get3A_1302 = arith.index_cast %scan3A_1224 : i32 to index
        %get3A_1303 = arith.constant 48 : index
        %get3A_1304 = tpu.vector_load %arg23[%get3A_1302, %get3A_1303] {strides = array<i32>} : memref<40x128xf32, #tpu.memory_space<vmem>>, vector<1x16xf32>,
        %get3A_1305 = vector.shape_cast %get3A_1304 : vector<1x16xf32> to vector<16xf32>
        %add3A_1306 = arith.addf %get3A_1301, %get3A_1305 : vector<16xf32>
        %mul3A_1307 = arith.mulf %select_n3A, %get3A_1151 : vector<16xf32>
        %add3A_1308 = arith.addf %add3A_1306, %mul3A_1307 : vector<16xf32>
        %mul3A_1309 = arith.constant 2.000000e-01 : f32
        %mul3A_1310 = vector.broadcast %mul3A_1309 : f32 to vector<16xf32>
        %mul3A_1311 = arith.mulf %mul3A_1310, %add3A_1308 : vector<16xf32>
        %max3A_1312 = arith.maximumf %add3A_1308, %mul3A_1311 : vector<16xf32>
        %mul3A_1313 = arith.mulf %max3A_1312, %get3A_1175 : vector<16xf32>
        %get3A_1314 = arith.index_cast %scan3A_1224 : i32 to index
        %get3A_1315 = arith.constant 64 : index
        %get3A_1316 = tpu.vector_load %arg22[%get3A_1314, %get3A_1315] {strides = array<i32>} : memref<40x128xf32, #tpu.memory_space<vmem>>, vector<1x16xf32>,
        %get3A_1317 = vector.shape_cast %get3A_1316 : vector<1x16xf32> to vector<16xf32>
        %get3A_1318 = arith.index_cast %scan3A_1224 : i32 to index
        %get3A_1319 = arith.constant 64 : index
        %get3A_1320 = tpu.vector_load %arg23[%get3A_1318, %get3A_1319] {strides = array<i32>} : memref<40x128xf32, #tpu.memory_space<vmem>>, vector<1x16xf32>,
        %get3A_1321 = vector.shape_cast %get3A_1320 : vector<1x16xf32> to vector<16xf32>
        %add3A_1322 = arith.addf %get3A_1317, %get3A_1321 : vector<16xf32>
        %mul3A_1323 = arith.mulf %select_n3A, %get3A_1154 : vector<16xf32>
        %add3A_1324 = arith.addf %add3A_1322, %mul3A_1323 : vector<16xf32>
        %mul3A_1325 = arith.constant 2.000000e-01 : f32
        %mul3A_1326 = vector.broadcast %mul3A_1325 : f32 to vector<16xf32>
        %mul3A_1327 = arith.mulf %mul3A_1326, %add3A_1324 : vector<16xf32>
        %max3A_1328 = arith.maximumf %add3A_1324, %mul3A_1327 : vector<16xf32>
        %mul3A_1329 = arith.mulf %max3A_1328, %get3A_1178 : vector<16xf32>
        %get3A_1330 = arith.index_cast %scan3A_1224 : i32 to index
        %get3A_1331 = arith.constant 80 : index
        %get3A_1332 = tpu.vector_load %arg22[%get3A_1330, %get3A_1331] {strides = array<i32>} : memref<40x128xf32, #tpu.memory_space<vmem>>, vector<1x16xf32>,
        %get3A_1333 = vector.shape_cast %get3A_1332 : vector<1x16xf32> to vector<16xf32>
        %get3A_1334 = arith.index_cast %scan3A_1224 : i32 to index
        %get3A_1335 = arith.constant 80 : index
        %get3A_1336 = tpu.vector_load %arg23[%get3A_1334, %get3A_1335] {strides = array<i32>} : memref<40x128xf32, #tpu.memory_space<vmem>>, vector<1x16xf32>,
        %get3A_1337 = vector.shape_cast %get3A_1336 : vector<1x16xf32> to vector<16xf32>
        %add3A_1338 = arith.addf %get3A_1333, %get3A_1337 : vector<16xf32>
        %mul3A_1339 = arith.mulf %select_n3A, %get3A_1157 : vector<16xf32>
        %add3A_1340 = arith.addf %add3A_1338, %mul3A_1339 : vector<16xf32>
        %mul3A_1341 = arith.constant 2.000000e-01 : f32
        %mul3A_1342 = vector.broadcast %mul3A_1341 : f32 to vector<16xf32>
        %mul3A_1343 = arith.mulf %mul3A_1342, %add3A_1340 : vector<16xf32>
        %max3A_1344 = arith.maximumf %add3A_1340, %mul3A_1343 : vector<16xf32>
        %mul3A_1345 = arith.mulf %max3A_1344, %get3A_1181 : vector<16xf32>
        %get3A_1346 = arith.index_cast %scan3A_1224 : i32 to index
        %get3A_1347 = arith.constant 96 : index
        %get3A_1348 = tpu.vector_load %arg22[%get3A_1346, %get3A_1347] {strides = array<i32>} : memref<40x128xf32, #tpu.memory_space<vmem>>, vector<1x16xf32>,
        %get3A_1349 = vector.shape_cast %get3A_1348 : vector<1x16xf32> to vector<16xf32>
        %get3A_1350 = arith.index_cast %scan3A_1224 : i32 to index
        %get3A_1351 = arith.constant 96 : index
        %get3A_1352 = tpu.vector_load %arg23[%get3A_1350, %get3A_1351] {strides = array<i32>} : memref<40x128xf32, #tpu.memory_space<vmem>>, vector<1x16xf32>,
        %get3A_1353 = vector.shape_cast %get3A_1352 : vector<1x16xf32> to vector<16xf32>
        %add3A_1354 = arith.addf %get3A_1349, %get3A_1353 : vector<16xf32>
        %mul3A_1355 = arith.mulf %select_n3A, %get3A_1160 : vector<16xf32>
        %add3A_1356 = arith.addf %add3A_1354, %mul3A_1355 : vector<16xf32>
        %mul3A_1357 = arith.constant 2.000000e-01 : f32
        %mul3A_1358 = vector.broadcast %mul3A_1357 : f32 to vector<16xf32>
        %mul3A_1359 = arith.mulf %mul3A_1358, %add3A_1356 : vector<16xf32>
        %max3A_1360 = arith.maximumf %add3A_1356, %mul3A_1359 : vector<16xf32>
        %mul3A_1361 = arith.mulf %max3A_1360, %get3A_1184 : vector<16xf32>
        %get3A_1362 = arith.index_cast %scan3A_1224 : i32 to index
        %get3A_1363 = arith.constant 112 : index
        %get3A_1364 = tpu.vector_load %arg22[%get3A_1362, %get3A_1363] {strides = array<i32>} : memref<40x128xf32, #tpu.memory_space<vmem>>, vector<1x16xf32>,
        %get3A_1365 = vector.shape_cast %get3A_1364 : vector<1x16xf32> to vector<16xf32>
        %get3A_1366 = arith.index_cast %scan3A_1224 : i32 to index
        %get3A_1367 = arith.constant 112 : index
        %get3A_1368 = tpu.vector_load %arg23[%get3A_1366, %get3A_1367] {strides = array<i32>} : memref<40x128xf32, #tpu.memory_space<vmem>>, vector<1x16xf32>,
        %get3A_1369 = vector.shape_cast %get3A_1368 : vector<1x16xf32> to vector<16xf32>
        %add3A_1370 = arith.addf %get3A_1365, %get3A_1369 : vector<16xf32>
        %mul3A_1371 = arith.mulf %select_n3A, %get3A_1163 : vector<16xf32>
        %add3A_1372 = arith.addf %add3A_1370, %mul3A_1371 : vector<16xf32>
        %mul3A_1373 = arith.constant 2.000000e-01 : f32
        %mul3A_1374 = vector.broadcast %mul3A_1373 : f32 to vector<16xf32>
        %mul3A_1375 = arith.mulf %mul3A_1374, %add3A_1372 : vector<16xf32>
        %max3A_1376 = arith.maximumf %add3A_1372, %mul3A_1375 : vector<16xf32>
        %mul3A_1377 = arith.mulf %max3A_1376, %get3A_1187 : vector<16xf32>
        %add3A_1378 = arith.addf %mul3A_1265, %mul3A_1281 : vector<16xf32>
        %swap3A_1379 = arith.constant 256 : index
        %swap3A_1380 = tpu.vector_load %arg25[%swap3A_1379] {strides = array<i32>} : memref<640xf32, #tpu.memory_space<vmem>>, vector<16xf32>,
        %swap3A_1381 = vector.shape_cast %swap3A_1380 : vector<16xf32> to vector<16xf32>
        %swap3A_1382 = vector.shape_cast %add3A_1378 : vector<16xf32> to vector<16xf32>
        tpu.vector_store %arg25[%swap3A_1379], %swap3A_1382 {strides = array<i32>} : memref<640xf32, #tpu.memory_space<vmem>>, vector<16xf32>,
        %swap3A_1383 = arith.constant 272 : index
        %swap3A_1384 = tpu.vector_load %arg25[%swap3A_1383] {strides = array<i32>} : memref<640xf32, #tpu.memory_space<vmem>>, vector<16xf32>,
        %swap3A_1385 = vector.shape_cast %swap3A_1384 : vector<16xf32> to vector<16xf32>
        %swap3A_1386 = vector.shape_cast %add3A_1378 : vector<16xf32> to vector<16xf32>
        tpu.vector_store %arg25[%swap3A_1383], %swap3A_1386 {strides = array<i32>} : memref<640xf32, #tpu.memory_space<vmem>>, vector<16xf32>,
        %get3A_1387 = arith.constant 260 : index
        %get3A_1388 = tpu.vector_load %arg25[%get3A_1387] {strides = array<i32>} : memref<640xf32, #tpu.memory_space<vmem>>, vector<16xf32>,
        %get3A_1389 = vector.shape_cast %get3A_1388 : vector<16xf32> to vector<16xf32>
        %add3A_1390 = arith.addf %add3A_1378, %get3A_1389 : vector<16xf32>
        %get3A_1391 = arith.constant 264 : index
        %get3A_1392 = tpu.vector_load %arg25[%get3A_1391] {strides = array<i32>} : memref<640xf32, #tpu.memory_space<vmem>>, vector<16xf32>,
        %get3A_1393 = vector.shape_cast %get3A_1392 : vector<16xf32> to vector<16xf32>
        %add3A_1394 = arith.addf %add3A_1390, %get3A_1393 : vector<16xf32>
        %get3A_1395 = arith.constant 268 : index
        %get3A_1396 = tpu.vector_load %arg25[%get3A_1395] {strides = array<i32>} : memref<640xf32, #tpu.memory_space<vmem>>, vector<16xf32>,
        %get3A_1397 = vector.shape_cast %get3A_1396 : vector<16xf32> to vector<16xf32>
        %add3A_1398 = arith.addf %add3A_1394, %get3A_1397 : vector<16xf32>
        %swap3A_1399 = arith.constant 256 : index
        %swap3A_1400 = tpu.vector_load %arg25[%swap3A_1399] {strides = array<i32>} : memref<640xf32, #tpu.memory_space<vmem>>, vector<16xf32>,
        %swap3A_1401 = vector.shape_cast %swap3A_1400 : vector<16xf32> to vector<16xf32>
        %swap3A_1402 = vector.shape_cast %add3A_1398 : vector<16xf32> to vector<16xf32>
        tpu.vector_store %arg25[%swap3A_1399], %swap3A_1402 {strides = array<i32>} : memref<640xf32, #tpu.memory_space<vmem>>, vector<16xf32>,
        %swap3A_1403 = arith.constant 272 : index
        %swap3A_1404 = tpu.vector_load %arg25[%swap3A_1403] {strides = array<i32>} : memref<640xf32, #tpu.memory_space<vmem>>, vector<16xf32>,
        %swap3A_1405 = vector.shape_cast %swap3A_1404 : vector<16xf32> to vector<16xf32>
        %swap3A_1406 = vector.shape_cast %add3A_1398 : vector<16xf32> to vector<16xf32>
        tpu.vector_store %arg25[%swap3A_1403], %swap3A_1406 {strides = array<i32>} : memref<640xf32, #tpu.memory_space<vmem>>, vector<16xf32>,
        %get3A_1407 = arith.constant 257 : index
        %get3A_1408 = tpu.vector_load %arg25[%get3A_1407] {strides = array<i32>} : memref<640xf32, #tpu.memory_space<vmem>>, vector<16xf32>,
        %get3A_1409 = vector.shape_cast %get3A_1408 : vector<16xf32> to vector<16xf32>
        %add3A_1410 = arith.addf %add3A_1398, %get3A_1409 : vector<16xf32>
        %get3A_1411 = arith.constant 258 : index
        %get3A_1412 = tpu.vector_load %arg25[%get3A_1411] {strides = array<i32>} : memref<640xf32, #tpu.memory_space<vmem>>, vector<16xf32>,
        %get3A_1413 = vector.shape_cast %get3A_1412 : vector<16xf32> to vector<16xf32>
        %add3A_1414 = arith.addf %add3A_1410, %get3A_1413 : vector<16xf32>
        %get3A_1415 = arith.constant 259 : index
        %get3A_1416 = tpu.vector_load %arg25[%get3A_1415] {strides = array<i32>} : memref<640xf32, #tpu.memory_space<vmem>>, vector<16xf32>,
        %get3A_1417 = vector.shape_cast %get3A_1416 : vector<16xf32> to vector<16xf32>
        %add3A_1418 = arith.addf %add3A_1414, %get3A_1417 : vector<16xf32>
        %sub3A = arith.subf %add3A_1418, %get3A_1250 : vector<16xf32>
        %min3A_1419 = arith.constant 8.000000e+01 : f32
        %min3A_1420 = vector.broadcast %min3A_1419 : f32 to vector<16xf32>
        %min3A_1421 = arith.minimumf %sub3A, %min3A_1420 : vector<16xf32>
        %exp3A = math.exp %min3A_1421 : vector<16xf32>
        %add3A_1422 = arith.addf %mul3A_1297, %mul3A_1313 : vector<16xf32>
        %swap3A_1423 = arith.constant 288 : index
        %swap3A_1424 = tpu.vector_load %arg25[%swap3A_1423] {strides = array<i32>} : memref<640xf32, #tpu.memory_space<vmem>>, vector<16xf32>,
        %swap3A_1425 = vector.shape_cast %swap3A_1424 : vector<16xf32> to vector<16xf32>
        %swap3A_1426 = vector.shape_cast %add3A_1422 : vector<16xf32> to vector<16xf32>
        tpu.vector_store %arg25[%swap3A_1423], %swap3A_1426 {strides = array<i32>} : memref<640xf32, #tpu.memory_space<vmem>>, vector<16xf32>,
        %swap3A_1427 = arith.constant 304 : index
        %swap3A_1428 = tpu.vector_load %arg25[%swap3A_1427] {strides = array<i32>} : memref<640xf32, #tpu.memory_space<vmem>>, vector<16xf32>,
        %swap3A_1429 = vector.shape_cast %swap3A_1428 : vector<16xf32> to vector<16xf32>
        %swap3A_1430 = vector.shape_cast %add3A_1422 : vector<16xf32> to vector<16xf32>
        tpu.vector_store %arg25[%swap3A_1427], %swap3A_1430 {strides = array<i32>} : memref<640xf32, #tpu.memory_space<vmem>>, vector<16xf32>,
        %get3A_1431 = arith.constant 292 : index
        %get3A_1432 = tpu.vector_load %arg25[%get3A_1431] {strides = array<i32>} : memref<640xf32, #tpu.memory_space<vmem>>, vector<16xf32>,
        %get3A_1433 = vector.shape_cast %get3A_1432 : vector<16xf32> to vector<16xf32>
        %add3A_1434 = arith.addf %add3A_1422, %get3A_1433 : vector<16xf32>
        %get3A_1435 = arith.constant 296 : index
        %get3A_1436 = tpu.vector_load %arg25[%get3A_1435] {strides = array<i32>} : memref<640xf32, #tpu.memory_space<vmem>>, vector<16xf32>,
        %get3A_1437 = vector.shape_cast %get3A_1436 : vector<16xf32> to vector<16xf32>
        %add3A_1438 = arith.addf %add3A_1434, %get3A_1437 : vector<16xf32>
        %get3A_1439 = arith.constant 300 : index
        %get3A_1440 = tpu.vector_load %arg25[%get3A_1439] {strides = array<i32>} : memref<640xf32, #tpu.memory_space<vmem>>, vector<16xf32>,
        %get3A_1441 = vector.shape_cast %get3A_1440 : vector<16xf32> to vector<16xf32>
        %add3A_1442 = arith.addf %add3A_1438, %get3A_1441 : vector<16xf32>
        %swap3A_1443 = arith.constant 288 : index
        %swap3A_1444 = tpu.vector_load %arg25[%swap3A_1443] {strides = array<i32>} : memref<640xf32, #tpu.memory_space<vmem>>, vector<16xf32>,
        %swap3A_1445 = vector.shape_cast %swap3A_1444 : vector<16xf32> to vector<16xf32>
        %swap3A_1446 = vector.shape_cast %add3A_1442 : vector<16xf32> to vector<16xf32>
        tpu.vector_store %arg25[%swap3A_1443], %swap3A_1446 {strides = array<i32>} : memref<640xf32, #tpu.memory_space<vmem>>, vector<16xf32>,
        %swap3A_1447 = arith.constant 304 : index
        %swap3A_1448 = tpu.vector_load %arg25[%swap3A_1447] {strides = array<i32>} : memref<640xf32, #tpu.memory_space<vmem>>, vector<16xf32>,
        %swap3A_1449 = vector.shape_cast %swap3A_1448 : vector<16xf32> to vector<16xf32>
        %swap3A_1450 = vector.shape_cast %add3A_1442 : vector<16xf32> to vector<16xf32>
        tpu.vector_store %arg25[%swap3A_1447], %swap3A_1450 {strides = array<i32>} : memref<640xf32, #tpu.memory_space<vmem>>, vector<16xf32>,
        %get3A_1451 = arith.constant 289 : index
        %get3A_1452 = tpu.vector_load %arg25[%get3A_1451] {strides = array<i32>} : memref<640xf32, #tpu.memory_space<vmem>>, vector<16xf32>,
        %get3A_1453 = vector.shape_cast %get3A_1452 : vector<16xf32> to vector<16xf32>
        %add3A_1454 = arith.addf %add3A_1442, %get3A_1453 : vector<16xf32>
        %get3A_1455 = arith.constant 290 : index
        %get3A_1456 = tpu.vector_load %arg25[%get3A_1455] {strides = array<i32>} : memref<640xf32, #tpu.memory_space<vmem>>, vector<16xf32>,
        %get3A_1457 = vector.shape_cast %get3A_1456 : vector<16xf32> to vector<16xf32>
        %add3A_1458 = arith.addf %add3A_1454, %get3A_1457 : vector<16xf32>
        %get3A_1459 = arith.constant 291 : index
        %get3A_1460 = tpu.vector_load %arg25[%get3A_1459] {strides = array<i32>} : memref<640xf32, #tpu.memory_space<vmem>>, vector<16xf32>,
        %get3A_1461 = vector.shape_cast %get3A_1460 : vector<16xf32> to vector<16xf32>
        %add3A_1462 = arith.addf %add3A_1458, %get3A_1461 : vector<16xf32>
        %sub3A_1463 = arith.subf %add3A_1462, %get3A_1250 : vector<16xf32>
        %min3A_1464 = arith.constant 8.000000e+01 : f32
        %min3A_1465 = vector.broadcast %min3A_1464 : f32 to vector<16xf32>
        %min3A_1466 = arith.minimumf %sub3A_1463, %min3A_1465 : vector<16xf32>
        %exp3A_1467 = math.exp %min3A_1466 : vector<16xf32>
        %add3A_1468 = arith.addf %mul3A_1329, %mul3A_1345 : vector<16xf32>
        %swap3A_1469 = arith.constant 320 : index
        %swap3A_1470 = tpu.vector_load %arg25[%swap3A_1469] {strides = array<i32>} : memref<640xf32, #tpu.memory_space<vmem>>, vector<16xf32>,
        %swap3A_1471 = vector.shape_cast %swap3A_1470 : vector<16xf32> to vector<16xf32>
        %swap3A_1472 = vector.shape_cast %add3A_1468 : vector<16xf32> to vector<16xf32>
        tpu.vector_store %arg25[%swap3A_1469], %swap3A_1472 {strides = array<i32>} : memref<640xf32, #tpu.memory_space<vmem>>, vector<16xf32>,
        %swap3A_1473 = arith.constant 336 : index
        %swap3A_1474 = tpu.vector_load %arg25[%swap3A_1473] {strides = array<i32>} : memref<640xf32, #tpu.memory_space<vmem>>, vector<16xf32>,
        %swap3A_1475 = vector.shape_cast %swap3A_1474 : vector<16xf32> to vector<16xf32>
        %swap3A_1476 = vector.shape_cast %add3A_1468 : vector<16xf32> to vector<16xf32>
        tpu.vector_store %arg25[%swap3A_1473], %swap3A_1476 {strides = array<i32>} : memref<640xf32, #tpu.memory_space<vmem>>, vector<16xf32>,
        %get3A_1477 = arith.constant 324 : index
        %get3A_1478 = tpu.vector_load %arg25[%get3A_1477] {strides = array<i32>} : memref<640xf32, #tpu.memory_space<vmem>>, vector<16xf32>,
        %get3A_1479 = vector.shape_cast %get3A_1478 : vector<16xf32> to vector<16xf32>
        %add3A_1480 = arith.addf %add3A_1468, %get3A_1479 : vector<16xf32>
        %get3A_1481 = arith.constant 328 : index
        %get3A_1482 = tpu.vector_load %arg25[%get3A_1481] {strides = array<i32>} : memref<640xf32, #tpu.memory_space<vmem>>, vector<16xf32>,
        %get3A_1483 = vector.shape_cast %get3A_1482 : vector<16xf32> to vector<16xf32>
        %add3A_1484 = arith.addf %add3A_1480, %get3A_1483 : vector<16xf32>
        %get3A_1485 = arith.constant 332 : index
        %get3A_1486 = tpu.vector_load %arg25[%get3A_1485] {strides = array<i32>} : memref<640xf32, #tpu.memory_space<vmem>>, vector<16xf32>,
        %get3A_1487 = vector.shape_cast %get3A_1486 : vector<16xf32> to vector<16xf32>
        %add3A_1488 = arith.addf %add3A_1484, %get3A_1487 : vector<16xf32>
        %swap3A_1489 = arith.constant 320 : index
        %swap3A_1490 = tpu.vector_load %arg25[%swap3A_1489] {strides = array<i32>} : memref<640xf32, #tpu.memory_space<vmem>>, vector<16xf32>,
        %swap3A_1491 = vector.shape_cast %swap3A_1490 : vector<16xf32> to vector<16xf32>
        %swap3A_1492 = vector.shape_cast %add3A_1488 : vector<16xf32> to vector<16xf32>
        tpu.vector_store %arg25[%swap3A_1489], %swap3A_1492 {strides = array<i32>} : memref<640xf32, #tpu.memory_space<vmem>>, vector<16xf32>,
        %swap3A_1493 = arith.constant 336 : index
        %swap3A_1494 = tpu.vector_load %arg25[%swap3A_1493] {strides = array<i32>} : memref<640xf32, #tpu.memory_space<vmem>>, vector<16xf32>,
        %swap3A_1495 = vector.shape_cast %swap3A_1494 : vector<16xf32> to vector<16xf32>
        %swap3A_1496 = vector.shape_cast %add3A_1488 : vector<16xf32> to vector<16xf32>
        tpu.vector_store %arg25[%swap3A_1493], %swap3A_1496 {strides = array<i32>} : memref<640xf32, #tpu.memory_space<vmem>>, vector<16xf32>,
        %get3A_1497 = arith.constant 321 : index
        %get3A_1498 = tpu.vector_load %arg25[%get3A_1497] {strides = array<i32>} : memref<640xf32, #tpu.memory_space<vmem>>, vector<16xf32>,
        %get3A_1499 = vector.shape_cast %get3A_1498 : vector<16xf32> to vector<16xf32>
        %add3A_1500 = arith.addf %add3A_1488, %get3A_1499 : vector<16xf32>
        %get3A_1501 = arith.constant 322 : index
        %get3A_1502 = tpu.vector_load %arg25[%get3A_1501] {strides = array<i32>} : memref<640xf32, #tpu.memory_space<vmem>>, vector<16xf32>,
        %get3A_1503 = vector.shape_cast %get3A_1502 : vector<16xf32> to vector<16xf32>
        %add3A_1504 = arith.addf %add3A_1500, %get3A_1503 : vector<16xf32>
        %get3A_1505 = arith.constant 323 : index
        %get3A_1506 = tpu.vector_load %arg25[%get3A_1505] {strides = array<i32>} : memref<640xf32, #tpu.memory_space<vmem>>, vector<16xf32>,
        %get3A_1507 = vector.shape_cast %get3A_1506 : vector<16xf32> to vector<16xf32>
        %add3A_1508 = arith.addf %add3A_1504, %get3A_1507 : vector<16xf32>
        %sub3A_1509 = arith.subf %add3A_1508, %get3A_1250 : vector<16xf32>
        %min3A_1510 = arith.constant 8.000000e+01 : f32
        %min3A_1511 = vector.broadcast %min3A_1510 : f32 to vector<16xf32>
        %min3A_1512 = arith.minimumf %sub3A_1509, %min3A_1511 : vector<16xf32>
        %exp3A_1513 = math.exp %min3A_1512 : vector<16xf32>
        %add3A_1514 = arith.addf %mul3A_1361, %mul3A_1377 : vector<16xf32>
        %swap3A_1515 = arith.constant 352 : index
        %swap3A_1516 = tpu.vector_load %arg25[%swap3A_1515] {strides = array<i32>} : memref<640xf32, #tpu.memory_space<vmem>>, vector<16xf32>,
        %swap3A_1517 = vector.shape_cast %swap3A_1516 : vector<16xf32> to vector<16xf32>
        %swap3A_1518 = vector.shape_cast %add3A_1514 : vector<16xf32> to vector<16xf32>
        tpu.vector_store %arg25[%swap3A_1515], %swap3A_1518 {strides = array<i32>} : memref<640xf32, #tpu.memory_space<vmem>>, vector<16xf32>,
        %swap3A_1519 = arith.constant 368 : index
        %swap3A_1520 = tpu.vector_load %arg25[%swap3A_1519] {strides = array<i32>} : memref<640xf32, #tpu.memory_space<vmem>>, vector<16xf32>,
        %swap3A_1521 = vector.shape_cast %swap3A_1520 : vector<16xf32> to vector<16xf32>
        %swap3A_1522 = vector.shape_cast %add3A_1514 : vector<16xf32> to vector<16xf32>
        tpu.vector_store %arg25[%swap3A_1519], %swap3A_1522 {strides = array<i32>} : memref<640xf32, #tpu.memory_space<vmem>>, vector<16xf32>,
        %get3A_1523 = arith.constant 356 : index
        %get3A_1524 = tpu.vector_load %arg25[%get3A_1523] {strides = array<i32>} : memref<640xf32, #tpu.memory_space<vmem>>, vector<16xf32>,
        %get3A_1525 = vector.shape_cast %get3A_1524 : vector<16xf32> to vector<16xf32>
        %add3A_1526 = arith.addf %add3A_1514, %get3A_1525 : vector<16xf32>
        %get3A_1527 = arith.constant 360 : index
        %get3A_1528 = tpu.vector_load %arg25[%get3A_1527] {strides = array<i32>} : memref<640xf32, #tpu.memory_space<vmem>>, vector<16xf32>,
        %get3A_1529 = vector.shape_cast %get3A_1528 : vector<16xf32> to vector<16xf32>
        %add3A_1530 = arith.addf %add3A_1526, %get3A_1529 : vector<16xf32>
        %get3A_1531 = arith.constant 364 : index
        %get3A_1532 = tpu.vector_load %arg25[%get3A_1531] {strides = array<i32>} : memref<640xf32, #tpu.memory_space<vmem>>, vector<16xf32>,
        %get3A_1533 = vector.shape_cast %get3A_1532 : vector<16xf32> to vector<16xf32>
        %add3A_1534 = arith.addf %add3A_1530, %get3A_1533 : vector<16xf32>
        %swap3A_1535 = arith.constant 352 : index
        %swap3A_1536 = tpu.vector_load %arg25[%swap3A_1535] {strides = array<i32>} : memref<640xf32, #tpu.memory_space<vmem>>, vector<16xf32>,
        %swap3A_1537 = vector.shape_cast %swap3A_1536 : vector<16xf32> to vector<16xf32>
        %swap3A_1538 = vector.shape_cast %add3A_1534 : vector<16xf32> to vector<16xf32>
        tpu.vector_store %arg25[%swap3A_1535], %swap3A_1538 {strides = array<i32>} : memref<640xf32, #tpu.memory_space<vmem>>, vector<16xf32>,
        %swap3A_1539 = arith.constant 368 : index
        %swap3A_1540 = tpu.vector_load %arg25[%swap3A_1539] {strides = array<i32>} : memref<640xf32, #tpu.memory_space<vmem>>, vector<16xf32>,
        %swap3A_1541 = vector.shape_cast %swap3A_1540 : vector<16xf32> to vector<16xf32>
        %swap3A_1542 = vector.shape_cast %add3A_1534 : vector<16xf32> to vector<16xf32>
        tpu.vector_store %arg25[%swap3A_1539], %swap3A_1542 {strides = array<i32>} : memref<640xf32, #tpu.memory_space<vmem>>, vector<16xf32>,
        %get3A_1543 = arith.constant 353 : index
        %get3A_1544 = tpu.vector_load %arg25[%get3A_1543] {strides = array<i32>} : memref<640xf32, #tpu.memory_space<vmem>>, vector<16xf32>,
        %get3A_1545 = vector.shape_cast %get3A_1544 : vector<16xf32> to vector<16xf32>
        %add3A_1546 = arith.addf %add3A_1534, %get3A_1545 : vector<16xf32>
        %get3A_1547 = arith.constant 354 : index
        %get3A_1548 = tpu.vector_load %arg25[%get3A_1547] {strides = array<i32>} : memref<640xf32, #tpu.memory_space<vmem>>, vector<16xf32>,
        %get3A_1549 = vector.shape_cast %get3A_1548 : vector<16xf32> to vector<16xf32>
        %add3A_1550 = arith.addf %add3A_1546, %get3A_1549 : vector<16xf32>
        %get3A_1551 = arith.constant 355 : index
        %get3A_1552 = tpu.vector_load %arg25[%get3A_1551] {strides = array<i32>} : memref<640xf32, #tpu.memory_space<vmem>>, vector<16xf32>,
        %get3A_1553 = vector.shape_cast %get3A_1552 : vector<16xf32> to vector<16xf32>
        %add3A_1554 = arith.addf %add3A_1550, %get3A_1553 : vector<16xf32>
        %sub3A_1555 = arith.subf %add3A_1554, %get3A_1250 : vector<16xf32>
        %min3A_1556 = arith.constant 8.000000e+01 : f32
        %min3A_1557 = vector.broadcast %min3A_1556 : f32 to vector<16xf32>
        %min3A_1558 = arith.minimumf %sub3A_1555, %min3A_1557 : vector<16xf32>
        %exp3A_1559 = math.exp %min3A_1558 : vector<16xf32>
        %eq3A_1560 = arith.constant 0 : i32
        %eq3A_1561 = vector.broadcast %eq3A_1560 : i32 to vector<16xi32>
        %eq3A_1562 = arith.cmpi eq, %iota3A, %eq3A_1561 : vector<16xi32>
        %jit3A = arith.constant 0.000000e+00 : f32
        %broadcast_in_dim3A_1563 = vector.broadcast %jit3A : f32 to vector<16xf32>
        %select_n3A_1564 = arith.select %eq3A_1562, %exp3A, %broadcast_in_dim3A_1563 : vector<16xi1>, vector<16xf32>
        %add3A_1565 = arith.addf %broadcast_in_dim3A_1, %select_n3A_1564 : vector<16xf32>
        %eq3A_1566 = arith.constant 1 : i32
        %eq3A_1567 = vector.broadcast %eq3A_1566 : i32 to vector<16xi32>
        %eq3A_1568 = arith.cmpi eq, %iota3A, %eq3A_1567 : vector<16xi32>
        %jit3A_1569 = arith.constant 0.000000e+00 : f32
        %broadcast_in_dim3A_1570 = vector.broadcast %jit3A_1569 : f32 to vector<16xf32>
        %select_n3A_1571 = arith.select %eq3A_1568, %exp3A_1467, %broadcast_in_dim3A_1570 : vector<16xi1>, vector<16xf32>
        %add3A_1572 = arith.addf %add3A_1565, %select_n3A_1571 : vector<16xf32>
        %eq3A_1573 = arith.constant 2 : i32
        %eq3A_1574 = vector.broadcast %eq3A_1573 : i32 to vector<16xi32>
        %eq3A_1575 = arith.cmpi eq, %iota3A, %eq3A_1574 : vector<16xi32>
        %jit3A_1576 = arith.constant 0.000000e+00 : f32
        %broadcast_in_dim3A_1577 = vector.broadcast %jit3A_1576 : f32 to vector<16xf32>
        %select_n3A_1578 = arith.select %eq3A_1575, %exp3A_1513, %broadcast_in_dim3A_1577 : vector<16xi1>, vector<16xf32>
        %add3A_1579 = arith.addf %add3A_1572, %select_n3A_1578 : vector<16xf32>
        %eq3A_1580 = arith.constant 3 : i32
        %eq3A_1581 = vector.broadcast %eq3A_1580 : i32 to vector<16xi32>
        %eq3A_1582 = arith.cmpi eq, %iota3A, %eq3A_1581 : vector<16xi32>
        %jit3A_1583 = arith.constant 0.000000e+00 : f32
        %broadcast_in_dim3A_1584 = vector.broadcast %jit3A_1583 : f32 to vector<16xf32>
        %select_n3A_1585 = arith.select %eq3A_1582, %exp3A_1559, %broadcast_in_dim3A_1584 : vector<16xi1>, vector<16xf32>
        %add3A_1586 = arith.addf %add3A_1579, %select_n3A_1585 : vector<16xf32>
        %swap3A_1587 = arith.constant 384 : index
        %swap3A_1588 = tpu.vector_load %arg25[%swap3A_1587] {strides = array<i32>} : memref<640xf32, #tpu.memory_space<vmem>>, vector<16xf32>,
        %swap3A_1589 = vector.shape_cast %swap3A_1588 : vector<16xf32> to vector<16xf32>
        %swap3A_1590 = vector.shape_cast %add3A_1586 : vector<16xf32> to vector<16xf32>
        tpu.vector_store %arg25[%swap3A_1587], %swap3A_1590 {strides = array<i32>} : memref<640xf32, #tpu.memory_space<vmem>>, vector<16xf32>,
        %swap3A_1591 = arith.constant 400 : index
        %swap3A_1592 = tpu.vector_load %arg25[%swap3A_1591] {strides = array<i32>} : memref<640xf32, #tpu.memory_space<vmem>>, vector<16xf32>,
        %swap3A_1593 = vector.shape_cast %swap3A_1592 : vector<16xf32> to vector<16xf32>
        %swap3A_1594 = vector.shape_cast %add3A_1586 : vector<16xf32> to vector<16xf32>
        tpu.vector_store %arg25[%swap3A_1591], %swap3A_1594 {strides = array<i32>} : memref<640xf32, #tpu.memory_space<vmem>>, vector<16xf32>,
        %get3A_1595 = arith.constant 392 : index
        %get3A_1596 = tpu.vector_load %arg25[%get3A_1595] {strides = array<i32>} : memref<640xf32, #tpu.memory_space<vmem>>, vector<16xf32>,
        %get3A_1597 = vector.shape_cast %get3A_1596 : vector<16xf32> to vector<16xf32>
        %eq3A_1598 = arith.constant 0.000000e+00 : f32
        %eq3A_1599 = vector.broadcast %eq3A_1598 : f32 to vector<16xf32>
        %eq3A_1600 = arith.cmpf oeq, %select_n3A_1246, %eq3A_1599 : vector<16xf32>
        %jit3A_1601 = arith.constant 0.000000e+00 : f32
        %broadcast_in_dim3A_1602 = vector.broadcast %jit3A_1601 : f32 to vector<16xf32>
        %select_n3A_1603 = arith.select %eq3A_1600, %add3A_1586, %broadcast_in_dim3A_1602 : vector<16xi1>, vector<16xf32>
        %eq3A_1604 = arith.constant 1.000000e+00 : f32
        %eq3A_1605 = vector.broadcast %eq3A_1604 : f32 to vector<16xf32>
        %eq3A_1606 = arith.cmpf oeq, %select_n3A_1246, %eq3A_1605 : vector<16xf32>
        %jit3A_1607 = arith.constant 0.000000e+00 : f32
        %broadcast_in_dim3A_1608 = vector.broadcast %jit3A_1607 : f32 to vector<16xf32>
        %select_n3A_1609 = arith.select %eq3A_1606, %get3A_1597, %broadcast_in_dim3A_1608 : vector<16xi1>, vector<16xf32>
        %add3A_1610 = arith.addf %select_n3A_1603, %select_n3A_1609 : vector<16xf32>
        %swap3A_1611 = arith.index_cast %scan3A_1224 : i32 to index
        %swap3A_1612 = arith.constant 0 : index
        %swap3A_1613 = tpu.vector_load %arg23[%swap3A_1611, %swap3A_1612] {strides = array<i32>} : memref<40x128xf32, #tpu.memory_space<vmem>>, vector<1x16xf32>,
        %swap3A_1614 = vector.shape_cast %swap3A_1613 : vector<1x16xf32> to vector<16xf32>
        %swap3A_1615 = vector.shape_cast %add3A_1610 : vector<16xf32> to vector<1x16xf32>
        tpu.vector_store %arg23[%swap3A_1611, %swap3A_1612], %swap3A_1615 {strides = array<i32>} : memref<40x128xf32, #tpu.memory_space<vmem>>, vector<1x16xf32>,
        %eq3A_1616 = arith.constant 2.000000e+00 : f32
        %eq3A_1617 = vector.broadcast %eq3A_1616 : f32 to vector<16xf32>
        %eq3A_1618 = arith.cmpf oeq, %select_n3A_1246, %eq3A_1617 : vector<16xf32>
        %jit3A_1619 = arith.constant 0.000000e+00 : f32
        %broadcast_in_dim3A_1620 = vector.broadcast %jit3A_1619 : f32 to vector<16xf32>
        %select_n3A_1621 = arith.select %eq3A_1618, %add3A_1586, %broadcast_in_dim3A_1620 : vector<16xi1>, vector<16xf32>
        %eq3A_1622 = arith.constant 3.000000e+00 : f32
        %eq3A_1623 = vector.broadcast %eq3A_1622 : f32 to vector<16xf32>
        %eq3A_1624 = arith.cmpf oeq, %select_n3A_1246, %eq3A_1623 : vector<16xf32>
        %jit3A_1625 = arith.constant 0.000000e+00 : f32
        %broadcast_in_dim3A_1626 = vector.broadcast %jit3A_1625 : f32 to vector<16xf32>
        %select_n3A_1627 = arith.select %eq3A_1624, %get3A_1597, %broadcast_in_dim3A_1626 : vector<16xi1>, vector<16xf32>
        %add3A_1628 = arith.addf %select_n3A_1621, %select_n3A_1627 : vector<16xf32>
        %swap3A_1629 = arith.index_cast %scan3A_1224 : i32 to index
        %swap3A_1630 = arith.constant 16 : index
        %swap3A_1631 = tpu.vector_load %arg23[%swap3A_1629, %swap3A_1630] {strides = array<i32>} : memref<40x128xf32, #tpu.memory_space<vmem>>, vector<1x16xf32>,
        %swap3A_1632 = vector.shape_cast %swap3A_1631 : vector<1x16xf32> to vector<16xf32>
        %swap3A_1633 = vector.shape_cast %add3A_1628 : vector<16xf32> to vector<1x16xf32>
        tpu.vector_store %arg23[%swap3A_1629, %swap3A_1630], %swap3A_1633 {strides = array<i32>} : memref<40x128xf32, #tpu.memory_space<vmem>>, vector<1x16xf32>,
        %eq3A_1634 = arith.constant 4.000000e+00 : f32
        %eq3A_1635 = vector.broadcast %eq3A_1634 : f32 to vector<16xf32>
        %eq3A_1636 = arith.cmpf oeq, %select_n3A_1246, %eq3A_1635 : vector<16xf32>
        %jit3A_1637 = arith.constant 0.000000e+00 : f32
        %broadcast_in_dim3A_1638 = vector.broadcast %jit3A_1637 : f32 to vector<16xf32>
        %select_n3A_1639 = arith.select %eq3A_1636, %add3A_1586, %broadcast_in_dim3A_1638 : vector<16xi1>, vector<16xf32>
        %eq3A_1640 = arith.constant 5.000000e+00 : f32
        %eq3A_1641 = vector.broadcast %eq3A_1640 : f32 to vector<16xf32>
        %eq3A_1642 = arith.cmpf oeq, %select_n3A_1246, %eq3A_1641 : vector<16xf32>
        %jit3A_1643 = arith.constant 0.000000e+00 : f32
        %broadcast_in_dim3A_1644 = vector.broadcast %jit3A_1643 : f32 to vector<16xf32>
        %select_n3A_1645 = arith.select %eq3A_1642, %get3A_1597, %broadcast_in_dim3A_1644 : vector<16xi1>, vector<16xf32>
        %add3A_1646 = arith.addf %select_n3A_1639, %select_n3A_1645 : vector<16xf32>
        %swap3A_1647 = arith.index_cast %scan3A_1224 : i32 to index
        %swap3A_1648 = arith.constant 32 : index
        %swap3A_1649 = tpu.vector_load %arg23[%swap3A_1647, %swap3A_1648] {strides = array<i32>} : memref<40x128xf32, #tpu.memory_space<vmem>>, vector<1x16xf32>,
        %swap3A_1650 = vector.shape_cast %swap3A_1649 : vector<1x16xf32> to vector<16xf32>
        %swap3A_1651 = vector.shape_cast %add3A_1646 : vector<16xf32> to vector<1x16xf32>
        tpu.vector_store %arg23[%swap3A_1647, %swap3A_1648], %swap3A_1651 {strides = array<i32>} : memref<40x128xf32, #tpu.memory_space<vmem>>, vector<1x16xf32>,
        %eq3A_1652 = arith.constant 6.000000e+00 : f32
        %eq3A_1653 = vector.broadcast %eq3A_1652 : f32 to vector<16xf32>
        %eq3A_1654 = arith.cmpf oeq, %select_n3A_1246, %eq3A_1653 : vector<16xf32>
        %jit3A_1655 = arith.constant 0.000000e+00 : f32
        %broadcast_in_dim3A_1656 = vector.broadcast %jit3A_1655 : f32 to vector<16xf32>
        %select_n3A_1657 = arith.select %eq3A_1654, %add3A_1586, %broadcast_in_dim3A_1656 : vector<16xi1>, vector<16xf32>
        %eq3A_1658 = arith.constant 7.000000e+00 : f32
        %eq3A_1659 = vector.broadcast %eq3A_1658 : f32 to vector<16xf32>
        %eq3A_1660 = arith.cmpf oeq, %select_n3A_1246, %eq3A_1659 : vector<16xf32>
        %jit3A_1661 = arith.constant 0.000000e+00 : f32
        %broadcast_in_dim3A_1662 = vector.broadcast %jit3A_1661 : f32 to vector<16xf32>
        %select_n3A_1663 = arith.select %eq3A_1660, %get3A_1597, %broadcast_in_dim3A_1662 : vector<16xi1>, vector<16xf32>
        %add3A_1664 = arith.addf %select_n3A_1657, %select_n3A_1663 : vector<16xf32>
        %swap3A_1665 = arith.index_cast %scan3A_1224 : i32 to index
        %swap3A_1666 = arith.constant 48 : index
        %swap3A_1667 = tpu.vector_load %arg23[%swap3A_1665, %swap3A_1666] {strides = array<i32>} : memref<40x128xf32, #tpu.memory_space<vmem>>, vector<1x16xf32>,
        %swap3A_1668 = vector.shape_cast %swap3A_1667 : vector<1x16xf32> to vector<16xf32>
        %swap3A_1669 = vector.shape_cast %add3A_1664 : vector<16xf32> to vector<1x16xf32>
        tpu.vector_store %arg23[%swap3A_1665, %swap3A_1666], %swap3A_1669 {strides = array<i32>} : memref<40x128xf32, #tpu.memory_space<vmem>>, vector<1x16xf32>,
        %eq3A_1670 = arith.constant 8.000000e+00 : f32
        %eq3A_1671 = vector.broadcast %eq3A_1670 : f32 to vector<16xf32>
        %eq3A_1672 = arith.cmpf oeq, %select_n3A_1246, %eq3A_1671 : vector<16xf32>
        %jit3A_1673 = arith.constant 0.000000e+00 : f32
        %broadcast_in_dim3A_1674 = vector.broadcast %jit3A_1673 : f32 to vector<16xf32>
        %select_n3A_1675 = arith.select %eq3A_1672, %add3A_1586, %broadcast_in_dim3A_1674 : vector<16xi1>, vector<16xf32>
        %eq3A_1676 = arith.constant 9.000000e+00 : f32
        %eq3A_1677 = vector.broadcast %eq3A_1676 : f32 to vector<16xf32>
        %eq3A_1678 = arith.cmpf oeq, %select_n3A_1246, %eq3A_1677 : vector<16xf32>
        %jit3A_1679 = arith.constant 0.000000e+00 : f32
        %broadcast_in_dim3A_1680 = vector.broadcast %jit3A_1679 : f32 to vector<16xf32>
        %select_n3A_1681 = arith.select %eq3A_1678, %get3A_1597, %broadcast_in_dim3A_1680 : vector<16xi1>, vector<16xf32>
        %add3A_1682 = arith.addf %select_n3A_1675, %select_n3A_1681 : vector<16xf32>
        %swap3A_1683 = arith.index_cast %scan3A_1224 : i32 to index
        %swap3A_1684 = arith.constant 64 : index
        %swap3A_1685 = tpu.vector_load %arg23[%swap3A_1683, %swap3A_1684] {strides = array<i32>} : memref<40x128xf32, #tpu.memory_space<vmem>>, vector<1x16xf32>,
        %swap3A_1686 = vector.shape_cast %swap3A_1685 : vector<1x16xf32> to vector<16xf32>
        %swap3A_1687 = vector.shape_cast %add3A_1682 : vector<16xf32> to vector<1x16xf32>
        tpu.vector_store %arg23[%swap3A_1683, %swap3A_1684], %swap3A_1687 {strides = array<i32>} : memref<40x128xf32, #tpu.memory_space<vmem>>, vector<1x16xf32>,
        %eq3A_1688 = arith.constant 1.000000e+01 : f32
        %eq3A_1689 = vector.broadcast %eq3A_1688 : f32 to vector<16xf32>
        %eq3A_1690 = arith.cmpf oeq, %select_n3A_1246, %eq3A_1689 : vector<16xf32>
        %jit3A_1691 = arith.constant 0.000000e+00 : f32
        %broadcast_in_dim3A_1692 = vector.broadcast %jit3A_1691 : f32 to vector<16xf32>
        %select_n3A_1693 = arith.select %eq3A_1690, %add3A_1586, %broadcast_in_dim3A_1692 : vector<16xi1>, vector<16xf32>
        %eq3A_1694 = arith.constant 1.100000e+01 : f32
        %eq3A_1695 = vector.broadcast %eq3A_1694 : f32 to vector<16xf32>
        %eq3A_1696 = arith.cmpf oeq, %select_n3A_1246, %eq3A_1695 : vector<16xf32>
        %jit3A_1697 = arith.constant 0.000000e+00 : f32
        %broadcast_in_dim3A_1698 = vector.broadcast %jit3A_1697 : f32 to vector<16xf32>
        %select_n3A_1699 = arith.select %eq3A_1696, %get3A_1597, %broadcast_in_dim3A_1698 : vector<16xi1>, vector<16xf32>
        %add3A_1700 = arith.addf %select_n3A_1693, %select_n3A_1699 : vector<16xf32>
        %swap3A_1701 = arith.index_cast %scan3A_1224 : i32 to index
        %swap3A_1702 = arith.constant 80 : index
        %swap3A_1703 = tpu.vector_load %arg23[%swap3A_1701, %swap3A_1702] {strides = array<i32>} : memref<40x128xf32, #tpu.memory_space<vmem>>, vector<1x16xf32>,
        %swap3A_1704 = vector.shape_cast %swap3A_1703 : vector<1x16xf32> to vector<16xf32>
        %swap3A_1705 = vector.shape_cast %add3A_1700 : vector<16xf32> to vector<1x16xf32>
        tpu.vector_store %arg23[%swap3A_1701, %swap3A_1702], %swap3A_1705 {strides = array<i32>} : memref<40x128xf32, #tpu.memory_space<vmem>>, vector<1x16xf32>,
        %eq3A_1706 = arith.constant 1.200000e+01 : f32
        %eq3A_1707 = vector.broadcast %eq3A_1706 : f32 to vector<16xf32>
        %eq3A_1708 = arith.cmpf oeq, %select_n3A_1246, %eq3A_1707 : vector<16xf32>
        %jit3A_1709 = arith.constant 0.000000e+00 : f32
        %broadcast_in_dim3A_1710 = vector.broadcast %jit3A_1709 : f32 to vector<16xf32>
        %select_n3A_1711 = arith.select %eq3A_1708, %add3A_1586, %broadcast_in_dim3A_1710 : vector<16xi1>, vector<16xf32>
        %eq3A_1712 = arith.constant 1.300000e+01 : f32
        %eq3A_1713 = vector.broadcast %eq3A_1712 : f32 to vector<16xf32>
        %eq3A_1714 = arith.cmpf oeq, %select_n3A_1246, %eq3A_1713 : vector<16xf32>
        %jit3A_1715 = arith.constant 0.000000e+00 : f32
        %broadcast_in_dim3A_1716 = vector.broadcast %jit3A_1715 : f32 to vector<16xf32>
        %select_n3A_1717 = arith.select %eq3A_1714, %get3A_1597, %broadcast_in_dim3A_1716 : vector<16xi1>, vector<16xf32>
        %add3A_1718 = arith.addf %select_n3A_1711, %select_n3A_1717 : vector<16xf32>
        %swap3A_1719 = arith.index_cast %scan3A_1224 : i32 to index
        %swap3A_1720 = arith.constant 96 : index
        %swap3A_1721 = tpu.vector_load %arg23[%swap3A_1719, %swap3A_1720] {strides = array<i32>} : memref<40x128xf32, #tpu.memory_space<vmem>>, vector<1x16xf32>,
        %swap3A_1722 = vector.shape_cast %swap3A_1721 : vector<1x16xf32> to vector<16xf32>
        %swap3A_1723 = vector.shape_cast %add3A_1718 : vector<16xf32> to vector<1x16xf32>
        tpu.vector_store %arg23[%swap3A_1719, %swap3A_1720], %swap3A_1723 {strides = array<i32>} : memref<40x128xf32, #tpu.memory_space<vmem>>, vector<1x16xf32>,
        %eq3A_1724 = arith.constant 1.400000e+01 : f32
        %eq3A_1725 = vector.broadcast %eq3A_1724 : f32 to vector<16xf32>
        %eq3A_1726 = arith.cmpf oeq, %select_n3A_1246, %eq3A_1725 : vector<16xf32>
        %jit3A_1727 = arith.constant 0.000000e+00 : f32
        %broadcast_in_dim3A_1728 = vector.broadcast %jit3A_1727 : f32 to vector<16xf32>
        %select_n3A_1729 = arith.select %eq3A_1726, %add3A_1586, %broadcast_in_dim3A_1728 : vector<16xi1>, vector<16xf32>
        %eq3A_1730 = arith.constant 1.500000e+01 : f32
        %eq3A_1731 = vector.broadcast %eq3A_1730 : f32 to vector<16xf32>
        %eq3A_1732 = arith.cmpf oeq, %select_n3A_1246, %eq3A_1731 : vector<16xf32>
        %jit3A_1733 = arith.constant 0.000000e+00 : f32
        %broadcast_in_dim3A_1734 = vector.broadcast %jit3A_1733 : f32 to vector<16xf32>
        %select_n3A_1735 = arith.select %eq3A_1732, %get3A_1597, %broadcast_in_dim3A_1734 : vector<16xi1>, vector<16xf32>
        %add3A_1736 = arith.addf %select_n3A_1729, %select_n3A_1735 : vector<16xf32>
        %swap3A_1737 = arith.index_cast %scan3A_1224 : i32 to index
        %swap3A_1738 = arith.constant 112 : index
        %swap3A_1739 = tpu.vector_load %arg23[%swap3A_1737, %swap3A_1738] {strides = array<i32>} : memref<40x128xf32, #tpu.memory_space<vmem>>, vector<1x16xf32>,
        %swap3A_1740 = vector.shape_cast %swap3A_1739 : vector<1x16xf32> to vector<16xf32>
        %swap3A_1741 = vector.shape_cast %add3A_1736 : vector<16xf32> to vector<1x16xf32>
        tpu.vector_store %arg23[%swap3A_1737, %swap3A_1738], %swap3A_1741 {strides = array<i32>} : memref<40x128xf32, #tpu.memory_space<vmem>>, vector<1x16xf32>,
        %mul3A_1742 = arith.mulf %get3A_1254, %exp3A : vector<16xf32>
        %swap3A_1743 = arith.index_cast %scan3A_1224 : i32 to index
        %swap3A_1744 = arith.constant 0 : index
        %swap3A_1745 = tpu.vector_load %arg22[%swap3A_1743, %swap3A_1744] {strides = array<i32>} : memref<40x128xf32, #tpu.memory_space<vmem>>, vector<1x16xf32>,
        %swap3A_1746 = vector.shape_cast %swap3A_1745 : vector<1x16xf32> to vector<16xf32>
        %swap3A_1747 = vector.shape_cast %mul3A_1742 : vector<16xf32> to vector<1x16xf32>
        tpu.vector_store %arg22[%swap3A_1743, %swap3A_1744], %swap3A_1747 {strides = array<i32>} : memref<40x128xf32, #tpu.memory_space<vmem>>, vector<1x16xf32>,
        %mul3A_1748 = arith.mulf %get3A_1269, %exp3A : vector<16xf32>
        %swap3A_1749 = arith.index_cast %scan3A_1224 : i32 to index
        %swap3A_1750 = arith.constant 16 : index
        %swap3A_1751 = tpu.vector_load %arg22[%swap3A_1749, %swap3A_1750] {strides = array<i32>} : memref<40x128xf32, #tpu.memory_space<vmem>>, vector<1x16xf32>,
        %swap3A_1752 = vector.shape_cast %swap3A_1751 : vector<1x16xf32> to vector<16xf32>
        %swap3A_1753 = vector.shape_cast %mul3A_1748 : vector<16xf32> to vector<1x16xf32>
        tpu.vector_store %arg22[%swap3A_1749, %swap3A_1750], %swap3A_1753 {strides = array<i32>} : memref<40x128xf32, #tpu.memory_space<vmem>>, vector<1x16xf32>,
        %mul3A_1754 = arith.mulf %get3A_1285, %exp3A_1467 : vector<16xf32>
        %swap3A_1755 = arith.index_cast %scan3A_1224 : i32 to index
        %swap3A_1756 = arith.constant 32 : index
        %swap3A_1757 = tpu.vector_load %arg22[%swap3A_1755, %swap3A_1756] {strides = array<i32>} : memref<40x128xf32, #tpu.memory_space<vmem>>, vector<1x16xf32>,
        %swap3A_1758 = vector.shape_cast %swap3A_1757 : vector<1x16xf32> to vector<16xf32>
        %swap3A_1759 = vector.shape_cast %mul3A_1754 : vector<16xf32> to vector<1x16xf32>
        tpu.vector_store %arg22[%swap3A_1755, %swap3A_1756], %swap3A_1759 {strides = array<i32>} : memref<40x128xf32, #tpu.memory_space<vmem>>, vector<1x16xf32>,
        %mul3A_1760 = arith.mulf %get3A_1301, %exp3A_1467 : vector<16xf32>
        %swap3A_1761 = arith.index_cast %scan3A_1224 : i32 to index
        %swap3A_1762 = arith.constant 48 : index
        %swap3A_1763 = tpu.vector_load %arg22[%swap3A_1761, %swap3A_1762] {strides = array<i32>} : memref<40x128xf32, #tpu.memory_space<vmem>>, vector<1x16xf32>,
        %swap3A_1764 = vector.shape_cast %swap3A_1763 : vector<1x16xf32> to vector<16xf32>
        %swap3A_1765 = vector.shape_cast %mul3A_1760 : vector<16xf32> to vector<1x16xf32>
        tpu.vector_store %arg22[%swap3A_1761, %swap3A_1762], %swap3A_1765 {strides = array<i32>} : memref<40x128xf32, #tpu.memory_space<vmem>>, vector<1x16xf32>,
        %mul3A_1766 = arith.mulf %get3A_1317, %exp3A_1513 : vector<16xf32>
        %swap3A_1767 = arith.index_cast %scan3A_1224 : i32 to index
        %swap3A_1768 = arith.constant 64 : index
        %swap3A_1769 = tpu.vector_load %arg22[%swap3A_1767, %swap3A_1768] {strides = array<i32>} : memref<40x128xf32, #tpu.memory_space<vmem>>, vector<1x16xf32>,
        %swap3A_1770 = vector.shape_cast %swap3A_1769 : vector<1x16xf32> to vector<16xf32>
        %swap3A_1771 = vector.shape_cast %mul3A_1766 : vector<16xf32> to vector<1x16xf32>
        tpu.vector_store %arg22[%swap3A_1767, %swap3A_1768], %swap3A_1771 {strides = array<i32>} : memref<40x128xf32, #tpu.memory_space<vmem>>, vector<1x16xf32>,
        %mul3A_1772 = arith.mulf %get3A_1333, %exp3A_1513 : vector<16xf32>
        %swap3A_1773 = arith.index_cast %scan3A_1224 : i32 to index
        %swap3A_1774 = arith.constant 80 : index
        %swap3A_1775 = tpu.vector_load %arg22[%swap3A_1773, %swap3A_1774] {strides = array<i32>} : memref<40x128xf32, #tpu.memory_space<vmem>>, vector<1x16xf32>,
        %swap3A_1776 = vector.shape_cast %swap3A_1775 : vector<1x16xf32> to vector<16xf32>
        %swap3A_1777 = vector.shape_cast %mul3A_1772 : vector<16xf32> to vector<1x16xf32>
        tpu.vector_store %arg22[%swap3A_1773, %swap3A_1774], %swap3A_1777 {strides = array<i32>} : memref<40x128xf32, #tpu.memory_space<vmem>>, vector<1x16xf32>,
        %mul3A_1778 = arith.mulf %get3A_1349, %exp3A_1559 : vector<16xf32>
        %swap3A_1779 = arith.index_cast %scan3A_1224 : i32 to index
        %swap3A_1780 = arith.constant 96 : index
        %swap3A_1781 = tpu.vector_load %arg22[%swap3A_1779, %swap3A_1780] {strides = array<i32>} : memref<40x128xf32, #tpu.memory_space<vmem>>, vector<1x16xf32>,
        %swap3A_1782 = vector.shape_cast %swap3A_1781 : vector<1x16xf32> to vector<16xf32>
        %swap3A_1783 = vector.shape_cast %mul3A_1778 : vector<16xf32> to vector<1x16xf32>
        tpu.vector_store %arg22[%swap3A_1779, %swap3A_1780], %swap3A_1783 {strides = array<i32>} : memref<40x128xf32, #tpu.memory_space<vmem>>, vector<1x16xf32>,
        %mul3A_1784 = arith.mulf %get3A_1365, %exp3A_1559 : vector<16xf32>
        %swap3A_1785 = arith.index_cast %scan3A_1224 : i32 to index
        %swap3A_1786 = arith.constant 112 : index
        %swap3A_1787 = tpu.vector_load %arg22[%swap3A_1785, %swap3A_1786] {strides = array<i32>} : memref<40x128xf32, #tpu.memory_space<vmem>>, vector<1x16xf32>,
        %swap3A_1788 = vector.shape_cast %swap3A_1787 : vector<1x16xf32> to vector<16xf32>
        %swap3A_1789 = vector.shape_cast %mul3A_1784 : vector<16xf32> to vector<1x16xf32>
        tpu.vector_store %arg22[%swap3A_1785, %swap3A_1786], %swap3A_1789 {strides = array<i32>} : memref<40x128xf32, #tpu.memory_space<vmem>>, vector<1x16xf32>,
      }
      %scan3A_1192 = arith.constant 40 : i32
      %dma_start3A_1193 = arith.constant 2 : i32
      %dma_start3A_1194 = arith.constant 0 : i32
      %dma_start3A_1195 = tpu.memref_slice %arg24[%dma_start3A_1193, %dma_start3A_1194] : memref<5x40xi32, #tpu.memory_space<vmem>> -> memref<1x40xi32, #tpu.memory_space<vmem>>
      %dma_start3A_1196 = tpu.memref_squeeze %dma_start3A_1195 : memref<1x40xi32, #tpu.memory_space<vmem>> -> memref<40xi32, #tpu.memory_space<vmem>>
      %dma_start3A_1197 = arith.constant 0 : i32
      %dma_start3A_1198 = arith.constant 0 : i32
      %dma_start3A_1199 = tpu.memref_slice %arg26[%dma_start3A_1197, %dma_start3A_1198] : memref<10000x128xf32, #tpu.memory_space<vmem_shared>> -> memref<10000x128xf32, #tpu.memory_space<vmem_shared>>
      tpu.enqueue_indirect_dma source(%arg22 : memref<40x128xf32, #tpu.memory_space<vmem>>) target(%dma_start3A_1199 : memref<10000x128xf32, #tpu.memory_space<vmem_shared>>) offsets(%dma_start3A_1196 : memref<40xi32, #tpu.memory_space<vmem>>) semaphore(%arg34 : memref<!tpu.dma_semaphore, #tpu.memory_space<semaphore_mem>>) {add = true}
      %dma_start3A_1200 = arith.constant 3 : i32
      %dma_start3A_1201 = arith.constant 0 : i32
      %dma_start3A_1202 = tpu.memref_slice %arg24[%dma_start3A_1200, %dma_start3A_1201] : memref<5x40xi32, #tpu.memory_space<vmem>> -> memref<1x40xi32, #tpu.memory_space<vmem>>
      %dma_start3A_1203 = tpu.memref_squeeze %dma_start3A_1202 : memref<1x40xi32, #tpu.memory_space<vmem>> -> memref<40xi32, #tpu.memory_space<vmem>>
      %dma_start3A_1204 = arith.constant 0 : i32
      %dma_start3A_1205 = arith.constant 0 : i32
      %dma_start3A_1206 = tpu.memref_slice %arg27[%dma_start3A_1204, %dma_start3A_1205] : memref<625x128xf32, #tpu.memory_space<vmem_shared>> -> memref<625x128xf32, #tpu.memory_space<vmem_shared>>
      tpu.enqueue_indirect_dma source(%arg23 : memref<40x128xf32, #tpu.memory_space<vmem>>) target(%dma_start3A_1206 : memref<625x128xf32, #tpu.memory_space<vmem_shared>>) offsets(%dma_start3A_1203 : memref<40xi32, #tpu.memory_space<vmem>>) semaphore(%arg35 : memref<!tpu.dma_semaphore, #tpu.memory_space<semaphore_mem>>) {add = true}
      %add3A_1207 = arith.constant 3 : i32
      %add3A_1208 = arith.addi %mul3A_871, %add3A_1207 : i32
      %rem3A_1209 = arith.constant 250 : i32
      %rem3A_1210 = arith.remsi %add3A_1208, %rem3A_1209 : i32
      %mul3A_1211 = arith.constant 40 : i32
      %mul3A_1212 = arith.muli %rem3A_1210, %mul3A_1211 : i32
      %add3A_1213 = arith.addi %mul3A_790, %mul3A_1212 : i32
      %dma_start3A_1214 = tpu.memref_slice %arg4[%add3A_1213] : memref<320000xi32, #tpu.memory_space<hbm>> -> memref<40xi32, #tpu.memory_space<hbm>>
      %dma_start3A_1215 = tpu.memref_slice %arg4[%add3A_1213] : memref<320000xi32, #tpu.memory_space<hbm>> -> memref<40xi32, #tpu.memory_space<hbm>>
      tpu.enqueue_dma source(%dma_start3A_1215 : memref<40xi32, #tpu.memory_space<hbm>>) target(%arg18 : memref<40xi32, #tpu.memory_space<vmem>>) target_semaphore(%arg40 : memref<!tpu.dma_semaphore, #tpu.memory_space<semaphore_mem>>)
      %dma_start3A_1216 = tpu.memref_slice %arg5[%add3A_1213] : memref<320000xi32, #tpu.memory_space<hbm>> -> memref<40xi32, #tpu.memory_space<hbm>>
      %dma_start3A_1217 = tpu.memref_slice %arg5[%add3A_1213] : memref<320000xi32, #tpu.memory_space<hbm>> -> memref<40xi32, #tpu.memory_space<hbm>>
      tpu.enqueue_dma source(%dma_start3A_1217 : memref<40xi32, #tpu.memory_space<hbm>>) target(%arg19 : memref<40xi32, #tpu.memory_space<vmem>>) target_semaphore(%arg41 : memref<!tpu.dma_semaphore, #tpu.memory_space<semaphore_mem>>)
      %dma_start3A_1218 = tpu.memref_slice %arg6[%add3A_1213] : memref<320000xi32, #tpu.memory_space<hbm>> -> memref<40xi32, #tpu.memory_space<hbm>>
      %dma_start3A_1219 = tpu.memref_slice %arg6[%add3A_1213] : memref<320000xi32, #tpu.memory_space<hbm>> -> memref<40xi32, #tpu.memory_space<hbm>>
      tpu.enqueue_dma source(%dma_start3A_1219 : memref<40xi32, #tpu.memory_space<hbm>>) target(%arg20 : memref<40xi32, #tpu.memory_space<vmem>>) target_semaphore(%arg42 : memref<!tpu.dma_semaphore, #tpu.memory_space<semaphore_mem>>)
      %dma_start3A_1220 = arith.constant 0 : i32
      %dma_start3A_1221 = tpu.memref_slice %arg7[%add3A_1213, %dma_start3A_1220] : memref<320000x32xf32, #tpu.memory_space<hbm>> -> memref<40x32xf32, #tpu.memory_space<hbm>>
      %dma_start3A_1222 = arith.constant 0 : i32
      %dma_start3A_1223 = tpu.memref_slice %arg7[%add3A_1213, %dma_start3A_1222] : memref<320000x32xf32, #tpu.memory_space<hbm>> -> memref<40x32xf32, #tpu.memory_space<hbm>>
      tpu.enqueue_dma source(%dma_start3A_1223 : memref<40x32xf32, #tpu.memory_space<hbm>>) target(%arg21 : memref<40x32xf32, #tpu.memory_space<vmem>>) target_semaphore(%arg43 : memref<!tpu.dma_semaphore, #tpu.memory_space<semaphore_mem>>)
    }
    %scan3A_815 = arith.constant 125 : i32
    %dma_wait3A = arith.constant 0 : i32
    %dma_wait3A_816 = arith.constant 0 : i32
    %dma_wait3A_817 = tpu.memref_slice %arg2[%dma_wait3A, %dma_wait3A_816] : memref<10000x128xf32, #tpu.memory_space<hbm>> -> memref<10000x128xf32, #tpu.memory_space<hbm>>
    tpu.wait_indirect_dma semaphore(%arg28 : memref<!tpu.dma_semaphore, #tpu.memory_space<semaphore_mem>>) src(%dma_wait3A_817 : memref<10000x128xf32, #tpu.memory_space<hbm>>) dst(%arg16 : memref<40x128xf32, #tpu.memory_space<vmem>>)
    %dma_wait3A_818 = arith.constant 0 : i32
    %dma_wait3A_819 = arith.constant 0 : i32
    %dma_wait3A_820 = tpu.memref_slice %arg3[%dma_wait3A_818, %dma_wait3A_819] : memref<10000x128xf32, #tpu.memory_space<hbm>> -> memref<10000x128xf32, #tpu.memory_space<hbm>>
    tpu.wait_indirect_dma semaphore(%arg29 : memref<!tpu.dma_semaphore, #tpu.memory_space<semaphore_mem>>) src(%dma_wait3A_820 : memref<10000x128xf32, #tpu.memory_space<hbm>>) dst(%arg17 : memref<40x128xf32, #tpu.memory_space<vmem>>)
    %dma_wait3A_821 = arith.constant 0 : i32
    %dma_wait3A_822 = tpu.memref_slice %arg4[%dma_wait3A_821] : memref<320000xi32, #tpu.memory_space<hbm>> -> memref<40xi32, #tpu.memory_space<hbm>>
    %dma_wait3A_823 = arith.constant 0 : i32
    %dma_wait3A_824 = tpu.memref_slice %arg4[%dma_wait3A_823] : memref<320000xi32, #tpu.memory_space<hbm>> -> memref<40xi32, #tpu.memory_space<hbm>>
    tpu.wait_dma2 semaphore(%arg40 : memref<!tpu.dma_semaphore, #tpu.memory_space<semaphore_mem>>) src(%dma_wait3A_824 : memref<40xi32, #tpu.memory_space<hbm>>) dst(%arg18 : memref<40xi32, #tpu.memory_space<vmem>>)
    %dma_wait3A_825 = arith.constant 0 : i32
    %dma_wait3A_826 = tpu.memref_slice %arg5[%dma_wait3A_825] : memref<320000xi32, #tpu.memory_space<hbm>> -> memref<40xi32, #tpu.memory_space<hbm>>
    %dma_wait3A_827 = arith.constant 0 : i32
    %dma_wait3A_828 = tpu.memref_slice %arg5[%dma_wait3A_827] : memref<320000xi32, #tpu.memory_space<hbm>> -> memref<40xi32, #tpu.memory_space<hbm>>
    tpu.wait_dma2 semaphore(%arg41 : memref<!tpu.dma_semaphore, #tpu.memory_space<semaphore_mem>>) src(%dma_wait3A_828 : memref<40xi32, #tpu.memory_space<hbm>>) dst(%arg19 : memref<40xi32, #tpu.memory_space<vmem>>)
    %dma_wait3A_829 = arith.constant 0 : i32
    %dma_wait3A_830 = tpu.memref_slice %arg6[%dma_wait3A_829] : memref<320000xi32, #tpu.memory_space<hbm>> -> memref<40xi32, #tpu.memory_space<hbm>>
    %dma_wait3A_831 = arith.constant 0 : i32
    %dma_wait3A_832 = tpu.memref_slice %arg6[%dma_wait3A_831] : memref<320000xi32, #tpu.memory_space<hbm>> -> memref<40xi32, #tpu.memory_space<hbm>>
    tpu.wait_dma2 semaphore(%arg42 : memref<!tpu.dma_semaphore, #tpu.memory_space<semaphore_mem>>) src(%dma_wait3A_832 : memref<40xi32, #tpu.memory_space<hbm>>) dst(%arg20 : memref<40xi32, #tpu.memory_space<vmem>>)
    %dma_wait3A_833 = arith.constant 0 : i32
    %dma_wait3A_834 = arith.constant 0 : i32
    %dma_wait3A_835 = tpu.memref_slice %arg7[%dma_wait3A_833, %dma_wait3A_834] : memref<320000x32xf32, #tpu.memory_space<hbm>> -> memref<40x32xf32, #tpu.memory_space<hbm>>
    %dma_wait3A_836 = arith.constant 0 : i32
    %dma_wait3A_837 = arith.constant 0 : i32
    %dma_wait3A_838 = tpu.memref_slice %arg7[%dma_wait3A_836, %dma_wait3A_837] : memref<320000x32xf32, #tpu.memory_space<hbm>> -> memref<40x32xf32, #tpu.memory_space<hbm>>
    tpu.wait_dma2 semaphore(%arg43 : memref<!tpu.dma_semaphore, #tpu.memory_space<semaphore_mem>>) src(%dma_wait3A_838 : memref<40x32xf32, #tpu.memory_space<hbm>>) dst(%arg21 : memref<40x32xf32, #tpu.memory_space<vmem>>)
    %dma_wait3A_839 = arith.constant 4 : i32
    %dma_wait3A_840 = arith.constant 0 : i32
    %dma_wait3A_841 = tpu.memref_slice %arg24[%dma_wait3A_839, %dma_wait3A_840] : memref<5x40xi32, #tpu.memory_space<vmem>> -> memref<1x40xi32, #tpu.memory_space<vmem>>
    %dma_wait3A_842 = tpu.memref_squeeze %dma_wait3A_841 : memref<1x40xi32, #tpu.memory_space<vmem>> -> memref<40xi32, #tpu.memory_space<vmem>>
    %dma_wait3A_843 = arith.constant 0 : i32
    %dma_wait3A_844 = arith.constant 0 : i32
    %dma_wait3A_845 = tpu.memref_slice %arg26[%dma_wait3A_843, %dma_wait3A_844] : memref<10000x128xf32, #tpu.memory_space<vmem_shared>> -> memref<10000x128xf32, #tpu.memory_space<vmem_shared>>
    tpu.wait_indirect_dma semaphore(%arg34 : memref<!tpu.dma_semaphore, #tpu.memory_space<semaphore_mem>>) src(%arg22 : memref<40x128xf32, #tpu.memory_space<vmem>>) dst(%dma_wait3A_845 : memref<10000x128xf32, #tpu.memory_space<vmem_shared>>)
    %dma_wait3A_846 = arith.constant 4 : i32
    %dma_wait3A_847 = arith.constant 0 : i32
    %dma_wait3A_848 = tpu.memref_slice %arg24[%dma_wait3A_846, %dma_wait3A_847] : memref<5x40xi32, #tpu.memory_space<vmem>> -> memref<1x40xi32, #tpu.memory_space<vmem>>
    %dma_wait3A_849 = tpu.memref_squeeze %dma_wait3A_848 : memref<1x40xi32, #tpu.memory_space<vmem>> -> memref<40xi32, #tpu.memory_space<vmem>>
    %dma_wait3A_850 = arith.constant 0 : i32
    %dma_wait3A_851 = arith.constant 0 : i32
    %dma_wait3A_852 = tpu.memref_slice %arg27[%dma_wait3A_850, %dma_wait3A_851] : memref<625x128xf32, #tpu.memory_space<vmem_shared>> -> memref<625x128xf32, #tpu.memory_space<vmem_shared>>
    tpu.wait_indirect_dma semaphore(%arg35 : memref<!tpu.dma_semaphore, #tpu.memory_space<semaphore_mem>>) src(%arg23 : memref<40x128xf32, #tpu.memory_space<vmem>>) dst(%dma_wait3A_852 : memref<625x128xf32, #tpu.memory_space<vmem_shared>>)
    %barrier3A_853 = arith.constant 0 : index
    tpu.barrier barrier_id(%barrier3A_853)
    %mul3A_854 = arith.constant 624 : i32
    %mul3A_855 = arith.muli %arg1, %mul3A_854 : i32
    %mul3A_856 = arith.constant 624 : i32
    %mul3A_857 = arith.muli %arg1, %mul3A_856 : i32
    "tpu.region"() ({
      %run_scoped3A_869 = tpu.sem_alloc : memref<!tpu.dma_semaphore, #tpu.memory_space<semaphore_mem>>
      %dma_start3A_870 = arith.constant 0 : i32
      %dma_start3A_871 = tpu.memref_slice %arg10[%arg0, %mul3A_857, %dma_start3A_870] : memref<2x10000x128xf32, #tpu.memory_space<hbm>> -> memref<1x624x128xf32, #tpu.memory_space<hbm>>
      %dma_start3A_872 = tpu.memref_squeeze %dma_start3A_871 : memref<1x624x128xf32, #tpu.memory_space<hbm>> -> memref<624x128xf32, #tpu.memory_space<hbm>>
      %dma_start3A_873 = arith.constant 0 : i32
      %dma_start3A_874 = tpu.memref_slice %arg26[%mul3A_855, %dma_start3A_873] : memref<10000x128xf32, #tpu.memory_space<vmem_shared>> -> memref<624x128xf32, #tpu.memory_space<vmem_shared>>
      tpu.enqueue_dma source(%dma_start3A_874 : memref<624x128xf32, #tpu.memory_space<vmem_shared>>) target(%dma_start3A_872 : memref<624x128xf32, #tpu.memory_space<hbm>>) target_semaphore(%run_scoped3A_869 : memref<!tpu.dma_semaphore, #tpu.memory_space<semaphore_mem>>)
      %dma_wait3A_875 = arith.constant 0 : i32
      %dma_wait3A_876 = tpu.memref_slice %arg10[%arg0, %mul3A_857, %dma_wait3A_875] : memref<2x10000x128xf32, #tpu.memory_space<hbm>> -> memref<1x624x128xf32, #tpu.memory_space<hbm>>
      %dma_wait3A_877 = tpu.memref_squeeze %dma_wait3A_876 : memref<1x624x128xf32, #tpu.memory_space<hbm>> -> memref<624x128xf32, #tpu.memory_space<hbm>>
      %dma_wait3A_878 = arith.constant 0 : i32
      %dma_wait3A_879 = tpu.memref_slice %arg26[%mul3A_855, %dma_wait3A_878] : memref<10000x128xf32, #tpu.memory_space<vmem_shared>> -> memref<624x128xf32, #tpu.memory_space<vmem_shared>>
      tpu.wait_dma2 semaphore(%run_scoped3A_869 : memref<!tpu.dma_semaphore, #tpu.memory_space<semaphore_mem>>) src(%dma_wait3A_879 : memref<624x128xf32, #tpu.memory_space<vmem_shared>>) dst(%dma_wait3A_877 : memref<624x128xf32, #tpu.memory_space<hbm>>)
      tpu.yield
    }) : () -> ()
    %eq3A = arith.constant 15 : i32
    %eq3A_858 = arith.cmpi eq, %arg1, %eq3A : i32
    %convert_element_type3A = arith.extui %eq3A_858 : i1 to i32
    %cond3A = arith.constant 0 : i32
    %cond3A_859 = arith.cmpi ne, %convert_element_type3A, %cond3A : i32
    scf.if %cond3A_859 {
      "tpu.region"() ({
        %run_scoped3A_869 = tpu.sem_alloc : memref<!tpu.dma_semaphore, #tpu.memory_space<semaphore_mem>>
        %dma_start3A_870 = arith.constant 9984 : i32
        %dma_start3A_871 = arith.constant 0 : i32
        %dma_start3A_872 = tpu.memref_slice %arg10[%arg0, %dma_start3A_870, %dma_start3A_871] : memref<2x10000x128xf32, #tpu.memory_space<hbm>> -> memref<1x16x128xf32, #tpu.memory_space<hbm>>
        %dma_start3A_873 = tpu.memref_squeeze %dma_start3A_872 : memref<1x16x128xf32, #tpu.memory_space<hbm>> -> memref<16x128xf32, #tpu.memory_space<hbm>>
        %dma_start3A_874 = arith.constant 9984 : i32
        %dma_start3A_875 = arith.constant 0 : i32
        %dma_start3A_876 = tpu.memref_slice %arg26[%dma_start3A_874, %dma_start3A_875] : memref<10000x128xf32, #tpu.memory_space<vmem_shared>> -> memref<16x128xf32, #tpu.memory_space<vmem_shared>>
        tpu.enqueue_dma source(%dma_start3A_876 : memref<16x128xf32, #tpu.memory_space<vmem_shared>>) target(%dma_start3A_873 : memref<16x128xf32, #tpu.memory_space<hbm>>) target_semaphore(%run_scoped3A_869 : memref<!tpu.dma_semaphore, #tpu.memory_space<semaphore_mem>>)
        %dma_wait3A_877 = arith.constant 9984 : i32
        %dma_wait3A_878 = arith.constant 0 : i32
        %dma_wait3A_879 = tpu.memref_slice %arg10[%arg0, %dma_wait3A_877, %dma_wait3A_878] : memref<2x10000x128xf32, #tpu.memory_space<hbm>> -> memref<1x16x128xf32, #tpu.memory_space<hbm>>
        %dma_wait3A_880 = tpu.memref_squeeze %dma_wait3A_879 : memref<1x16x128xf32, #tpu.memory_space<hbm>> -> memref<16x128xf32, #tpu.memory_space<hbm>>
        %dma_wait3A_881 = arith.constant 9984 : i32
        %dma_wait3A_882 = arith.constant 0 : i32
        %dma_wait3A_883 = tpu.memref_slice %arg26[%dma_wait3A_881, %dma_wait3A_882] : memref<10000x128xf32, #tpu.memory_space<vmem_shared>> -> memref<16x128xf32, #tpu.memory_space<vmem_shared>>
        tpu.wait_dma2 semaphore(%run_scoped3A_869 : memref<!tpu.dma_semaphore, #tpu.memory_space<semaphore_mem>>) src(%dma_wait3A_883 : memref<16x128xf32, #tpu.memory_space<vmem_shared>>) dst(%dma_wait3A_880 : memref<16x128xf32, #tpu.memory_space<hbm>>)
        tpu.yield
      }) : () -> ()
    } else {
    }
    %lt3A = arith.constant 15 : i32
    %lt3A_860 = arith.cmpi slt, %arg1, %lt3A : i32
    %convert_element_type3A_861 = arith.extui %lt3A_860 : i1 to i32
    %cond3A_862 = arith.constant 0 : i32
    %cond3A_863 = arith.cmpi ne, %convert_element_type3A_861, %cond3A_862 : i32
    scf.if %cond3A_863 {
      %mul3A_869 = arith.constant 40 : i32
      %mul3A_870 = arith.muli %arg1, %mul3A_869 : i32
      %mul3A_871 = arith.constant 40 : i32
      %mul3A_872 = arith.muli %arg1, %mul3A_871 : i32
      "tpu.region"() ({
        %run_scoped3A_873 = tpu.sem_alloc : memref<!tpu.dma_semaphore, #tpu.memory_space<semaphore_mem>>
        %dma_start3A_874 = arith.constant 0 : i32
        %dma_start3A_875 = tpu.memref_slice %arg11[%arg0, %mul3A_872, %dma_start3A_874] : memref<2x625x128xf32, #tpu.memory_space<hbm>> -> memref<1x40x128xf32, #tpu.memory_space<hbm>>
        %dma_start3A_876 = tpu.memref_squeeze %dma_start3A_875 : memref<1x40x128xf32, #tpu.memory_space<hbm>> -> memref<40x128xf32, #tpu.memory_space<hbm>>
        %dma_start3A_877 = arith.constant 0 : i32
        %dma_start3A_878 = tpu.memref_slice %arg27[%mul3A_870, %dma_start3A_877] : memref<625x128xf32, #tpu.memory_space<vmem_shared>> -> memref<40x128xf32, #tpu.memory_space<vmem_shared>>
        tpu.enqueue_dma source(%dma_start3A_878 : memref<40x128xf32, #tpu.memory_space<vmem_shared>>) target(%dma_start3A_876 : memref<40x128xf32, #tpu.memory_space<hbm>>) target_semaphore(%run_scoped3A_873 : memref<!tpu.dma_semaphore, #tpu.memory_space<semaphore_mem>>)
        %dma_wait3A_879 = arith.constant 0 : i32
        %dma_wait3A_880 = tpu.memref_slice %arg11[%arg0, %mul3A_872, %dma_wait3A_879] : memref<2x625x128xf32, #tpu.memory_space<hbm>> -> memref<1x40x128xf32, #tpu.memory_space<hbm>>
        %dma_wait3A_881 = tpu.memref_squeeze %dma_wait3A_880 : memref<1x40x128xf32, #tpu.memory_space<hbm>> -> memref<40x128xf32, #tpu.memory_space<hbm>>
        %dma_wait3A_882 = arith.constant 0 : i32
        %dma_wait3A_883 = tpu.memref_slice %arg27[%mul3A_870, %dma_wait3A_882] : memref<625x128xf32, #tpu.memory_space<vmem_shared>> -> memref<40x128xf32, #tpu.memory_space<vmem_shared>>
        tpu.wait_dma2 semaphore(%run_scoped3A_873 : memref<!tpu.dma_semaphore, #tpu.memory_space<semaphore_mem>>) src(%dma_wait3A_883 : memref<40x128xf32, #tpu.memory_space<vmem_shared>>) dst(%dma_wait3A_881 : memref<40x128xf32, #tpu.memory_space<hbm>>)
        tpu.yield
      }) : () -> ()
    } else {
    }
    %eq3A_864 = arith.constant 15 : i32
    %eq3A_865 = arith.cmpi eq, %arg1, %eq3A_864 : i32
    %convert_element_type3A_866 = arith.extui %eq3A_865 : i1 to i32
    %cond3A_867 = arith.constant 0 : i32
    %cond3A_868 = arith.cmpi ne, %convert_element_type3A_866, %cond3A_867 : i32
    scf.if %cond3A_868 {
      "tpu.region"() ({
        %run_scoped3A_869 = tpu.sem_alloc : memref<!tpu.dma_semaphore, #tpu.memory_space<semaphore_mem>>
        %dma_start3A_870 = arith.constant 600 : i32
        %dma_start3A_871 = arith.constant 0 : i32
        %dma_start3A_872 = tpu.memref_slice %arg11[%arg0, %dma_start3A_870, %dma_start3A_871] : memref<2x625x128xf32, #tpu.memory_space<hbm>> -> memref<1x25x128xf32, #tpu.memory_space<hbm>>
        %dma_start3A_873 = tpu.memref_squeeze %dma_start3A_872 : memref<1x25x128xf32, #tpu.memory_space<hbm>> -> memref<25x128xf32, #tpu.memory_space<hbm>>
        %dma_start3A_874 = arith.constant 600 : i32
        %dma_start3A_875 = arith.constant 0 : i32
        %dma_start3A_876 = tpu.memref_slice %arg27[%dma_start3A_874, %dma_start3A_875] : memref<625x128xf32, #tpu.memory_space<vmem_shared>> -> memref<25x128xf32, #tpu.memory_space<vmem_shared>>
        tpu.enqueue_dma source(%dma_start3A_876 : memref<25x128xf32, #tpu.memory_space<vmem_shared>>) target(%dma_start3A_873 : memref<25x128xf32, #tpu.memory_space<hbm>>) target_semaphore(%run_scoped3A_869 : memref<!tpu.dma_semaphore, #tpu.memory_space<semaphore_mem>>)
        %dma_wait3A_877 = arith.constant 600 : i32
        %dma_wait3A_878 = arith.constant 0 : i32
        %dma_wait3A_879 = tpu.memref_slice %arg11[%arg0, %dma_wait3A_877, %dma_wait3A_878] : memref<2x625x128xf32, #tpu.memory_space<hbm>> -> memref<1x25x128xf32, #tpu.memory_space<hbm>>
        %dma_wait3A_880 = tpu.memref_squeeze %dma_wait3A_879 : memref<1x25x128xf32, #tpu.memory_space<hbm>> -> memref<25x128xf32, #tpu.memory_space<hbm>>
        %dma_wait3A_881 = arith.constant 600 : i32
        %dma_wait3A_882 = arith.constant 0 : i32
        %dma_wait3A_883 = tpu.memref_slice %arg27[%dma_wait3A_881, %dma_wait3A_882] : memref<625x128xf32, #tpu.memory_space<vmem_shared>> -> memref<25x128xf32, #tpu.memory_space<vmem_shared>>
        tpu.wait_dma2 semaphore(%run_scoped3A_869 : memref<!tpu.dma_semaphore, #tpu.memory_space<semaphore_mem>>) src(%dma_wait3A_883 : memref<25x128xf32, #tpu.memory_space<vmem_shared>>) dst(%dma_wait3A_880 : memref<25x128xf32, #tpu.memory_space<hbm>>)
        tpu.yield
      }) : () -> ()
    } else {
    }
    return
  }
}

module attributes {stable_mosaic.version = 14 : i64} {
  func.func @_proj_body(%arg0: i32, %arg1: memref<2000x128xf32, #tpu.memory_space<vmem>>, %arg2: memref<128x128xf32, #tpu.memory_space<vmem>>, %arg3: memref<1x128xf32, #tpu.memory_space<vmem>>, %arg4: memref<128x128xf32, #tpu.memory_space<vmem>>, %arg5: memref<1x128xf32, #tpu.memory_space<vmem>>, %arg6: memref<1x128xf32, #tpu.memory_space<vmem>>, %arg7: memref<1x128xf32, #tpu.memory_space<vmem>>, %arg8: memref<2000x128xf32, #tpu.memory_space<vmem>>, %arg9: memref<2000x128xf32, #tpu.memory_space<vmem>>, %arg10: memref<2000x8xf32, #tpu.memory_space<vmem>>, %arg11: memref<2000x8xf32, #tpu.memory_space<vmem>>) attributes {dimension_semantics = [#tpu.dimension_semantics<arbitrary>], iteration_bounds = array<i64: 5>, scalar_prefetch = 0 : i64, scratch_operands = 0 : i64, tpu.core_type = #tpu.core_type<tc>, window_params = [{transform_indices = @transform_0, window_bounds = array<i64: 2000, 128>}, {pipeline_mode = #tpu.pipeline_mode<synchronous>, transform_indices = @transform_1, window_bounds = array<i64: 128, 128>}, {pipeline_mode = #tpu.pipeline_mode<synchronous>, transform_indices = @transform_2, window_bounds = array<i64: 1, 128>}, {pipeline_mode = #tpu.pipeline_mode<synchronous>, transform_indices = @transform_3, window_bounds = array<i64: 128, 128>}, {pipeline_mode = #tpu.pipeline_mode<synchronous>, transform_indices = @transform_4, window_bounds = array<i64: 1, 128>}, {pipeline_mode = #tpu.pipeline_mode<synchronous>, transform_indices = @transform_5, window_bounds = array<i64: 1, 128>}, {pipeline_mode = #tpu.pipeline_mode<synchronous>, transform_indices = @transform_6, window_bounds = array<i64: 1, 128>}, {transform_indices = @transform_7, window_bounds = array<i64: 2000, 128>}, {transform_indices = @transform_8, window_bounds = array<i64: 2000, 128>}, {transform_indices = @transform_9, window_bounds = array<i64: 2000, 8>}, {transform_indices = @transform_10, window_bounds = array<i64: 2000, 8>}]} {
    %get3A = arith.constant 0 : index
    %get3A_0 = arith.constant 0 : index
    %get3A_1 = vector.load %arg1[%get3A, %get3A_0] : memref<2000x128xf32, #tpu.memory_space<vmem>>, vector<2000x128xf32>
    %get3A_2 = arith.constant 0 : index
    %get3A_3 = arith.constant 0 : index
    %get3A_4 = vector.load %arg2[%get3A_2, %get3A_3] : memref<128x128xf32, #tpu.memory_space<vmem>>, vector<128x128xf32>
    %dot_general3A = arith.constant dense<0.000000e+00> : vector<2000x128xf32>
    %dot_general3A_5 = tpu.matmul %get3A_1, %get3A_4, %dot_general3A {dimension_numbers = #tpu.dot_dimension_numbers<[1], [1], [0], [0], [0, 0, 1, 0], [], []>, transpose_lhs_hint = false} : vector<2000x128xf32>, vector<128x128xf32>, vector<2000x128xf32> -> vector<2000x128xf32>
    %get3A_6 = arith.constant 0 : index
    %get3A_7 = arith.constant 0 : index
    %get3A_8 = vector.load %arg3[%get3A_6, %get3A_7] : memref<1x128xf32, #tpu.memory_space<vmem>>, vector<1x128xf32>
    %add3A = vector.broadcast %get3A_8 : vector<1x128xf32> to vector<2000x128xf32>
    %add3A_9 = arith.addf %dot_general3A_5, %add3A : vector<2000x128xf32>
    %get3A_10 = arith.constant 0 : index
    %get3A_11 = arith.constant 0 : index
    %get3A_12 = vector.load %arg4[%get3A_10, %get3A_11] : memref<128x128xf32, #tpu.memory_space<vmem>>, vector<128x128xf32>
    %dot_general3A_13 = arith.constant dense<0.000000e+00> : vector<2000x128xf32>
    %dot_general3A_14 = tpu.matmul %get3A_1, %get3A_12, %dot_general3A_13 {dimension_numbers = #tpu.dot_dimension_numbers<[1], [1], [0], [0], [0, 0, 1, 0], [], []>, transpose_lhs_hint = false} : vector<2000x128xf32>, vector<128x128xf32>, vector<2000x128xf32> -> vector<2000x128xf32>
    %get3A_15 = arith.constant 0 : index
    %get3A_16 = arith.constant 0 : index
    %get3A_17 = vector.load %arg5[%get3A_15, %get3A_16] : memref<1x128xf32, #tpu.memory_space<vmem>>, vector<1x128xf32>
    %add3A_18 = vector.broadcast %get3A_17 : vector<1x128xf32> to vector<2000x128xf32>
    %add3A_19 = arith.addf %dot_general3A_14, %add3A_18 : vector<2000x128xf32>
    %swap3A = arith.constant 0 : index
    %swap3A_20 = arith.constant 0 : index
    %swap3A_21 = vector.load %arg8[%swap3A, %swap3A_20] : memref<2000x128xf32, #tpu.memory_space<vmem>>, vector<2000x128xf32>
    tpu.vector_store %arg8[%swap3A, %swap3A_20], %add3A_9 {strides = array<i32>} : memref<2000x128xf32, #tpu.memory_space<vmem>>, vector<2000x128xf32>,
    %swap3A_22 = arith.constant 0 : index
    %swap3A_23 = arith.constant 0 : index
    %swap3A_24 = vector.load %arg9[%swap3A_22, %swap3A_23] : memref<2000x128xf32, #tpu.memory_space<vmem>>, vector<2000x128xf32>
    tpu.vector_store %arg9[%swap3A_22, %swap3A_23], %add3A_19 {strides = array<i32>} : memref<2000x128xf32, #tpu.memory_space<vmem>>, vector<2000x128xf32>,
    %add3A_25 = arith.addf %add3A_9, %add3A_19 : vector<2000x128xf32>
    %get3A_26 = arith.constant 0 : index
    %get3A_27 = arith.constant 0 : index
    %get3A_28 = vector.load %arg6[%get3A_26, %get3A_27] : memref<1x128xf32, #tpu.memory_space<vmem>>, vector<1x128xf32>
    %add3A_29 = vector.broadcast %get3A_28 : vector<1x128xf32> to vector<2000x128xf32>
    %add3A_30 = arith.addf %add3A_25, %add3A_29 : vector<2000x128xf32>
    %mul3A = arith.constant 2.000000e-01 : f32
    %mul3A_31 = vector.broadcast %mul3A : f32 to vector<2000x128xf32>
    %mul3A_32 = arith.mulf %mul3A_31, %add3A_30 : vector<2000x128xf32>
    %max3A = arith.maximumf %add3A_30, %mul3A_32 : vector<2000x128xf32>
    %get3A_33 = arith.constant 0 : index
    %get3A_34 = arith.constant 0 : index
    %get3A_35 = vector.load %arg7[%get3A_33, %get3A_34] : memref<1x128xf32, #tpu.memory_space<vmem>>, vector<1x128xf32>
    %mul3A_36 = vector.broadcast %get3A_35 : vector<1x128xf32> to vector<2000x128xf32>
    %mul3A_37 = arith.mulf %max3A, %mul3A_36 : vector<2000x128xf32>
    %slice3A = vector.extract_strided_slice %mul3A_37 {offsets = [0, 0], sizes = [2000, 32], strides = [1, 1]} : vector<2000x128xf32> to vector<2000x32xf32>
    %reduce_sum3A = arith.constant dense<0.000000e+00> : vector<2000xf32>
    %reduce_sum3A_38 = vector.multi_reduction <add>, %slice3A, %reduce_sum3A [1] : vector<2000x32xf32> to vector<2000xf32>
    %broadcast_in_dim3A = vector.shape_cast %reduce_sum3A_38 : vector<2000xf32> to vector<2000x1xf32>
    %slice3A_39 = vector.extract_strided_slice %mul3A_37 {offsets = [0, 32], sizes = [2000, 32], strides = [1, 1]} : vector<2000x128xf32> to vector<2000x32xf32>
    %reduce_sum3A_40 = arith.constant dense<0.000000e+00> : vector<2000xf32>
    %reduce_sum3A_41 = vector.multi_reduction <add>, %slice3A_39, %reduce_sum3A_40 [1] : vector<2000x32xf32> to vector<2000xf32>
    %broadcast_in_dim3A_42 = vector.shape_cast %reduce_sum3A_41 : vector<2000xf32> to vector<2000x1xf32>
    %slice3A_43 = vector.extract_strided_slice %mul3A_37 {offsets = [0, 64], sizes = [2000, 32], strides = [1, 1]} : vector<2000x128xf32> to vector<2000x32xf32>
    %reduce_sum3A_44 = arith.constant dense<0.000000e+00> : vector<2000xf32>
    %reduce_sum3A_45 = vector.multi_reduction <add>, %slice3A_43, %reduce_sum3A_44 [1] : vector<2000x32xf32> to vector<2000xf32>
    %broadcast_in_dim3A_46 = vector.shape_cast %reduce_sum3A_45 : vector<2000xf32> to vector<2000x1xf32>
    %slice3A_47 = vector.extract_strided_slice %mul3A_37 {offsets = [0, 96], sizes = [2000, 32], strides = [1, 1]} : vector<2000x128xf32> to vector<2000x32xf32>
    %reduce_sum3A_48 = arith.constant dense<0.000000e+00> : vector<2000xf32>
    %reduce_sum3A_49 = vector.multi_reduction <add>, %slice3A_47, %reduce_sum3A_48 [1] : vector<2000x32xf32> to vector<2000xf32>
    %broadcast_in_dim3A_50 = vector.shape_cast %reduce_sum3A_49 : vector<2000xf32> to vector<2000x1xf32>
    %max3A_51 = arith.maximumf %broadcast_in_dim3A, %broadcast_in_dim3A_42 : vector<2000x1xf32>
    %max3A_52 = arith.maximumf %broadcast_in_dim3A_46, %broadcast_in_dim3A_50 : vector<2000x1xf32>
    %max3A_53 = arith.maximumf %max3A_51, %max3A_52 : vector<2000x1xf32>
    %sub3A = arith.subf %broadcast_in_dim3A, %max3A_53 : vector<2000x1xf32>
    %sub3A_54 = arith.subf %broadcast_in_dim3A_42, %max3A_53 : vector<2000x1xf32>
    %sub3A_55 = arith.subf %broadcast_in_dim3A_46, %max3A_53 : vector<2000x1xf32>
    %sub3A_56 = arith.subf %broadcast_in_dim3A_50, %max3A_53 : vector<2000x1xf32>
    %broadcast_in_dim3A_57 = arith.constant 0.000000e+00 : f32
    %broadcast_in_dim3A_58 = vector.broadcast %broadcast_in_dim3A_57 : f32 to vector<2000x4xf32>
    %concatenate3A = tpu.concatenate %sub3A, %sub3A_54, %sub3A_55, %sub3A_56, %broadcast_in_dim3A_58 in 1 : vector<2000x1xf32>, vector<2000x1xf32>, vector<2000x1xf32>, vector<2000x1xf32>, vector<2000x4xf32> -> vector<2000x8xf32>
    %swap3A_59 = arith.constant 0 : index
    %swap3A_60 = arith.constant 0 : index
    %swap3A_61 = vector.load %arg10[%swap3A_59, %swap3A_60] : memref<2000x8xf32, #tpu.memory_space<vmem>>, vector<2000x8xf32>
    tpu.vector_store %arg10[%swap3A_59, %swap3A_60], %concatenate3A {strides = array<i32>} : memref<2000x8xf32, #tpu.memory_space<vmem>>, vector<2000x8xf32>,
    %broadcast_in_dim3A_62 = vector.shape_cast %max3A_53 : vector<2000x1xf32> to vector<2000x1xf32>
    %broadcast_in_dim3A_63 = vector.broadcast %broadcast_in_dim3A_62 : vector<2000x1xf32> to vector<2000x8xf32>
    %swap3A_64 = arith.constant 0 : index
    %swap3A_65 = arith.constant 0 : index
    %swap3A_66 = vector.load %arg11[%swap3A_64, %swap3A_65] : memref<2000x8xf32, #tpu.memory_space<vmem>>, vector<2000x8xf32>
    tpu.vector_store %arg11[%swap3A_64, %swap3A_65], %broadcast_in_dim3A_63 {strides = array<i32>} : memref<2000x8xf32, #tpu.memory_space<vmem>>, vector<2000x8xf32>,
    return
  }
  func.func @transform_0(%arg0: i32) -> (i32, i32) {
    %c0_i32 = arith.constant 0 : i32
    %c0_i32_0 = arith.constant 0 : i32
    return %arg0, %c0_i32 : i32, i32
  }
  func.func @transform_1(%arg0: i32) -> (i32, i32) {
    %c0_i32 = arith.constant 0 : i32
    %c0_i32_0 = arith.constant 0 : i32
    %c0_i32_1 = arith.constant 0 : i32
    return %c0_i32, %c0_i32_0 : i32, i32
  }
  func.func @transform_2(%arg0: i32) -> (i32, i32) {
    %c0_i32 = arith.constant 0 : i32
    %c0_i32_0 = arith.constant 0 : i32
    %c0_i32_1 = arith.constant 0 : i32
    return %c0_i32, %c0_i32_0 : i32, i32
  }
  func.func @transform_3(%arg0: i32) -> (i32, i32) {
    %c0_i32 = arith.constant 0 : i32
    %c0_i32_0 = arith.constant 0 : i32
    %c0_i32_1 = arith.constant 0 : i32
    return %c0_i32, %c0_i32_0 : i32, i32
  }
  func.func @transform_4(%arg0: i32) -> (i32, i32) {
    %c0_i32 = arith.constant 0 : i32
    %c0_i32_0 = arith.constant 0 : i32
    %c0_i32_1 = arith.constant 0 : i32
    return %c0_i32, %c0_i32_0 : i32, i32
  }
  func.func @transform_5(%arg0: i32) -> (i32, i32) {
    %c0_i32 = arith.constant 0 : i32
    %c0_i32_0 = arith.constant 0 : i32
    %c0_i32_1 = arith.constant 0 : i32
    return %c0_i32, %c0_i32_0 : i32, i32
  }
  func.func @transform_6(%arg0: i32) -> (i32, i32) {
    %c0_i32 = arith.constant 0 : i32
    %c0_i32_0 = arith.constant 0 : i32
    %c0_i32_1 = arith.constant 0 : i32
    return %c0_i32, %c0_i32_0 : i32, i32
  }
  func.func @transform_7(%arg0: i32) -> (i32, i32) {
    %c0_i32 = arith.constant 0 : i32
    %c0_i32_0 = arith.constant 0 : i32
    return %arg0, %c0_i32 : i32, i32
  }
  func.func @transform_8(%arg0: i32) -> (i32, i32) {
    %c0_i32 = arith.constant 0 : i32
    %c0_i32_0 = arith.constant 0 : i32
    return %arg0, %c0_i32 : i32, i32
  }
  func.func @transform_9(%arg0: i32) -> (i32, i32) {
    %c0_i32 = arith.constant 0 : i32
    %c0_i32_0 = arith.constant 0 : i32
    return %arg0, %c0_i32 : i32, i32
  }
  func.func @transform_10(%arg0: i32) -> (i32, i32) {
    %c0_i32 = arith.constant 0 : i32
    %c0_i32_0 = arith.constant 0 : i32
    return %arg0, %c0_i32 : i32, i32
  }
}

module attributes {stable_mosaic.version = 14 : i64} {
  func.func @_bcast_body(%arg0: i32, %arg1: memref<4000x1xf32, #tpu.memory_space<vmem>>, %arg2: memref<4000x1xf32, #tpu.memory_space<vmem>>, %arg3: memref<4000x1xf32, #tpu.memory_space<vmem>>, %arg4: memref<4000x32xf32, #tpu.memory_space<vmem>>) attributes {dimension_semantics = [#tpu.dimension_semantics<arbitrary>], iteration_bounds = array<i64: 80>, scalar_prefetch = 0 : i64, scratch_operands = 0 : i64, tpu.core_type = #tpu.core_type<tc>, window_params = [{transform_indices = @transform_0, window_bounds = array<i64: 4000, 1>}, {transform_indices = @transform_1, window_bounds = array<i64: 4000, 1>}, {transform_indices = @transform_2, window_bounds = array<i64: 4000, 1>}, {transform_indices = @transform_3, window_bounds = array<i64: 4000, 32>}]} {
    %get3A = arith.constant 0 : index
    %get3A_0 = arith.constant 0 : index
    %get3A_1 = vector.load %arg1[%get3A, %get3A_0] : memref<4000x1xf32, #tpu.memory_space<vmem>>, vector<4000x1xf32>
    %broadcast_in_dim3A = vector.shape_cast %get3A_1 : vector<4000x1xf32> to vector<4000x1xf32>
    %broadcast_in_dim3A_2 = vector.broadcast %broadcast_in_dim3A : vector<4000x1xf32> to vector<4000x8xf32>
    %get3A_3 = arith.constant 0 : index
    %get3A_4 = arith.constant 0 : index
    %get3A_5 = vector.load %arg2[%get3A_3, %get3A_4] : memref<4000x1xf32, #tpu.memory_space<vmem>>, vector<4000x1xf32>
    %broadcast_in_dim3A_6 = vector.shape_cast %get3A_5 : vector<4000x1xf32> to vector<4000x1xf32>
    %broadcast_in_dim3A_7 = vector.broadcast %broadcast_in_dim3A_6 : vector<4000x1xf32> to vector<4000x8xf32>
    %get3A_8 = arith.constant 0 : index
    %get3A_9 = arith.constant 0 : index
    %get3A_10 = vector.load %arg3[%get3A_8, %get3A_9] : memref<4000x1xf32, #tpu.memory_space<vmem>>, vector<4000x1xf32>
    %broadcast_in_dim3A_11 = vector.shape_cast %get3A_10 : vector<4000x1xf32> to vector<4000x1xf32>
    %broadcast_in_dim3A_12 = vector.broadcast %broadcast_in_dim3A_11 : vector<4000x1xf32> to vector<4000x16xf32>
    %concatenate3A = tpu.concatenate %broadcast_in_dim3A_2, %broadcast_in_dim3A_7, %broadcast_in_dim3A_12 in 1 : vector<4000x8xf32>, vector<4000x8xf32>, vector<4000x16xf32> -> vector<4000x32xf32>
    %swap3A = arith.constant 0 : index
    %swap3A_13 = arith.constant 0 : index
    %swap3A_14 = vector.load %arg4[%swap3A, %swap3A_13] : memref<4000x32xf32, #tpu.memory_space<vmem>>, vector<4000x32xf32>
    tpu.vector_store %arg4[%swap3A, %swap3A_13], %concatenate3A {strides = array<i32>} : memref<4000x32xf32, #tpu.memory_space<vmem>>, vector<4000x32xf32>,
    return
  }
  func.func @transform_0(%arg0: i32) -> (i32, i32) {
    %c0_i32 = arith.constant 0 : i32
    %c0_i32_0 = arith.constant 0 : i32
    return %arg0, %c0_i32 : i32, i32
  }
  func.func @transform_1(%arg0: i32) -> (i32, i32) {
    %c0_i32 = arith.constant 0 : i32
    %c0_i32_0 = arith.constant 0 : i32
    return %arg0, %c0_i32 : i32, i32
  }
  func.func @transform_2(%arg0: i32) -> (i32, i32) {
    %c0_i32 = arith.constant 0 : i32
    %c0_i32_0 = arith.constant 0 : i32
    return %arg0, %c0_i32 : i32, i32
  }
  func.func @transform_3(%arg0: i32) -> (i32, i32) {
    %c0_i32 = arith.constant 0 : i32
    %c0_i32_0 = arith.constant 0 : i32
    return %arg0, %c0_i32 : i32, i32
  }
}

module attributes {stable_mosaic.version = 14 : i64} {
  func.func @_pool_body(%arg0: i32, %arg1: memref<2000x128xf32, #tpu.memory_space<vmem>>, %arg2: memref<2000x128xf32, #tpu.memory_space<vmem>>, %arg3: memref<2000x8xf32, #tpu.memory_space<vmem>>, %arg4: memref<2000x8xf32, #tpu.memory_space<vmem>>, %arg5: memref<2000x128xf32, #tpu.memory_space<vmem>>, %arg6: memref<2000x8xf32, #tpu.memory_space<vmem>>, %arg7: memref<2000x1xi32, #tpu.memory_space<vmem>>, %arg8: memref<1x128xf32, #tpu.memory_space<vmem>>, %arg9: memref<1x128xf32, #tpu.memory_space<vmem>>, %arg10: memref<1x1xf32, #tpu.memory_space<vmem>>, %arg11: memref<64x1xf32, #tpu.memory_space<vmem>>, %arg12: memref<64x128xf32, #tpu.memory_space<vmem>>, %arg13: memref<64x128xf32, #tpu.memory_space<vmem>>) attributes {dimension_semantics = [#tpu.dimension_semantics<arbitrary>], iteration_bounds = array<i64: 5>, scalar_prefetch = 0 : i64, scratch_operands = 2 : i64, tpu.core_type = #tpu.core_type<tc>, window_params = [{transform_indices = @transform_0, window_bounds = array<i64: 2000, 128>}, {transform_indices = @transform_1, window_bounds = array<i64: 2000, 128>}, {transform_indices = @transform_2, window_bounds = array<i64: 2000, 8>}, {transform_indices = @transform_3, window_bounds = array<i64: 2000, 8>}, {transform_indices = @transform_4, window_bounds = array<i64: 2000, 128>}, {transform_indices = @transform_5, window_bounds = array<i64: 2000, 8>}, {transform_indices = @transform_6, window_bounds = array<i64: 2000, 1>}, {pipeline_mode = #tpu.pipeline_mode<synchronous>, transform_indices = @transform_7, window_bounds = array<i64: 1, 128>}, {pipeline_mode = #tpu.pipeline_mode<synchronous>, transform_indices = @transform_8, window_bounds = array<i64: 1, 128>}, {pipeline_mode = #tpu.pipeline_mode<synchronous>, transform_indices = @transform_9, window_bounds = array<i64: 1, 1>}, {pipeline_mode = #tpu.pipeline_mode<synchronous>, transform_indices = @transform_10, window_bounds = array<i64: 64, 1>}]} {
    %eq3A = arith.constant 0 : i32
    %eq3A_0 = arith.cmpi eq, %arg0, %eq3A : i32
    %convert_element_type3A = arith.extui %eq3A_0 : i1 to i32
    %cond3A = arith.constant 0 : i32
    %cond3A_1 = arith.cmpi ne, %convert_element_type3A, %cond3A : i32
    scf.if %cond3A_1 {
      %broadcast_in_dim3A_102 = arith.constant 0.000000e+00 : f32
      %broadcast_in_dim3A_103 = vector.broadcast %broadcast_in_dim3A_102 : f32 to vector<64x128xf32>
      %swap3A_104 = arith.constant 0 : index
      %swap3A_105 = arith.constant 0 : index
      %swap3A_106 = vector.load %arg12[%swap3A_104, %swap3A_105] : memref<64x128xf32, #tpu.memory_space<vmem>>, vector<64x128xf32>
      tpu.vector_store %arg12[%swap3A_104, %swap3A_105], %broadcast_in_dim3A_103 {strides = array<i32>} : memref<64x128xf32, #tpu.memory_space<vmem>>, vector<64x128xf32>,
      %broadcast_in_dim3A_107 = arith.constant 0.000000e+00 : f32
      %broadcast_in_dim3A_108 = vector.broadcast %broadcast_in_dim3A_107 : f32 to vector<64x128xf32>
      %swap3A_109 = arith.constant 0 : index
      %swap3A_110 = arith.constant 0 : index
      %swap3A_111 = vector.load %arg13[%swap3A_109, %swap3A_110] : memref<64x128xf32, #tpu.memory_space<vmem>>, vector<64x128xf32>
      tpu.vector_store %arg13[%swap3A_109, %swap3A_110], %broadcast_in_dim3A_108 {strides = array<i32>} : memref<64x128xf32, #tpu.memory_space<vmem>>, vector<64x128xf32>,
    } else {
    }
    %get3A = arith.constant 0 : index
    %get3A_2 = arith.constant 0 : index
    %get3A_3 = vector.load %arg1[%get3A, %get3A_2] : memref<2000x128xf32, #tpu.memory_space<vmem>>, vector<2000x128xf32>
    %get3A_4 = arith.constant 0 : index
    %get3A_5 = arith.constant 0 : index
    %get3A_6 = vector.load %arg2[%get3A_4, %get3A_5] : memref<2000x128xf32, #tpu.memory_space<vmem>>, vector<2000x128xf32>
    %add3A = arith.addf %get3A_3, %get3A_6 : vector<2000x128xf32>
    %get3A_7 = arith.constant 0 : index
    %get3A_8 = arith.constant 0 : index
    %get3A_9 = vector.load %arg3[%get3A_7, %get3A_8] : memref<2000x8xf32, #tpu.memory_space<vmem>>, vector<2000x8xf32>
    %get3A_10 = arith.constant 0 : index
    %get3A_11 = arith.constant 0 : index
    %get3A_12 = vector.load %arg4[%get3A_10, %get3A_11] : memref<2000x8xf32, #tpu.memory_space<vmem>>, vector<2000x8xf32>
    %add3A_13 = arith.addf %get3A_9, %get3A_12 : vector<2000x8xf32>
    %get3A_14 = arith.constant 0 : index
    %get3A_15 = arith.constant 0 : index
    %get3A_16 = vector.load %arg6[%get3A_14, %get3A_15] : memref<2000x8xf32, #tpu.memory_space<vmem>>, vector<2000x8xf32>
    %exp3A = math.exp %get3A_16 : vector<2000x8xf32>
    %get3A_17 = arith.constant 0 : index
    %get3A_18 = arith.constant 0 : index
    %get3A_19 = vector.load %arg5[%get3A_17, %get3A_18] : memref<2000x128xf32, #tpu.memory_space<vmem>>, vector<2000x128xf32>
    %slice3A = vector.extract_strided_slice %add3A {offsets = [0, 0], sizes = [2000, 32], strides = [1, 1]} : vector<2000x128xf32> to vector<2000x32xf32>
    %slice3A_20 = vector.extract_strided_slice %exp3A {offsets = [0, 0], sizes = [2000, 1], strides = [1, 1]} : vector<2000x8xf32> to vector<2000x1xf32>
    %slice3A_21 = vector.extract_strided_slice %get3A_19 {offsets = [0, 0], sizes = [2000, 32], strides = [1, 1]} : vector<2000x128xf32> to vector<2000x32xf32>
    %mul3A = vector.broadcast %slice3A_20 : vector<2000x1xf32> to vector<2000x32xf32>
    %mul3A_22 = arith.mulf %mul3A, %slice3A_21 : vector<2000x32xf32>
    %add3A_23 = arith.addf %slice3A, %mul3A_22 : vector<2000x32xf32>
    %slice3A_24 = vector.extract_strided_slice %add3A_13 {offsets = [0, 0], sizes = [2000, 1], strides = [1, 1]} : vector<2000x8xf32> to vector<2000x1xf32>
    %slice3A_25 = vector.extract_strided_slice %exp3A {offsets = [0, 0], sizes = [2000, 1], strides = [1, 1]} : vector<2000x8xf32> to vector<2000x1xf32>
    %add3A_26 = arith.addf %slice3A_24, %slice3A_25 : vector<2000x1xf32>
    %add3A_27 = arith.constant 1.000000e-16 : f32
    %add3A_28 = vector.broadcast %add3A_27 : f32 to vector<2000x1xf32>
    %add3A_29 = arith.addf %add3A_26, %add3A_28 : vector<2000x1xf32>
    %div3A = vector.broadcast %add3A_29 : vector<2000x1xf32> to vector<2000x32xf32>
    %div3A_30 = arith.divf %add3A_23, %div3A : vector<2000x32xf32>
    %slice3A_31 = vector.extract_strided_slice %add3A {offsets = [0, 32], sizes = [2000, 32], strides = [1, 1]} : vector<2000x128xf32> to vector<2000x32xf32>
    %slice3A_32 = vector.extract_strided_slice %exp3A {offsets = [0, 1], sizes = [2000, 1], strides = [1, 1]} : vector<2000x8xf32> to vector<2000x1xf32>
    %slice3A_33 = vector.extract_strided_slice %get3A_19 {offsets = [0, 32], sizes = [2000, 32], strides = [1, 1]} : vector<2000x128xf32> to vector<2000x32xf32>
    %mul3A_34 = vector.broadcast %slice3A_32 : vector<2000x1xf32> to vector<2000x32xf32>
    %mul3A_35 = arith.mulf %mul3A_34, %slice3A_33 : vector<2000x32xf32>
    %add3A_36 = arith.addf %slice3A_31, %mul3A_35 : vector<2000x32xf32>
    %slice3A_37 = vector.extract_strided_slice %add3A_13 {offsets = [0, 1], sizes = [2000, 1], strides = [1, 1]} : vector<2000x8xf32> to vector<2000x1xf32>
    %slice3A_38 = vector.extract_strided_slice %exp3A {offsets = [0, 1], sizes = [2000, 1], strides = [1, 1]} : vector<2000x8xf32> to vector<2000x1xf32>
    %add3A_39 = arith.addf %slice3A_37, %slice3A_38 : vector<2000x1xf32>
    %add3A_40 = arith.constant 1.000000e-16 : f32
    %add3A_41 = vector.broadcast %add3A_40 : f32 to vector<2000x1xf32>
    %add3A_42 = arith.addf %add3A_39, %add3A_41 : vector<2000x1xf32>
    %div3A_43 = vector.broadcast %add3A_42 : vector<2000x1xf32> to vector<2000x32xf32>
    %div3A_44 = arith.divf %add3A_36, %div3A_43 : vector<2000x32xf32>
    %slice3A_45 = vector.extract_strided_slice %add3A {offsets = [0, 64], sizes = [2000, 32], strides = [1, 1]} : vector<2000x128xf32> to vector<2000x32xf32>
    %slice3A_46 = vector.extract_strided_slice %exp3A {offsets = [0, 2], sizes = [2000, 1], strides = [1, 1]} : vector<2000x8xf32> to vector<2000x1xf32>
    %slice3A_47 = vector.extract_strided_slice %get3A_19 {offsets = [0, 64], sizes = [2000, 32], strides = [1, 1]} : vector<2000x128xf32> to vector<2000x32xf32>
    %mul3A_48 = vector.broadcast %slice3A_46 : vector<2000x1xf32> to vector<2000x32xf32>
    %mul3A_49 = arith.mulf %mul3A_48, %slice3A_47 : vector<2000x32xf32>
    %add3A_50 = arith.addf %slice3A_45, %mul3A_49 : vector<2000x32xf32>
    %slice3A_51 = vector.extract_strided_slice %add3A_13 {offsets = [0, 2], sizes = [2000, 1], strides = [1, 1]} : vector<2000x8xf32> to vector<2000x1xf32>
    %slice3A_52 = vector.extract_strided_slice %exp3A {offsets = [0, 2], sizes = [2000, 1], strides = [1, 1]} : vector<2000x8xf32> to vector<2000x1xf32>
    %add3A_53 = arith.addf %slice3A_51, %slice3A_52 : vector<2000x1xf32>
    %add3A_54 = arith.constant 1.000000e-16 : f32
    %add3A_55 = vector.broadcast %add3A_54 : f32 to vector<2000x1xf32>
    %add3A_56 = arith.addf %add3A_53, %add3A_55 : vector<2000x1xf32>
    %div3A_57 = vector.broadcast %add3A_56 : vector<2000x1xf32> to vector<2000x32xf32>
    %div3A_58 = arith.divf %add3A_50, %div3A_57 : vector<2000x32xf32>
    %slice3A_59 = vector.extract_strided_slice %add3A {offsets = [0, 96], sizes = [2000, 32], strides = [1, 1]} : vector<2000x128xf32> to vector<2000x32xf32>
    %slice3A_60 = vector.extract_strided_slice %exp3A {offsets = [0, 3], sizes = [2000, 1], strides = [1, 1]} : vector<2000x8xf32> to vector<2000x1xf32>
    %slice3A_61 = vector.extract_strided_slice %get3A_19 {offsets = [0, 96], sizes = [2000, 32], strides = [1, 1]} : vector<2000x128xf32> to vector<2000x32xf32>
    %mul3A_62 = vector.broadcast %slice3A_60 : vector<2000x1xf32> to vector<2000x32xf32>
    %mul3A_63 = arith.mulf %mul3A_62, %slice3A_61 : vector<2000x32xf32>
    %add3A_64 = arith.addf %slice3A_59, %mul3A_63 : vector<2000x32xf32>
    %slice3A_65 = vector.extract_strided_slice %add3A_13 {offsets = [0, 3], sizes = [2000, 1], strides = [1, 1]} : vector<2000x8xf32> to vector<2000x1xf32>
    %slice3A_66 = vector.extract_strided_slice %exp3A {offsets = [0, 3], sizes = [2000, 1], strides = [1, 1]} : vector<2000x8xf32> to vector<2000x1xf32>
    %add3A_67 = arith.addf %slice3A_65, %slice3A_66 : vector<2000x1xf32>
    %add3A_68 = arith.constant 1.000000e-16 : f32
    %add3A_69 = vector.broadcast %add3A_68 : f32 to vector<2000x1xf32>
    %add3A_70 = arith.addf %add3A_67, %add3A_69 : vector<2000x1xf32>
    %div3A_71 = vector.broadcast %add3A_70 : vector<2000x1xf32> to vector<2000x32xf32>
    %div3A_72 = arith.divf %add3A_64, %div3A_71 : vector<2000x32xf32>
    %concatenate3A = tpu.concatenate %div3A_30, %div3A_44, %div3A_58, %div3A_72 in 1 : vector<2000x32xf32>, vector<2000x32xf32>, vector<2000x32xf32>, vector<2000x32xf32> -> vector<2000x128xf32>
    %get3A_73 = arith.constant 0 : index
    %get3A_74 = arith.constant 0 : index
    %get3A_75 = vector.load %arg7[%get3A_73, %get3A_74] : memref<2000x1xi32, #tpu.memory_space<vmem>>, vector<2000x1xi32>
    %iota3A = tpu.iota {dimensions = array<i32: 1>} : vector<2000x64xi32>
    %eq3A_76 = vector.broadcast %get3A_75 : vector<2000x1xi32> to vector<2000x64xi32>
    %eq3A_77 = arith.cmpi eq, %eq3A_76, %iota3A : vector<2000x64xi32>
    %convert_element_type3A_78 = arith.extui %eq3A_77 : vector<2000x64xi1> to vector<2000x64xi32>
    %convert_element_type3A_79 = arith.sitofp %convert_element_type3A_78 : vector<2000x64xi32> to vector<2000x64xf32>
    %get3A_80 = arith.constant 0 : index
    %get3A_81 = arith.constant 0 : index
    %get3A_82 = vector.load %arg12[%get3A_80, %get3A_81] : memref<64x128xf32, #tpu.memory_space<vmem>>, vector<64x128xf32>
    %dot_general3A = arith.constant dense<0.000000e+00> : vector<64x128xf32>
    %dot_general3A_83 = tpu.matmul %convert_element_type3A_79, %concatenate3A, %dot_general3A {dimension_numbers = #tpu.dot_dimension_numbers<[0], [0], [1], [1], [0, 1, 1, 1], [], []>, transpose_lhs_hint = false} : vector<2000x64xf32>, vector<2000x128xf32>, vector<64x128xf32> -> vector<64x128xf32>
    %add3A_84 = arith.addf %get3A_82, %dot_general3A_83 : vector<64x128xf32>
    %swap3A = arith.constant 0 : index
    %swap3A_85 = arith.constant 0 : index
    %swap3A_86 = vector.load %arg12[%swap3A, %swap3A_85] : memref<64x128xf32, #tpu.memory_space<vmem>>, vector<64x128xf32>
    tpu.vector_store %arg12[%swap3A, %swap3A_85], %add3A_84 {strides = array<i32>} : memref<64x128xf32, #tpu.memory_space<vmem>>, vector<64x128xf32>,
    %get3A_87 = arith.constant 0 : index
    %get3A_88 = arith.constant 0 : index
    %get3A_89 = vector.load %arg13[%get3A_87, %get3A_88] : memref<64x128xf32, #tpu.memory_space<vmem>>, vector<64x128xf32>
    %broadcast_in_dim3A = arith.constant 1.000000e+00 : f32
    %broadcast_in_dim3A_90 = vector.broadcast %broadcast_in_dim3A : f32 to vector<2000x128xf32>
    %dot_general3A_91 = arith.constant dense<0.000000e+00> : vector<64x128xf32>
    %dot_general3A_92 = tpu.matmul %convert_element_type3A_79, %broadcast_in_dim3A_90, %dot_general3A_91 {dimension_numbers = #tpu.dot_dimension_numbers<[0], [0], [1], [1], [0, 1, 1, 1], [], []>, transpose_lhs_hint = false} : vector<2000x64xf32>, vector<2000x128xf32>, vector<64x128xf32> -> vector<64x128xf32>
    %add3A_93 = arith.addf %get3A_89, %dot_general3A_92 : vector<64x128xf32>
    %swap3A_94 = arith.constant 0 : index
    %swap3A_95 = arith.constant 0 : index
    %swap3A_96 = vector.load %arg13[%swap3A_94, %swap3A_95] : memref<64x128xf32, #tpu.memory_space<vmem>>, vector<64x128xf32>
    tpu.vector_store %arg13[%swap3A_94, %swap3A_95], %add3A_93 {strides = array<i32>} : memref<64x128xf32, #tpu.memory_space<vmem>>, vector<64x128xf32>,
    %eq3A_97 = arith.constant 4 : i32
    %eq3A_98 = arith.cmpi eq, %arg0, %eq3A_97 : i32
    %convert_element_type3A_99 = arith.extui %eq3A_98 : i1 to i32
    %cond3A_100 = arith.constant 0 : i32
    %cond3A_101 = arith.cmpi ne, %convert_element_type3A_99, %cond3A_100 : i32
    scf.if %cond3A_101 {
      %get3A_102 = arith.constant 0 : index
      %get3A_103 = arith.constant 0 : index
      %get3A_104 = vector.load %arg13[%get3A_102, %get3A_103] : memref<64x128xf32, #tpu.memory_space<vmem>>, vector<64x128xf32>
      %get3A_105 = arith.constant 0 : index
      %get3A_106 = arith.constant 0 : index
      %get3A_107 = vector.load %arg12[%get3A_105, %get3A_106] : memref<64x128xf32, #tpu.memory_space<vmem>>, vector<64x128xf32>
      %max3A = arith.constant 1.000000e+00 : f32
      %max3A_108 = vector.broadcast %max3A : f32 to vector<64x128xf32>
      %max3A_109 = arith.maximumf %get3A_104, %max3A_108 : vector<64x128xf32>
      %div3A_110 = arith.divf %get3A_107, %max3A_109 : vector<64x128xf32>
      %gt3A = arith.constant 0.000000e+00 : f32
      %gt3A_111 = vector.broadcast %gt3A : f32 to vector<64x128xf32>
      %gt3A_112 = arith.cmpf ogt, %get3A_104, %gt3A_111 : vector<64x128xf32>
      %get3A_113 = arith.constant 0 : index
      %get3A_114 = arith.constant 0 : index
      %get3A_115 = vector.load %arg8[%get3A_113, %get3A_114] : memref<1x128xf32, #tpu.memory_space<vmem>>, vector<1x128xf32>
      %jit3A = arith.constant 0.000000e+00 : f32
      %broadcast_in_dim3A_116 = vector.shape_cast %get3A_115 : vector<1x128xf32> to vector<1x128xf32>
      %broadcast_in_dim3A_117 = vector.broadcast %broadcast_in_dim3A_116 : vector<1x128xf32> to vector<64x128xf32>
      %broadcast_in_dim3A_118 = vector.broadcast %jit3A : f32 to vector<64x128xf32>
      %select_n3A = arith.select %gt3A_112, %broadcast_in_dim3A_117, %broadcast_in_dim3A_118 : vector<64x128xi1>, vector<64x128xf32>
      %add3A_119 = arith.addf %div3A_110, %select_n3A : vector<64x128xf32>
      %get3A_120 = arith.constant 0 : index
      %get3A_121 = arith.constant 0 : index
      %get3A_122 = vector.load %arg9[%get3A_120, %get3A_121] : memref<1x128xf32, #tpu.memory_space<vmem>>, vector<1x128xf32>
      %mul3A_123 = vector.broadcast %get3A_122 : vector<1x128xf32> to vector<64x128xf32>
      %mul3A_124 = arith.mulf %add3A_119, %mul3A_123 : vector<64x128xf32>
      %reduce_sum3A = arith.constant dense<0.000000e+00> : vector<64xf32>
      %reduce_sum3A_125 = vector.multi_reduction <add>, %mul3A_124, %reduce_sum3A [1] : vector<64x128xf32> to vector<64xf32>
      %broadcast_in_dim3A_126 = vector.shape_cast %reduce_sum3A_125 : vector<64xf32> to vector<64x1xf32>
      %get3A_127 = arith.constant 0 : index
      %get3A_128 = arith.constant 0 : index
      %get3A_129 = vector.load %arg10[%get3A_127, %get3A_128] : memref<1x1xf32, #tpu.memory_space<vmem>>, vector<1x1xf32>
      %add3A_130 = vector.broadcast %get3A_129 : vector<1x1xf32> to vector<64x1xf32>
      %add3A_131 = arith.addf %broadcast_in_dim3A_126, %add3A_130 : vector<64x1xf32>
      %swap3A_132 = arith.constant 0 : index
      %swap3A_133 = arith.constant 0 : index
      %swap3A_134 = vector.load %arg11[%swap3A_132, %swap3A_133] : memref<64x1xf32, #tpu.memory_space<vmem>>, vector<64x1xf32>
      tpu.vector_store %arg11[%swap3A_132, %swap3A_133], %add3A_131 {strides = array<i32>} : memref<64x1xf32, #tpu.memory_space<vmem>>, vector<64x1xf32>,
    } else {
    }
    return
  }
  func.func @transform_0(%arg0: i32) -> (i32, i32) {
    %c0_i32 = arith.constant 0 : i32
    %c0_i32_0 = arith.constant 0 : i32
    return %arg0, %c0_i32 : i32, i32
  }
  func.func @transform_1(%arg0: i32) -> (i32, i32) {
    %c0_i32 = arith.constant 0 : i32
    %c0_i32_0 = arith.constant 0 : i32
    return %arg0, %c0_i32 : i32, i32
  }
  func.func @transform_2(%arg0: i32) -> (i32, i32) {
    %c0_i32 = arith.constant 0 : i32
    %c0_i32_0 = arith.constant 0 : i32
    return %arg0, %c0_i32 : i32, i32
  }
  func.func @transform_3(%arg0: i32) -> (i32, i32) {
    %c0_i32 = arith.constant 0 : i32
    %c0_i32_0 = arith.constant 0 : i32
    return %arg0, %c0_i32 : i32, i32
  }
  func.func @transform_4(%arg0: i32) -> (i32, i32) {
    %c0_i32 = arith.constant 0 : i32
    %c0_i32_0 = arith.constant 0 : i32
    return %arg0, %c0_i32 : i32, i32
  }
  func.func @transform_5(%arg0: i32) -> (i32, i32) {
    %c0_i32 = arith.constant 0 : i32
    %c0_i32_0 = arith.constant 0 : i32
    return %arg0, %c0_i32 : i32, i32
  }
  func.func @transform_6(%arg0: i32) -> (i32, i32) {
    %c0_i32 = arith.constant 0 : i32
    %c0_i32_0 = arith.constant 0 : i32
    return %arg0, %c0_i32 : i32, i32
  }
  func.func @transform_7(%arg0: i32) -> (i32, i32) {
    %c0_i32 = arith.constant 0 : i32
    %c0_i32_0 = arith.constant 0 : i32
    %c0_i32_1 = arith.constant 0 : i32
    return %c0_i32, %c0_i32_0 : i32, i32
  }
  func.func @transform_8(%arg0: i32) -> (i32, i32) {
    %c0_i32 = arith.constant 0 : i32
    %c0_i32_0 = arith.constant 0 : i32
    %c0_i32_1 = arith.constant 0 : i32
    return %c0_i32, %c0_i32_0 : i32, i32
  }
  func.func @transform_9(%arg0: i32) -> (i32, i32) {
    %c0_i32 = arith.constant 0 : i32
    %c0_i32_0 = arith.constant 0 : i32
    %c0_i32_1 = arith.constant 0 : i32
    return %c0_i32, %c0_i32_0 : i32, i32
  }
  func.func @transform_10(%arg0: i32) -> (i32, i32) {
    %c0_i32 = arith.constant 0 : i32
    %c0_i32_0 = arith.constant 0 : i32
    %c0_i32_1 = arith.constant 0 : i32
    return %c0_i32, %c0_i32_0 : i32, i32
  }
}

</mosaic_0001>

<sc_bundles>
// kernel: kernel.6.cloned.1.call-start
scs
__scs_entry_jumppad:
0x0: {  	(pc) =	sbr.rel $0x88, $3  }
0x1: {  	(tag) =	ssettag $0x0;
	lr =	simm.s32 $0x1  }
0x2: {  	[smem:$0x3F94] =	sst lr;
	_ =	strace $0xD0000000  }
0x3: {  	_ = 	snop  }
0x4: {  	_ = 	snop  }
0x5: {  	_ = 	snop  }
0x6: {  	_ = 	snop  }
0x7: {  	_ = 	snop  }
__scs_overlays_trampoline_lowered:
0x8: {  	[smem:$0x3FA3] =	sst s0  }
0x9: {  	[smem:$0x3FA4] =	sst s1  }
0xa: {  	[smem:$0x3FA5] =	sst s2  }
0xb: {  	[smem:$0x3FA6] =	sst s3  }
0xc: {  	[smem:$0x3FA7] =	sst s4  }
0xd: {  	[smem:$0x3FA8] =	sst s5  }
0xe: {  	[smem:$0x3FA9] =	sst s6  }
0xf: {  	[smem:$0x3FAA] =	sst s7  }
0x10: {  	[smem:$0x3FAB] =	sst s8  }
0x11: {  	[smem:$0x3FAC] =	sst s9;
	s0 =	simm.s32 @!p0 $0x0  }
0x12: {  	s1 =	sld [smem:$0x3F92];
	s0 =	simm.s32 @p0 $0x1  }
0x13: {  	[smem:$0x3FAD] =	sst s0;
	s0 =	simm.s32 @!p1 $0x0  }
0x14: {  	s2 =	sld [smem:$0x3F91];
	s0 =	simm.s32 @p1 $0x1  }
0x15: {  	[smem:$0x3FAE] =	sst s0;
	s0 =	simm.s32 @!p2 $0x0  }
0x16: {  	s3 =	sld [smem:$0x3FDB];
	s0 =	simm.s32 @p2 $0x1  }
0x17: {  	s4 =	simm.s32 $0x1BF5;
	[smem:$0x3FB0] =	sst s0  }
0x18: {  	s0 =	sld [smem:$0x3F93];
	_ =	swait.ge [sflag:s4], $0x0  }
0x19: {  	s7 =	sld [smem:$0x3F94]  }
0x1a: {  	s8 =	sadd.s32 $0xFFFFE003, lr  }
0x1b: {  	s9 =	sadd.s32 $0xFFFFFEF7, lr;
	s5 =	simm.s32 $0xFFFFFFFF;
	p2 =	slt.u32 s8, $0xFFFFF086  }
0x1c: {  	p1 =	slt.u32 s9, $0xF7A;
	s5 =	simm.s32 @!p2 $0x0  }
0x1d: {  	s5 =	simm.s32 @p1 $0x1;
	p0 =	seq.s32 s7, s2  }
0x1e: {  	s7 =	smul.u32 @!p0 $0xF7A, s2;
	p2 =	seq.s32 @!p0 s5, $0x0  }
0x1f: {  	s9 =	smul.u32 $0xF7A, s1;
	s8 =	simm.s32 @!p0 $0x1BF5;
	p2 =	por !p2, p0  }
0x20: {  	[sflag:s8] =	ssyncset.s32 @!p0 $0xFFFFF086;
	s6 =	sadd.s32 @!p0 s3, s7;
	s7 =	simm.s32 @!p0 $0x108  }
0x21: {  	s3 =	sadd.s32 s3, s9;
	s6 =	sadd.s32 @!p0 $0x88, s6;
	s7 =	simm.s32 @p2 $0x1082  }
0x22: {  	[simem:s7], [sflag:s8] =	dma.local @!p0 [hbm:s6], $0xF7A  }
0x23: {  	s9 =	sor.u32 $0xD0000000, s2;
	s6 =	simm.s32 $0x108;
	_ =	swait.ge @!p0 [sflag:s8], $0x0  }
0x24: {  	s3 =	sadd.s32 $0x88, s3;
	s6 =	simm.s32 @!p1 $0x1082;
	[sflag:s4] =	ssyncset.s32 $0xFFFFF086  }
0x25: {  	[simem:s6], [sflag:s4] =	dma.local [hbm:s3], $0xF7A  }
0x26: {  	[smem:$0x3F94] =	sst s1;
	(tag) =	ssettag s2;
	_ =	strace s9  }
0x27: {  	s1 =	sld [smem:$0x3FA4]  }
0x28: {  	s2 =	sld [smem:$0x3FA5]  }
0x29: {  	s4 =	sld [smem:$0x3FA7]  }
0x2a: {  	p0 =	seq.s32 s5, $0x0;
	s5 =	sld [smem:$0x3FA8]  }
0x2b: {  	s6 =	sld [smem:$0x3FA9]  }
0x2c: {  	s7 =	sld [smem:$0x3FAA]  }
0x2d: {  	s3 =	simm.s32 $0x108;
	s8 =	sld [smem:$0x3FAB]  }
0x2e: {  	s3 =	simm.s32 @!p0 $0x1082;
	s9 =	sld [smem:$0x3FAC]  }
0x2f: {  	lr =	sadd.s32 s0, s3;
	s0 =	sld [smem:$0x3FA3]  }
0x30: {  	s3 =	sld [smem:$0x3FA6]  }
0x31: {  	[smem:$0x3FAF] =	sst s10  }
0x32: {  	s10 =	sld [smem:$0x3FAD];
	_ =	sdelay $0x3  }
0x33: {  	p0 =	seq.s32 s10, $0x1;
	s10 =	sld [smem:$0x3FAF];
	_ =	sdelay $0x3  }
0x34: {  	[smem:$0x3FAF] =	sst s10  }
0x35: {  	s10 =	sld [smem:$0x3FAE];
	_ =	sdelay $0x3  }
0x36: {  	p1 =	seq.s32 s10, $0x1;
	s10 =	sld [smem:$0x3FAF];
	_ =	sdelay $0x3  }
0x37: {  	[smem:$0x3FAF] =	sst s10  }
0x38: {  	s10 =	sld [smem:$0x3FB0]  }
0x39: {  	_ = 	snop;
	(pc) =	sbr.ind lr, $3  }
0x3a: {  	_ = 	snop  }
0x3b: {  	_ = 	snop  }
0x3c: {  	p2 =	seq.s32 s10, $0x1;
	s10 =	sld [smem:$0x3FAF]  }
0x3d: {  	_ =	shalt  }
0x3e: {  	_ =	shalt  }
0x3f: {  	_ =	shalt  }
0x40: {  	_ =	shalt  }
0x41: {  	_ =	shalt  }
0x42: {  	_ =	shalt  }
0x43: {  	_ =	shalt  }
0x44: {  	_ =	shalt  }
0x45: {  	_ =	shalt  }
0x46: {  	_ =	shalt  }
0x47: {  	_ =	shalt  }
0x48: {  	_ =	shalt  }
0x49: {  	_ =	shalt  }
0x4a: {  	_ =	shalt  }
0x4b: {  	_ =	shalt  }
0x4c: {  	_ =	shalt  }
0x4d: {  	_ =	shalt  }
0x4e: {  	_ =	shalt  }
0x4f: {  	_ =	shalt  }
0x50: {  	_ =	shalt  }
0x51: {  	_ =	shalt  }
0x52: {  	_ =	shalt  }
0x53: {  	_ =	shalt  }
0x54: {  	_ =	shalt  }
0x55: {  	_ =	shalt  }
0x56: {  	_ =	shalt  }
0x57: {  	_ =	shalt  }
0x58: {  	_ =	shalt  }
0x59: {  	_ =	shalt  }
0x5a: {  	_ =	shalt  }
0x5b: {  	_ =	shalt  }
0x5c: {  	_ =	shalt  }
0x5d: {  	_ =	shalt  }
0x5e: {  	_ =	shalt  }
0x5f: {  	_ =	shalt  }
0x60: {  	_ =	shalt  }
0x61: {  	_ =	shalt  }
0x62: {  	_ =	shalt  }
0x63: {  	_ =	shalt  }
0x64: {  	_ =	shalt  }
0x65: {  	_ =	shalt  }
0x66: {  	_ =	shalt  }
0x67: {  	_ =	shalt  }
0x68: {  	_ =	shalt  }
0x69: {  	_ =	shalt  }
0x6a: {  	_ =	shalt  }
0x6b: {  	_ =	shalt  }
0x6c: {  	_ =	shalt  }
0x6d: {  	_ =	shalt  }
0x6e: {  	_ =	shalt  }
0x6f: {  	_ =	shalt  }
0x70: {  	_ =	shalt  }
0x71: {  	_ =	shalt  }
0x72: {  	_ =	shalt  }
0x73: {  	_ =	shalt  }
0x74: {  	_ =	shalt  }
0x75: {  	_ =	shalt  }
0x76: {  	_ =	shalt  }
0x77: {  	_ =	shalt  }
0x78: {  	_ =	shalt  }
0x79: {  	_ =	shalt  }
0x7a: {  	_ =	shalt  }
0x7b: {  	_ =	shalt  }
0x7c: {  	_ =	shalt  }
0x7d: {  	_ =	shalt  }
0x7e: {  	_ =	shalt  }
0x7f: {  	_ =	shalt  }
0x80: {  	_ =	shalt  }
0x81: {  	_ =	shalt  }
0x82: {  	_ =	shalt  }
0x83: {  	_ =	shalt  }
0x84: {  	_ =	shalt  }
0x85: {  	_ =	shalt  }
0x86: {  	_ =	shalt  }
0x87: {  	_ =	shalt  }
.Lfunc_end0:
.L_simem_size_0:
called_computation_lowered:
.L_overlay_start_0:
0x88: {  	s2 =	sld [smem:$0x3FD9]  }
0x89: {  	s3 =	sld [smem:$0x3FFE];
	_ =	sdelay $0x1  }
0x8a: {  	s1 =	srdreg.scid  }
0x8b: {  	s0 =	sand.u32 $0x1, s1  }
0x8c: {  	s17 =	sshll.u32 s0, $0xA;
	s2 =	sadd.s32 s3, s2  }
0x8d: {  	s2 =	sadd.s32 s2, s17  }
0x8e: {  	[smem:$0x3FBB] =	sst s2  }
0x8f: {  	_ = 	snop  }
0x90: {  	s2 =	sld [smem:$0x3FC1]  }
0x91: {  	s18 =	sld [smem:$0x3FD0];
	(tm) =	ssettm $0x1  }
0x92: {  	s4 =	sld [smem:$0x3FFB];
	_ =	sdelay $0x3  }
0x93: {  	_ =	strace s4  }
0x94: {  	s4 =	sld [smem:$0x3FFC];
	_ =	sdelay $0x3  }
0x95: {  	_ =	strace s4  }
0x96: {  	s4 =	sld [smem:$0x3FFD];
	_ =	sdelay $0x3  }
0x97: {  	_ =	strace s4  }
0x98: {  	_ =	strace $0x8FFFFFFF  }
0x99: {  	s19 =	sld [smem:$0x3FDB];
	_ =	sdelay $0x1  }
0x9a: {  	s5 =	simm.s32 $_scs_section_size  }
0x9b: {  	s6 =	simm.s32 $_size__tile_overlayer_lowered;
	s7 =	simm.s32 $_tile_overlayer_lowered  }
0x9c: {  	s22 =	simm.s32 $0x1BFF;
	s21 =	sshll.u32 s7, $0x1;
	s4 =	sadd.s32 s5, s19  }
0x9d: {  	s8 =	simm.s32 $0x0;
	s20 =	sshll.u32 s6, $0x1;
	s6 =	sadd.s32 s21, s4  }
0x9e: {  	[timem:s8], [sflag:s22] =	dma.local [hbm:s6], s20  }
0x9f: {  	_ =	swait.ge [sflag:s22], s20  }
0xa0: {  	s5 =	ssub.s32 $0x0, s20;
	[sflag:s22] =	ssyncset.done $0x0  }
0xa1: {  	[sflag:s22] =	ssyncadd.s32 s5;
	_ =	sdelay $0x1  }
0xa2: {  	s23 =	simm.s32 $0x1B8B  }
0xa3: {  	_ =	swait.ge [sflag:s23], $0x1  }
0xa4: {  	[sflag:s23] =	ssyncset.done $0x0  }
0xa5: {  	s25 =	simm.s32 $0x1B8E;
	s24 =	sld [smem:$0x3FFE];
	[sflag:s23] =	ssyncadd.s32 $0xFFFFFFFF  }
0xa6: {  	s26 =	simm.s32 $execute0_lowered;
	[smem:$0x3FD2] =	sst s25  }
0xa7: {  	s6 =	sshll.u32 s26, $0x1;
	_ =	strace $0x80000046;
	[dreg:$0x1] =	wrdreg $0xFFFFFFFF  }
0xa8: {  	s28 =	simm.s32 $_size_execute0_lowered;
	s4 =	sadd.s32 s4, s6;
	[dreg:$0x0] =	wrdreg $0x0  }
0xa9: {  	s6 =	sshll.u32 s28, $0x1;
	[dreg:$0x2] =	wrdreg s4  }
0xaa: {  	[dreg:$0x3] =	wrdreg s6  }
0xab: {  	[dreg:$0x4] =	wrdreg $0xC0  }
0xac: {  	_ =	task [dreg:s8], $0x5FFFF  }
0xad: {  	[dreg:$0x1] =	wrdreg $0xFFFFFFFF  }
0xae: {  	[dreg:$0x0] =	wrdreg $0x60  }
0xaf: {  	[dreg:$0x2] =	wrdreg s24  }
0xb0: {  	[dreg:$0x3] =	wrdreg s2  }
0xb1: {  	[dreg:$0x4] =	wrdreg s18  }
0xb2: {  	[dreg:$0x5] =	wrdreg $0x81800  }
0xb3: {  	[dreg:$0x6] =	wrdreg $0x1BA000  }
0xb4: {  	[dreg:$0x7] =	wrdreg $0x9  }
0xb5: {  	_ =	task.clear_ibuf [dreg:s8], $0x8FFFF;
	_ =	strace $0x90000046  }
0xb6: {  	s29 =	simm.s32 $0x9;
	_ =	strace $0x80000048  }
0xb7: {  	_ =	swait.ge [sflag:s29], $0x1  }
0xb8: {  	[sflag:s29] =	ssyncadd.s32 $0xFFFFFFFF  }
0xb9: {  	_ =	strace $0x90000048  }
0xba: {  	_ =	sfence  }
0xbb: {  	s30 =	sld [smem:$0x0];
	_ =	sdelay $0x2  }
0xbc: {  	s31 =	sshll.u32 s1, $0xD;
	s1 =	sshrl.u32 s1, $0x2  }
0xbd: {  	s3 =	sand.u32 $0x4000, s31;
	s1 =	sadd.s32 s1, s30  }
0xbe: {  	s0 =	sor.u32 s3, s0;
	s1 =	sshll.u32 s1, $0x11  }
0xbf: {  	s0 =	sor.u32 s1, s0  }
0xc0: {  	s0 =	sadd.s32 $0x8F2B, s0  }
0xc1: {  	[sflag:s0] =	ssyncadd.remote.s32 $0x1  }
0xc2: {  	_ =	sfence.sel $0xFFFF  }
0xc3: {  	[dreg:$0x0] =	wrdreg $0xFFFFFFFF;
	(pc) =	sbr.abs _section_cstart, $3  }
0xc4: {  	[dreg:$0x1] =	wrdreg $0xFFFFFFFF  }
0xc5: {  	_ =	task.clear_ibuf [dreg:s8], $0x2FFFF;
	_ =	strace $0x9FFFFFFF  }
0xc6: {  	(tm) =	ssettm $0x7FFFFFFF  }
0xc7: {  	_ =	shalt  }
tec
execute0_lowered:
.L_overlay_start_1:
0x0: {  	(tag) =	ssettag $0x1  }
0x1: {  	s0 =	rddreg [dreg:$0x0]  }
0x2: {  	s3 =	rddreg [dreg:$0x3]  }
0x3: {  	s29 =	rddreg [dreg:$0x4];
	s5 =	simm.s32 $0x0;
	s1 =	srdreg.scid  }
0x4: {  	s31 =	simm.s32 $0x3E00;
	[smem:$0x7FF] =	sst s5;
	s6 =	sadd.s32 $0x9D9400, s0  }
0x5: {  	s7 =	sadd.s32 $0xA00600, s0;
	s9 =	sadd.s32 $0xB600, s0;
	s10 =	sadd.s32 $0x1800, s0  }
0x6: {  	s30 =	stileid.u32;
	s11 =	sadd.s32 $0xF30A00, s0;
	s12 =	sadd.s32 $0xF3A800, s0  }
0x7: {  	s8 =	sand.u32 $0x1, s1;
	s4 =	smul.u32 $0x271, s30;
	s21 =	sadd.s32 $0xA4EA00, s0  }
0x8: {  	s17 =	smul.u32 $0x13800, s30;
	s2 =	sadd.s32 $0xA9CC00, s0;
	p0 =	seq.s32 s30, $0xF  }
0x9: {  	s16 =	sshll.u32 s30, $0x1;
	_ =	strace $0x80000047;
	s14 =	smul.u32 $0x138800, s8  }
0xa: {  	s13 =	ssub.s32 $0x2, s8;
	s22 =	sor.u32 s8, s16;
	s8 =	smul.u32 $0x13C00, s8  }
0xb: {  	s15 =	sshrl.u32 s13, $0x1;
	s16 =	sadd.s32 $0x10, s4;
	s18 =	sadd.s32 $0x18, s4  }
0xc: {  	s19 =	sadd.s32 $0x38, s4;
	s24 =	sadd.s32 $0x88, s4;
	s25 =	sadd.s32 $0x90, s4  }
0xd: {  	s26 =	sadd.s32 $0xA0, s4;
	s28 =	sadd.s32 $0xB0, s4;
	s0 =	ssub.s32 s13, s15  }
0xe: {  	v0 =	vlaneseq.u32;
	s23 =	sadd.s32 s17, s14;
	s17 =	sadd.s32 $0x28, s4;
	s13 =	smul.u32 $0x2710, s22  }
0xf: {  	s14 =	sshrl.u32 s14, $0x3;
	s15 =	sadd.s32 $0x50, s4;
	v1 =	vadd.s32 s16, v0;
	s16 =	sadd.s32 $0xB8, s4  }
0x10: {  	v2 =	vadd.s32 s18, v0;
	s18 =	sadd.s32 $0xD8, s4;
	v4 =	vadd.s32 s19, v0;
	s19 =	sadd.s32 $0xF0, s4;
	v10 =	vadd.s32 s24, v0;
	s24 =	sadd.s32 $0x130, s4  }
0x11: {  	v11 =	vadd.s32 s25, v0;
	v12 =	vadd.s32 s26, v0;
	s25 =	sadd.s32 $0x140, s4;
	s26 =	sadd.s32 $0x150, s4;
	v13 =	vadd.s32 s28, v0;
	s28 =	sadd.s32 $0x178, s4  }
0x12: {  	vm2 =	vmmov $0xff;
	vm3 =	vmmov $0x1;
	v36 =	vadd.s32 s4, v0;
	s20 =	sshrl.u32 s23, $0x3;
	s1 =	sadd.s32 s21, s14;
	s14 =	smul.u32 $0x27100, s22  }
0x13: {  	v36 =	vmin.u32 v36, $0x270F;
	s22 =	sadd.s32 $0x68, s4;
	s23 =	sadd.s32 $0x78, s4;
	v3 =	vadd.s32 s17, v0;
	s17 =	sadd.s32 $0xC8, s4;
	v6 =	vadd.s32 s15, v0  }
0x14: {  	s15 =	sadd.s32 $0xE0, s4;
	v14 =	vadd.s32 s16, v0;
	s16 =	sadd.s32 $0x158, s4;
	v16 =	vadd.s32 s18, v0;
	v18 =	vadd.s32 s19, v0;
	s18 =	sadd.s32 $0x190, s4  }
0x15: {  	s19 =	sadd.s32 $0x1A0, s4;
	v23 =	vadd.s32 s24, v0;
	v24 =	vadd.s32 s25, v0;
	s24 =	sadd.s32 $0x1E0, s4;
	s25 =	sadd.s32 $0x1F0, s4;
	v25 =	vadd.s32 s26, v0  }
0x16: {  	s26 =	sadd.s32 $0x218, s4;
	v28 =	vadd.s32 s28, v0;
	s28 =	sadd.s32 $0x240, s4;
	[tilespmem:$0x1FE10] =	vst v36;
	v1 =	vmin.u32 v1, $0x270F;
	v62 =	vmin.u32 v2, $0x270F;
	s0 =	smax.u32 s0, $0x1  }
0x17: {  	v4 =	vmin.u32 v4, $0x270F;
	v10 =	vmin.u32 v10, $0x270F;
	s20 =	sadd.s32 s21, s20;
	s21 =	sadd.s32 $0x60, s4;
	v8 =	vadd.s32 s22, v0;
	s22 =	sadd.s32 $0x118, s4;
	[tilespmem:$0x1FE20] =	vst v1  }
0x18: {  	v9 =	vadd.s32 s23, v0;
	s23 =	sadd.s32 $0x128, s4;
	v15 =	vadd.s32 s17, v0;
	s17 =	sadd.s32 $0x168, s4;
	v17 =	vadd.s32 s15, v0;
	s15 =	sadd.s32 $0x180, s4;
	[tilespmem:$0x1FE30] =	vst v62  }
0x19: {  	v26 =	vadd.s32 s16, v0;
	s16 =	sadd.s32 $0x1F8, s4;
	v30 =	vadd.s32 s18, v0;
	s18 =	sadd.s32 $0x230, s4;
	v31 =	vadd.s32 s19, v0;
	s19 =	sadd.s32 $0x248, s4;
	[tilespmem:$0x1FE50] =	vst v4  }
0x1a: {  	vm4 =	vcmask $0x308;
	vm5 =	vcmask $0x70C;
	v11 =	vmin.u32 v11, $0x270F;
	[tilespmem:$0x1FEB0] =	vst v10;
	s1 =	sadd.s32 $0x27000, s1;
	[dreg:$0x12] =	wrdreg s0;
	s0 =	sadd.s32 $0x138000, s3  }
0x1b: {  	v12 =	vmin.u32 v12, $0x270F;
	v13 =	vmin.u32 v13, $0x270F;
	[tilespmem:$0x1FEC0] =	vst v11;
	[dreg:$0x6] =	wrdreg s20;
	s20 =	sadd.s32 $0x40, s4;
	v7 =	vadd.s32 s21, v0;
	s21 =	sadd.s32 $0x108, s4  }
0x1c: {  	[tilespmem:$0x1FED0] =	vst v12;
	v21 =	vadd.s32 s22, v0;
	s22 =	sadd.s32 $0x1C8, s4;
	v22 =	vadd.s32 s23, v0;
	s23 =	sadd.s32 $0x1D0, s4;
	v27 =	vadd.s32 s17, v0;
	s17 =	sadd.s32 $0x208, s4  }
0x1d: {  	v63 =	vmin.u32 v3, $0x270F;
	[tilespmem:$0x1FEE0] =	vst v13;
	v29 =	vadd.s32 s15, v0;
	s15 =	sadd.s32 $0x220, s4;
	v39 =	vadd.s32 s16, v0;
	s14 =	sadd.s32 s12, s14;
	s16 =	sadd.s32 $0x28, s13  }
0x1e: {  	vm6 =	vcmask $0xB10;
	v6 =	vmin.u32 v6, $0x270F;
	v14 =	vmin.u32 v14, $0x270F;
	[tilespmem:$0x1FE40] =	vst v63;
	[dreg:$0x10] =	wrdreg s1;
	s0 =	sshrl.u32 @p0 s0, $0x3;
	s1 =	simm.s32 $0xA  }
0x1f: {  	[tilespmem:$0x1FE70] =	vst v6;
	v5 =	vadd.s32 s20, v0;
	s20 =	sadd.s32 $0x100, s4;
	v20 =	vadd.s32 s21, v0;
	s21 =	sadd.s32 $0x1B8, s4;
	v34 =	vadd.s32 s22, v0;
	s22 =	sshrl.u32 s13, $0x3  }
0x20: {  	v44 =	vadd.s32 s28, v0;
	v16 =	vmin.u32 v16, $0x270F;
	[tilespmem:$0x1FEF0] =	vst v14;
	v35 =	vadd.s32 s23, v0;
	s23 =	smul.u32 $0x1400, s30;
	[dreg:$0xa] =	wrdreg s14;
	s28 =	sshrl.u32 s16, $0x3  }
0x21: {  	v37 =	vadd.s32 s24, v0;
	v51 =	vmin.u32 v18, $0x270F;
	[tilespmem:$0x1FF10] =	vst v16;
	v40 =	vadd.s32 s17, v0;
	[dreg:$0x14] =	wrdreg s0;
	s0 =	sadd.s32 $0x12C00, s29;
	s17 =	simm.s32 $0xC  }
0x22: {  	v56 =	vmin.u32 v23, $0x270F;
	[tilespmem:$0x1FF30] =	vst v51;
	v19 =	vadd.s32 s20, v0;
	s20 =	sadd.s32 $0x1A8, s4;
	v33 =	vadd.s32 s21, v0;
	s21 =	sadd.s32 $0x268, s4;
	s24 =	sadd.s32 s9, s22  }
0x23: {  	v38 =	vadd.s32 s25, v0;
	v41 =	vadd.s32 s26, v0;
	v57 =	vmin.u32 v24, $0x270F;
	[tilespmem:$0x1FF80] =	vst v56;
	s25 =	sadd.s32 s10, s22;
	s22 =	sadd.s32 s11, s22;
	[dreg:$0x7] =	wrdreg s24  }
0x24: {  	v58 =	vmin.u32 v25, $0x270F;
	v61 =	vmin.u32 v28, $0x270F;
	[tilespmem:$0x1FF90] =	vst v57;
	s0 =	sshrl.u32 @p0 s0, $0x3;
	v32 =	vadd.s32 s20, v0;
	s20 =	sadd.s32 $0x258, s4;
	[dreg:$0x8] =	wrdreg s25  }
0x25: {  	v62 =	vimm.s32 $0x0;
	v43 =	vadd.s32 s18, v0;
	v45 =	vadd.s32 s19, v0;
	[tilespmem:$0x1FFA0] =	vst v58;
	s4 =	sadd.s32 $0x270, s4;
	[dreg:$0x9] =	wrdreg s22;
	s23 =	sadd.s32 s23, s8  }
0x26: {  	v8 =	vmin.u32 v8, $0x270F;
	v9 =	vmin.u32 v9, $0x270F;
	[tilespmem:$0x1FFD0] =	vst v61;
	s24 =	smul.u32 $0x28, s30;
	v47 =	vadd.s32 s21, v0;
	s21 =	sadd.s32 s9, s28;
	[dreg:$0x15] =	wrdreg s0  }
0x27: {  	v15 =	vmin.u32 v15, $0x270F;
	v36 =	vmin.u32 v17, $0x270F;
	v59 =	vmin.u32 v26, $0x270F;
	[tilespmem:$0x1FE90] =	vst v8;
	s8 =	sshrl.u32 s8, $0x3;
	s22 =	sadd.s32 s10, s28;
	[dreg:$0xc] =	wrdreg s21  }
0x28: {  	v30 =	vmin.u32 v30, $0x270F;
	v31 =	vmin.u32 v31, $0x270F;
	[tilespmem:$0x1FEA0] =	vst v9;
	s14 =	sshrl.u32 s23, $0x3;
	v46 =	vadd.s32 s20, v0;
	s20 =	smul.u32 $0x4E000, s30;
	[dreg:$0xd] =	wrdreg s22  }
0x29: {  	v51 =	vimm.f32 $0.0e+00;
	v63 =	vimm.s32 $0x0;
	v42 =	vadd.s32 s15, v0;
	[tilespmem:$0x1FF00] =	vst v15;
	s23 =	smul.u32 $0x5000, s30;
	s22 =	simm.s32 $0xD;
	s30 =	simm.s32 $0x2  }
0x2a: {  	v7 =	vmin.u32 v7, $0x270F;
	[tilespmem:$0x1FF20] =	vst v36;
	v54 =	vmin.u32 v21, $0x270F;
	v55 =	vmin.u32 v22, $0x270F;
	s21 =	simm.s32 $0x6;
	s25 =	sadd.s32 $0x10, s24;
	s19 =	sadd.s32 s2, s14  }
0x2b: {  	[tilespmem:$0x1FFB0] =	vst v59;
	v60 =	vmin.u32 v27, $0x270F;
	v36 =	vmin.u32 v37, $0x270F;
	s26 =	sadd.s32 $0x18, s24;
	v49 =	vadd.s32 s24, v0;
	s24 =	sadd.s32 s11, s28;
	[dreg:$0xb] =	wrdreg s19  }
0x2c: {  	v37 =	vmin.u32 v38, $0x270F;
	v38 =	vmin.u32 v39, $0x270F;
	[tilespmem:$0x1FE80] =	vst v7;
	s2 =	sadd.s32 s2, s8;
	v50 =	vadd.s32 s25, v0;
	[dreg:$0xe] =	wrdreg s24;
	s25 =	sshll.u32 s16, $0x4  }
0x2d: {  	v5 =	vmin.u32 v5, $0x270F;
	[tilespmem:$0x1FF60] =	vst v54;
	v48 =	vadd.s32 s4, v0;
	v0 =	vadd.s32 s26, v0;
	s4 =	sshrl.u32 s20, $0x2;
	s8 =	sshrl.u32 s23, $0x2;
	s26 =	sadd.s32 $0x2580, s2  }
0x2e: {  	v53 =	vmin.u32 v20, $0x270F;
	[tilespmem:$0x1FF70] =	vst v55;
	v39 =	vmin.u32 v40, $0x270F;
	v40 =	vmin.u32 v41, $0x270F;
	s19 =	simm.s32 $0x3D80;
	s23 =	simm.s32 $0xE;
	s24 =	simm.s32 $0xF  }
0x2f: {  	[tilespmem:$0x1FFC0] =	vst v60;
	v41 =	vmin.u32 v42, $0x270F;
	v42 =	vmin.u32 v43, $0x270F;
	v43 =	vmin.u32 v44, $0x270F;
	s16 =	simm.s32 $0xB;
	s20 =	simm.s32 $0x5;
	s2 =	simm.s32 $0x0  }
0x30: {  	v44 =	vmin.u32 v45, $0x270F;
	[tilespmem:$0x1FE60] =	vst v5;
	v52 =	vmin.u32 v19, $0x270F;
	v45 =	vmin.u32 v46, $0x270F;
	s14 =	sadd.s32 s12, s25;
	s4 =	sadd.s32 s4, s3;
	s8 =	sadd.s32 s8, s29  }
0x31: {  	[tilespmem:$0x1FF50] =	vst v53;
	v46 =	vmin.u32 v47, $0x270F;
	v47 =	vmin.u32 v48, $0x270F;
	v48 =	vmin.u32 v49, $0x270;
	[dreg:$0x11] =	wrdreg s26;
	s25 =	simm.s32 $0x10;
	s29 =	simm.s32 $0x1  }
0x32: {  	[tilespmem:$0x1FF40] =	vst v52;
	v49 =	vmin.u32 v50, $0x270;
	v50 =	vmin.u32 v0, $0x270;
	s26 =	simm.s32 $0x4;
	v0 =	vsel vm2, $0xFFFFFFFF, v62;
	[dreg:$0xf] =	wrdreg s14;
	s28 =	sshrl.u32 s4, $0x3  }
0x33: {  	v29 =	vmin.u32 v29, $0x270F;
	v34 =	vmin.u32 v34, $0x270F;
	s0 =	sshrl.u32 @!p0 s8, $0x3;
	s8 =	simm.s32 $0x11;
	[tilespmem:$0x1FFE0] =	vst v0;
	v0 =	vsel vm3, $0xFFFFFFFF, v63;
	[dreg:$0x13] =	wrdreg s28  }
0x34: {  	v35 =	vmin.u32 v35, $0x270F;
	v33 =	vmin.u32 v33, $0x270F;
	v32 =	vmin.u32 v32, $0x270F;
	s4 =	simm.s32 $0x3;
	[dreg:$0x16] =	wrdreg s0;
	s0 =	simm.s32 $0x28;
	[tilespmem:$0x1FFF0] =	vst v0  }
.LBB2_1:
0x35: {  	[dreg:$0x17] =	wrdreg s2;
	s14 =	simm.s32 $0x0;
	s15 =	simm.s32 $0x200  }
.LBB2_2:
0x36: {  	p1 =	sne.s32 s15, $0x4E00;
	[tilespmem:s14+$0x29F0] =	vst v51  }
0x37: {  	[tilespmem:s14+$0x1580] =	vst v51  }
0x38: {  	[tilespmem:s14+$0x2980] =	vst v51  }
0x39: {  	[tilespmem:s14+$0x1590] =	vst v51  }
0x3a: {  	[tilespmem:s14+$0x2990] =	vst v51  }
0x3b: {  	[tilespmem:s14+$0x15A0] =	vst v51  }
0x3c: {  	[tilespmem:s14+$0x29A0] =	vst v51  }
0x3d: {  	[tilespmem:s14+$0x15B0] =	vst v51  }
0x3e: {  	[tilespmem:s14+$0x29B0] =	vst v51  }
0x3f: {  	[tilespmem:s14+$0x15C0] =	vst v51  }
0x40: {  	[tilespmem:s14+$0x29C0] =	vst v51  }
.Ltmp0:
0x41: {  	[tilespmem:s14+$0x15D0] =	vst v51;
	(pc) =	sbr.rel @p1 .LBB2_2-.Ltmp0, $4  }
0x42: {  	[tilespmem:s14+$0x29D0] =	vst v51  }
0x43: {  	[tilespmem:s14+$0x15E0] =	vst v51  }
0x44: {  	[tilespmem:s14+$0x29E0] =	vst v51  }
0x45: {  	[tilespmem:s14+$0x15F0] =	vst v51;
	s14 =	sshra.s32 s15, $0x2;
	s15 =	sadd.s32 $0x200, s15  }
0x46: {  	[tilespmem:s14+$0x29F0] =	vst v51  }
0x47: {  	[tilespmem:s14+$0x1580] =	vst v51  }
0x48: {  	[tilespmem:s14+$0x2980] =	vst v51  }
0x49: {  	[tilespmem:s14+$0x1590] =	vst v51  }
0x4a: {  	[tilespmem:s14+$0x2990] =	vst v51  }
0x4b: {  	[tilespmem:s14+$0x15A0] =	vst v51  }
0x4c: {  	[tilespmem:s14+$0x29A0] =	vst v51  }
0x4d: {  	[tilespmem:s14+$0x15B0] =	vst v51  }
0x4e: {  	[tilespmem:s14+$0x29B0] =	vst v51  }
0x4f: {  	[tilespmem:s14+$0x15C0] =	vst v51  }
0x50: {  	[tilespmem:s14+$0x29C0] =	vst v51  }
0x51: {  	[tilespmem:s14+$0x15D0] =	vst v51;
	v0 =	vld [tilespmem:$0x1FE10]  }
0x52: {  	[tilespmem:s14+$0x29D0] =	vst v51;
	v11 =	vld [tilespmem:$0x1FE20]  }
0x53: {  	[tilespmem:s14+$0x15E0] =	vst v51;
	v12 =	vld [tilespmem:$0x1FE30]  }
0x54: {  	[tilespmem:s14+$0x29E0] =	vst v51  }
0x55: {  	[tilespmem:s14+$0x15F0] =	vst v51  }
0x56: {  	[tilespmem:$0x7D00] =	vst v0  }
0x57: {  	[tilespmem:$0x7D10] =	vst v11  }
0x58: {  	s3 =	rddreg [dreg:$0x3];
	s14 =	simm.s32 $0x7D00;
	s2 =	simm.s32 $0x1580;
	[tilespmem:$0x7D18] =	vst v12  }
0x59: {  	[spmem:s3] =	stream.indirect.scatter [tilespmem:s2], [sflag:$0x11], $0x80, s14, s0, $0xb8;
	[tilespmem:$0x1CD88] =	vst v63  }
0x5a: {  	_ =	swait.ge [sflag:s8], $0x1400  }
0x5b: {  	v13 =	vld [tilespmem:$0x1FE40]  }
0x5c: {  	v14 =	vld [tilespmem:$0x1FE50]  }
0x5d: {  	v15 =	vld [tilespmem:$0x1FE60]  }
0x5e: {  	[sflag:s8] =	ssyncset.done $0x0  }
0x5f: {  	[sflag:s8] =	ssyncadd.s32 $0xFFFFEC00  }
0x60: {  	[tilespmem:$0x7D00] =	vst v13  }
0x61: {  	[tilespmem:$0x7D10] =	vst v14  }
0x62: {  	[tilespmem:$0x7D18] =	vst v15  }
0x63: {  	[spmem:s3] =	stream.indirect.scatter [tilespmem:s2], [sflag:$0x11], $0x80, s14, s0, $0xb8;
	[tilespmem:$0x1CD88] =	vst v63  }
0x64: {  	_ =	swait.ge [sflag:s8], $0x1400  }
0x65: {  	v16 =	vld [tilespmem:$0x1FE70]  }
0x66: {  	v17 =	vld [tilespmem:$0x1FE80]  }
0x67: {  	v18 =	vld [tilespmem:$0x1FE90]  }
0x68: {  	[sflag:s8] =	ssyncset.done $0x0  }
0x69: {  	[sflag:s8] =	ssyncadd.s32 $0xFFFFEC00  }
0x6a: {  	[tilespmem:$0x7D00] =	vst v16  }
0x6b: {  	[tilespmem:$0x7D10] =	vst v17  }
0x6c: {  	[tilespmem:$0x7D18] =	vst v18  }
0x6d: {  	[spmem:s3] =	stream.indirect.scatter [tilespmem:s2], [sflag:$0x11], $0x80, s14, s0, $0xb8;
	[tilespmem:$0x1CD88] =	vst v63  }
0x6e: {  	_ =	swait.ge [sflag:s8], $0x1400  }
0x6f: {  	v19 =	vld [tilespmem:$0x1FEA0]  }
0x70: {  	v20 =	vld [tilespmem:$0x1FEB0]  }
0x71: {  	v21 =	vld [tilespmem:$0x1FEC0]  }
0x72: {  	[sflag:s8] =	ssyncset.done $0x0  }
0x73: {  	[sflag:s8] =	ssyncadd.s32 $0xFFFFEC00  }
0x74: {  	[tilespmem:$0x7D00] =	vst v19  }
0x75: {  	[tilespmem:$0x7D10] =	vst v20  }
0x76: {  	[tilespmem:$0x7D18] =	vst v21  }
0x77: {  	[spmem:s3] =	stream.indirect.scatter [tilespmem:s2], [sflag:$0x11], $0x80, s14, s0, $0xb8;
	[tilespmem:$0x1CD88] =	vst v63  }
0x78: {  	_ =	swait.ge [sflag:s8], $0x1400  }
0x79: {  	v22 =	vld [tilespmem:$0x1FED0]  }
0x7a: {  	v23 =	vld [tilespmem:$0x1FEE0]  }
0x7b: {  	v24 =	vld [tilespmem:$0x1FEF0]  }
0x7c: {  	[sflag:s8] =	ssyncset.done $0x0  }
0x7d: {  	[sflag:s8] =	ssyncadd.s32 $0xFFFFEC00  }
0x7e: {  	[tilespmem:$0x7D00] =	vst v22  }
0x7f: {  	[tilespmem:$0x7D10] =	vst v23  }
0x80: {  	[tilespmem:$0x7D18] =	vst v24  }
0x81: {  	[spmem:s3] =	stream.indirect.scatter [tilespmem:s2], [sflag:$0x11], $0x80, s14, s0, $0xb8;
	[tilespmem:$0x1CD88] =	vst v63  }
0x82: {  	_ =	swait.ge [sflag:s8], $0x1400  }
0x83: {  	v25 =	vld [tilespmem:$0x1FF00]  }
0x84: {  	v26 =	vld [tilespmem:$0x1FF10]  }
0x85: {  	v52 =	vld [tilespmem:$0x1FF20]  }
0x86: {  	[sflag:s8] =	ssyncset.done $0x0  }
0x87: {  	[sflag:s8] =	ssyncadd.s32 $0xFFFFEC00  }
0x88: {  	[tilespmem:$0x7D00] =	vst v25  }
0x89: {  	[tilespmem:$0x7D10] =	vst v26  }
0x8a: {  	[tilespmem:$0x7D18] =	vst v52  }
0x8b: {  	[spmem:s3] =	stream.indirect.scatter [tilespmem:s2], [sflag:$0x11], $0x80, s14, s0, $0xb8;
	[tilespmem:$0x1CD88] =	vst v63  }
0x8c: {  	_ =	swait.ge [sflag:s8], $0x1400  }
0x8d: {  	v53 =	vld [tilespmem:$0x1FF30]  }
0x8e: {  	v54 =	vld [tilespmem:$0x1FF40]  }
0x8f: {  	v55 =	vld [tilespmem:$0x1FF50]  }
0x90: {  	[sflag:s8] =	ssyncset.done $0x0  }
0x91: {  	[sflag:s8] =	ssyncadd.s32 $0xFFFFEC00  }
0x92: {  	[tilespmem:$0x7D00] =	vst v53  }
0x93: {  	[tilespmem:$0x7D10] =	vst v54  }
0x94: {  	[tilespmem:$0x7D18] =	vst v55  }
0x95: {  	[spmem:s3] =	stream.indirect.scatter [tilespmem:s2], [sflag:$0x11], $0x80, s14, s0, $0xb8;
	[tilespmem:$0x1CD88] =	vst v63  }
0x96: {  	_ =	swait.ge [sflag:s8], $0x1400  }
0x97: {  	v56 =	vld [tilespmem:$0x1FF60]  }
0x98: {  	v57 =	vld [tilespmem:$0x1FF70]  }
0x99: {  	v58 =	vld [tilespmem:$0x1FF80]  }
0x9a: {  	[sflag:s8] =	ssyncset.done $0x0  }
0x9b: {  	[sflag:s8] =	ssyncadd.s32 $0xFFFFEC00  }
0x9c: {  	[tilespmem:$0x7D00] =	vst v56  }
0x9d: {  	[tilespmem:$0x7D10] =	vst v57  }
0x9e: {  	[tilespmem:$0x7D18] =	vst v58  }
0x9f: {  	[spmem:s3] =	stream.indirect.scatter [tilespmem:s2], [sflag:$0x11], $0x80, s14, s0, $0xb8;
	[tilespmem:$0x1CD88] =	vst v63  }
0xa0: {  	_ =	swait.ge [sflag:s8], $0x1400  }
0xa1: {  	v59 =	vld [tilespmem:$0x1FF90]  }
0xa2: {  	v60 =	vld [tilespmem:$0x1FFA0]  }
0xa3: {  	v61 =	vld [tilespmem:$0x1FFB0]  }
0xa4: {  	[sflag:s8] =	ssyncset.done $0x0  }
0xa5: {  	[sflag:s8] =	ssyncadd.s32 $0xFFFFEC00  }
0xa6: {  	[tilespmem:$0x7D00] =	vst v59  }
0xa7: {  	[tilespmem:$0x7D10] =	vst v60  }
0xa8: {  	[tilespmem:$0x7D18] =	vst v61  }
0xa9: {  	[spmem:s3] =	stream.indirect.scatter [tilespmem:s2], [sflag:$0x11], $0x80, s14, s0, $0xb8;
	[tilespmem:$0x1CD88] =	vst v63  }
0xaa: {  	_ =	swait.ge [sflag:s8], $0x1400  }
0xab: {  	v62 =	vld [tilespmem:$0x1FFC0]  }
0xac: {  	v63 =	vld [tilespmem:$0x1FFD0];
	_ =	sdelay $0x1  }
0xad: {  	[sflag:s8] =	ssyncset.done $0x0  }
0xae: {  	[sflag:s8] =	ssyncadd.s32 $0xFFFFEC00  }
0xaf: {  	[tilespmem:$0x7D00] =	vst v62  }
0xb0: {  	[tilespmem:$0x7D10] =	vst v63  }
0xb1: {  	[tilespmem:$0x7D18] =	vst v29  }
0xb2: {  	[spmem:s3] =	stream.indirect.scatter [tilespmem:s2], [sflag:$0x11], $0x80, s14, s0, $0xb8;
	[tilespmem:$0x1CD88] =	vst v63  }
0xb3: {  	_ =	swait.ge [sflag:s8], $0x1400  }
0xb4: {  	[sflag:s8] =	ssyncset.done $0x0  }
0xb5: {  	[sflag:s8] =	ssyncadd.s32 $0xFFFFEC00  }
0xb6: {  	[tilespmem:$0x7D00] =	vst v30  }
0xb7: {  	[tilespmem:$0x7D10] =	vst v31  }
0xb8: {  	[tilespmem:$0x7D18] =	vst v32  }
0xb9: {  	[spmem:s3] =	stream.indirect.scatter [tilespmem:s2], [sflag:$0x11], $0x80, s14, s0, $0xb8;
	[tilespmem:$0x1CD88] =	vst v63  }
0xba: {  	_ =	swait.ge [sflag:s8], $0x1400  }
0xbb: {  	[sflag:s8] =	ssyncset.done $0x0  }
0xbc: {  	[sflag:s8] =	ssyncadd.s32 $0xFFFFEC00  }
0xbd: {  	[tilespmem:$0x7D00] =	vst v33  }
0xbe: {  	[tilespmem:$0x7D10] =	vst v34  }
0xbf: {  	[tilespmem:$0x7D18] =	vst v35  }
0xc0: {  	[spmem:s3] =	stream.indirect.scatter [tilespmem:s2], [sflag:$0x11], $0x80, s14, s0, $0xb8;
	[tilespmem:$0x1CD88] =	vst v63  }
0xc1: {  	_ =	swait.ge [sflag:s8], $0x1400  }
0xc2: {  	[sflag:s8] =	ssyncset.done $0x0  }
0xc3: {  	[sflag:s8] =	ssyncadd.s32 $0xFFFFEC00  }
0xc4: {  	[tilespmem:$0x7D00] =	vst v36  }
0xc5: {  	[tilespmem:$0x7D10] =	vst v37  }
0xc6: {  	[tilespmem:$0x7D18] =	vst v38  }
0xc7: {  	[spmem:s3] =	stream.indirect.scatter [tilespmem:s2], [sflag:$0x11], $0x80, s14, s0, $0xb8;
	[tilespmem:$0x1CD88] =	vst v63  }
0xc8: {  	_ =	swait.ge [sflag:s8], $0x1400  }
0xc9: {  	[sflag:s8] =	ssyncset.done $0x0  }
0xca: {  	[sflag:s8] =	ssyncadd.s32 $0xFFFFEC00  }
0xcb: {  	[tilespmem:$0x7D00] =	vst v39  }
0xcc: {  	[tilespmem:$0x7D10] =	vst v40  }
0xcd: {  	[tilespmem:$0x7D18] =	vst v41  }
0xce: {  	[spmem:s3] =	stream.indirect.scatter [tilespmem:s2], [sflag:$0x11], $0x80, s14, s0, $0xb8;
	[tilespmem:$0x1CD88] =	vst v63  }
0xcf: {  	_ =	swait.ge [sflag:s8], $0x1400  }
0xd0: {  	[sflag:s8] =	ssyncset.done $0x0  }
0xd1: {  	[sflag:s8] =	ssyncadd.s32 $0xFFFFEC00  }
0xd2: {  	[tilespmem:$0x7D00] =	vst v42  }
0xd3: {  	[tilespmem:$0x7D10] =	vst v43  }
0xd4: {  	[tilespmem:$0x7D18] =	vst v44  }
0xd5: {  	[spmem:s3] =	stream.indirect.scatter [tilespmem:s2], [sflag:$0x11], $0x80, s14, s0, $0xb8;
	[tilespmem:$0x1CD88] =	vst v63  }
0xd6: {  	_ =	swait.ge [sflag:s8], $0x1400  }
0xd7: {  	[sflag:s8] =	ssyncset.done $0x0  }
0xd8: {  	[sflag:s8] =	ssyncadd.s32 $0xFFFFEC00  }
0xd9: {  	[tilespmem:$0x7D00] =	vst v45  }
0xda: {  	[tilespmem:$0x7D10] =	vst v46  }
0xdb: {  	[tilespmem:$0x7D18] =	vst v47  }
0xdc: {  	[spmem:s3] =	stream.indirect.scatter [tilespmem:s2], [sflag:$0x11], $0x80, s14, s0, $0xb8;
	[tilespmem:$0x1CD88] =	vst v63  }
0xdd: {  	_ =	swait.ge [sflag:s8], $0x1400  }
0xde: {  	[sflag:s8] =	ssyncset.done $0x0  }
0xdf: {  	[sflag:s8] =	ssyncadd.s32 $0xFFFFEC00  }
0xe0: {  	[tilespmem:$0x7D00] =	vst v48  }
0xe1: {  	[tilespmem:$0x7D10] =	vst v49  }
0xe2: {  	s15 =	simm.s32 $0x2980;
	s18 =	rddreg [dreg:$0x4];
	[tilespmem:$0x7D18] =	vst v50  }
0xe3: {  	[spmem:s18] =	stream.indirect.scatter [tilespmem:s15], [sflag:$0x11], $0x80, s14, s0, $0xb8;
	[tilespmem:$0x1CD88] =	vst v63  }
0xe4: {  	_ =	swait.ge [sflag:s8], $0x1400  }
0xe5: {  	[sflag:s8] =	ssyncset.done $0x0  }
0xe6: {  	[sflag:s8] =	ssyncadd.s32 $0xFFFFEC00  }
0xe7: {  	s28 =	simm.s32 $0x0;
	s18 =	simm.s32 $0x7F00;
	s14 =	rddreg [dreg:$0x1]  }
0xe8: {  	[tilespmem:s18], [sflag:$0x11] =	stream.linear.gather [hbm4b:s14+s28], $0x80, $0x38;
	[tilespmem:$0x1CD88] =	vst v63  }
0xe9: {  	_ =	swait.ge [sflag:s8], $0x80  }
0xea: {  	[sflag:s8] =	ssyncset.done $0x0  }
0xeb: {  	[sflag:s8] =	ssyncadd.s32 $0xFFFFFF80  }
0xec: {  	s18 =	simm.s32 $0x7F80;
	s14 =	rddreg [dreg:$0x2]  }
0xed: {  	[tilespmem:s18], [sflag:$0x11] =	stream.linear.gather [hbm4b:s14+s28], $0x80, $0x38;
	[tilespmem:$0x1CD88] =	vst v63  }
0xee: {  	_ =	swait.ge [sflag:s8], $0x80  }
0xef: {  	[sflag:s8] =	ssyncset.done $0x0  }
0xf0: {  	[sflag:s8] =	ssyncadd.s32 $0xFFFFFF80  }
0xf1: {  	[bflag:$0x0] =	sbarrier.arrive $0xFFFF  }
0xf2: {  	s14 =	rddreg [dreg:$0x7]  }
0xf3: {  	[tilespmem:s28], [sflag:$0x11] =	stream.linear.gather [hbm4b:s14+s28], $0x28, $0x38;
	[tilespmem:$0x1CD88] =	vst v63  }
0xf4: {  	_ =	swait.ge [sflag:s8], $0x28  }
0xf5: {  	[sflag:s8] =	ssyncset.done $0x0  }
0xf6: {  	s14 =	simm.s32 $0x80;
	s18 =	rddreg [dreg:$0x8];
	[sflag:s8] =	ssyncadd.s32 $0xFFFFFFD8  }
0xf7: {  	[tilespmem:s14], [sflag:$0x11] =	stream.linear.gather [hbm4b:s18+s28], $0x28, $0x38;
	[tilespmem:$0x1CD88] =	vst v63  }
0xf8: {  	_ =	swait.ge [sflag:s8], $0x28  }
0xf9: {  	[sflag:s8] =	ssyncset.done $0x0  }
0xfa: {  	s18 =	simm.s32 $0x100;
	s3 =	rddreg [dreg:$0x9];
	[sflag:s8] =	ssyncadd.s32 $0xFFFFFFD8  }
0xfb: {  	[tilespmem:s18], [sflag:$0x11] =	stream.linear.gather [hbm4b:s3+s28], $0x28, $0x38;
	[tilespmem:$0x1CD88] =	vst v63  }
0xfc: {  	_ =	swait.ge [sflag:s8], $0x28  }
0xfd: {  	[sflag:s8] =	ssyncset.done $0x0  }
0xfe: {  	s18 =	simm.s32 $0x180;
	s3 =	rddreg [dreg:$0xa];
	[sflag:s8] =	ssyncadd.s32 $0xFFFFFFD8  }
0xff: {  	[tilespmem:s18], [sflag:$0x11] =	stream.linear.gather [hbm4b:s3+s28], $0x1400, $0x38;
	[tilespmem:$0x1CD88] =	vst v63  }
0x100: {  	_ =	swait.ge [sflag:s8], $0x1400  }
0x101: {  	[sflag:s8] =	ssyncset.done $0x0  }
0x102: {  	[sflag:s8] =	ssyncadd.s32 $0xFFFFEC00  }
0x103: {  	[tilespmem:s2], [sflag:$0x1] =	stream.indirect.gather [hbm4b:s6+s0], $0x80, s28, s0, $0xb8;
	[tilespmem:$0x1CD88] =	vst v63  }
0x104: {  	_ = 	snop  }
0x105: {  	[tilespmem:s15], [sflag:$0x2] =	stream.indirect.gather [hbm4b:s7+s0], $0x80, s14, s0, $0xb8;
	[tilespmem:$0x1CD88] =	vst v63  }
0x106: {  	s18 =	rddreg [dreg:$0xc]  }
0x107: {  	[tilespmem:s19], [sflag:$0xD] =	stream.linear.gather [hbm4b:s18+s28], $0x28, $0x38;
	[tilespmem:$0x1CD88] =	vst v63  }
0x108: {  	s2 =	rddreg [dreg:$0xd]  }
0x109: {  	[tilespmem:s31], [sflag:$0xE] =	stream.linear.gather [hbm4b:s2+s28], $0x28, $0x38;
	[tilespmem:$0x1CD88] =	vst v63  }
0x10a: {  	s8 =	rddreg [dreg:$0xe];
	s14 =	simm.s32 $0x3E80  }
0x10b: {  	[tilespmem:s14], [sflag:$0xF] =	stream.linear.gather [hbm4b:s8+s28], $0x28, $0x38;
	[tilespmem:$0x1CD88] =	vst v63  }
0x10c: {  	s15 =	rddreg [dreg:$0xf];
	s18 =	simm.s32 $0x3F00  }
0x10d: {  	[tilespmem:s18], [sflag:$0x10] =	stream.linear.gather [hbm4b:s15+s28], $0x1400, $0x38;
	[tilespmem:$0x1CD88] =	vst v63  }
0x10e: {  	s8 =	simm.s32 $0x5300;
	s18 =	simm.s32 $0x6700  }
.LBB2_4:
0x10f: {  	_ =	swait.ge [sflag:s22], $0x28  }
0x110: {  	[sflag:s22] =	ssyncset.done $0x0  }
0x111: {  	[sflag:s22] =	ssyncadd.s32 $0xFFFFFFD8  }
0x112: {  	_ =	swait.ge [sflag:s23], $0x28  }
0x113: {  	[sflag:s23] =	ssyncset.done $0x0  }
0x114: {  	[sflag:s23] =	ssyncadd.s32 $0xFFFFFFD8  }
0x115: {  	_ =	swait.ge [sflag:s24], $0x28  }
0x116: {  	[sflag:s24] =	ssyncset.done $0x0  }
0x117: {  	[sflag:s24] =	ssyncadd.s32 $0xFFFFFFD8  }
0x118: {  	_ =	swait.ge [sflag:s25], $0x1400  }
0x119: {  	p1 =	seq.s32 s28, $0x0;
	[sflag:s25] =	ssyncset.done $0x0  }
0x11a: {  	s14 =	simm.s32 @!p1 $0x7;
	[sflag:s25] =	ssyncadd.s32 $0xFFFFEC00  }
0x11b: {  	_ =	swait.ge @!p1 [sflag:s14], $0x1400  }
0x11c: {  	[sflag:s14] =	ssyncset.done @!p1 $0x0  }
0x11d: {  	[sflag:s14] =	ssyncadd.s32 @!p1 $0xFFFFEC00;
	s14 =	simm.s32 @!p1 $0x8  }
0x11e: {  	_ =	swait.ge @!p1 [sflag:s14], $0x1400  }
0x11f: {  	[sflag:s14] =	ssyncset.done @!p1 $0x0  }
0x120: {  	[sflag:s14] =	ssyncadd.s32 @!p1 $0xFFFFEC00  }
0x121: {  	[tilespmem:s8], [sflag:$0x3] =	stream.indirect.gather [hbm4b:s6+s0], $0x80, s19, s0, $0xb8;
	[tilespmem:$0x1CD88] =	vst v63  }
0x122: {  	_ = 	snop  }
0x123: {  	[tilespmem:s18], [sflag:$0x4] =	stream.indirect.gather [hbm4b:s7+s0], $0x80, s31, s0, $0xb8;
	[tilespmem:$0x1CD88] =	vst v63  }
0x124: {  	_ =	swait.ge [sflag:s29], $0x1400  }
0x125: {  	[sflag:s29] =	ssyncset.done $0x0  }
0x126: {  	[sflag:s29] =	ssyncadd.s32 $0xFFFFEC00  }
0x127: {  	_ =	swait.ge [sflag:s30], $0x1400  }
0x128: {  	[sflag:s30] =	ssyncset.done $0x0  }
0x129: {  	[sflag:s30] =	ssyncadd.s32 $0xFFFFEC00  }
0x12a: {  	v0 =	vld [tilespmem:$0x80]  }
0x12b: {  	v1 =	vld [tilespmem:$0x100]  }
0x12c: {  	v2 =	vld [tilespmem:$0x90]  }
0x12d: {  	v3 =	vld [tilespmem:$0x110]  }
0x12e: {  	v4 =	vld [tilespmem:$0x98]  }
0x12f: {  	[tilespmem:$0x7B00] =	vst v0;
	v0 =	vld [tilespmem:$0x118]  }
0x130: {  	[tilespmem:$0x7B80] =	vst v1  }
0x131: {  	[tilespmem:$0x7B10] =	vst v2  }
0x132: {  	[tilespmem:$0x7B90] =	vst v3  }
0x133: {  	[tilespmem:$0x7B18] =	vst v4  }
0x134: {  	s19 =	simm.s32 $0x0;
	[tilespmem:$0x7B98] =	vst v0  }
0x135: {  	v12 =	vld [tilespmem:s19+$0x180];
	_ =	sdelay $0x1  }
0x136: {  	v52 =	vld [tilespmem:$0x7F00]  }
0x137: {  	v54 =	vld [tilespmem:$0x7F20]  }
0x138: {  	v55 =	vld [tilespmem:$0x7F30]  }
0x139: {  	v56 =	vld [tilespmem:$0x7F60];
	[tilespmem:$0x8080] =	vst v12  }
0x13a: {  	v57 =	vld [tilespmem:$0x7F70];
	[tilespmem:$0x8090] =	vst v12  }
0x13b: {  	v0 =	vld [tilespmem:s19+$0x29F0]  }
0x13c: {  	v1 =	vld [tilespmem:s19+$0x29A0]  }
0x13d: {  	v6 =	vld [tilespmem:s19+$0x15A0]  }
0x13e: {  	v2 =	vld [tilespmem:s19+$0x29D0]  }
0x13f: {  	v4 =	vld [tilespmem:s19+$0x15D0]  }
0x140: {  	v3 =	vld [tilespmem:s19+$0x2990]  }
0x141: {  	v9 =	vld [tilespmem:s19+$0x15B0]  }
0x142: {  	v11 =	vld [tilespmem:s19+$0x29B0]  }
0x143: {  	v7 =	vld [tilespmem:s19+$0x1590]  }
0x144: {  	v13 =	vld [tilespmem:$0x8088]  }
0x145: {  	v10 =	vld [tilespmem:s19+$0x1580]  }
0x146: {  	v5 =	vld [tilespmem:s19+$0x15F0]  }
0x147: {  	v14 =	vld [tilespmem:s19+$0x29E0]  }
0x148: {  	v8 =	vld [tilespmem:s19+$0x15E0]  }
0x149: {  	v63 =	vld [tilespmem:s19+$0x2980]  }
0x14a: {  	v53 =	vld [tilespmem:$0x7F10];
	v1 =	vadd.f32 v1, v6  }
0x14b: {  	v58 =	vld [tilespmem:$0x7F40];
	v11 =	vadd.f32 v11, v9;
	v3 =	vadd.f32 v3, v7  }
0x14c: {  	v59 =	vld [tilespmem:$0x7F50];
	v15 =	vsel vm2, v12, v13;
	v0 =	vadd.f32 v0, v5;
	v2 =	vadd.f32 v2, v4  }
0x14d: {  	v60 =	vld [tilespmem:$0x7FA0];
	v14 =	vadd.f32 v14, v8;
	v62 =	vmul.f32 v15, v57;
	v18 =	vmul.f32 v15, v55  }
0x14e: {  	v61 =	vld [tilespmem:$0x7FF0];
	v20 =	vadd.f32 v63, v10;
	v16 =	vmul.f32 v15, v56;
	v19 =	vmul.f32 v15, v54  }
0x14f: {  	v63 =	vld [tilespmem:$0x7FE0];
	v21 =	vmul.f32 v15, v52;
	v0 =	vadd.f32 v0, v62;
	v18 =	vadd.f32 v11, v18  }
0x150: {  	v17 =	vmul.f32 v15, v53;
	v62 =	vld [tilespmem:$0x7FB0];
	v14 =	vadd.f32 v14, v16;
	v19 =	vadd.f32 v1, v19  }
0x151: {  	v11 =	vld [tilespmem:s19+$0x15C0];
	v16 =	vmul.f32 v15, v59;
	v20 =	vadd.f32 v20, v21;
	v22 =	vmul.f32 $2.000000030e-01, v0  }
0x152: {  	v21 =	vld [tilespmem:s19+$0x29C0];
	v3 =	vadd.f32 v3, v17;
	v23 =	vmul.f32 $2.000000030e-01, v14;
	v17 =	vmul.f32 $2.000000030e-01, v19  }
0x153: {  	v25 =	vmul.f32 $2.000000030e-01, v20;
	v1 =	vmax.f32 v0, v22;
	v22 =	vmul.f32 $2.000000030e-01, v18;
	v0 =	vld [tilespmem:$0x7F80]  }
0x154: {  	v26 =	vmul.f32 $2.000000030e-01, v3;
	v14 =	vmax.f32 v14, v23;
	v24 =	vmul.f32 v1, v61;
	v1 =	vld [tilespmem:$0x7F90]  }
0x155: {  	v17 =	vmax.f32 v19, v17;
	v14 =	vmul.f32 v14, v63;
	v18 =	vmax.f32 v18, v22  }
0x156: {  	v16 =	vadd.f32 v2, v16;
	v17 =	vmul.f32 v17, v60;
	v18 =	vmul.f32 v18, v62  }
0x157: {  	v15 =	vmul.f32 v15, v58;
	v2 =	vld [tilespmem:$0x7FC0];
	v21 =	vadd.f32 v21, v11;
	v14 =	vadd.f32 v24, v14  }
0x158: {  	v20 =	vmax.f32 v20, v25;
	v19 =	vmax.f32 v3, v26;
	v3 =	vld [tilespmem:$0x7FD0];
	v17 =	vadd.f32 v18, v17  }
0x159: {  	v22 =	vld [tilespmem:s19+$0x190];
	v15 =	vadd.f32 v21, v15;
	v25 =	vmul.f32 v20, v0;
	[tilespmem:$0x8060] =	vst v14;
	v19 =	vmul.f32 v19, v1  }
0x15a: {  	[tilespmem:$0x8020] =	vst v17  }
0x15b: {  	v26 =	vmul.f32 $2.000000030e-01, v16;
	v21 =	vmul.f32 $2.000000030e-01, v15;
	[tilespmem:$0x8030] =	vst v17;
	v18 =	vadd.f32 v19, v25  }
0x15c: {  	[tilespmem:$0x8070] =	vst v14;
	v19 =	vld [tilespmem:$0x8024]  }
0x15d: {  	v16 =	vmax.f32 v16, v26;
	v20 =	vld [tilespmem:$0x8064];
	v15 =	vmax.f32 v15, v21;
	[tilespmem:$0x8000] =	vst v18  }
0x15e: {  	v16 =	vmul.f32 v16, v3;
	v15 =	vmul.f32 v15, v2;
	v21 =	vld [tilespmem:$0x8028];
	[tilespmem:$0x8010] =	vst v18  }
0x15f: {  	v23 =	vld [tilespmem:$0x8004]  }
0x160: {  	v15 =	vadd.f32 v16, v15;
	v16 =	vld [tilespmem:$0x802C]  }
0x161: {  	v24 =	vld [tilespmem:$0x8008];
	v17 =	vadd.f32 v19, v17  }
0x162: {  	v25 =	vld [tilespmem:$0x800C];
	[tilespmem:$0x8050] =	vst v15  }
0x163: {  	[tilespmem:$0x8040] =	vst v15;
	v19 =	vld [tilespmem:$0x8068];
	v17 =	vadd.f32 v21, v17  }
0x164: {  	v21 =	vld [tilespmem:$0x8044];
	v18 =	vadd.f32 v23, v18  }
0x165: {  	v23 =	vld [tilespmem:$0x806C];
	v16 =	vadd.f32 v16, v17  }
0x166: {  	v14 =	vadd.f32 v20, v14;
	v26 =	vld [tilespmem:$0x8048];
	v24 =	vadd.f32 v24, v18  }
0x167: {  	[tilespmem:$0x8020] =	vst v16  }
0x168: {  	v14 =	vadd.f32 v19, v14;
	v19 =	vld [tilespmem:$0x804C];
	[tilespmem:$0x8030] =	vst v16;
	v17 =	vadd.f32 v25, v24  }
0x169: {  	v20 =	vld [tilespmem:$0x8021];
	v15 =	vadd.f32 v21, v15  }
0x16a: {  	v21 =	vld [tilespmem:$0x8023];
	v14 =	vadd.f32 v23, v14;
	[tilespmem:$0x8000] =	vst v17  }
0x16b: {  	v23 =	vld [tilespmem:$0x8022];
	[tilespmem:$0x8010] =	vst v17;
	v15 =	vadd.f32 v26, v15  }
0x16c: {  	[tilespmem:$0x8060] =	vst v14;
	v18 =	vld [tilespmem:$0x8001]  }
0x16d: {  	v24 =	vld [tilespmem:$0x8002];
	[tilespmem:$0x8070] =	vst v14;
	v15 =	vadd.f32 v19, v15  }
0x16e: {  	v19 =	vld [tilespmem:$0x8061]  }
0x16f: {  	v25 =	vld [tilespmem:$0x8062];
	[tilespmem:$0x8040] =	vst v15  }
0x170: {  	v16 =	vadd.f32 v20, v16;
	v20 =	vld [tilespmem:$0x8003];
	[tilespmem:$0x8050] =	vst v15  }
0x171: {  	v17 =	vadd.f32 v18, v17;
	v18 =	vld [tilespmem:$0x8041]  }
0x172: {  	v16 =	vadd.f32 v23, v16;
	v23 =	vld [tilespmem:$0x8063]  }
0x173: {  	v14 =	vadd.f32 v19, v14;
	v17 =	vadd.f32 v24, v17;
	v24 =	vld [tilespmem:$0x8042]  }
0x174: {  	v16 =	vadd.f32 v21, v16  }
0x175: {  	v26 =	vld [tilespmem:$0x8043];
	v14 =	vadd.f32 v25, v14;
	v17 =	vadd.f32 v20, v17  }
0x176: {  	v16 =	vsub.f32 v16, v22;
	v15 =	vadd.f32 v18, v15  }
0x177: {  	v14 =	vadd.f32 v23, v14;
	v17 =	vsub.f32 v17, v22  }
0x178: {  	v16 =	vmin.f32 v16, $8.000000000e+01;
	v15 =	vadd.f32 v24, v15  }
0x179: {  	v16 =	vmul.f32 $1.442695020e+00, v16;
	v14 =	vsub.f32 v14, v22;
	v17 =	vmin.f32 v17, $8.000000000e+01  }
0x17a: {  	v17 =	vmul.f32 $1.442695020e+00, v17;
	v15 =	vadd.f32 v26, v15  }
0x17b: {  	v12 =	vsel vm2, v13, v12;
	(erf) = vpow2.f32 v16;
	v13 =	vmin.f32 v14, $8.000000000e+01  }
0x17c: {  	s14 =	simm.s32 $0x200;
	s18 =	sshll.u32 s28, $0x1;
	v13 =	vmul.f32 $1.442695020e+00, v13;
	v14 =	vsub.f32 v15, v22;
	(erf) = vpow2.f32 v17  }
.LBB2_5:
0x17d: {  	_ =	sdelay $0x3  }
0x17e: {  	v14 =	vmin.f32 v14, $8.000000000e+01  }
0x17f: {  	v14 =	vmul.f32 $1.442695020e+00, v14;
	_ =	sdelay $0x1  }
0x180: {  	v15 =	vpop (erf);
	(erf) = vpow2.f32 v14;
	_ =	sdelay $0x1  }
0x181: {  	(erf) = vpow2.f32 v13;
	_ =	sdelay $0x2  }
0x182: {  	v13 =	vpop (erf)  }
0x183: {  	v14 =	vnsel vm3, $0x0, v13  }
0x184: {  	v10 =	vmul.f32 v13, v10;
	v7 =	vmul.f32 v13, v7;
	v13 =	vadd.f32 $0.0e+00, v14  }
0x185: {  	v9 =	vmul.f32 v15, v9;
	v6 =	vmul.f32 v15, v6;
	v15 =	vsel vm4, $0x0, v15  }
0x186: {  	v13 =	vadd.f32 v15, v13;
	v14 =	vpop (erf)  }
0x187: {  	v15 =	vsel vm5, $0x0, v14  }
0x188: {  	v11 =	vmul.f32 v14, v11;
	v4 =	vmul.f32 v14, v4;
	v14 =	vpop (erf);
	v13 =	vadd.f32 v15, v13  }
0x189: {  	v15 =	vsel vm6, $0x0, v14  }
0x18a: {  	v13 =	vadd.f32 v15, v13;
	_ =	sdelay $0x1  }
0x18b: {  	vm7 =	veq.f32 v12, $2.000000000e+00;
	[tilespmem:$0x8080] =	vst v13  }
0x18c: {  	vm10 =	veq.f32 v12, $1.100000000e+01;
	vm8 =	veq.f32 v12, $1.300000000e+01;
	vm9 =	veq.f32 v12, $1.500000000e+01;
	[tilespmem:$0x8090] =	vst v13  }
0x18d: {  	vm11 =	veq.f32 v12, $7.000000000e+00;
	v8 =	vmul.f32 v14, v8;
	v5 =	vmul.f32 v14, v5;
	v14 =	vld [tilespmem:$0x8088]  }
0x18e: {  	vm12 =	veq.f32 v12, $9.000000000e+00;
	vm13 =	veq.f32 v12, $1.000000000e+01;
	vm14 =	veq.f32 v12, $1.000000000e+00;
	[tilespmem:s19+$0x1580] =	vst v10;
	v10 =	vld [tilespmem:$0x1FFF0]  }
0x18f: {  	vm15 =	veq.f32 v12, $3.000000000e+00;
	vm2 =	veq.f32 v12, $5.000000000e+00;
	vm1 =	veq.f32 v12, $8.000000000e+00;
	[tilespmem:s19+$0x1590] =	vst v7  }
0x190: {  	vm0 =	veq.f32 v12, $0.0e+00;
	vm4 =	veq.f32 v12, $6.000000000e+00;
	vm3 =	veq.f32 v12, $4.000000000e+00;
	[tilespmem:s19+$0x15A0] =	vst v6  }
0x191: {  	vm5 =	veq.f32 v12, $1.400000000e+01;
	vm6 =	veq.f32 v12, $1.200000000e+01;
	v12 =	vnsel vm4, $0x0, v13;
	[tilespmem:s19+$0x15B0] =	vst v9  }
0x192: {  	v15 =	vnsel vm1, $0x0, v13;
	v7 =	vnsel vm3, $0x0, v13;
	v6 =	vnsel vm0, $0x0, v13;
	[tilespmem:s19+$0x15C0] =	vst v11  }
0x193: {  	[tilespmem:s19+$0x15E0] =	vst v8;
	v8 =	vnsel vm7, $0x0, v13;
	vm3 =	vnez.u8 v10;
	v11 =	vnsel vm11, $0x0, v14  }
0x194: {  	[tilespmem:s19+$0x15D0] =	vst v4;
	v10 =	vnsel vm13, $0x0, v13;
	v9 =	vnsel vm14, $0x0, v14;
	v4 =	vadd.f32 v12, v11  }
0x195: {  	s15 =	smov.u32 s14;
	[tilespmem:s19+$0x15F0] =	vst v5;
	v16 =	vnsel vm15, $0x0, v14;
	v23 =	vnsel vm12, $0x0, v14;
	v6 =	vadd.f32 v6, v9  }
0x196: {  	s15 =	sshra.s32 s15, $0x2;
	v17 =	vnsel vm2, $0x0, v14;
	v19 =	vnsel vm10, $0x0, v14;
	v9 =	vadd.f32 v15, v23;
	[tilespmem:s19+$0x29B0] =	vst v4  }
0x197: {  	v11 =	vnsel vm8, $0x0, v14;
	v12 =	vnsel vm9, $0x0, v14;
	v5 =	vadd.f32 v8, v16;
	v14 =	vld [tilespmem:s15+$0x180];
	[tilespmem:s19+$0x2980] =	vst v6  }
0x198: {  	v8 =	vnsel vm6, $0x0, v13;
	v4 =	vadd.f32 v10, v19;
	[tilespmem:s19+$0x29C0] =	vst v9  }
0x199: {  	v6 =	vadd.f32 v7, v17;
	v7 =	vadd.f32 v8, v11;
	[tilespmem:s19+$0x2990] =	vst v5  }
0x19a: {  	v8 =	vnsel vm5, $0x0, v13;
	[tilespmem:s19+$0x29D0] =	vst v4  }
0x19b: {  	v8 =	vadd.f32 v8, v12;
	[tilespmem:s19+$0x29E0] =	vst v7  }
0x19c: {  	[tilespmem:s19+$0x29A0] =	vst v6  }
0x19d: {  	[tilespmem:s19+$0x29F0] =	vst v8  }
0x19e: {  	[tilespmem:$0x8080] =	vst v14  }
0x19f: {  	v18 =	vld [tilespmem:$0x1FFE0];
	s19 =	smov.u32 s15;
	[tilespmem:$0x8090] =	vst v14  }
0x1a0: {  	v13 =	vld [tilespmem:s19+$0x29F0]  }
0x1a1: {  	v5 =	vld [tilespmem:s19+$0x29A0]  }
0x1a2: {  	v6 =	vld [tilespmem:s19+$0x15A0]  }
0x1a3: {  	v8 =	vld [tilespmem:s19+$0x29D0]  }
0x1a4: {  	v4 =	vld [tilespmem:s19+$0x15D0]  }
0x1a5: {  	v15 =	vld [tilespmem:s19+$0x2990]  }
0x1a6: {  	v9 =	vld [tilespmem:s19+$0x15B0]  }
0x1a7: {  	v11 =	vld [tilespmem:s19+$0x29B0]  }
0x1a8: {  	v7 =	vld [tilespmem:s19+$0x1590]  }
0x1a9: {  	v12 =	vld [tilespmem:$0x8088]  }
0x1aa: {  	v10 =	vld [tilespmem:s19+$0x1580]  }
0x1ab: {  	vm2 =	vnez.u8 v18;
	v18 =	vld [tilespmem:s19+$0x2980]  }
0x1ac: {  	v24 =	vld [tilespmem:s19+$0x29C0]  }
0x1ad: {  	v16 =	vadd.f32 v5, v6;
	v5 =	vld [tilespmem:s19+$0x15F0]  }
0x1ae: {  	v19 =	vsel vm2, v14, v12;
	v12 =	vsel vm2, v12, v14;
	v14 =	vadd.f32 v15, v7;
	v15 =	vld [tilespmem:s19+$0x29E0]  }
0x1af: {  	v17 =	vadd.f32 v11, v9;
	v20 =	vadd.f32 v8, v4;
	v8 =	vld [tilespmem:s19+$0x15E0];
	v26 =	vmul.f32 v19, v54  }
0x1b0: {  	v11 =	vld [tilespmem:s19+$0x15C0];
	v18 =	vadd.f32 v18, v10;
	v25 =	vmul.f32 v19, v59;
	v27 =	vmul.f32 v19, v55  }
0x1b1: {  	v21 =	vmul.f32 v19, v56;
	v28 =	vmul.f32 v19, v52;
	v16 =	vadd.f32 v16, v26  }
0x1b2: {  	v23 =	vmul.f32 v19, v53;
	v20 =	vadd.f32 v20, v25;
	v17 =	vadd.f32 v17, v27  }
0x1b3: {  	v22 =	vmul.f32 v19, v57;
	v18 =	vadd.f32 v18, v28;
	v13 =	vadd.f32 v13, v5  }
0x1b4: {  	v14 =	vadd.f32 v14, v23;
	v15 =	vadd.f32 v15, v8;
	v25 =	vmul.f32 $2.000000030e-01, v20  }
0x1b5: {  	v19 =	vmul.f32 v19, v58;
	v24 =	vadd.f32 v24, v11;
	v13 =	vadd.f32 v13, v22  }
0x1b6: {  	v15 =	vadd.f32 v15, v21;
	v20 =	vmax.f32 v20, v25;
	v25 =	vmul.f32 $2.000000030e-01, v16  }
0x1b7: {  	v21 =	vmul.f32 $2.000000030e-01, v17;
	v19 =	vadd.f32 v24, v19;
	v20 =	vmul.f32 v20, v3  }
0x1b8: {  	v22 =	vmul.f32 $2.000000030e-01, v13;
	v23 =	vmul.f32 $2.000000030e-01, v15;
	v16 =	vmax.f32 v16, v25  }
0x1b9: {  	v24 =	vmul.f32 $2.000000030e-01, v19;
	v17 =	vmax.f32 v17, v21;
	v16 =	vmul.f32 v16, v60  }
0x1ba: {  	v17 =	vmul.f32 v17, v62;
	v13 =	vmax.f32 v13, v22;
	v22 =	vmul.f32 $2.000000030e-01, v18  }
0x1bb: {  	v15 =	vmax.f32 v15, v23;
	v19 =	vmax.f32 v19, v24;
	v24 =	vmul.f32 $2.000000030e-01, v14  }
0x1bc: {  	v13 =	vmul.f32 v13, v61;
	v15 =	vmul.f32 v15, v63;
	v16 =	vadd.f32 v17, v16  }
0x1bd: {  	v19 =	vmul.f32 v19, v2;
	v18 =	vmax.f32 v18, v22;
	v14 =	vmax.f32 v14, v24  }
0x1be: {  	v18 =	vmul.f32 v18, v0;
	v13 =	vadd.f32 v13, v15;
	v15 =	vld [tilespmem:s19+$0x190];
	v14 =	vmul.f32 v14, v1;
	[tilespmem:$0x8020] =	vst v16  }
0x1bf: {  	[tilespmem:$0x8030] =	vst v16  }
0x1c0: {  	v19 =	vadd.f32 v20, v19;
	v20 =	vld [tilespmem:$0x8028];
	[tilespmem:$0x8060] =	vst v13;
	v14 =	vadd.f32 v14, v18  }
0x1c1: {  	[tilespmem:$0x8070] =	vst v13;
	v18 =	vld [tilespmem:$0x8024]  }
0x1c2: {  	v17 =	vld [tilespmem:$0x8064];
	[tilespmem:$0x8000] =	vst v14  }
0x1c3: {  	v23 =	vld [tilespmem:$0x802C];
	[tilespmem:$0x8010] =	vst v14  }
0x1c4: {  	v22 =	vld [tilespmem:$0x8004]  }
0x1c5: {  	v21 =	vld [tilespmem:$0x8068]  }
0x1c6: {  	v24 =	vld [tilespmem:$0x8008];
	v16 =	vadd.f32 v18, v16  }
0x1c7: {  	[tilespmem:$0x8050] =	vst v19;
	v13 =	vadd.f32 v17, v13;
	v17 =	vld [tilespmem:$0x806C]  }
0x1c8: {  	[tilespmem:$0x8040] =	vst v19;
	v25 =	vld [tilespmem:$0x800C];
	v16 =	vadd.f32 v20, v16  }
0x1c9: {  	v20 =	vld [tilespmem:$0x8044];
	v14 =	vadd.f32 v22, v14  }
0x1ca: {  	v13 =	vadd.f32 v21, v13;
	v16 =	vadd.f32 v23, v16  }
0x1cb: {  	v26 =	vld [tilespmem:$0x8048];
	v14 =	vadd.f32 v24, v14  }
0x1cc: {  	[tilespmem:$0x8020] =	vst v16;
	v13 =	vadd.f32 v17, v13  }
0x1cd: {  	v24 =	vld [tilespmem:$0x804C];
	[tilespmem:$0x8030] =	vst v16;
	v14 =	vadd.f32 v25, v14  }
0x1ce: {  	v25 =	vld [tilespmem:$0x8021];
	v19 =	vadd.f32 v20, v19;
	[tilespmem:$0x8060] =	vst v13  }
0x1cf: {  	v22 =	vld [tilespmem:$0x8023];
	[tilespmem:$0x8000] =	vst v14  }
0x1d0: {  	v20 =	vld [tilespmem:$0x8022];
	[tilespmem:$0x8010] =	vst v14;
	v19 =	vadd.f32 v26, v19  }
0x1d1: {  	[tilespmem:$0x8070] =	vst v13;
	v21 =	vld [tilespmem:$0x8001]  }
0x1d2: {  	v18 =	vld [tilespmem:$0x8061];
	v17 =	vadd.f32 v24, v19  }
0x1d3: {  	v23 =	vld [tilespmem:$0x8002]  }
0x1d4: {  	v19 =	vld [tilespmem:$0x8062];
	[tilespmem:$0x8040] =	vst v17  }
0x1d5: {  	v24 =	vld [tilespmem:$0x8003];
	v16 =	vadd.f32 v25, v16;
	[tilespmem:$0x8050] =	vst v17  }
0x1d6: {  	v26 =	vld [tilespmem:$0x8041];
	v14 =	vadd.f32 v21, v14  }
0x1d7: {  	v16 =	vadd.f32 v20, v16;
	v20 =	vld [tilespmem:$0x8063]  }
0x1d8: {  	v13 =	vadd.f32 v18, v13;
	v25 =	vld [tilespmem:$0x8042];
	v14 =	vadd.f32 v23, v14  }
0x1d9: {  	v16 =	vadd.f32 v22, v16  }
0x1da: {  	v22 =	vld [tilespmem:$0x8043];
	v13 =	vadd.f32 v19, v13;
	v14 =	vadd.f32 v24, v14  }
0x1db: {  	v16 =	vsub.f32 v16, v15;
	v17 =	vadd.f32 v26, v17  }
0x1dc: {  	p1 =	sne.s32 s14, $0x4E00;
	v13 =	vadd.f32 v20, v13;
	v14 =	vsub.f32 v14, v15  }
.Ltmp1:
0x1dd: {  	vm4 =	vcmask $0x308;
	v16 =	vmin.f32 v16, $8.000000000e+01;
	v17 =	vadd.f32 v25, v17;
	(pc) =	sbr.rel @p1 .LBB2_5-.Ltmp1, $4  }
0x1de: {  	v16 =	vmul.f32 $1.442695020e+00, v16;
	v13 =	vsub.f32 v13, v15;
	v14 =	vmin.f32 v14, $8.000000000e+01  }
0x1df: {  	vm6 =	vcmask $0xB10;
	v26 =	vmul.f32 $1.442695020e+00, v14;
	v14 =	vadd.f32 v22, v17  }
0x1e0: {  	vm5 =	vcmask $0x70C;
	(erf) = vpow2.f32 v16;
	v13 =	vmin.f32 v13, $8.000000000e+01  }
0x1e1: {  	s14 =	sadd.s32 $0x200, s14;
	v13 =	vmul.f32 $1.442695020e+00, v13;
	v14 =	vsub.f32 v14, v15;
	(erf) = vpow2.f32 v26  }
0x1e2: {  	_ = 	snop  }
0x1e3: {  	v0 =	vmin.f32 v14, $8.000000000e+01  }
0x1e4: {  	v0 =	vmul.f32 $1.442695020e+00, v0;
	_ =	sdelay $0x1  }
0x1e5: {  	(erf) = vpow2.f32 v0;
	_ =	sdelay $0x1  }
0x1e6: {  	(erf) = vpow2.f32 v13;
	_ =	sdelay $0x1  }
0x1e7: {  	v0 =	vpop (erf)  }
0x1e8: {  	v1 =	vpop (erf)  }
0x1e9: {  	v3 =	vsel vm4, $0x0, v0;
	v2 =	vnsel vm3, $0x0, v1  }
0x1ea: {  	v2 =	vadd.f32 $0.0e+00, v2;
	_ =	sdelay $0x1  }
0x1eb: {  	v2 =	vadd.f32 v3, v2;
	v3 =	vpop (erf)  }
0x1ec: {  	v13 =	vsel vm5, $0x0, v3  }
0x1ed: {  	v14 =	vpop (erf);
	v2 =	vadd.f32 v13, v2  }
0x1ee: {  	v13 =	vsel vm6, $0x0, v14  }
0x1ef: {  	v2 =	vadd.f32 v13, v2  }
0x1f0: {  	v9 =	vmul.f32 v0, v9  }
0x1f1: {  	v0 =	vmul.f32 v0, v6;
	v6 =	vmul.f32 v1, v10;
	[tilespmem:$0x8080] =	vst v2  }
0x1f2: {  	v1 =	vmul.f32 v1, v7;
	v7 =	vmul.f32 v3, v11;
	[tilespmem:$0x8090] =	vst v2  }
0x1f3: {  	vm0 =	veq.f32 v12, $4.000000000e+00;
	v3 =	vmul.f32 v3, v4;
	v4 =	vmul.f32 v14, v8;
	v8 =	vld [tilespmem:$0x8088]  }
0x1f4: {  	vm1 =	veq.f32 v12, $1.000000000e+01;
	v5 =	vmul.f32 v14, v5;
	[tilespmem:s19+$0x1580] =	vst v6;
	v6 =	vnsel vm0, $0x0, v2  }
0x1f5: {  	vm0 =	veq.f32 v12, $6.000000000e+00;
	[tilespmem:s19+$0x1590] =	vst v1;
	v1 =	vnsel vm1, $0x0, v2;
	vm1 =	veq.f32 v12, $0.0e+00  }
0x1f6: {  	[tilespmem:s19+$0x15A0] =	vst v0;
	v10 =	vnsel vm1, $0x0, v2;
	vm1 =	veq.f32 v12, $8.000000000e+00;
	v0 =	vnsel vm0, $0x0, v2  }
0x1f7: {  	[tilespmem:s19+$0x15B0] =	vst v9;
	vm0 =	veq.f32 v12, $7.000000000e+00;
	v11 =	vnsel vm1, $0x0, v2;
	vm1 =	veq.f32 v12, $1.000000000e+00  }
0x1f8: {  	[tilespmem:s19+$0x15C0] =	vst v7;
	v9 =	vnsel vm1, $0x0, v8;
	vm1 =	veq.f32 v12, $9.000000000e+00;
	v7 =	vnsel vm0, $0x0, v8  }
0x1f9: {  	[tilespmem:s19+$0x15D0] =	vst v3;
	vm0 =	veq.f32 v12, $2.000000000e+00;
	v13 =	vnsel vm1, $0x0, v8;
	vm1 =	veq.f32 v12, $1.100000000e+01  }
0x1fa: {  	[tilespmem:s19+$0x15E0] =	vst v4;
	v0 =	vadd.f32 v0, v7;
	v3 =	vnsel vm1, $0x0, v8;
	vm1 =	veq.f32 v12, $1.300000000e+01  }
0x1fb: {  	[tilespmem:s19+$0x15F0] =	vst v5;
	v7 =	vadd.f32 v10, v9;
	v4 =	vnsel vm1, $0x0, v8;
	vm1 =	veq.f32 v12, $1.500000000e+01  }
0x1fc: {  	v9 =	vadd.f32 v11, v13;
	[tilespmem:s19+$0x29B0] =	vst v0;
	v5 =	vnsel vm1, $0x0, v8;
	vm1 =	veq.f32 v12, $1.200000000e+01  }
0x1fd: {  	v1 =	vadd.f32 v1, v3;
	[tilespmem:s19+$0x2980] =	vst v7;
	v0 =	vnsel vm1, $0x0, v2;
	vm1 =	veq.f32 v12, $1.400000000e+01  }
0x1fe: {  	[tilespmem:s19+$0x29C0] =	vst v9;
	v3 =	vnsel vm1, $0x0, v2;
	vm1 =	veq.f32 v12, $5.000000000e+00;
	v0 =	vadd.f32 v0, v4  }
0x1ff: {  	[tilespmem:s19+$0x29D0] =	vst v1;
	v4 =	vnsel vm1, $0x0, v8;
	vm1 =	veq.f32 v12, $3.000000000e+00;
	v3 =	vadd.f32 v3, v5  }
0x200: {  	v2 =	vnsel vm0, $0x0, v2;
	v1 =	vnsel vm1, $0x0, v8;
	v4 =	vadd.f32 v6, v4;
	[tilespmem:s19+$0x29E0] =	vst v0  }
0x201: {  	v0 =	vadd.f32 v2, v1;
	[tilespmem:s19+$0x29F0] =	vst v3  }
0x202: {  	s3 =	rddreg [dreg:$0x3];
	[tilespmem:s19+$0x29A0] =	vst v4  }
0x203: {  	s31 =	simm.s32 $0x1580;
	s2 =	simm.s32 $0x7B00;
	s15 =	rddreg [dreg:$0x4];
	[tilespmem:s19+$0x2990] =	vst v0  }
0x204: {  	[spmem:s3] =	stream.indirect.scatter.add.f32 [tilespmem:s31], [sflag:$0x5], $0x80, s2, s0, $0xb8;
	[tilespmem:$0x1CD88] =	vst v63  }
0x205: {  	s8 =	simm.s32 $0x2980;
	s14 =	sadd.s32 $0x2, s18;
	s19 =	simm.s32 $0x7B80  }
0x206: {  	[spmem:s15] =	stream.indirect.scatter.add.f32 [tilespmem:s8], [sflag:$0x6], $0x80, s19, s0, $0xb8;
	[tilespmem:$0x1CD88] =	vst v63  }
0x207: {  	s15 =	smul.u32 $0x28, s14  }
0x208: {  	p1 =	seq.s32 s14, $0xFA  }
0x209: {  	s15 =	simm.s32 @p1 $0x0  }
0x20a: {  	s14 =	sadd.s32 s13, s15  }
0x20b: {  	s15 =	sshrl.u32 s14, $0x3  }
0x20c: {  	s3 =	simm.s32 $0x0;
	s2 =	sadd.s32 s9, s15  }
0x20d: {  	[tilespmem:s3], [sflag:$0x9] =	stream.linear.gather [hbm4b:s2+s3], $0x28, $0x38;
	[tilespmem:$0x1CD88] =	vst v63  }
0x20e: {  	s19 =	sadd.s32 s10, s15;
	s2 =	simm.s32 $0x80  }
0x20f: {  	[tilespmem:s2], [sflag:$0xA] =	stream.linear.gather [hbm4b:s19+s3], $0x28, $0x38;
	[tilespmem:$0x1CD88] =	vst v63  }
0x210: {  	s14 =	sshll.u32 s14, $0x4;
	s15 =	sadd.s32 s11, s15;
	s19 =	simm.s32 $0x100  }
0x211: {  	[tilespmem:s19], [sflag:$0xB] =	stream.linear.gather [hbm4b:s15+s3], $0x28, $0x38;
	[tilespmem:$0x1CD88] =	vst v63  }
0x212: {  	s14 =	sadd.s32 s12, s14;
	s19 =	simm.s32 $0x180  }
0x213: {  	[tilespmem:s19], [sflag:$0xC] =	stream.linear.gather [hbm4b:s14+s3], $0x1400, $0x38;
	[tilespmem:$0x1CD88] =	vst v63  }
0x214: {  	s19 =	simm.s32 $0x9  }
0x215: {  	_ =	swait.ge [sflag:s19], $0x28  }
0x216: {  	[sflag:s19] =	ssyncset.done $0x0  }
0x217: {  	[sflag:s19] =	ssyncadd.s32 $0xFFFFFFD8  }
0x218: {  	_ =	swait.ge [sflag:s1], $0x28  }
0x219: {  	[sflag:s1] =	ssyncset.done $0x0  }
0x21a: {  	[sflag:s1] =	ssyncadd.s32 $0xFFFFFFD8  }
0x21b: {  	_ =	swait.ge [sflag:s16], $0x28  }
0x21c: {  	[sflag:s16] =	ssyncset.done $0x0  }
0x21d: {  	[sflag:s16] =	ssyncadd.s32 $0xFFFFFFD8  }
0x21e: {  	_ =	swait.ge [sflag:s17], $0x1400  }
0x21f: {  	[sflag:s17] =	ssyncset.done $0x0  }
0x220: {  	[sflag:s17] =	ssyncadd.s32 $0xFFFFEC00  }
0x221: {  	_ =	swait.ge [sflag:s20], $0x1400  }
0x222: {  	[sflag:s20] =	ssyncset.done $0x0  }
0x223: {  	[sflag:s20] =	ssyncadd.s32 $0xFFFFEC00  }
0x224: {  	_ =	swait.ge [sflag:s21], $0x1400  }
0x225: {  	[sflag:s21] =	ssyncset.done $0x0  }
0x226: {  	[sflag:s21] =	ssyncadd.s32 $0xFFFFEC00  }
0x227: {  	[tilespmem:s31], [sflag:$0x1] =	stream.indirect.gather [hbm4b:s6+s0], $0x80, s3, s0, $0xb8;
	[tilespmem:$0x1CD88] =	vst v63  }
0x228: {  	_ = 	snop  }
0x229: {  	[tilespmem:s8], [sflag:$0x2] =	stream.indirect.gather [hbm4b:s7+s0], $0x80, s2, s0, $0xb8;
	[tilespmem:$0x1CD88] =	vst v63  }
0x22a: {  	_ =	swait.ge [sflag:s4], $0x1400  }
0x22b: {  	[sflag:s4] =	ssyncset.done $0x0  }
0x22c: {  	[sflag:s4] =	ssyncadd.s32 $0xFFFFEC00  }
0x22d: {  	_ =	swait.ge [sflag:s26], $0x1400  }
0x22e: {  	[sflag:s26] =	ssyncset.done $0x0  }
0x22f: {  	[sflag:s26] =	ssyncadd.s32 $0xFFFFEC00  }
0x230: {  	v0 =	vld [tilespmem:$0x3E00]  }
0x231: {  	v1 =	vld [tilespmem:$0x3E80]  }
0x232: {  	v2 =	vld [tilespmem:$0x3E10]  }
0x233: {  	v3 =	vld [tilespmem:$0x3E90]  }
0x234: {  	v4 =	vld [tilespmem:$0x3E18]  }
0x235: {  	[tilespmem:$0x7C00] =	vst v0;
	v0 =	vld [tilespmem:$0x3E98]  }
0x236: {  	[tilespmem:$0x7C80] =	vst v1  }
0x237: {  	[tilespmem:$0x7C10] =	vst v2  }
0x238: {  	[tilespmem:$0x7C90] =	vst v3  }
0x239: {  	[tilespmem:$0x7C18] =	vst v4  }
0x23a: {  	s19 =	simm.s32 $0x0;
	[tilespmem:$0x7C98] =	vst v0  }
0x23b: {  	v12 =	vld [tilespmem:s19+$0x3F00];
	_ =	sdelay $0x1  }
0x23c: {  	v52 =	vld [tilespmem:$0x7F00]  }
0x23d: {  	v54 =	vld [tilespmem:$0x7F20]  }
0x23e: {  	v55 =	vld [tilespmem:$0x7F30]  }
0x23f: {  	v56 =	vld [tilespmem:$0x7F60];
	[tilespmem:$0x8080] =	vst v12  }
0x240: {  	v57 =	vld [tilespmem:$0x7F70];
	[tilespmem:$0x8090] =	vst v12  }
0x241: {  	v0 =	vld [tilespmem:s19+$0x6770]  }
0x242: {  	v1 =	vld [tilespmem:s19+$0x6720]  }
0x243: {  	v6 =	vld [tilespmem:s19+$0x5320]  }
0x244: {  	v2 =	vld [tilespmem:s19+$0x6750]  }
0x245: {  	v4 =	vld [tilespmem:s19+$0x5350]  }
0x246: {  	v3 =	vld [tilespmem:s19+$0x6710]  }
0x247: {  	v9 =	vld [tilespmem:s19+$0x5330]  }
0x248: {  	v11 =	vld [tilespmem:s19+$0x6730]  }
0x249: {  	v7 =	vld [tilespmem:s19+$0x5310]  }
0x24a: {  	v13 =	vld [tilespmem:$0x8088]  }
0x24b: {  	v10 =	vld [tilespmem:s19+$0x5300]  }
0x24c: {  	v5 =	vld [tilespmem:s19+$0x5370]  }
0x24d: {  	v14 =	vld [tilespmem:s19+$0x6760]  }
0x24e: {  	v8 =	vld [tilespmem:s19+$0x5360]  }
0x24f: {  	v15 =	vld [tilespmem:s19+$0x6700]  }
0x250: {  	v53 =	vld [tilespmem:$0x7F10];
	v1 =	vadd.f32 v1, v6  }
0x251: {  	v58 =	vld [tilespmem:$0x7F40];
	v11 =	vadd.f32 v11, v9;
	v3 =	vadd.f32 v3, v7  }
0x252: {  	v59 =	vld [tilespmem:$0x7F50];
	v16 =	vsel vm2, v12, v13;
	v0 =	vadd.f32 v0, v5;
	v2 =	vadd.f32 v2, v4  }
0x253: {  	v60 =	vld [tilespmem:$0x7FA0];
	v14 =	vadd.f32 v14, v8;
	v17 =	vmul.f32 v16, v57;
	v20 =	vmul.f32 v16, v55  }
0x254: {  	v61 =	vld [tilespmem:$0x7FF0];
	v15 =	vadd.f32 v15, v10;
	v18 =	vmul.f32 v16, v56;
	v25 =	vmul.f32 v16, v54  }
0x255: {  	v62 =	vld [tilespmem:$0x7FB0];
	v21 =	vmul.f32 v16, v52;
	v0 =	vadd.f32 v0, v17;
	v20 =	vadd.f32 v11, v20  }
0x256: {  	v63 =	vld [tilespmem:$0x7FE0];
	v19 =	vmul.f32 v16, v53;
	v14 =	vadd.f32 v14, v18;
	v17 =	vadd.f32 v1, v25  }
0x257: {  	v11 =	vld [tilespmem:s19+$0x5340];
	v18 =	vmul.f32 v16, v59;
	v15 =	vadd.f32 v15, v21;
	v22 =	vmul.f32 $2.000000030e-01, v0  }
0x258: {  	v21 =	vld [tilespmem:s19+$0x6740];
	v3 =	vadd.f32 v3, v19;
	v23 =	vmul.f32 $2.000000030e-01, v14;
	v19 =	vmul.f32 $2.000000030e-01, v17  }
0x259: {  	v25 =	vmul.f32 $2.000000030e-01, v15;
	v1 =	vmax.f32 v0, v22;
	v22 =	vmul.f32 $2.000000030e-01, v20;
	v0 =	vld [tilespmem:$0x7F80]  }
0x25a: {  	v26 =	vmul.f32 $2.000000030e-01, v3;
	v14 =	vmax.f32 v14, v23;
	v24 =	vmul.f32 v1, v61;
	v1 =	vld [tilespmem:$0x7F90]  }
0x25b: {  	v17 =	vmax.f32 v17, v19;
	v14 =	vmul.f32 v14, v63;
	v20 =	vmax.f32 v20, v22  }
0x25c: {  	v18 =	vadd.f32 v2, v18;
	v17 =	vmul.f32 v17, v60;
	v20 =	vmul.f32 v20, v62  }
0x25d: {  	v16 =	vmul.f32 v16, v58;
	v2 =	vld [tilespmem:$0x7FC0];
	v21 =	vadd.f32 v21, v11;
	v14 =	vadd.f32 v24, v14  }
0x25e: {  	v15 =	vmax.f32 v15, v25;
	v19 =	vmax.f32 v3, v26;
	v3 =	vld [tilespmem:$0x7FD0];
	v17 =	vadd.f32 v20, v17  }
0x25f: {  	v22 =	vld [tilespmem:s19+$0x3F10];
	v16 =	vadd.f32 v21, v16;
	v15 =	vmul.f32 v15, v0;
	[tilespmem:$0x8060] =	vst v14;
	v19 =	vmul.f32 v19, v1  }
0x260: {  	[tilespmem:$0x8020] =	vst v17  }
0x261: {  	v25 =	vmul.f32 $2.000000030e-01, v18;
	v21 =	vmul.f32 $2.000000030e-01, v16;
	[tilespmem:$0x8030] =	vst v17;
	v15 =	vadd.f32 v19, v15  }
0x262: {  	[tilespmem:$0x8070] =	vst v14;
	v19 =	vld [tilespmem:$0x8024]  }
0x263: {  	v18 =	vmax.f32 v18, v25;
	v20 =	vld [tilespmem:$0x8064];
	v16 =	vmax.f32 v16, v21;
	[tilespmem:$0x8000] =	vst v15  }
0x264: {  	v18 =	vmul.f32 v18, v3;
	v16 =	vmul.f32 v16, v2;
	v21 =	vld [tilespmem:$0x8028];
	[tilespmem:$0x8010] =	vst v15  }
0x265: {  	v23 =	vld [tilespmem:$0x8004]  }
0x266: {  	v16 =	vadd.f32 v18, v16;
	v18 =	vld [tilespmem:$0x802C]  }
0x267: {  	v24 =	vld [tilespmem:$0x8008];
	v17 =	vadd.f32 v19, v17  }
0x268: {  	v25 =	vld [tilespmem:$0x800C];
	[tilespmem:$0x8050] =	vst v16  }
0x269: {  	[tilespmem:$0x8040] =	vst v16;
	v19 =	vld [tilespmem:$0x8068];
	v17 =	vadd.f32 v21, v17  }
0x26a: {  	v21 =	vld [tilespmem:$0x8044];
	v15 =	vadd.f32 v23, v15  }
0x26b: {  	v23 =	vld [tilespmem:$0x806C];
	v17 =	vadd.f32 v18, v17  }
0x26c: {  	v14 =	vadd.f32 v20, v14;
	v26 =	vld [tilespmem:$0x8048];
	v15 =	vadd.f32 v24, v15  }
0x26d: {  	[tilespmem:$0x8020] =	vst v17  }
0x26e: {  	v14 =	vadd.f32 v19, v14;
	v19 =	vld [tilespmem:$0x804C];
	[tilespmem:$0x8030] =	vst v17;
	v15 =	vadd.f32 v25, v15  }
0x26f: {  	v20 =	vld [tilespmem:$0x8021];
	v16 =	vadd.f32 v21, v16  }
0x270: {  	v21 =	vld [tilespmem:$0x8023];
	v14 =	vadd.f32 v23, v14;
	[tilespmem:$0x8000] =	vst v15  }
0x271: {  	v23 =	vld [tilespmem:$0x8022];
	[tilespmem:$0x8010] =	vst v15;
	v16 =	vadd.f32 v26, v16  }
0x272: {  	[tilespmem:$0x8060] =	vst v14;
	v18 =	vld [tilespmem:$0x8001]  }
0x273: {  	v24 =	vld [tilespmem:$0x8002];
	[tilespmem:$0x8070] =	vst v14;
	v16 =	vadd.f32 v19, v16  }
0x274: {  	v19 =	vld [tilespmem:$0x8061]  }
0x275: {  	v25 =	vld [tilespmem:$0x8062];
	[tilespmem:$0x8040] =	vst v16  }
0x276: {  	v17 =	vadd.f32 v20, v17;
	v20 =	vld [tilespmem:$0x8003];
	[tilespmem:$0x8050] =	vst v16  }
0x277: {  	v15 =	vadd.f32 v18, v15;
	v18 =	vld [tilespmem:$0x8041]  }
0x278: {  	v17 =	vadd.f32 v23, v17;
	v23 =	vld [tilespmem:$0x8063]  }
0x279: {  	v14 =	vadd.f32 v19, v14;
	v15 =	vadd.f32 v24, v15;
	v24 =	vld [tilespmem:$0x8042]  }
0x27a: {  	v17 =	vadd.f32 v21, v17  }
0x27b: {  	v26 =	vld [tilespmem:$0x8043];
	v14 =	vadd.f32 v25, v14;
	v15 =	vadd.f32 v20, v15  }
0x27c: {  	v17 =	vsub.f32 v17, v22;
	v16 =	vadd.f32 v18, v16  }
0x27d: {  	v14 =	vadd.f32 v23, v14;
	v15 =	vsub.f32 v15, v22  }
0x27e: {  	v17 =	vmin.f32 v17, $8.000000000e+01;
	v16 =	vadd.f32 v24, v16  }
0x27f: {  	v17 =	vmul.f32 $1.442695020e+00, v17;
	v14 =	vsub.f32 v14, v22;
	v15 =	vmin.f32 v15, $8.000000000e+01  }
0x280: {  	v15 =	vmul.f32 $1.442695020e+00, v15;
	v16 =	vadd.f32 v26, v16  }
0x281: {  	v12 =	vsel vm2, v13, v12;
	(erf) = vpow2.f32 v17;
	v13 =	vmin.f32 v14, $8.000000000e+01  }
0x282: {  	s14 =	simm.s32 $0x200;
	v13 =	vmul.f32 $1.442695020e+00, v13;
	v14 =	vsub.f32 v16, v22;
	(erf) = vpow2.f32 v15  }
.LBB2_7:
0x283: {  	_ =	sdelay $0x3  }
0x284: {  	v14 =	vmin.f32 v14, $8.000000000e+01  }
0x285: {  	v14 =	vmul.f32 $1.442695020e+00, v14;
	_ =	sdelay $0x1  }
0x286: {  	v15 =	vpop (erf);
	(erf) = vpow2.f32 v14;
	_ =	sdelay $0x1  }
0x287: {  	(erf) = vpow2.f32 v13;
	_ =	sdelay $0x2  }
0x288: {  	v13 =	vpop (erf)  }
0x289: {  	v14 =	vnsel vm3, $0x0, v13  }
0x28a: {  	v10 =	vmul.f32 v13, v10;
	v7 =	vmul.f32 v13, v7;
	v13 =	vadd.f32 $0.0e+00, v14  }
0x28b: {  	v9 =	vmul.f32 v15, v9;
	v6 =	vmul.f32 v15, v6;
	v15 =	vsel vm4, $0x0, v15  }
0x28c: {  	vm7 =	veq.f32 v12, $2.000000000e+00;
	v13 =	vadd.f32 v15, v13;
	v14 =	vpop (erf)  }
0x28d: {  	vm10 =	veq.f32 v12, $1.100000000e+01;
	vm8 =	veq.f32 v12, $1.300000000e+01;
	v15 =	vsel vm5, $0x0, v14  }
0x28e: {  	v11 =	vmul.f32 v14, v11;
	v4 =	vmul.f32 v14, v4;
	v14 =	vpop (erf);
	v13 =	vadd.f32 v15, v13  }
0x28f: {  	vm9 =	veq.f32 v12, $1.500000000e+01;
	vm0 =	veq.f32 v12, $7.000000000e+00;
	v15 =	vsel vm6, $0x0, v14  }
0x290: {  	vm1 =	veq.f32 v12, $9.000000000e+00;
	vm2 =	veq.f32 v12, $1.000000000e+01;
	v13 =	vadd.f32 v15, v13  }
0x291: {  	vm11 =	veq.f32 v12, $5.000000000e+00;
	vm12 =	veq.f32 v12, $4.000000000e+00;
	vm13 =	veq.f32 v12, $6.000000000e+00  }
0x292: {  	vm14 =	veq.f32 v12, $8.000000000e+00;
	vm15 =	veq.f32 v12, $0.0e+00;
	vm4 =	veq.f32 v12, $3.000000000e+00;
	[tilespmem:$0x8080] =	vst v13  }
0x293: {  	vm3 =	veq.f32 v12, $1.000000000e+00;
	vm5 =	veq.f32 v12, $1.400000000e+01;
	vm6 =	veq.f32 v12, $1.200000000e+01;
	v12 =	vld [tilespmem:$0x1FFE0];
	[tilespmem:$0x8090] =	vst v13  }
0x294: {  	v8 =	vmul.f32 v14, v8;
	v5 =	vmul.f32 v14, v5;
	v14 =	vld [tilespmem:$0x8088];
	[tilespmem:s19+$0x5300] =	vst v10  }
0x295: {  	[tilespmem:s19+$0x5310] =	vst v7  }
0x296: {  	[tilespmem:s19+$0x5320] =	vst v6  }
0x297: {  	[tilespmem:s19+$0x5330] =	vst v9  }
0x298: {  	v15 =	vnsel vm14, $0x0, v13;
	v10 =	vnsel vm2, $0x0, v13;
	vm2 =	vnez.u8 v12;
	[tilespmem:s19+$0x5340] =	vst v11  }
0x299: {  	v6 =	vnsel vm15, $0x0, v13;
	v12 =	vnsel vm13, $0x0, v13;
	[tilespmem:s19+$0x5350] =	vst v4;
	v11 =	vnsel vm0, $0x0, v14  }
0x29a: {  	[tilespmem:s19+$0x5360] =	vst v8;
	v8 =	vnsel vm7, $0x0, v13;
	v9 =	vnsel vm3, $0x0, v14;
	v4 =	vadd.f32 v12, v11  }
0x29b: {  	s15 =	smov.u32 s14;
	[tilespmem:s19+$0x5370] =	vst v5;
	v23 =	vnsel vm4, $0x0, v14;
	v18 =	vnsel vm1, $0x0, v14;
	v6 =	vadd.f32 v6, v9  }
0x29c: {  	s3 =	sshra.s32 s15, $0x2;
	v17 =	vnsel vm11, $0x0, v14;
	v19 =	vnsel vm10, $0x0, v14;
	v9 =	vadd.f32 v15, v18;
	[tilespmem:s19+$0x6730] =	vst v4  }
0x29d: {  	v11 =	vnsel vm8, $0x0, v14;
	v12 =	vnsel vm9, $0x0, v14;
	v5 =	vadd.f32 v8, v23;
	v14 =	vld [tilespmem:s3+$0x3F00];
	[tilespmem:s19+$0x6700] =	vst v6  }
0x29e: {  	v7 =	vnsel vm12, $0x0, v13;
	v8 =	vnsel vm6, $0x0, v13;
	v4 =	vadd.f32 v10, v19;
	[tilespmem:s19+$0x6740] =	vst v9  }
0x29f: {  	v6 =	vadd.f32 v7, v17;
	v7 =	vadd.f32 v8, v11;
	[tilespmem:s19+$0x6710] =	vst v5  }
0x2a0: {  	v8 =	vnsel vm5, $0x0, v13;
	[tilespmem:s19+$0x6750] =	vst v4  }
0x2a1: {  	v8 =	vadd.f32 v8, v12;
	[tilespmem:s19+$0x6760] =	vst v7  }
0x2a2: {  	[tilespmem:s19+$0x6720] =	vst v6  }
0x2a3: {  	[tilespmem:s19+$0x6770] =	vst v8  }
0x2a4: {  	[tilespmem:$0x8080] =	vst v14  }
0x2a5: {  	v16 =	vld [tilespmem:$0x1FFF0];
	s19 =	smov.u32 s3;
	[tilespmem:$0x8090] =	vst v14  }
0x2a6: {  	v13 =	vld [tilespmem:s19+$0x6770]  }
0x2a7: {  	v5 =	vld [tilespmem:s19+$0x6720]  }
0x2a8: {  	v6 =	vld [tilespmem:s19+$0x5320]  }
0x2a9: {  	v8 =	vld [tilespmem:s19+$0x6750]  }
0x2aa: {  	v4 =	vld [tilespmem:s19+$0x5350]  }
0x2ab: {  	v15 =	vld [tilespmem:s19+$0x6710]  }
0x2ac: {  	v9 =	vld [tilespmem:s19+$0x5330]  }
0x2ad: {  	v11 =	vld [tilespmem:s19+$0x6730]  }
0x2ae: {  	v7 =	vld [tilespmem:s19+$0x5310]  }
0x2af: {  	v12 =	vld [tilespmem:$0x8088]  }
0x2b0: {  	v10 =	vld [tilespmem:s19+$0x5300]  }
0x2b1: {  	v18 =	vld [tilespmem:s19+$0x6700]  }
0x2b2: {  	v24 =	vld [tilespmem:s19+$0x6740]  }
0x2b3: {  	vm3 =	vnez.u8 v16;
	v16 =	vadd.f32 v5, v6;
	v5 =	vld [tilespmem:s19+$0x5370]  }
0x2b4: {  	v19 =	vsel vm2, v14, v12;
	v12 =	vsel vm2, v12, v14;
	v14 =	vadd.f32 v15, v7;
	v15 =	vld [tilespmem:s19+$0x6760]  }
0x2b5: {  	v17 =	vadd.f32 v11, v9;
	v20 =	vadd.f32 v8, v4;
	v8 =	vld [tilespmem:s19+$0x5360];
	v26 =	vmul.f32 v19, v54  }
0x2b6: {  	v11 =	vld [tilespmem:s19+$0x5340];
	v18 =	vadd.f32 v18, v10;
	v25 =	vmul.f32 v19, v59;
	v27 =	vmul.f32 v19, v55  }
0x2b7: {  	v21 =	vmul.f32 v19, v56;
	v28 =	vmul.f32 v19, v52;
	v16 =	vadd.f32 v16, v26  }
0x2b8: {  	v23 =	vmul.f32 v19, v53;
	v20 =	vadd.f32 v20, v25;
	v17 =	vadd.f32 v17, v27  }
0x2b9: {  	v22 =	vmul.f32 v19, v57;
	v18 =	vadd.f32 v18, v28;
	v13 =	vadd.f32 v13, v5  }
0x2ba: {  	v14 =	vadd.f32 v14, v23;
	v15 =	vadd.f32 v15, v8;
	v25 =	vmul.f32 $2.000000030e-01, v20  }
0x2bb: {  	v19 =	vmul.f32 v19, v58;
	v24 =	vadd.f32 v24, v11;
	v13 =	vadd.f32 v13, v22  }
0x2bc: {  	v15 =	vadd.f32 v15, v21;
	v20 =	vmax.f32 v20, v25;
	v25 =	vmul.f32 $2.000000030e-01, v16  }
0x2bd: {  	v21 =	vmul.f32 $2.000000030e-01, v17;
	v19 =	vadd.f32 v24, v19;
	v20 =	vmul.f32 v20, v3  }
0x2be: {  	v22 =	vmul.f32 $2.000000030e-01, v13;
	v23 =	vmul.f32 $2.000000030e-01, v15;
	v16 =	vmax.f32 v16, v25  }
0x2bf: {  	v24 =	vmul.f32 $2.000000030e-01, v19;
	v17 =	vmax.f32 v17, v21;
	v16 =	vmul.f32 v16, v60  }
0x2c0: {  	v17 =	vmul.f32 v17, v62;
	v13 =	vmax.f32 v13, v22;
	v22 =	vmul.f32 $2.000000030e-01, v18  }
0x2c1: {  	v15 =	vmax.f32 v15, v23;
	v19 =	vmax.f32 v19, v24;
	v24 =	vmul.f32 $2.000000030e-01, v14  }
0x2c2: {  	v13 =	vmul.f32 v13, v61;
	v15 =	vmul.f32 v15, v63;
	v16 =	vadd.f32 v17, v16  }
0x2c3: {  	v19 =	vmul.f32 v19, v2;
	v18 =	vmax.f32 v18, v22;
	v14 =	vmax.f32 v14, v24  }
0x2c4: {  	v18 =	vmul.f32 v18, v0;
	v13 =	vadd.f32 v13, v15;
	v15 =	vld [tilespmem:s19+$0x3F10];
	v14 =	vmul.f32 v14, v1;
	[tilespmem:$0x8020] =	vst v16  }
0x2c5: {  	[tilespmem:$0x8030] =	vst v16  }
0x2c6: {  	v19 =	vadd.f32 v20, v19;
	v20 =	vld [tilespmem:$0x8028];
	[tilespmem:$0x8060] =	vst v13;
	v14 =	vadd.f32 v14, v18  }
0x2c7: {  	[tilespmem:$0x8070] =	vst v13;
	v18 =	vld [tilespmem:$0x8024]  }
0x2c8: {  	v17 =	vld [tilespmem:$0x8064];
	[tilespmem:$0x8000] =	vst v14  }
0x2c9: {  	v23 =	vld [tilespmem:$0x802C];
	[tilespmem:$0x8010] =	vst v14  }
0x2ca: {  	v22 =	vld [tilespmem:$0x8004]  }
0x2cb: {  	v21 =	vld [tilespmem:$0x8068]  }
0x2cc: {  	v24 =	vld [tilespmem:$0x8008];
	v16 =	vadd.f32 v18, v16  }
0x2cd: {  	[tilespmem:$0x8050] =	vst v19;
	v13 =	vadd.f32 v17, v13;
	v17 =	vld [tilespmem:$0x806C]  }
0x2ce: {  	[tilespmem:$0x8040] =	vst v19;
	v25 =	vld [tilespmem:$0x800C];
	v16 =	vadd.f32 v20, v16  }
0x2cf: {  	v20 =	vld [tilespmem:$0x8044];
	v14 =	vadd.f32 v22, v14  }
0x2d0: {  	v13 =	vadd.f32 v21, v13;
	v16 =	vadd.f32 v23, v16  }
0x2d1: {  	v26 =	vld [tilespmem:$0x8048];
	v14 =	vadd.f32 v24, v14  }
0x2d2: {  	[tilespmem:$0x8020] =	vst v16;
	v13 =	vadd.f32 v17, v13  }
0x2d3: {  	v24 =	vld [tilespmem:$0x804C];
	[tilespmem:$0x8030] =	vst v16;
	v14 =	vadd.f32 v25, v14  }
0x2d4: {  	v25 =	vld [tilespmem:$0x8021];
	v19 =	vadd.f32 v20, v19;
	[tilespmem:$0x8060] =	vst v13  }
0x2d5: {  	v22 =	vld [tilespmem:$0x8023];
	[tilespmem:$0x8000] =	vst v14  }
0x2d6: {  	v20 =	vld [tilespmem:$0x8022];
	[tilespmem:$0x8010] =	vst v14;
	v19 =	vadd.f32 v26, v19  }
0x2d7: {  	[tilespmem:$0x8070] =	vst v13;
	v21 =	vld [tilespmem:$0x8001]  }
0x2d8: {  	v18 =	vld [tilespmem:$0x8061];
	v17 =	vadd.f32 v24, v19  }
0x2d9: {  	v23 =	vld [tilespmem:$0x8002]  }
0x2da: {  	v19 =	vld [tilespmem:$0x8062];
	[tilespmem:$0x8040] =	vst v17  }
0x2db: {  	v24 =	vld [tilespmem:$0x8003];
	v16 =	vadd.f32 v25, v16;
	[tilespmem:$0x8050] =	vst v17  }
0x2dc: {  	v26 =	vld [tilespmem:$0x8041];
	v14 =	vadd.f32 v21, v14  }
0x2dd: {  	v16 =	vadd.f32 v20, v16;
	v20 =	vld [tilespmem:$0x8063]  }
0x2de: {  	v13 =	vadd.f32 v18, v13;
	v25 =	vld [tilespmem:$0x8042];
	v14 =	vadd.f32 v23, v14  }
0x2df: {  	v16 =	vadd.f32 v22, v16  }
0x2e0: {  	v22 =	vld [tilespmem:$0x8043];
	v13 =	vadd.f32 v19, v13;
	v14 =	vadd.f32 v24, v14  }
0x2e1: {  	v16 =	vsub.f32 v16, v15;
	v17 =	vadd.f32 v26, v17  }
0x2e2: {  	p1 =	sne.s32 s14, $0x4E00;
	v13 =	vadd.f32 v20, v13;
	v14 =	vsub.f32 v14, v15  }
.Ltmp2:
0x2e3: {  	vm4 =	vcmask $0x308;
	v16 =	vmin.f32 v16, $8.000000000e+01;
	v17 =	vadd.f32 v25, v17;
	(pc) =	sbr.rel @p1 .LBB2_7-.Ltmp2, $4  }
0x2e4: {  	v16 =	vmul.f32 $1.442695020e+00, v16;
	v13 =	vsub.f32 v13, v15;
	v14 =	vmin.f32 v14, $8.000000000e+01  }
0x2e5: {  	vm6 =	vcmask $0xB10;
	v26 =	vmul.f32 $1.442695020e+00, v14;
	v14 =	vadd.f32 v22, v17  }
0x2e6: {  	vm5 =	vcmask $0x70C;
	(erf) = vpow2.f32 v16;
	v13 =	vmin.f32 v13, $8.000000000e+01  }
0x2e7: {  	s14 =	sadd.s32 $0x200, s14;
	v13 =	vmul.f32 $1.442695020e+00, v13;
	v14 =	vsub.f32 v14, v15;
	(erf) = vpow2.f32 v26  }
0x2e8: {  	_ = 	snop  }
0x2e9: {  	v0 =	vmin.f32 v14, $8.000000000e+01  }
0x2ea: {  	v0 =	vmul.f32 $1.442695020e+00, v0;
	_ =	sdelay $0x1  }
0x2eb: {  	(erf) = vpow2.f32 v0;
	_ =	sdelay $0x1  }
0x2ec: {  	(erf) = vpow2.f32 v13;
	_ =	sdelay $0x1  }
0x2ed: {  	v60 =	vpop (erf)  }
0x2ee: {  	v1 =	vpop (erf)  }
0x2ef: {  	v2 =	vnsel vm3, $0x0, v1  }
0x2f0: {  	v2 =	vadd.f32 $0.0e+00, v2  }
0x2f1: {  	v3 =	vsel vm4, $0x0, v60  }
0x2f2: {  	v2 =	vadd.f32 v3, v2;
	v61 =	vpop (erf)  }
0x2f3: {  	v62 =	vsel vm5, $0x0, v61  }
0x2f4: {  	v63 =	vpop (erf);
	v2 =	vadd.f32 v62, v2  }
0x2f5: {  	v16 =	vsel vm6, $0x0, v63  }
0x2f6: {  	v2 =	vadd.f32 v16, v2;
	_ =	sdelay $0x1  }
0x2f7: {  	v9 =	vmul.f32 v60, v9;
	v0 =	vmul.f32 v60, v6;
	[tilespmem:$0x8080] =	vst v2  }
0x2f8: {  	vm0 =	veq.f32 v12, $4.000000000e+00;
	v17 =	vmul.f32 v1, v10;
	v1 =	vmul.f32 v1, v7;
	[tilespmem:$0x8090] =	vst v2  }
0x2f9: {  	vm1 =	veq.f32 v12, $1.000000000e+01;
	v18 =	vmul.f32 v61, v11;
	v3 =	vmul.f32 v61, v4;
	v20 =	vld [tilespmem:$0x8088]  }
0x2fa: {  	v19 =	vmul.f32 v63, v8;
	v5 =	vmul.f32 v63, v5;
	v21 =	vnsel vm0, $0x0, v2;
	[tilespmem:s19+$0x5300] =	vst v17  }
0x2fb: {  	vm0 =	veq.f32 v12, $6.000000000e+00;
	v22 =	vnsel vm1, $0x0, v2;
	vm1 =	veq.f32 v12, $0.0e+00;
	[tilespmem:s19+$0x5310] =	vst v1  }
0x2fc: {  	v23 =	vnsel vm1, $0x0, v2;
	vm1 =	veq.f32 v12, $8.000000000e+00;
	[tilespmem:s19+$0x5320] =	vst v0;
	v24 =	vnsel vm0, $0x0, v2  }
0x2fd: {  	vm0 =	veq.f32 v12, $7.000000000e+00;
	[tilespmem:s19+$0x5330] =	vst v9;
	v25 =	vnsel vm1, $0x0, v2;
	vm1 =	veq.f32 v12, $1.000000000e+00  }
0x2fe: {  	[tilespmem:s19+$0x5340] =	vst v18;
	v26 =	vnsel vm1, $0x0, v20;
	vm1 =	veq.f32 v12, $9.000000000e+00;
	v52 =	vnsel vm0, $0x0, v20  }
0x2ff: {  	[tilespmem:s19+$0x5350] =	vst v3;
	vm0 =	veq.f32 v12, $2.000000000e+00;
	v53 =	vnsel vm1, $0x0, v20;
	vm1 =	veq.f32 v12, $1.100000000e+01  }
0x300: {  	s3 =	sadd.s32 $0x3, s18;
	[tilespmem:s19+$0x5360] =	vst v19;
	v0 =	vadd.f32 v24, v52;
	v54 =	vnsel vm1, $0x0, v20;
	vm1 =	veq.f32 v12, $1.300000000e+01  }
0x301: {  	s14 =	smulhi.u32 $0x10624DD3, s3;
	[tilespmem:s19+$0x5370] =	vst v5;
	v56 =	vadd.f32 v23, v26;
	v55 =	vnsel vm1, $0x0, v20;
	vm1 =	veq.f32 v12, $1.500000000e+01  }
0x302: {  	v58 =	vadd.f32 v25, v53;
	[tilespmem:s19+$0x6730] =	vst v0;
	v57 =	vnsel vm1, $0x0, v20;
	vm1 =	veq.f32 v12, $1.200000000e+01  }
0x303: {  	s14 =	sshrl.u32 s14, $0x4;
	v1 =	vadd.f32 v22, v54;
	[tilespmem:s19+$0x6700] =	vst v56;
	v59 =	vnsel vm1, $0x0, v2;
	vm1 =	veq.f32 v12, $1.400000000e+01  }
0x304: {  	s14 =	smul.u32 $0xFA, s14;
	[tilespmem:s19+$0x6740] =	vst v58;
	v60 =	vnsel vm1, $0x0, v2;
	vm1 =	veq.f32 v12, $5.000000000e+00;
	v0 =	vadd.f32 v59, v55  }
0x305: {  	[tilespmem:s19+$0x6750] =	vst v1;
	v61 =	vnsel vm1, $0x0, v20;
	vm1 =	veq.f32 v12, $3.000000000e+00;
	v3 =	vadd.f32 v60, v57  }
0x306: {  	s3 =	ssub.s32 s3, s14;
	v2 =	vnsel vm0, $0x0, v2;
	v62 =	vnsel vm1, $0x0, v20;
	v4 =	vadd.f32 v21, v61;
	[tilespmem:s19+$0x6760] =	vst v0  }
0x307: {  	s3 =	smul.u32 $0x28, s3;
	v63 =	vadd.f32 v2, v62;
	[tilespmem:s19+$0x6770] =	vst v3  }
0x308: {  	s15 =	rddreg [dreg:$0x3];
	s8 =	simm.s32 $0x5300;
	[tilespmem:s19+$0x6720] =	vst v4  }
0x309: {  	s2 =	simm.s32 $0x7C00;
	s18 =	simm.s32 $0x6700;
	s3 =	sadd.s32 s13, s3;
	[tilespmem:s19+$0x6710] =	vst v63  }
0x30a: {  	[spmem:s15] =	stream.indirect.scatter.add.f32 [tilespmem:s8], [sflag:$0x7], $0x80, s2, s0, $0xb8;
	[tilespmem:$0x1CD88] =	vst v63  }
0x30b: {  	s14 =	sshrl.u32 s3, $0x3;
	s19 =	simm.s32 $0x7C80;
	s15 =	rddreg [dreg:$0x4]  }
0x30c: {  	[spmem:s15] =	stream.indirect.scatter.add.f32 [tilespmem:s18], [sflag:$0x8], $0x80, s19, s0, $0xb8;
	[tilespmem:$0x1CD88] =	vst v63  }
0x30d: {  	s28 =	sadd.s32 $0x1, s28;
	s2 =	sadd.s32 s9, s14;
	s19 =	simm.s32 $0x3D80  }
0x30e: {  	[tilespmem:s19], [sflag:$0xD] =	stream.linear.gather [hbm4b:s2+s5], $0x28, $0x38;
	[tilespmem:$0x1CD88] =	vst v63  }
0x30f: {  	s31 =	simm.s32 $0x3E00;
	p1 =	sne.s32 s28, $0x7D;
	s2 =	sadd.s32 s10, s14  }
0x310: {  	[tilespmem:s31], [sflag:$0xE] =	stream.linear.gather [hbm4b:s2+s5], $0x28, $0x38;
	[tilespmem:$0x1CD88] =	vst v63  }
.Ltmp3:
0x311: {  	_ = 	snop;
	(pc) =	sbr.rel @p1 .LBB2_4-.Ltmp3, $4  }
0x312: {  	s3 =	sshll.u32 s3, $0x4;
	s15 =	simm.s32 $0x3E80;
	s14 =	sadd.s32 s11, s14  }
0x313: {  	[tilespmem:s15], [sflag:$0xF] =	stream.linear.gather [hbm4b:s14+s5], $0x28, $0x38;
	[tilespmem:$0x1CD88] =	vst v63  }
0x314: {  	s3 =	sadd.s32 s12, s3;
	s15 =	simm.s32 $0x3F00  }
0x315: {  	[tilespmem:s15], [sflag:$0x10] =	stream.linear.gather [hbm4b:s3+s5], $0x1400, $0x38;
	[tilespmem:$0x1CD88] =	vst v63  }
0x316: {  	_ =	swait.ge [sflag:s29], $0x1400  }
0x317: {  	[sflag:s29] =	ssyncset.done $0x0  }
0x318: {  	[sflag:s29] =	ssyncadd.s32 $0xFFFFEC00  }
0x319: {  	_ =	swait.ge [sflag:s30], $0x1400  }
0x31a: {  	[sflag:s30] =	ssyncset.done $0x0  }
0x31b: {  	[sflag:s30] =	ssyncadd.s32 $0xFFFFEC00  }
0x31c: {  	_ =	swait.ge [sflag:s22], $0x28  }
0x31d: {  	[sflag:s22] =	ssyncset.done $0x0  }
0x31e: {  	[sflag:s22] =	ssyncadd.s32 $0xFFFFFFD8  }
0x31f: {  	_ =	swait.ge [sflag:s23], $0x28  }
0x320: {  	[sflag:s23] =	ssyncset.done $0x0  }
0x321: {  	[sflag:s23] =	ssyncadd.s32 $0xFFFFFFD8  }
0x322: {  	_ =	swait.ge [sflag:s24], $0x28  }
0x323: {  	[sflag:s24] =	ssyncset.done $0x0  }
0x324: {  	[sflag:s24] =	ssyncadd.s32 $0xFFFFFFD8  }
0x325: {  	_ =	swait.ge [sflag:s25], $0x1400  }
0x326: {  	[sflag:s25] =	ssyncset.done $0x0  }
0x327: {  	s2 =	simm.s32 $0x7;
	[sflag:s25] =	ssyncadd.s32 $0xFFFFEC00  }
0x328: {  	_ =	swait.ge [sflag:s2], $0x1400  }
0x329: {  	[sflag:s2] =	ssyncset.done $0x0  }
0x32a: {  	s15 =	simm.s32 $0x8;
	[sflag:s2] =	ssyncadd.s32 $0xFFFFEC00  }
0x32b: {  	_ =	swait.ge [sflag:s15], $0x1400  }
0x32c: {  	[sflag:s15] =	ssyncset.done $0x0  }
0x32d: {  	[sflag:s15] =	ssyncadd.s32 $0xFFFFEC00  }
0x32e: {  	s3 =	stileid.u32;
	[bflag:$0x0] =	sbarrier.arrive $0xFFFF  }
0x32f: {  	s3 =	sshll.u32 s3, $0x6;
	s14 =	rddreg [dreg:$0x6]  }
0x330: {  	s8 =	simm.s32 $0x11;
	s3 =	sor.u32 $0x1C11, s3;
	s15 =	rddreg [dreg:$0x13]  }
0x331: {  	[hbm:s14], [sflag:s3] =	dma.local [spmem:s15], $0x2700  }
0x332: {  	_ =	swait.ge [sflag:s8], $0x2700  }
0x333: {  	[sflag:s8] =	ssyncset.done $0x0;
	s14 =	rddreg [dreg:$0x10]  }
0x334: {  	s15 =	rddreg [dreg:$0x14];
	[sflag:s8] =	ssyncadd.s32 $0xFFFFD900  }
0x335: {  	[hbm:s14], [sflag:s3] =	dma.local @p0 [spmem:s15], $0x100  }
0x336: {  	s14 =	simm.s32 @p0 $0x11  }
0x337: {  	_ =	swait.ge @p0 [sflag:s14], $0x100  }
0x338: {  	[sflag:s14] =	ssyncset.done @p0 $0x0;
	s15 =	rddreg [dreg:$0x11]  }
0x339: {  	s18 =	rddreg [dreg:$0x15];
	[sflag:s14] =	ssyncadd.s32 @p0 $0xFFFFFF00  }
0x33a: {  	[hbm:s15], [sflag:s3] =	dma.local @p0 [spmem:s18], $0x190  }
0x33b: {  	_ =	swait.ge @p0 [sflag:s14], $0x190  }
0x33c: {  	[sflag:s14] =	ssyncset.done @p0 $0x0;
	s15 =	rddreg [dreg:$0x16]  }
0x33d: {  	[sflag:s14] =	ssyncadd.s32 @p0 $0xFFFFFE70;
	s14 =	rddreg [dreg:$0xb]  }
0x33e: {  	[hbm:s14], [sflag:s3] =	dma.local @!p0 [spmem:s15], $0x280  }
0x33f: {  	s3 =	simm.s32 @!p0 $0x11  }
0x340: {  	_ =	swait.ge @!p0 [sflag:s3], $0x280  }
0x341: {  	s18 =	rddreg [dreg:$0x17]  }
0x342: {  	s28 =	rddreg [dreg:$0x12];
	s2 =	sadd.s32 $0x1, s18  }
0x343: {  	p1 =	sne.s32 s2, s28  }
.Ltmp4:
0x344: {  	_ = 	snop;
	(pc) =	sbr.rel @p1 .LBB2_1-.Ltmp4, $3  }
0x345: {  	_ =	sdelay $0x1  }
0x346: {  	[sflag:s3] =	ssyncset.done @!p0 $0x0  }
0x347: {  	[sflag:s3] =	ssyncadd.s32 @!p0 $0xFFFFFD80  }
0x348: {  	_ =	sfence.sel $0x180000  }
0x349: {  	[bflag:$0x0] =	sbarrier.arrive $0xFFFF  }
0x34a: {  	_ =	strace $0x90000047  }
0x34b: {  	s0 =	stileid.u32;
	[bflag:$0x2] =	sbarrier.arrive $0xFFFF  }
0x34c: {  	p0 =	sne.s32 s0, $0x0;
	s0 =	rddreg [dreg:$0x5]  }
0x34d: {  	s0 =	sadd.s32 @!p0 $0x100000, s0  }
0x34e: {  	[sflag:s0] =	ssyncadd.tile.s32 @!p0 $0x1;
	_ =	shalt  }
.Lfunc_end2:
_tile_overlayer_lowered:
.L_overlay_start_2:
0x34f: {  	(tag) =	ssettag $0x2  }
0x350: {  	s0 =	rddreg [dreg:$0x0];
	s2 =	stileid.u32  }
0x351: {  	s1 =	rddreg [dreg:$0x1];
	p0 =	sne.s32 s2, $0x0  }
0x352: {  	s3 =	rddreg [dreg:$0x2];
	[bflag:$0x3] =	sbarrier.arrive $0xFFFF;
	s2 =	simm.s32 @!p0 $0x1C11  }
0x353: {  	[timem:s3], [sflag:s2] =	dma.local @!p0 [hbm:s0], s1  }
0x354: {  	s0 =	simm.s32 @!p0 $0x11  }
0x355: {  	_ =	swait.ge @!p0 [sflag:s0], s1  }
0x356: {  	s1 =	ssub.s32 @!p0 $0x0, s1;
	[sflag:s0] =	ssyncset.done @!p0 $0x0  }
0x357: {  	[sflag:s0] =	ssyncadd.s32 @!p0 s1  }
0x358: {  	[bflag:$0x3] =	sbarrier.arrive $0xFFFF  }
0x359: {  	_ =	shalt  }

</sc_bundles>
